<compile_context>
chip_gen: v7x
topology: tpu7x:2x2x1
jax: 0.10.2.dev20260603
libtpu: 0.0.44.dev20260713+nightly
codegen_flags: <defaults>
</compile_context>

<pallas_src>
import dataclasses
import functools

import jax
import jax.numpy as jnp
from jax import lax
from jax.experimental import pallas as pl
from jax.experimental.pallas import tpu as pltpu
from jax.experimental.pallas import tpu_sc as plsc

N = 10000
E = 320000
D = 128
ALPHA = 1.0
GAMMA = 0.9
MAX_ITER = 10

NC = 2
NS = 16
NW = NC * NS
CPW = D // NW
LANES = 16
CHUNK = 8000
NCHUNK = E // CHUNK
GROUPS = CHUNK // LANES

@functools.cache
def _make_spmm_sc():
    mesh = plsc.VectorSubcoreMesh(core_axis_name="c", subcore_axis_name="s")
    cp = pltpu.CompilerParams()
    if "needs_layout_passes" in pltpu.CompilerParams.__dataclass_fields__:
        cp = dataclasses.replace(cp, needs_layout_passes=False)
    return pl.kernel(
        _spmm_body,
        out_type=jax.ShapeDtypeStruct((D, N), jnp.float32),
        mesh=mesh,
        compiler_params=cp,
        scratch_types=[
            pltpu.VMEM((CPW, N), jnp.float32),
            pltpu.VMEM((CPW, N), jnp.float32),
            pltpu.VMEM((CHUNK,), jnp.int32),
            pltpu.VMEM((CHUNK,), jnp.float32),
        ],
    )


def _spmm_body(v_hbm, e_hbm, w_hbm, out_hbm, v_loc, acc, ebuf, wbuf):
    wid = lax.axis_index("s") * NC + lax.axis_index("c")
    row0 = wid * CPW
    pltpu.sync_copy(v_hbm.at[pl.ds(row0, CPW)], v_loc)

    zero16 = jnp.zeros((LANES,), jnp.float32)
    for c in range(CPW):
        @pl.loop(0, N // LANES)
        def _(i, c=c):
            acc[c, pl.ds(i * LANES, LANES)] = zero16

    cvecs = [jnp.full((LANES,), c, jnp.int32) for c in range(CPW)]

    @pl.loop(0, NCHUNK)
    def _(ci):
        pltpu.sync_copy(e_hbm.at[pl.ds(ci * CHUNK, CHUNK)], ebuf)
        pltpu.sync_copy(w_hbm.at[pl.ds(ci * CHUNK, CHUNK)], wbuf)

        @pl.loop(0, GROUPS)
        def _(g):
            e16 = ebuf[pl.ds(g * LANES, LANES)]
            w16 = wbuf[pl.ds(g * LANES, LANES)]
            srcv = lax.shift_right_logical(e16, 14)
            dstv = lax.bitwise_and(e16, jnp.int32((1 << 14) - 1))
            for c in range(CPW):
                gv = plsc.load_gather(v_loc, [cvecs[c], srcv])
                plsc.addupdate_scatter(acc, [cvecs[c], dstv], gv * w16)

    pltpu.sync_copy(acc, out_hbm.at[pl.ds(row0, CPW)])


def _enc_body(xt_ref, we_ref, be_ref, b_ref, v_ref):
    b_val = jnp.dot(we_ref[...], xt_ref[...],
                    preferred_element_type=jnp.float32) + be_ref[...]
    b_ref[...] = b_val
    v_ref[...] = ALPHA * b_val


def _upd_body(s_ref, v_ref, u_ref, b_ref, wh_ref, u2_ref, v2_ref, z_ref):
    m = jnp.dot(wh_ref[...], s_ref[...], preferred_element_type=jnp.float32)
    v = v_ref[...]
    u = u_ref[...]
    c = ALPHA / (1.0 + ALPHA)
    z_half = (v + c * GAMMA * m) / (1.0 + ALPHA)
    u_half = 2.0 * z_half - u
    z = jnp.maximum(u_half, 0.0)
    u2 = 2.0 * z - u_half
    u2_ref[...] = u2
    v2_ref[...] = u2 + ALPHA * b_ref[...]
    z_ref[...] = z


def _dec_body(z_ref, wd_ref, o_ref):
    o_ref[...] = jnp.dot(wd_ref[...], jnp.maximum(z_ref[...], 0.0),
                         preferred_element_type=jnp.float32)


_F32 = functools.partial(jax.ShapeDtypeStruct, dtype=jnp.float32)

_enc = pl.pallas_call(
    _enc_body, out_shape=(_F32((D, N)), _F32((D, N))))
_upd = pl.pallas_call(
    _upd_body, out_shape=(_F32((D, N)), _F32((D, N)), _F32((D, N))))
_dec = pl.pallas_call(_dec_body, out_shape=_F32((D, N)))


def kernel(x, edge_index, edge_weight, W_enc, b_enc, Wh, W_dec):
    xt = jnp.swapaxes(x, 0, 1)
    packed = jnp.bitwise_or(
        jnp.left_shift(edge_index[0], 14), edge_index[1])
    b, v = _enc(xt, W_enc, b_enc.reshape(D, 1))
    u = jnp.zeros((D, N), jnp.float32)
    z = None
    spmm = _make_spmm_sc()
    for _ in range(MAX_ITER):
        s = spmm(v, packed, edge_weight)
        u, v, z = _upd(s, v, u, b, Wh)
    out_t = _dec(z, W_dec)
    return jnp.swapaxes(out_t, 0, 1)

# --- scband reference (transcript-rebuilt; emitter-appended) ---
"""Pipeline reference for scband-model-72696616452483 (READ-ONLY COPY).

The authoritative reference and input builder live on the scoring server;
editing this copy changes nothing except your own understanding.
"""

import jax, jax.numpy as jnp
import numpy as np

N = 10000
E = 320000
D_IN = 128
D_H = 128
D_OUT = 128
ALPHA = 1.0      # kappa for Peaceman-Rachford
GAMMA = 0.9      # Cayley/contraction scaling of the graph operator
MAX_ITER = 10    # fixed-point solver iterations


def setup_inputs(seed: int = 0) -> dict:
    key = jax.random.key(seed)
    ks = jax.random.split(key, 8)
    x = jax.random.normal(ks[0], (N, D_IN), dtype=jnp.float32)
    edge_index = jax.random.randint(ks[1], (2, E), 0, N, dtype=jnp.int32)
    edge_weight = jax.random.uniform(ks[2], (E,), dtype=jnp.float32)
    # learned parameters (enc Linear with bias, Cayley hidden mix, dec Linear no bias)
    W_enc = jax.random.normal(ks[3], (D_H, D_IN), dtype=jnp.float32) * 0.05
    b_enc = jnp.zeros((D_H,), dtype=jnp.float32)
    Wh = jax.random.normal(ks[4], (D_H, D_H), dtype=jnp.float32) * (0.5 / np.sqrt(D_H))
    W_dec = jax.random.normal(ks[5], (D_OUT, D_H), dtype=jnp.float32) * 0.05
    return {"x": x, "edge_index": edge_index, "edge_weight": edge_weight,
            "W_enc": W_enc, "b_enc": b_enc, "Wh": Wh, "W_dec": W_dec}


def _spmm(z, src, dst, w):
    # z: [h, N]; gather source node features along edges, weight, scatter-add to dst
    msg = z[:, src] * w[None, :]                               # [h, E] gather
    agg = jax.ops.segment_sum(msg.T, dst, num_segments=N).T   # [h, N] scatter-add
    return agg


def reference(x, edge_index, edge_weight, W_enc, b_enc, Wh, W_dec):
    src = edge_index[0]
    dst = edge_index[1]
    # enc + (dropout disabled at inference)
    h = x @ W_enc.T + b_enc            # [N, h]
    b = h.T                            # [h, N] injection for the implicit layer

    def Wop(z):
        # CayleyLinear graph operator: channel mix composed with sparse propagation
        return GAMMA * (Wh @ _spmm(z, src, dst, edge_weight))

    def resolvent(u):
        # (I + ALPHA*(I - W))^{-1} via first-order Neumann expansion ('neumann-1')
        c = ALPHA / (1.0 + ALPHA)
        return (u + c * Wop(u)) / (1.0 + ALPHA)

    # Peaceman-Rachford iteration for z* = ReLU(W z* + b)
    u = jnp.zeros_like(b)
    z = jnp.zeros_like(b)
    for _ in range(MAX_ITER):
        z_half = resolvent(u + ALPHA * b)
        u_half = 2.0 * z_half - u
        z = jnp.maximum(u_half, 0.0)   # prox of ReLU nonlinearity
        u = 2.0 * z - u_half

    zt = z.T                            # [N, h]
    out = jnp.maximum(zt, 0.0) @ W_dec.T  # act + dec (no bias)
    return out

if __name__ == "__main__":
    import jax
    _d = setup_inputs()
    print(jax.jit(kernel)(*tuple(_d.values())))

</pallas_src>

<mosaic_0001>
#map = affine_map<(d0, d1) -> (0, 0)>
#map1 = affine_map<(d0, d1) -> (0)>
module attributes {stable_mosaic.version = 14 : i64} {
  func.func @_spmm_body(%arg0: i32, %arg1: i32, %arg2: memref<128x10000xf32, #tpu.memory_space<hbm>>, %arg3: memref<320000xi32, #tpu.memory_space<hbm>>, %arg4: memref<320000xf32, #tpu.memory_space<hbm>>, %arg5: memref<128x10000xf32, #tpu.memory_space<hbm>>, %arg6: memref<4x10000xf32, #tpu.memory_space<vmem>>, %arg7: memref<4x10000xf32, #tpu.memory_space<vmem>>, %arg8: memref<8000xi32, #tpu.memory_space<vmem>>, %arg9: memref<8000xf32, #tpu.memory_space<vmem>>) attributes {dimension_semantics = [#tpu.dimension_semantics<core_parallel>, #tpu.dimension_semantics<subcore_parallel>], iteration_bounds = array<i64: 2, 16>, scalar_prefetch = 0 : i64, scratch_operands = 4 : i64, tpu.core_type = #tpu.core_type<sc_vector_subcore>, window_params = [{transform_indices = #map}, {transform_indices = #map1}, {transform_indices = #map1}, {transform_indices = #map}]} {
    %mul3A = arith.constant 2 : i32
    %mul3A_0 = arith.muli %arg1, %mul3A : i32
    %add3A = arith.addi %mul3A_0, %arg0 : i32
    %mul3A_1 = arith.constant 4 : i32
    %mul3A_2 = arith.muli %add3A, %mul3A_1 : i32
    "tpu.region"() ({
      %run_scoped3A = tpu.sem_alloc : memref<!tpu.dma_semaphore, #tpu.memory_space<semaphore_mem>>
      %dma_start3A = arith.constant 0 : i32
      %dma_start3A_36 = tpu.memref_slice %arg2[%mul3A_2, %dma_start3A] : memref<128x10000xf32, #tpu.memory_space<hbm>> -> memref<4x10000xf32, #tpu.memory_space<hbm>>
      %dma_start3A_37 = arith.constant 0 : i32
      %dma_start3A_38 = tpu.memref_slice %arg2[%mul3A_2, %dma_start3A_37] : memref<128x10000xf32, #tpu.memory_space<hbm>> -> memref<4x10000xf32, #tpu.memory_space<hbm>>
      tpu.enqueue_dma source(%dma_start3A_38 : memref<4x10000xf32, #tpu.memory_space<hbm>>) target(%arg6 : memref<4x10000xf32, #tpu.memory_space<vmem>>) target_semaphore(%run_scoped3A : memref<!tpu.dma_semaphore, #tpu.memory_space<semaphore_mem>>)
      %dma_wait3A = arith.constant 0 : i32
      %dma_wait3A_39 = tpu.memref_slice %arg2[%mul3A_2, %dma_wait3A] : memref<128x10000xf32, #tpu.memory_space<hbm>> -> memref<4x10000xf32, #tpu.memory_space<hbm>>
      %dma_wait3A_40 = arith.constant 0 : i32
      %dma_wait3A_41 = tpu.memref_slice %arg2[%mul3A_2, %dma_wait3A_40] : memref<128x10000xf32, #tpu.memory_space<hbm>> -> memref<4x10000xf32, #tpu.memory_space<hbm>>
      tpu.wait_dma2 semaphore(%run_scoped3A : memref<!tpu.dma_semaphore, #tpu.memory_space<semaphore_mem>>) src(%dma_wait3A_41 : memref<4x10000xf32, #tpu.memory_space<hbm>>) dst(%arg6 : memref<4x10000xf32, #tpu.memory_space<vmem>>)
      tpu.yield
    }) : () -> ()
    %broadcast_in_dim3A = arith.constant 0.000000e+00 : f32
    %broadcast_in_dim3A_3 = vector.broadcast %broadcast_in_dim3A : f32 to vector<16xf32>
    %scan3A = arith.constant 0 : i32
    %scan3A_4 = arith.constant 625 : i32
    %scan3A_5 = arith.addi %scan3A, %scan3A_4 : i32
    %scan3A_6 = arith.constant 1 : i32
    scf.for %scan3A_36 = %scan3A to %scan3A_5 step %scan3A_6  : i32 {
      %mul3A_37 = arith.constant 1 : i32
      %mul3A_38 = arith.muli %scan3A_36, %mul3A_37 : i32
      %add3A_39 = arith.constant 0 : i32
      %add3A_40 = arith.addi %add3A_39, %mul3A_38 : i32
      %mul3A_41 = arith.constant 16 : i32
      %mul3A_42 = arith.muli %add3A_40, %mul3A_41 : i32
      %swap3A = arith.constant 0 : i32
      %swap3A_43 = arith.index_cast %swap3A : i32 to index
      %swap3A_44 = arith.index_cast %mul3A_42 : i32 to index
      %swap3A_45 = tpu.vector_load %arg7[%swap3A_43, %swap3A_44] {strides = array<i32>} : memref<4x10000xf32, #tpu.memory_space<vmem>>, vector<16xf32>,
      tpu.vector_store %arg7[%swap3A_43, %swap3A_44], %broadcast_in_dim3A_3 {strides = array<i32>} : memref<4x10000xf32, #tpu.memory_space<vmem>>, vector<16xf32>,
    }
    %scan3A_7 = arith.constant 625 : i32
    %scan3A_8 = arith.constant 0 : i32
    %scan3A_9 = arith.constant 625 : i32
    %scan3A_10 = arith.addi %scan3A_8, %scan3A_9 : i32
    %scan3A_11 = arith.constant 1 : i32
    scf.for %scan3A_36 = %scan3A_8 to %scan3A_10 step %scan3A_11  : i32 {
      %mul3A_37 = arith.constant 1 : i32
      %mul3A_38 = arith.muli %scan3A_36, %mul3A_37 : i32
      %add3A_39 = arith.constant 0 : i32
      %add3A_40 = arith.addi %add3A_39, %mul3A_38 : i32
      %mul3A_41 = arith.constant 16 : i32
      %mul3A_42 = arith.muli %add3A_40, %mul3A_41 : i32
      %swap3A = arith.constant 1 : i32
      %swap3A_43 = arith.index_cast %swap3A : i32 to index
      %swap3A_44 = arith.index_cast %mul3A_42 : i32 to index
      %swap3A_45 = tpu.vector_load %arg7[%swap3A_43, %swap3A_44] {strides = array<i32>} : memref<4x10000xf32, #tpu.memory_space<vmem>>, vector<16xf32>,
      tpu.vector_store %arg7[%swap3A_43, %swap3A_44], %broadcast_in_dim3A_3 {strides = array<i32>} : memref<4x10000xf32, #tpu.memory_space<vmem>>, vector<16xf32>,
    }
    %scan3A_12 = arith.constant 625 : i32
    %scan3A_13 = arith.constant 0 : i32
    %scan3A_14 = arith.constant 625 : i32
    %scan3A_15 = arith.addi %scan3A_13, %scan3A_14 : i32
    %scan3A_16 = arith.constant 1 : i32
    scf.for %scan3A_36 = %scan3A_13 to %scan3A_15 step %scan3A_16  : i32 {
      %mul3A_37 = arith.constant 1 : i32
      %mul3A_38 = arith.muli %scan3A_36, %mul3A_37 : i32
      %add3A_39 = arith.constant 0 : i32
      %add3A_40 = arith.addi %add3A_39, %mul3A_38 : i32
      %mul3A_41 = arith.constant 16 : i32
      %mul3A_42 = arith.muli %add3A_40, %mul3A_41 : i32
      %swap3A = arith.constant 2 : i32
      %swap3A_43 = arith.index_cast %swap3A : i32 to index
      %swap3A_44 = arith.index_cast %mul3A_42 : i32 to index
      %swap3A_45 = tpu.vector_load %arg7[%swap3A_43, %swap3A_44] {strides = array<i32>} : memref<4x10000xf32, #tpu.memory_space<vmem>>, vector<16xf32>,
      tpu.vector_store %arg7[%swap3A_43, %swap3A_44], %broadcast_in_dim3A_3 {strides = array<i32>} : memref<4x10000xf32, #tpu.memory_space<vmem>>, vector<16xf32>,
    }
    %scan3A_17 = arith.constant 625 : i32
    %scan3A_18 = arith.constant 0 : i32
    %scan3A_19 = arith.constant 625 : i32
    %scan3A_20 = arith.addi %scan3A_18, %scan3A_19 : i32
    %scan3A_21 = arith.constant 1 : i32
    scf.for %scan3A_36 = %scan3A_18 to %scan3A_20 step %scan3A_21  : i32 {
      %mul3A_37 = arith.constant 1 : i32
      %mul3A_38 = arith.muli %scan3A_36, %mul3A_37 : i32
      %add3A_39 = arith.constant 0 : i32
      %add3A_40 = arith.addi %add3A_39, %mul3A_38 : i32
      %mul3A_41 = arith.constant 16 : i32
      %mul3A_42 = arith.muli %add3A_40, %mul3A_41 : i32
      %swap3A = arith.constant 3 : i32
      %swap3A_43 = arith.index_cast %swap3A : i32 to index
      %swap3A_44 = arith.index_cast %mul3A_42 : i32 to index
      %swap3A_45 = tpu.vector_load %arg7[%swap3A_43, %swap3A_44] {strides = array<i32>} : memref<4x10000xf32, #tpu.memory_space<vmem>>, vector<16xf32>,
      tpu.vector_store %arg7[%swap3A_43, %swap3A_44], %broadcast_in_dim3A_3 {strides = array<i32>} : memref<4x10000xf32, #tpu.memory_space<vmem>>, vector<16xf32>,
    }
    %scan3A_22 = arith.constant 625 : i32
    %broadcast_in_dim3A_23 = arith.constant 0 : i32
    %broadcast_in_dim3A_24 = vector.broadcast %broadcast_in_dim3A_23 : i32 to vector<16xi32>
    %broadcast_in_dim3A_25 = arith.constant 1 : i32
    %broadcast_in_dim3A_26 = vector.broadcast %broadcast_in_dim3A_25 : i32 to vector<16xi32>
    %broadcast_in_dim3A_27 = arith.constant 2 : i32
    %broadcast_in_dim3A_28 = vector.broadcast %broadcast_in_dim3A_27 : i32 to vector<16xi32>
    %broadcast_in_dim3A_29 = arith.constant 3 : i32
    %broadcast_in_dim3A_30 = vector.broadcast %broadcast_in_dim3A_29 : i32 to vector<16xi32>
    %scan3A_31 = arith.constant 0 : i32
    %scan3A_32 = arith.constant 40 : i32
    %scan3A_33 = arith.addi %scan3A_31, %scan3A_32 : i32
    %scan3A_34 = arith.constant 1 : i32
    scf.for %scan3A_36 = %scan3A_31 to %scan3A_33 step %scan3A_34  : i32 {
      %mul3A_37 = arith.constant 1 : i32
      %mul3A_38 = arith.muli %scan3A_36, %mul3A_37 : i32
      %add3A_39 = arith.constant 0 : i32
      %add3A_40 = arith.addi %add3A_39, %mul3A_38 : i32
      %mul3A_41 = arith.constant 8000 : i32
      %mul3A_42 = arith.muli %add3A_40, %mul3A_41 : i32
      "tpu.region"() ({
        %run_scoped3A = tpu.sem_alloc : memref<!tpu.dma_semaphore, #tpu.memory_space<semaphore_mem>>
        %dma_start3A = tpu.memref_slice %arg3[%mul3A_42] : memref<320000xi32, #tpu.memory_space<hbm>> -> memref<8000xi32, #tpu.memory_space<hbm>>
        %dma_start3A_50 = tpu.memref_slice %arg3[%mul3A_42] : memref<320000xi32, #tpu.memory_space<hbm>> -> memref<8000xi32, #tpu.memory_space<hbm>>
        tpu.enqueue_dma source(%dma_start3A_50 : memref<8000xi32, #tpu.memory_space<hbm>>) target(%arg8 : memref<8000xi32, #tpu.memory_space<vmem>>) target_semaphore(%run_scoped3A : memref<!tpu.dma_semaphore, #tpu.memory_space<semaphore_mem>>)
        %dma_wait3A = tpu.memref_slice %arg3[%mul3A_42] : memref<320000xi32, #tpu.memory_space<hbm>> -> memref<8000xi32, #tpu.memory_space<hbm>>
        %dma_wait3A_51 = tpu.memref_slice %arg3[%mul3A_42] : memref<320000xi32, #tpu.memory_space<hbm>> -> memref<8000xi32, #tpu.memory_space<hbm>>
        tpu.wait_dma2 semaphore(%run_scoped3A : memref<!tpu.dma_semaphore, #tpu.memory_space<semaphore_mem>>) src(%dma_wait3A_51 : memref<8000xi32, #tpu.memory_space<hbm>>) dst(%arg8 : memref<8000xi32, #tpu.memory_space<vmem>>)
        tpu.yield
      }) : () -> ()
      %mul3A_43 = arith.constant 8000 : i32
      %mul3A_44 = arith.muli %add3A_40, %mul3A_43 : i32
      "tpu.region"() ({
        %run_scoped3A = tpu.sem_alloc : memref<!tpu.dma_semaphore, #tpu.memory_space<semaphore_mem>>
        %dma_start3A = tpu.memref_slice %arg4[%mul3A_44] : memref<320000xf32, #tpu.memory_space<hbm>> -> memref<8000xf32, #tpu.memory_space<hbm>>
        %dma_start3A_50 = tpu.memref_slice %arg4[%mul3A_44] : memref<320000xf32, #tpu.memory_space<hbm>> -> memref<8000xf32, #tpu.memory_space<hbm>>
        tpu.enqueue_dma source(%dma_start3A_50 : memref<8000xf32, #tpu.memory_space<hbm>>) target(%arg9 : memref<8000xf32, #tpu.memory_space<vmem>>) target_semaphore(%run_scoped3A : memref<!tpu.dma_semaphore, #tpu.memory_space<semaphore_mem>>)
        %dma_wait3A = tpu.memref_slice %arg4[%mul3A_44] : memref<320000xf32, #tpu.memory_space<hbm>> -> memref<8000xf32, #tpu.memory_space<hbm>>
        %dma_wait3A_51 = tpu.memref_slice %arg4[%mul3A_44] : memref<320000xf32, #tpu.memory_space<hbm>> -> memref<8000xf32, #tpu.memory_space<hbm>>
        tpu.wait_dma2 semaphore(%run_scoped3A : memref<!tpu.dma_semaphore, #tpu.memory_space<semaphore_mem>>) src(%dma_wait3A_51 : memref<8000xf32, #tpu.memory_space<hbm>>) dst(%arg9 : memref<8000xf32, #tpu.memory_space<vmem>>)
        tpu.yield
      }) : () -> ()
      %scan3A_45 = arith.constant 0 : i32
      %scan3A_46 = arith.constant 500 : i32
      %scan3A_47 = arith.addi %scan3A_45, %scan3A_46 : i32
      %scan3A_48 = arith.constant 1 : i32
      scf.for %scan3A_50 = %scan3A_45 to %scan3A_47 step %scan3A_48  : i32 {
        %mul3A_51 = arith.constant 1 : i32
        %mul3A_52 = arith.muli %scan3A_50, %mul3A_51 : i32
        %add3A_53 = arith.constant 0 : i32
        %add3A_54 = arith.addi %add3A_53, %mul3A_52 : i32
        %mul3A_55 = arith.constant 16 : i32
        %mul3A_56 = arith.muli %add3A_54, %mul3A_55 : i32
        %get3A = arith.index_cast %mul3A_56 : i32 to index
        %get3A_57 = tpu.vector_load %arg8[%get3A] {strides = array<i32>} : memref<8000xi32, #tpu.memory_space<vmem>>, vector<16xi32>,
        %mul3A_58 = arith.constant 16 : i32
        %mul3A_59 = arith.muli %add3A_54, %mul3A_58 : i32
        %get3A_60 = arith.index_cast %mul3A_59 : i32 to index
        %get3A_61 = tpu.vector_load %arg9[%get3A_60] {strides = array<i32>} : memref<8000xf32, #tpu.memory_space<vmem>>, vector<16xf32>,
        %shift_right_logical3A = arith.constant 14 : i32
        %shift_right_logical3A_62 = vector.broadcast %shift_right_logical3A : i32 to vector<16xi32>
        %shift_right_logical3A_63 = arith.shrui %get3A_57, %shift_right_logical3A_62 : vector<16xi32>
        %and3A = arith.constant 16383 : i32
        %and3A_64 = vector.broadcast %and3A : i32 to vector<16xi32>
        %and3A_65 = arith.andi %get3A_57, %and3A_64 : vector<16xi32>
        %gather3A = tpu.vector_load_idx %arg6[%broadcast_in_dim3A_24, %shift_right_logical3A_63] : memref<4x10000xf32, #tpu.memory_space<vmem>>[vector<16xi32>, vector<16xi32>], vector<16xf32>,
        %mul3A_66 = arith.mulf %gather3A, %get3A_61 : vector<16xf32>
        tpu.vector_store_idx %arg7[%broadcast_in_dim3A_24, %and3A_65], %mul3A_66 {add = true} : memref<4x10000xf32, #tpu.memory_space<vmem>>[vector<16xi32>, vector<16xi32>], vector<16xf32>,
        %gather3A_67 = tpu.vector_load_idx %arg6[%broadcast_in_dim3A_26, %shift_right_logical3A_63] : memref<4x10000xf32, #tpu.memory_space<vmem>>[vector<16xi32>, vector<16xi32>], vector<16xf32>,
        %mul3A_68 = arith.mulf %gather3A_67, %get3A_61 : vector<16xf32>
        tpu.vector_store_idx %arg7[%broadcast_in_dim3A_26, %and3A_65], %mul3A_68 {add = true} : memref<4x10000xf32, #tpu.memory_space<vmem>>[vector<16xi32>, vector<16xi32>], vector<16xf32>,
        %gather3A_69 = tpu.vector_load_idx %arg6[%broadcast_in_dim3A_28, %shift_right_logical3A_63] : memref<4x10000xf32, #tpu.memory_space<vmem>>[vector<16xi32>, vector<16xi32>], vector<16xf32>,
        %mul3A_70 = arith.mulf %gather3A_69, %get3A_61 : vector<16xf32>
        tpu.vector_store_idx %arg7[%broadcast_in_dim3A_28, %and3A_65], %mul3A_70 {add = true} : memref<4x10000xf32, #tpu.memory_space<vmem>>[vector<16xi32>, vector<16xi32>], vector<16xf32>,
        %gather3A_71 = tpu.vector_load_idx %arg6[%broadcast_in_dim3A_30, %shift_right_logical3A_63] : memref<4x10000xf32, #tpu.memory_space<vmem>>[vector<16xi32>, vector<16xi32>], vector<16xf32>,
        %mul3A_72 = arith.mulf %gather3A_71, %get3A_61 : vector<16xf32>
        tpu.vector_store_idx %arg7[%broadcast_in_dim3A_30, %and3A_65], %mul3A_72 {add = true} : memref<4x10000xf32, #tpu.memory_space<vmem>>[vector<16xi32>, vector<16xi32>], vector<16xf32>,
      }
      %scan3A_49 = arith.constant 500 : i32
    }
    %scan3A_35 = arith.constant 40 : i32
    "tpu.region"() ({
      %run_scoped3A = tpu.sem_alloc : memref<!tpu.dma_semaphore, #tpu.memory_space<semaphore_mem>>
      %dma_start3A = arith.constant 0 : i32
      %dma_start3A_36 = tpu.memref_slice %arg5[%mul3A_2, %dma_start3A] : memref<128x10000xf32, #tpu.memory_space<hbm>> -> memref<4x10000xf32, #tpu.memory_space<hbm>>
      %dma_start3A_37 = arith.constant 0 : i32
      %dma_start3A_38 = tpu.memref_slice %arg5[%mul3A_2, %dma_start3A_37] : memref<128x10000xf32, #tpu.memory_space<hbm>> -> memref<4x10000xf32, #tpu.memory_space<hbm>>
      tpu.enqueue_dma source(%arg7 : memref<4x10000xf32, #tpu.memory_space<vmem>>) target(%dma_start3A_38 : memref<4x10000xf32, #tpu.memory_space<hbm>>) target_semaphore(%run_scoped3A : memref<!tpu.dma_semaphore, #tpu.memory_space<semaphore_mem>>)
      %dma_wait3A = arith.constant 0 : i32
      %dma_wait3A_39 = tpu.memref_slice %arg5[%mul3A_2, %dma_wait3A] : memref<128x10000xf32, #tpu.memory_space<hbm>> -> memref<4x10000xf32, #tpu.memory_space<hbm>>
      %dma_wait3A_40 = arith.constant 0 : i32
      %dma_wait3A_41 = tpu.memref_slice %arg5[%mul3A_2, %dma_wait3A_40] : memref<128x10000xf32, #tpu.memory_space<hbm>> -> memref<4x10000xf32, #tpu.memory_space<hbm>>
      tpu.wait_dma2 semaphore(%run_scoped3A : memref<!tpu.dma_semaphore, #tpu.memory_space<semaphore_mem>>) src(%arg7 : memref<4x10000xf32, #tpu.memory_space<vmem>>) dst(%dma_wait3A_41 : memref<4x10000xf32, #tpu.memory_space<hbm>>)
      tpu.yield
    }) : () -> ()
    return
  }
}

#map = affine_map<(d0, d1) -> (0, 0)>
#map1 = affine_map<(d0, d1) -> (0)>
module attributes {stable_mosaic.version = 14 : i64} {
  func.func @_spmm_body(%arg0: i32, %arg1: i32, %arg2: memref<128x10000xf32, #tpu.memory_space<hbm>>, %arg3: memref<320000xi32, #tpu.memory_space<hbm>>, %arg4: memref<320000xf32, #tpu.memory_space<hbm>>, %arg5: memref<128x10000xf32, #tpu.memory_space<hbm>>, %arg6: memref<4x10000xf32, #tpu.memory_space<vmem>>, %arg7: memref<4x10000xf32, #tpu.memory_space<vmem>>, %arg8: memref<8000xi32, #tpu.memory_space<vmem>>, %arg9: memref<8000xf32, #tpu.memory_space<vmem>>) attributes {dimension_semantics = [#tpu.dimension_semantics<core_parallel>, #tpu.dimension_semantics<subcore_parallel>], iteration_bounds = array<i64: 2, 16>, scalar_prefetch = 0 : i64, scratch_operands = 4 : i64, tpu.core_type = #tpu.core_type<sc_vector_subcore>, window_params = [{transform_indices = #map}, {transform_indices = #map1}, {transform_indices = #map1}, {transform_indices = #map}]} {
    %mul3A = arith.constant 2 : i32
    %mul3A_0 = arith.muli %arg1, %mul3A : i32
    %add3A = arith.addi %mul3A_0, %arg0 : i32
    %mul3A_1 = arith.constant 4 : i32
    %mul3A_2 = arith.muli %add3A, %mul3A_1 : i32
    "tpu.region"() ({
      %run_scoped3A = tpu.sem_alloc : memref<!tpu.dma_semaphore, #tpu.memory_space<semaphore_mem>>
      %dma_start3A = arith.constant 0 : i32
      %dma_start3A_36 = tpu.memref_slice %arg2[%mul3A_2, %dma_start3A] : memref<128x10000xf32, #tpu.memory_space<hbm>> -> memref<4x10000xf32, #tpu.memory_space<hbm>>
      %dma_start3A_37 = arith.constant 0 : i32
      %dma_start3A_38 = tpu.memref_slice %arg2[%mul3A_2, %dma_start3A_37] : memref<128x10000xf32, #tpu.memory_space<hbm>> -> memref<4x10000xf32, #tpu.memory_space<hbm>>
      tpu.enqueue_dma source(%dma_start3A_38 : memref<4x10000xf32, #tpu.memory_space<hbm>>) target(%arg6 : memref<4x10000xf32, #tpu.memory_space<vmem>>) target_semaphore(%run_scoped3A : memref<!tpu.dma_semaphore, #tpu.memory_space<semaphore_mem>>)
      %dma_wait3A = arith.constant 0 : i32
      %dma_wait3A_39 = tpu.memref_slice %arg2[%mul3A_2, %dma_wait3A] : memref<128x10000xf32, #tpu.memory_space<hbm>> -> memref<4x10000xf32, #tpu.memory_space<hbm>>
      %dma_wait3A_40 = arith.constant 0 : i32
      %dma_wait3A_41 = tpu.memref_slice %arg2[%mul3A_2, %dma_wait3A_40] : memref<128x10000xf32, #tpu.memory_space<hbm>> -> memref<4x10000xf32, #tpu.memory_space<hbm>>
      tpu.wait_dma2 semaphore(%run_scoped3A : memref<!tpu.dma_semaphore, #tpu.memory_space<semaphore_mem>>) src(%dma_wait3A_41 : memref<4x10000xf32, #tpu.memory_space<hbm>>) dst(%arg6 : memref<4x10000xf32, #tpu.memory_space<vmem>>)
      tpu.yield
    }) : () -> ()
    %broadcast_in_dim3A = arith.constant 0.000000e+00 : f32
    %broadcast_in_dim3A_3 = vector.broadcast %broadcast_in_dim3A : f32 to vector<16xf32>
    %scan3A = arith.constant 0 : i32
    %scan3A_4 = arith.constant 625 : i32
    %scan3A_5 = arith.addi %scan3A, %scan3A_4 : i32
    %scan3A_6 = arith.constant 1 : i32
    scf.for %scan3A_36 = %scan3A to %scan3A_5 step %scan3A_6  : i32 {
      %mul3A_37 = arith.constant 1 : i32
      %mul3A_38 = arith.muli %scan3A_36, %mul3A_37 : i32
      %add3A_39 = arith.constant 0 : i32
      %add3A_40 = arith.addi %add3A_39, %mul3A_38 : i32
      %mul3A_41 = arith.constant 16 : i32
      %mul3A_42 = arith.muli %add3A_40, %mul3A_41 : i32
      %swap3A = arith.constant 0 : i32
      %swap3A_43 = arith.index_cast %swap3A : i32 to index
      %swap3A_44 = arith.index_cast %mul3A_42 : i32 to index
      %swap3A_45 = tpu.vector_load %arg7[%swap3A_43, %swap3A_44] {strides = array<i32>} : memref<4x10000xf32, #tpu.memory_space<vmem>>, vector<16xf32>,
      tpu.vector_store %arg7[%swap3A_43, %swap3A_44], %broadcast_in_dim3A_3 {strides = array<i32>} : memref<4x10000xf32, #tpu.memory_space<vmem>>, vector<16xf32>,
    }
    %scan3A_7 = arith.constant 625 : i32
    %scan3A_8 = arith.constant 0 : i32
    %scan3A_9 = arith.constant 625 : i32
    %scan3A_10 = arith.addi %scan3A_8, %scan3A_9 : i32
    %scan3A_11 = arith.constant 1 : i32
    scf.for %scan3A_36 = %scan3A_8 to %scan3A_10 step %scan3A_11  : i32 {
      %mul3A_37 = arith.constant 1 : i32
      %mul3A_38 = arith.muli %scan3A_36, %mul3A_37 : i32
      %add3A_39 = arith.constant 0 : i32
      %add3A_40 = arith.addi %add3A_39, %mul3A_38 : i32
      %mul3A_41 = arith.constant 16 : i32
      %mul3A_42 = arith.muli %add3A_40, %mul3A_41 : i32
      %swap3A = arith.constant 1 : i32
      %swap3A_43 = arith.index_cast %swap3A : i32 to index
      %swap3A_44 = arith.index_cast %mul3A_42 : i32 to index
      %swap3A_45 = tpu.vector_load %arg7[%swap3A_43, %swap3A_44] {strides = array<i32>} : memref<4x10000xf32, #tpu.memory_space<vmem>>, vector<16xf32>,
      tpu.vector_store %arg7[%swap3A_43, %swap3A_44], %broadcast_in_dim3A_3 {strides = array<i32>} : memref<4x10000xf32, #tpu.memory_space<vmem>>, vector<16xf32>,
    }
    %scan3A_12 = arith.constant 625 : i32
    %scan3A_13 = arith.constant 0 : i32
    %scan3A_14 = arith.constant 625 : i32
    %scan3A_15 = arith.addi %scan3A_13, %scan3A_14 : i32
    %scan3A_16 = arith.constant 1 : i32
    scf.for %scan3A_36 = %scan3A_13 to %scan3A_15 step %scan3A_16  : i32 {
      %mul3A_37 = arith.constant 1 : i32
      %mul3A_38 = arith.muli %scan3A_36, %mul3A_37 : i32
      %add3A_39 = arith.constant 0 : i32
      %add3A_40 = arith.addi %add3A_39, %mul3A_38 : i32
      %mul3A_41 = arith.constant 16 : i32
      %mul3A_42 = arith.muli %add3A_40, %mul3A_41 : i32
      %swap3A = arith.constant 2 : i32
      %swap3A_43 = arith.index_cast %swap3A : i32 to index
      %swap3A_44 = arith.index_cast %mul3A_42 : i32 to index
      %swap3A_45 = tpu.vector_load %arg7[%swap3A_43, %swap3A_44] {strides = array<i32>} : memref<4x10000xf32, #tpu.memory_space<vmem>>, vector<16xf32>,
      tpu.vector_store %arg7[%swap3A_43, %swap3A_44], %broadcast_in_dim3A_3 {strides = array<i32>} : memref<4x10000xf32, #tpu.memory_space<vmem>>, vector<16xf32>,
    }
    %scan3A_17 = arith.constant 625 : i32
    %scan3A_18 = arith.constant 0 : i32
    %scan3A_19 = arith.constant 625 : i32
    %scan3A_20 = arith.addi %scan3A_18, %scan3A_19 : i32
    %scan3A_21 = arith.constant 1 : i32
    scf.for %scan3A_36 = %scan3A_18 to %scan3A_20 step %scan3A_21  : i32 {
      %mul3A_37 = arith.constant 1 : i32
      %mul3A_38 = arith.muli %scan3A_36, %mul3A_37 : i32
      %add3A_39 = arith.constant 0 : i32
      %add3A_40 = arith.addi %add3A_39, %mul3A_38 : i32
      %mul3A_41 = arith.constant 16 : i32
      %mul3A_42 = arith.muli %add3A_40, %mul3A_41 : i32
      %swap3A = arith.constant 3 : i32
      %swap3A_43 = arith.index_cast %swap3A : i32 to index
      %swap3A_44 = arith.index_cast %mul3A_42 : i32 to index
      %swap3A_45 = tpu.vector_load %arg7[%swap3A_43, %swap3A_44] {strides = array<i32>} : memref<4x10000xf32, #tpu.memory_space<vmem>>, vector<16xf32>,
      tpu.vector_store %arg7[%swap3A_43, %swap3A_44], %broadcast_in_dim3A_3 {strides = array<i32>} : memref<4x10000xf32, #tpu.memory_space<vmem>>, vector<16xf32>,
    }
    %scan3A_22 = arith.constant 625 : i32
    %broadcast_in_dim3A_23 = arith.constant 0 : i32
    %broadcast_in_dim3A_24 = vector.broadcast %broadcast_in_dim3A_23 : i32 to vector<16xi32>
    %broadcast_in_dim3A_25 = arith.constant 1 : i32
    %broadcast_in_dim3A_26 = vector.broadcast %broadcast_in_dim3A_25 : i32 to vector<16xi32>
    %broadcast_in_dim3A_27 = arith.constant 2 : i32
    %broadcast_in_dim3A_28 = vector.broadcast %broadcast_in_dim3A_27 : i32 to vector<16xi32>
    %broadcast_in_dim3A_29 = arith.constant 3 : i32
    %broadcast_in_dim3A_30 = vector.broadcast %broadcast_in_dim3A_29 : i32 to vector<16xi32>
    %scan3A_31 = arith.constant 0 : i32
    %scan3A_32 = arith.constant 40 : i32
    %scan3A_33 = arith.addi %scan3A_31, %scan3A_32 : i32
    %scan3A_34 = arith.constant 1 : i32
    scf.for %scan3A_36 = %scan3A_31 to %scan3A_33 step %scan3A_34  : i32 {
      %mul3A_37 = arith.constant 1 : i32
      %mul3A_38 = arith.muli %scan3A_36, %mul3A_37 : i32
      %add3A_39 = arith.constant 0 : i32
      %add3A_40 = arith.addi %add3A_39, %mul3A_38 : i32
      %mul3A_41 = arith.constant 8000 : i32
      %mul3A_42 = arith.muli %add3A_40, %mul3A_41 : i32
      "tpu.region"() ({
        %run_scoped3A = tpu.sem_alloc : memref<!tpu.dma_semaphore, #tpu.memory_space<semaphore_mem>>
        %dma_start3A = tpu.memref_slice %arg3[%mul3A_42] : memref<320000xi32, #tpu.memory_space<hbm>> -> memref<8000xi32, #tpu.memory_space<hbm>>
        %dma_start3A_50 = tpu.memref_slice %arg3[%mul3A_42] : memref<320000xi32, #tpu.memory_space<hbm>> -> memref<8000xi32, #tpu.memory_space<hbm>>
        tpu.enqueue_dma source(%dma_start3A_50 : memref<8000xi32, #tpu.memory_space<hbm>>) target(%arg8 : memref<8000xi32, #tpu.memory_space<vmem>>) target_semaphore(%run_scoped3A : memref<!tpu.dma_semaphore, #tpu.memory_space<semaphore_mem>>)
        %dma_wait3A = tpu.memref_slice %arg3[%mul3A_42] : memref<320000xi32, #tpu.memory_space<hbm>> -> memref<8000xi32, #tpu.memory_space<hbm>>
        %dma_wait3A_51 = tpu.memref_slice %arg3[%mul3A_42] : memref<320000xi32, #tpu.memory_space<hbm>> -> memref<8000xi32, #tpu.memory_space<hbm>>
        tpu.wait_dma2 semaphore(%run_scoped3A : memref<!tpu.dma_semaphore, #tpu.memory_space<semaphore_mem>>) src(%dma_wait3A_51 : memref<8000xi32, #tpu.memory_space<hbm>>) dst(%arg8 : memref<8000xi32, #tpu.memory_space<vmem>>)
        tpu.yield
      }) : () -> ()
      %mul3A_43 = arith.constant 8000 : i32
      %mul3A_44 = arith.muli %add3A_40, %mul3A_43 : i32
      "tpu.region"() ({
        %run_scoped3A = tpu.sem_alloc : memref<!tpu.dma_semaphore, #tpu.memory_space<semaphore_mem>>
        %dma_start3A = tpu.memref_slice %arg4[%mul3A_44] : memref<320000xf32, #tpu.memory_space<hbm>> -> memref<8000xf32, #tpu.memory_space<hbm>>
        %dma_start3A_50 = tpu.memref_slice %arg4[%mul3A_44] : memref<320000xf32, #tpu.memory_space<hbm>> -> memref<8000xf32, #tpu.memory_space<hbm>>
        tpu.enqueue_dma source(%dma_start3A_50 : memref<8000xf32, #tpu.memory_space<hbm>>) target(%arg9 : memref<8000xf32, #tpu.memory_space<vmem>>) target_semaphore(%run_scoped3A : memref<!tpu.dma_semaphore, #tpu.memory_space<semaphore_mem>>)
        %dma_wait3A = tpu.memref_slice %arg4[%mul3A_44] : memref<320000xf32, #tpu.memory_space<hbm>> -> memref<8000xf32, #tpu.memory_space<hbm>>
        %dma_wait3A_51 = tpu.memref_slice %arg4[%mul3A_44] : memref<320000xf32, #tpu.memory_space<hbm>> -> memref<8000xf32, #tpu.memory_space<hbm>>
        tpu.wait_dma2 semaphore(%run_scoped3A : memref<!tpu.dma_semaphore, #tpu.memory_space<semaphore_mem>>) src(%dma_wait3A_51 : memref<8000xf32, #tpu.memory_space<hbm>>) dst(%arg9 : memref<8000xf32, #tpu.memory_space<vmem>>)
        tpu.yield
      }) : () -> ()
      %scan3A_45 = arith.constant 0 : i32
      %scan3A_46 = arith.constant 500 : i32
      %scan3A_47 = arith.addi %scan3A_45, %scan3A_46 : i32
      %scan3A_48 = arith.constant 1 : i32
      scf.for %scan3A_50 = %scan3A_45 to %scan3A_47 step %scan3A_48  : i32 {
        %mul3A_51 = arith.constant 1 : i32
        %mul3A_52 = arith.muli %scan3A_50, %mul3A_51 : i32
        %add3A_53 = arith.constant 0 : i32
        %add3A_54 = arith.addi %add3A_53, %mul3A_52 : i32
        %mul3A_55 = arith.constant 16 : i32
        %mul3A_56 = arith.muli %add3A_54, %mul3A_55 : i32
        %get3A = arith.index_cast %mul3A_56 : i32 to index
        %get3A_57 = tpu.vector_load %arg8[%get3A] {strides = array<i32>} : memref<8000xi32, #tpu.memory_space<vmem>>, vector<16xi32>,
        %mul3A_58 = arith.constant 16 : i32
        %mul3A_59 = arith.muli %add3A_54, %mul3A_58 : i32
        %get3A_60 = arith.index_cast %mul3A_59 : i32 to index
        %get3A_61 = tpu.vector_load %arg9[%get3A_60] {strides = array<i32>} : memref<8000xf32, #tpu.memory_space<vmem>>, vector<16xf32>,
        %shift_right_logical3A = arith.constant 14 : i32
        %shift_right_logical3A_62 = vector.broadcast %shift_right_logical3A : i32 to vector<16xi32>
        %shift_right_logical3A_63 = arith.shrui %get3A_57, %shift_right_logical3A_62 : vector<16xi32>
        %and3A = arith.constant 16383 : i32
        %and3A_64 = vector.broadcast %and3A : i32 to vector<16xi32>
        %and3A_65 = arith.andi %get3A_57, %and3A_64 : vector<16xi32>
        %gather3A = tpu.vector_load_idx %arg6[%broadcast_in_dim3A_24, %shift_right_logical3A_63] : memref<4x10000xf32, #tpu.memory_space<vmem>>[vector<16xi32>, vector<16xi32>], vector<16xf32>,
        %mul3A_66 = arith.mulf %gather3A, %get3A_61 : vector<16xf32>
        tpu.vector_store_idx %arg7[%broadcast_in_dim3A_24, %and3A_65], %mul3A_66 {add = true} : memref<4x10000xf32, #tpu.memory_space<vmem>>[vector<16xi32>, vector<16xi32>], vector<16xf32>,
        %gather3A_67 = tpu.vector_load_idx %arg6[%broadcast_in_dim3A_26, %shift_right_logical3A_63] : memref<4x10000xf32, #tpu.memory_space<vmem>>[vector<16xi32>, vector<16xi32>], vector<16xf32>,
        %mul3A_68 = arith.mulf %gather3A_67, %get3A_61 : vector<16xf32>
        tpu.vector_store_idx %arg7[%broadcast_in_dim3A_26, %and3A_65], %mul3A_68 {add = true} : memref<4x10000xf32, #tpu.memory_space<vmem>>[vector<16xi32>, vector<16xi32>], vector<16xf32>,
        %gather3A_69 = tpu.vector_load_idx %arg6[%broadcast_in_dim3A_28, %shift_right_logical3A_63] : memref<4x10000xf32, #tpu.memory_space<vmem>>[vector<16xi32>, vector<16xi32>], vector<16xf32>,
        %mul3A_70 = arith.mulf %gather3A_69, %get3A_61 : vector<16xf32>
        tpu.vector_store_idx %arg7[%broadcast_in_dim3A_28, %and3A_65], %mul3A_70 {add = true} : memref<4x10000xf32, #tpu.memory_space<vmem>>[vector<16xi32>, vector<16xi32>], vector<16xf32>,
        %gather3A_71 = tpu.vector_load_idx %arg6[%broadcast_in_dim3A_30, %shift_right_logical3A_63] : memref<4x10000xf32, #tpu.memory_space<vmem>>[vector<16xi32>, vector<16xi32>], vector<16xf32>,
        %mul3A_72 = arith.mulf %gather3A_71, %get3A_61 : vector<16xf32>
        tpu.vector_store_idx %arg7[%broadcast_in_dim3A_30, %and3A_65], %mul3A_72 {add = true} : memref<4x10000xf32, #tpu.memory_space<vmem>>[vector<16xi32>, vector<16xi32>], vector<16xf32>,
      }
      %scan3A_49 = arith.constant 500 : i32
    }
    %scan3A_35 = arith.constant 40 : i32
    "tpu.region"() ({
      %run_scoped3A = tpu.sem_alloc : memref<!tpu.dma_semaphore, #tpu.memory_space<semaphore_mem>>
      %dma_start3A = arith.constant 0 : i32
      %dma_start3A_36 = tpu.memref_slice %arg5[%mul3A_2, %dma_start3A] : memref<128x10000xf32, #tpu.memory_space<hbm>> -> memref<4x10000xf32, #tpu.memory_space<hbm>>
      %dma_start3A_37 = arith.constant 0 : i32
      %dma_start3A_38 = tpu.memref_slice %arg5[%mul3A_2, %dma_start3A_37] : memref<128x10000xf32, #tpu.memory_space<hbm>> -> memref<4x10000xf32, #tpu.memory_space<hbm>>
      tpu.enqueue_dma source(%arg7 : memref<4x10000xf32, #tpu.memory_space<vmem>>) target(%dma_start3A_38 : memref<4x10000xf32, #tpu.memory_space<hbm>>) target_semaphore(%run_scoped3A : memref<!tpu.dma_semaphore, #tpu.memory_space<semaphore_mem>>)
      %dma_wait3A = arith.constant 0 : i32
      %dma_wait3A_39 = tpu.memref_slice %arg5[%mul3A_2, %dma_wait3A] : memref<128x10000xf32, #tpu.memory_space<hbm>> -> memref<4x10000xf32, #tpu.memory_space<hbm>>
      %dma_wait3A_40 = arith.constant 0 : i32
      %dma_wait3A_41 = tpu.memref_slice %arg5[%mul3A_2, %dma_wait3A_40] : memref<128x10000xf32, #tpu.memory_space<hbm>> -> memref<4x10000xf32, #tpu.memory_space<hbm>>
      tpu.wait_dma2 semaphore(%run_scoped3A : memref<!tpu.dma_semaphore, #tpu.memory_space<semaphore_mem>>) src(%arg7 : memref<4x10000xf32, #tpu.memory_space<vmem>>) dst(%dma_wait3A_41 : memref<4x10000xf32, #tpu.memory_space<hbm>>)
      tpu.yield
    }) : () -> ()
    return
  }
}

#map = affine_map<(d0, d1) -> (0, 0)>
#map1 = affine_map<(d0, d1) -> (0)>
module attributes {stable_mosaic.version = 14 : i64} {
  func.func @_spmm_body(%arg0: i32, %arg1: i32, %arg2: memref<128x10000xf32, #tpu.memory_space<hbm>>, %arg3: memref<320000xi32, #tpu.memory_space<hbm>>, %arg4: memref<320000xf32, #tpu.memory_space<hbm>>, %arg5: memref<128x10000xf32, #tpu.memory_space<hbm>>, %arg6: memref<4x10000xf32, #tpu.memory_space<vmem>>, %arg7: memref<4x10000xf32, #tpu.memory_space<vmem>>, %arg8: memref<8000xi32, #tpu.memory_space<vmem>>, %arg9: memref<8000xf32, #tpu.memory_space<vmem>>) attributes {dimension_semantics = [#tpu.dimension_semantics<core_parallel>, #tpu.dimension_semantics<subcore_parallel>], iteration_bounds = array<i64: 2, 16>, scalar_prefetch = 0 : i64, scratch_operands = 4 : i64, tpu.core_type = #tpu.core_type<sc_vector_subcore>, window_params = [{transform_indices = #map}, {transform_indices = #map1}, {transform_indices = #map1}, {transform_indices = #map}]} {
    %mul3A = arith.constant 2 : i32
    %mul3A_0 = arith.muli %arg1, %mul3A : i32
    %add3A = arith.addi %mul3A_0, %arg0 : i32
    %mul3A_1 = arith.constant 4 : i32
    %mul3A_2 = arith.muli %add3A, %mul3A_1 : i32
    "tpu.region"() ({
      %run_scoped3A = tpu.sem_alloc : memref<!tpu.dma_semaphore, #tpu.memory_space<semaphore_mem>>
      %dma_start3A = arith.constant 0 : i32
      %dma_start3A_36 = tpu.memref_slice %arg2[%mul3A_2, %dma_start3A] : memref<128x10000xf32, #tpu.memory_space<hbm>> -> memref<4x10000xf32, #tpu.memory_space<hbm>>
      %dma_start3A_37 = arith.constant 0 : i32
      %dma_start3A_38 = tpu.memref_slice %arg2[%mul3A_2, %dma_start3A_37] : memref<128x10000xf32, #tpu.memory_space<hbm>> -> memref<4x10000xf32, #tpu.memory_space<hbm>>
      tpu.enqueue_dma source(%dma_start3A_38 : memref<4x10000xf32, #tpu.memory_space<hbm>>) target(%arg6 : memref<4x10000xf32, #tpu.memory_space<vmem>>) target_semaphore(%run_scoped3A : memref<!tpu.dma_semaphore, #tpu.memory_space<semaphore_mem>>)
      %dma_wait3A = arith.constant 0 : i32
      %dma_wait3A_39 = tpu.memref_slice %arg2[%mul3A_2, %dma_wait3A] : memref<128x10000xf32, #tpu.memory_space<hbm>> -> memref<4x10000xf32, #tpu.memory_space<hbm>>
      %dma_wait3A_40 = arith.constant 0 : i32
      %dma_wait3A_41 = tpu.memref_slice %arg2[%mul3A_2, %dma_wait3A_40] : memref<128x10000xf32, #tpu.memory_space<hbm>> -> memref<4x10000xf32, #tpu.memory_space<hbm>>
      tpu.wait_dma2 semaphore(%run_scoped3A : memref<!tpu.dma_semaphore, #tpu.memory_space<semaphore_mem>>) src(%dma_wait3A_41 : memref<4x10000xf32, #tpu.memory_space<hbm>>) dst(%arg6 : memref<4x10000xf32, #tpu.memory_space<vmem>>)
      tpu.yield
    }) : () -> ()
    %broadcast_in_dim3A = arith.constant 0.000000e+00 : f32
    %broadcast_in_dim3A_3 = vector.broadcast %broadcast_in_dim3A : f32 to vector<16xf32>
    %scan3A = arith.constant 0 : i32
    %scan3A_4 = arith.constant 625 : i32
    %scan3A_5 = arith.addi %scan3A, %scan3A_4 : i32
    %scan3A_6 = arith.constant 1 : i32
    scf.for %scan3A_36 = %scan3A to %scan3A_5 step %scan3A_6  : i32 {
      %mul3A_37 = arith.constant 1 : i32
      %mul3A_38 = arith.muli %scan3A_36, %mul3A_37 : i32
      %add3A_39 = arith.constant 0 : i32
      %add3A_40 = arith.addi %add3A_39, %mul3A_38 : i32
      %mul3A_41 = arith.constant 16 : i32
      %mul3A_42 = arith.muli %add3A_40, %mul3A_41 : i32
      %swap3A = arith.constant 0 : i32
      %swap3A_43 = arith.index_cast %swap3A : i32 to index
      %swap3A_44 = arith.index_cast %mul3A_42 : i32 to index
      %swap3A_45 = tpu.vector_load %arg7[%swap3A_43, %swap3A_44] {strides = array<i32>} : memref<4x10000xf32, #tpu.memory_space<vmem>>, vector<16xf32>,
      tpu.vector_store %arg7[%swap3A_43, %swap3A_44], %broadcast_in_dim3A_3 {strides = array<i32>} : memref<4x10000xf32, #tpu.memory_space<vmem>>, vector<16xf32>,
    }
    %scan3A_7 = arith.constant 625 : i32
    %scan3A_8 = arith.constant 0 : i32
    %scan3A_9 = arith.constant 625 : i32
    %scan3A_10 = arith.addi %scan3A_8, %scan3A_9 : i32
    %scan3A_11 = arith.constant 1 : i32
    scf.for %scan3A_36 = %scan3A_8 to %scan3A_10 step %scan3A_11  : i32 {
      %mul3A_37 = arith.constant 1 : i32
      %mul3A_38 = arith.muli %scan3A_36, %mul3A_37 : i32
      %add3A_39 = arith.constant 0 : i32
      %add3A_40 = arith.addi %add3A_39, %mul3A_38 : i32
      %mul3A_41 = arith.constant 16 : i32
      %mul3A_42 = arith.muli %add3A_40, %mul3A_41 : i32
      %swap3A = arith.constant 1 : i32
      %swap3A_43 = arith.index_cast %swap3A : i32 to index
      %swap3A_44 = arith.index_cast %mul3A_42 : i32 to index
      %swap3A_45 = tpu.vector_load %arg7[%swap3A_43, %swap3A_44] {strides = array<i32>} : memref<4x10000xf32, #tpu.memory_space<vmem>>, vector<16xf32>,
      tpu.vector_store %arg7[%swap3A_43, %swap3A_44], %broadcast_in_dim3A_3 {strides = array<i32>} : memref<4x10000xf32, #tpu.memory_space<vmem>>, vector<16xf32>,
    }
    %scan3A_12 = arith.constant 625 : i32
    %scan3A_13 = arith.constant 0 : i32
    %scan3A_14 = arith.constant 625 : i32
    %scan3A_15 = arith.addi %scan3A_13, %scan3A_14 : i32
    %scan3A_16 = arith.constant 1 : i32
    scf.for %scan3A_36 = %scan3A_13 to %scan3A_15 step %scan3A_16  : i32 {
      %mul3A_37 = arith.constant 1 : i32
      %mul3A_38 = arith.muli %scan3A_36, %mul3A_37 : i32
      %add3A_39 = arith.constant 0 : i32
      %add3A_40 = arith.addi %add3A_39, %mul3A_38 : i32
      %mul3A_41 = arith.constant 16 : i32
      %mul3A_42 = arith.muli %add3A_40, %mul3A_41 : i32
      %swap3A = arith.constant 2 : i32
      %swap3A_43 = arith.index_cast %swap3A : i32 to index
      %swap3A_44 = arith.index_cast %mul3A_42 : i32 to index
      %swap3A_45 = tpu.vector_load %arg7[%swap3A_43, %swap3A_44] {strides = array<i32>} : memref<4x10000xf32, #tpu.memory_space<vmem>>, vector<16xf32>,
      tpu.vector_store %arg7[%swap3A_43, %swap3A_44], %broadcast_in_dim3A_3 {strides = array<i32>} : memref<4x10000xf32, #tpu.memory_space<vmem>>, vector<16xf32>,
    }
    %scan3A_17 = arith.constant 625 : i32
    %scan3A_18 = arith.constant 0 : i32
    %scan3A_19 = arith.constant 625 : i32
    %scan3A_20 = arith.addi %scan3A_18, %scan3A_19 : i32
    %scan3A_21 = arith.constant 1 : i32
    scf.for %scan3A_36 = %scan3A_18 to %scan3A_20 step %scan3A_21  : i32 {
      %mul3A_37 = arith.constant 1 : i32
      %mul3A_38 = arith.muli %scan3A_36, %mul3A_37 : i32
      %add3A_39 = arith.constant 0 : i32
      %add3A_40 = arith.addi %add3A_39, %mul3A_38 : i32
      %mul3A_41 = arith.constant 16 : i32
      %mul3A_42 = arith.muli %add3A_40, %mul3A_41 : i32
      %swap3A = arith.constant 3 : i32
      %swap3A_43 = arith.index_cast %swap3A : i32 to index
      %swap3A_44 = arith.index_cast %mul3A_42 : i32 to index
      %swap3A_45 = tpu.vector_load %arg7[%swap3A_43, %swap3A_44] {strides = array<i32>} : memref<4x10000xf32, #tpu.memory_space<vmem>>, vector<16xf32>,
      tpu.vector_store %arg7[%swap3A_43, %swap3A_44], %broadcast_in_dim3A_3 {strides = array<i32>} : memref<4x10000xf32, #tpu.memory_space<vmem>>, vector<16xf32>,
    }
    %scan3A_22 = arith.constant 625 : i32
    %broadcast_in_dim3A_23 = arith.constant 0 : i32
    %broadcast_in_dim3A_24 = vector.broadcast %broadcast_in_dim3A_23 : i32 to vector<16xi32>
    %broadcast_in_dim3A_25 = arith.constant 1 : i32
    %broadcast_in_dim3A_26 = vector.broadcast %broadcast_in_dim3A_25 : i32 to vector<16xi32>
    %broadcast_in_dim3A_27 = arith.constant 2 : i32
    %broadcast_in_dim3A_28 = vector.broadcast %broadcast_in_dim3A_27 : i32 to vector<16xi32>
    %broadcast_in_dim3A_29 = arith.constant 3 : i32
    %broadcast_in_dim3A_30 = vector.broadcast %broadcast_in_dim3A_29 : i32 to vector<16xi32>
    %scan3A_31 = arith.constant 0 : i32
    %scan3A_32 = arith.constant 40 : i32
    %scan3A_33 = arith.addi %scan3A_31, %scan3A_32 : i32
    %scan3A_34 = arith.constant 1 : i32
    scf.for %scan3A_36 = %scan3A_31 to %scan3A_33 step %scan3A_34  : i32 {
      %mul3A_37 = arith.constant 1 : i32
      %mul3A_38 = arith.muli %scan3A_36, %mul3A_37 : i32
      %add3A_39 = arith.constant 0 : i32
      %add3A_40 = arith.addi %add3A_39, %mul3A_38 : i32
      %mul3A_41 = arith.constant 8000 : i32
      %mul3A_42 = arith.muli %add3A_40, %mul3A_41 : i32
      "tpu.region"() ({
        %run_scoped3A = tpu.sem_alloc : memref<!tpu.dma_semaphore, #tpu.memory_space<semaphore_mem>>
        %dma_start3A = tpu.memref_slice %arg3[%mul3A_42] : memref<320000xi32, #tpu.memory_space<hbm>> -> memref<8000xi32, #tpu.memory_space<hbm>>
        %dma_start3A_50 = tpu.memref_slice %arg3[%mul3A_42] : memref<320000xi32, #tpu.memory_space<hbm>> -> memref<8000xi32, #tpu.memory_space<hbm>>
        tpu.enqueue_dma source(%dma_start3A_50 : memref<8000xi32, #tpu.memory_space<hbm>>) target(%arg8 : memref<8000xi32, #tpu.memory_space<vmem>>) target_semaphore(%run_scoped3A : memref<!tpu.dma_semaphore, #tpu.memory_space<semaphore_mem>>)
        %dma_wait3A = tpu.memref_slice %arg3[%mul3A_42] : memref<320000xi32, #tpu.memory_space<hbm>> -> memref<8000xi32, #tpu.memory_space<hbm>>
        %dma_wait3A_51 = tpu.memref_slice %arg3[%mul3A_42] : memref<320000xi32, #tpu.memory_space<hbm>> -> memref<8000xi32, #tpu.memory_space<hbm>>
        tpu.wait_dma2 semaphore(%run_scoped3A : memref<!tpu.dma_semaphore, #tpu.memory_space<semaphore_mem>>) src(%dma_wait3A_51 : memref<8000xi32, #tpu.memory_space<hbm>>) dst(%arg8 : memref<8000xi32, #tpu.memory_space<vmem>>)
        tpu.yield
      }) : () -> ()
      %mul3A_43 = arith.constant 8000 : i32
      %mul3A_44 = arith.muli %add3A_40, %mul3A_43 : i32
      "tpu.region"() ({
        %run_scoped3A = tpu.sem_alloc : memref<!tpu.dma_semaphore, #tpu.memory_space<semaphore_mem>>
        %dma_start3A = tpu.memref_slice %arg4[%mul3A_44] : memref<320000xf32, #tpu.memory_space<hbm>> -> memref<8000xf32, #tpu.memory_space<hbm>>
        %dma_start3A_50 = tpu.memref_slice %arg4[%mul3A_44] : memref<320000xf32, #tpu.memory_space<hbm>> -> memref<8000xf32, #tpu.memory_space<hbm>>
        tpu.enqueue_dma source(%dma_start3A_50 : memref<8000xf32, #tpu.memory_space<hbm>>) target(%arg9 : memref<8000xf32, #tpu.memory_space<vmem>>) target_semaphore(%run_scoped3A : memref<!tpu.dma_semaphore, #tpu.memory_space<semaphore_mem>>)
        %dma_wait3A = tpu.memref_slice %arg4[%mul3A_44] : memref<320000xf32, #tpu.memory_space<hbm>> -> memref<8000xf32, #tpu.memory_space<hbm>>
        %dma_wait3A_51 = tpu.memref_slice %arg4[%mul3A_44] : memref<320000xf32, #tpu.memory_space<hbm>> -> memref<8000xf32, #tpu.memory_space<hbm>>
        tpu.wait_dma2 semaphore(%run_scoped3A : memref<!tpu.dma_semaphore, #tpu.memory_space<semaphore_mem>>) src(%dma_wait3A_51 : memref<8000xf32, #tpu.memory_space<hbm>>) dst(%arg9 : memref<8000xf32, #tpu.memory_space<vmem>>)
        tpu.yield
      }) : () -> ()
      %scan3A_45 = arith.constant 0 : i32
      %scan3A_46 = arith.constant 500 : i32
      %scan3A_47 = arith.addi %scan3A_45, %scan3A_46 : i32
      %scan3A_48 = arith.constant 1 : i32
      scf.for %scan3A_50 = %scan3A_45 to %scan3A_47 step %scan3A_48  : i32 {
        %mul3A_51 = arith.constant 1 : i32
        %mul3A_52 = arith.muli %scan3A_50, %mul3A_51 : i32
        %add3A_53 = arith.constant 0 : i32
        %add3A_54 = arith.addi %add3A_53, %mul3A_52 : i32
        %mul3A_55 = arith.constant 16 : i32
        %mul3A_56 = arith.muli %add3A_54, %mul3A_55 : i32
        %get3A = arith.index_cast %mul3A_56 : i32 to index
        %get3A_57 = tpu.vector_load %arg8[%get3A] {strides = array<i32>} : memref<8000xi32, #tpu.memory_space<vmem>>, vector<16xi32>,
        %mul3A_58 = arith.constant 16 : i32
        %mul3A_59 = arith.muli %add3A_54, %mul3A_58 : i32
        %get3A_60 = arith.index_cast %mul3A_59 : i32 to index
        %get3A_61 = tpu.vector_load %arg9[%get3A_60] {strides = array<i32>} : memref<8000xf32, #tpu.memory_space<vmem>>, vector<16xf32>,
        %shift_right_logical3A = arith.constant 14 : i32
        %shift_right_logical3A_62 = vector.broadcast %shift_right_logical3A : i32 to vector<16xi32>
        %shift_right_logical3A_63 = arith.shrui %get3A_57, %shift_right_logical3A_62 : vector<16xi32>
        %and3A = arith.constant 16383 : i32
        %and3A_64 = vector.broadcast %and3A : i32 to vector<16xi32>
        %and3A_65 = arith.andi %get3A_57, %and3A_64 : vector<16xi32>
        %gather3A = tpu.vector_load_idx %arg6[%broadcast_in_dim3A_24, %shift_right_logical3A_63] : memref<4x10000xf32, #tpu.memory_space<vmem>>[vector<16xi32>, vector<16xi32>], vector<16xf32>,
        %mul3A_66 = arith.mulf %gather3A, %get3A_61 : vector<16xf32>
        tpu.vector_store_idx %arg7[%broadcast_in_dim3A_24, %and3A_65], %mul3A_66 {add = true} : memref<4x10000xf32, #tpu.memory_space<vmem>>[vector<16xi32>, vector<16xi32>], vector<16xf32>,
        %gather3A_67 = tpu.vector_load_idx %arg6[%broadcast_in_dim3A_26, %shift_right_logical3A_63] : memref<4x10000xf32, #tpu.memory_space<vmem>>[vector<16xi32>, vector<16xi32>], vector<16xf32>,
        %mul3A_68 = arith.mulf %gather3A_67, %get3A_61 : vector<16xf32>
        tpu.vector_store_idx %arg7[%broadcast_in_dim3A_26, %and3A_65], %mul3A_68 {add = true} : memref<4x10000xf32, #tpu.memory_space<vmem>>[vector<16xi32>, vector<16xi32>], vector<16xf32>,
        %gather3A_69 = tpu.vector_load_idx %arg6[%broadcast_in_dim3A_28, %shift_right_logical3A_63] : memref<4x10000xf32, #tpu.memory_space<vmem>>[vector<16xi32>, vector<16xi32>], vector<16xf32>,
        %mul3A_70 = arith.mulf %gather3A_69, %get3A_61 : vector<16xf32>
        tpu.vector_store_idx %arg7[%broadcast_in_dim3A_28, %and3A_65], %mul3A_70 {add = true} : memref<4x10000xf32, #tpu.memory_space<vmem>>[vector<16xi32>, vector<16xi32>], vector<16xf32>,
        %gather3A_71 = tpu.vector_load_idx %arg6[%broadcast_in_dim3A_30, %shift_right_logical3A_63] : memref<4x10000xf32, #tpu.memory_space<vmem>>[vector<16xi32>, vector<16xi32>], vector<16xf32>,
        %mul3A_72 = arith.mulf %gather3A_71, %get3A_61 : vector<16xf32>
        tpu.vector_store_idx %arg7[%broadcast_in_dim3A_30, %and3A_65], %mul3A_72 {add = true} : memref<4x10000xf32, #tpu.memory_space<vmem>>[vector<16xi32>, vector<16xi32>], vector<16xf32>,
      }
      %scan3A_49 = arith.constant 500 : i32
    }
    %scan3A_35 = arith.constant 40 : i32
    "tpu.region"() ({
      %run_scoped3A = tpu.sem_alloc : memref<!tpu.dma_semaphore, #tpu.memory_space<semaphore_mem>>
      %dma_start3A = arith.constant 0 : i32
      %dma_start3A_36 = tpu.memref_slice %arg5[%mul3A_2, %dma_start3A] : memref<128x10000xf32, #tpu.memory_space<hbm>> -> memref<4x10000xf32, #tpu.memory_space<hbm>>
      %dma_start3A_37 = arith.constant 0 : i32
      %dma_start3A_38 = tpu.memref_slice %arg5[%mul3A_2, %dma_start3A_37] : memref<128x10000xf32, #tpu.memory_space<hbm>> -> memref<4x10000xf32, #tpu.memory_space<hbm>>
      tpu.enqueue_dma source(%arg7 : memref<4x10000xf32, #tpu.memory_space<vmem>>) target(%dma_start3A_38 : memref<4x10000xf32, #tpu.memory_space<hbm>>) target_semaphore(%run_scoped3A : memref<!tpu.dma_semaphore, #tpu.memory_space<semaphore_mem>>)
      %dma_wait3A = arith.constant 0 : i32
      %dma_wait3A_39 = tpu.memref_slice %arg5[%mul3A_2, %dma_wait3A] : memref<128x10000xf32, #tpu.memory_space<hbm>> -> memref<4x10000xf32, #tpu.memory_space<hbm>>
      %dma_wait3A_40 = arith.constant 0 : i32
      %dma_wait3A_41 = tpu.memref_slice %arg5[%mul3A_2, %dma_wait3A_40] : memref<128x10000xf32, #tpu.memory_space<hbm>> -> memref<4x10000xf32, #tpu.memory_space<hbm>>
      tpu.wait_dma2 semaphore(%run_scoped3A : memref<!tpu.dma_semaphore, #tpu.memory_space<semaphore_mem>>) src(%arg7 : memref<4x10000xf32, #tpu.memory_space<vmem>>) dst(%dma_wait3A_41 : memref<4x10000xf32, #tpu.memory_space<hbm>>)
      tpu.yield
    }) : () -> ()
    return
  }
}

#map = affine_map<(d0, d1) -> (0, 0)>
#map1 = affine_map<(d0, d1) -> (0)>
module attributes {stable_mosaic.version = 14 : i64} {
  func.func @_spmm_body(%arg0: i32, %arg1: i32, %arg2: memref<128x10000xf32, #tpu.memory_space<hbm>>, %arg3: memref<320000xi32, #tpu.memory_space<hbm>>, %arg4: memref<320000xf32, #tpu.memory_space<hbm>>, %arg5: memref<128x10000xf32, #tpu.memory_space<hbm>>, %arg6: memref<4x10000xf32, #tpu.memory_space<vmem>>, %arg7: memref<4x10000xf32, #tpu.memory_space<vmem>>, %arg8: memref<8000xi32, #tpu.memory_space<vmem>>, %arg9: memref<8000xf32, #tpu.memory_space<vmem>>) attributes {dimension_semantics = [#tpu.dimension_semantics<core_parallel>, #tpu.dimension_semantics<subcore_parallel>], iteration_bounds = array<i64: 2, 16>, scalar_prefetch = 0 : i64, scratch_operands = 4 : i64, tpu.core_type = #tpu.core_type<sc_vector_subcore>, window_params = [{transform_indices = #map}, {transform_indices = #map1}, {transform_indices = #map1}, {transform_indices = #map}]} {
    %mul3A = arith.constant 2 : i32
    %mul3A_0 = arith.muli %arg1, %mul3A : i32
    %add3A = arith.addi %mul3A_0, %arg0 : i32
    %mul3A_1 = arith.constant 4 : i32
    %mul3A_2 = arith.muli %add3A, %mul3A_1 : i32
    "tpu.region"() ({
      %run_scoped3A = tpu.sem_alloc : memref<!tpu.dma_semaphore, #tpu.memory_space<semaphore_mem>>
      %dma_start3A = arith.constant 0 : i32
      %dma_start3A_36 = tpu.memref_slice %arg2[%mul3A_2, %dma_start3A] : memref<128x10000xf32, #tpu.memory_space<hbm>> -> memref<4x10000xf32, #tpu.memory_space<hbm>>
      %dma_start3A_37 = arith.constant 0 : i32
      %dma_start3A_38 = tpu.memref_slice %arg2[%mul3A_2, %dma_start3A_37] : memref<128x10000xf32, #tpu.memory_space<hbm>> -> memref<4x10000xf32, #tpu.memory_space<hbm>>
      tpu.enqueue_dma source(%dma_start3A_38 : memref<4x10000xf32, #tpu.memory_space<hbm>>) target(%arg6 : memref<4x10000xf32, #tpu.memory_space<vmem>>) target_semaphore(%run_scoped3A : memref<!tpu.dma_semaphore, #tpu.memory_space<semaphore_mem>>)
      %dma_wait3A = arith.constant 0 : i32
      %dma_wait3A_39 = tpu.memref_slice %arg2[%mul3A_2, %dma_wait3A] : memref<128x10000xf32, #tpu.memory_space<hbm>> -> memref<4x10000xf32, #tpu.memory_space<hbm>>
      %dma_wait3A_40 = arith.constant 0 : i32
      %dma_wait3A_41 = tpu.memref_slice %arg2[%mul3A_2, %dma_wait3A_40] : memref<128x10000xf32, #tpu.memory_space<hbm>> -> memref<4x10000xf32, #tpu.memory_space<hbm>>
      tpu.wait_dma2 semaphore(%run_scoped3A : memref<!tpu.dma_semaphore, #tpu.memory_space<semaphore_mem>>) src(%dma_wait3A_41 : memref<4x10000xf32, #tpu.memory_space<hbm>>) dst(%arg6 : memref<4x10000xf32, #tpu.memory_space<vmem>>)
      tpu.yield
    }) : () -> ()
    %broadcast_in_dim3A = arith.constant 0.000000e+00 : f32
    %broadcast_in_dim3A_3 = vector.broadcast %broadcast_in_dim3A : f32 to vector<16xf32>
    %scan3A = arith.constant 0 : i32
    %scan3A_4 = arith.constant 625 : i32
    %scan3A_5 = arith.addi %scan3A, %scan3A_4 : i32
    %scan3A_6 = arith.constant 1 : i32
    scf.for %scan3A_36 = %scan3A to %scan3A_5 step %scan3A_6  : i32 {
      %mul3A_37 = arith.constant 1 : i32
      %mul3A_38 = arith.muli %scan3A_36, %mul3A_37 : i32
      %add3A_39 = arith.constant 0 : i32
      %add3A_40 = arith.addi %add3A_39, %mul3A_38 : i32
      %mul3A_41 = arith.constant 16 : i32
      %mul3A_42 = arith.muli %add3A_40, %mul3A_41 : i32
      %swap3A = arith.constant 0 : i32
      %swap3A_43 = arith.index_cast %swap3A : i32 to index
      %swap3A_44 = arith.index_cast %mul3A_42 : i32 to index
      %swap3A_45 = tpu.vector_load %arg7[%swap3A_43, %swap3A_44] {strides = array<i32>} : memref<4x10000xf32, #tpu.memory_space<vmem>>, vector<16xf32>,
      tpu.vector_store %arg7[%swap3A_43, %swap3A_44], %broadcast_in_dim3A_3 {strides = array<i32>} : memref<4x10000xf32, #tpu.memory_space<vmem>>, vector<16xf32>,
    }
    %scan3A_7 = arith.constant 625 : i32
    %scan3A_8 = arith.constant 0 : i32
    %scan3A_9 = arith.constant 625 : i32
    %scan3A_10 = arith.addi %scan3A_8, %scan3A_9 : i32
    %scan3A_11 = arith.constant 1 : i32
    scf.for %scan3A_36 = %scan3A_8 to %scan3A_10 step %scan3A_11  : i32 {
      %mul3A_37 = arith.constant 1 : i32
      %mul3A_38 = arith.muli %scan3A_36, %mul3A_37 : i32
      %add3A_39 = arith.constant 0 : i32
      %add3A_40 = arith.addi %add3A_39, %mul3A_38 : i32
      %mul3A_41 = arith.constant 16 : i32
      %mul3A_42 = arith.muli %add3A_40, %mul3A_41 : i32
      %swap3A = arith.constant 1 : i32
      %swap3A_43 = arith.index_cast %swap3A : i32 to index
      %swap3A_44 = arith.index_cast %mul3A_42 : i32 to index
      %swap3A_45 = tpu.vector_load %arg7[%swap3A_43, %swap3A_44] {strides = array<i32>} : memref<4x10000xf32, #tpu.memory_space<vmem>>, vector<16xf32>,
      tpu.vector_store %arg7[%swap3A_43, %swap3A_44], %broadcast_in_dim3A_3 {strides = array<i32>} : memref<4x10000xf32, #tpu.memory_space<vmem>>, vector<16xf32>,
    }
    %scan3A_12 = arith.constant 625 : i32
    %scan3A_13 = arith.constant 0 : i32
    %scan3A_14 = arith.constant 625 : i32
    %scan3A_15 = arith.addi %scan3A_13, %scan3A_14 : i32
    %scan3A_16 = arith.constant 1 : i32
    scf.for %scan3A_36 = %scan3A_13 to %scan3A_15 step %scan3A_16  : i32 {
      %mul3A_37 = arith.constant 1 : i32
      %mul3A_38 = arith.muli %scan3A_36, %mul3A_37 : i32
      %add3A_39 = arith.constant 0 : i32
      %add3A_40 = arith.addi %add3A_39, %mul3A_38 : i32
      %mul3A_41 = arith.constant 16 : i32
      %mul3A_42 = arith.muli %add3A_40, %mul3A_41 : i32
      %swap3A = arith.constant 2 : i32
      %swap3A_43 = arith.index_cast %swap3A : i32 to index
      %swap3A_44 = arith.index_cast %mul3A_42 : i32 to index
      %swap3A_45 = tpu.vector_load %arg7[%swap3A_43, %swap3A_44] {strides = array<i32>} : memref<4x10000xf32, #tpu.memory_space<vmem>>, vector<16xf32>,
      tpu.vector_store %arg7[%swap3A_43, %swap3A_44], %broadcast_in_dim3A_3 {strides = array<i32>} : memref<4x10000xf32, #tpu.memory_space<vmem>>, vector<16xf32>,
    }
    %scan3A_17 = arith.constant 625 : i32
    %scan3A_18 = arith.constant 0 : i32
    %scan3A_19 = arith.constant 625 : i32
    %scan3A_20 = arith.addi %scan3A_18, %scan3A_19 : i32
    %scan3A_21 = arith.constant 1 : i32
    scf.for %scan3A_36 = %scan3A_18 to %scan3A_20 step %scan3A_21  : i32 {
      %mul3A_37 = arith.constant 1 : i32
      %mul3A_38 = arith.muli %scan3A_36, %mul3A_37 : i32
      %add3A_39 = arith.constant 0 : i32
      %add3A_40 = arith.addi %add3A_39, %mul3A_38 : i32
      %mul3A_41 = arith.constant 16 : i32
      %mul3A_42 = arith.muli %add3A_40, %mul3A_41 : i32
      %swap3A = arith.constant 3 : i32
      %swap3A_43 = arith.index_cast %swap3A : i32 to index
      %swap3A_44 = arith.index_cast %mul3A_42 : i32 to index
      %swap3A_45 = tpu.vector_load %arg7[%swap3A_43, %swap3A_44] {strides = array<i32>} : memref<4x10000xf32, #tpu.memory_space<vmem>>, vector<16xf32>,
      tpu.vector_store %arg7[%swap3A_43, %swap3A_44], %broadcast_in_dim3A_3 {strides = array<i32>} : memref<4x10000xf32, #tpu.memory_space<vmem>>, vector<16xf32>,
    }
    %scan3A_22 = arith.constant 625 : i32
    %broadcast_in_dim3A_23 = arith.constant 0 : i32
    %broadcast_in_dim3A_24 = vector.broadcast %broadcast_in_dim3A_23 : i32 to vector<16xi32>
    %broadcast_in_dim3A_25 = arith.constant 1 : i32
    %broadcast_in_dim3A_26 = vector.broadcast %broadcast_in_dim3A_25 : i32 to vector<16xi32>
    %broadcast_in_dim3A_27 = arith.constant 2 : i32
    %broadcast_in_dim3A_28 = vector.broadcast %broadcast_in_dim3A_27 : i32 to vector<16xi32>
    %broadcast_in_dim3A_29 = arith.constant 3 : i32
    %broadcast_in_dim3A_30 = vector.broadcast %broadcast_in_dim3A_29 : i32 to vector<16xi32>
    %scan3A_31 = arith.constant 0 : i32
    %scan3A_32 = arith.constant 40 : i32
    %scan3A_33 = arith.addi %scan3A_31, %scan3A_32 : i32
    %scan3A_34 = arith.constant 1 : i32
    scf.for %scan3A_36 = %scan3A_31 to %scan3A_33 step %scan3A_34  : i32 {
      %mul3A_37 = arith.constant 1 : i32
      %mul3A_38 = arith.muli %scan3A_36, %mul3A_37 : i32
      %add3A_39 = arith.constant 0 : i32
      %add3A_40 = arith.addi %add3A_39, %mul3A_38 : i32
      %mul3A_41 = arith.constant 8000 : i32
      %mul3A_42 = arith.muli %add3A_40, %mul3A_41 : i32
      "tpu.region"() ({
        %run_scoped3A = tpu.sem_alloc : memref<!tpu.dma_semaphore, #tpu.memory_space<semaphore_mem>>
        %dma_start3A = tpu.memref_slice %arg3[%mul3A_42] : memref<320000xi32, #tpu.memory_space<hbm>> -> memref<8000xi32, #tpu.memory_space<hbm>>
        %dma_start3A_50 = tpu.memref_slice %arg3[%mul3A_42] : memref<320000xi32, #tpu.memory_space<hbm>> -> memref<8000xi32, #tpu.memory_space<hbm>>
        tpu.enqueue_dma source(%dma_start3A_50 : memref<8000xi32, #tpu.memory_space<hbm>>) target(%arg8 : memref<8000xi32, #tpu.memory_space<vmem>>) target_semaphore(%run_scoped3A : memref<!tpu.dma_semaphore, #tpu.memory_space<semaphore_mem>>)
        %dma_wait3A = tpu.memref_slice %arg3[%mul3A_42] : memref<320000xi32, #tpu.memory_space<hbm>> -> memref<8000xi32, #tpu.memory_space<hbm>>
        %dma_wait3A_51 = tpu.memref_slice %arg3[%mul3A_42] : memref<320000xi32, #tpu.memory_space<hbm>> -> memref<8000xi32, #tpu.memory_space<hbm>>
        tpu.wait_dma2 semaphore(%run_scoped3A : memref<!tpu.dma_semaphore, #tpu.memory_space<semaphore_mem>>) src(%dma_wait3A_51 : memref<8000xi32, #tpu.memory_space<hbm>>) dst(%arg8 : memref<8000xi32, #tpu.memory_space<vmem>>)
        tpu.yield
      }) : () -> ()
      %mul3A_43 = arith.constant 8000 : i32
      %mul3A_44 = arith.muli %add3A_40, %mul3A_43 : i32
      "tpu.region"() ({
        %run_scoped3A = tpu.sem_alloc : memref<!tpu.dma_semaphore, #tpu.memory_space<semaphore_mem>>
        %dma_start3A = tpu.memref_slice %arg4[%mul3A_44] : memref<320000xf32, #tpu.memory_space<hbm>> -> memref<8000xf32, #tpu.memory_space<hbm>>
        %dma_start3A_50 = tpu.memref_slice %arg4[%mul3A_44] : memref<320000xf32, #tpu.memory_space<hbm>> -> memref<8000xf32, #tpu.memory_space<hbm>>
        tpu.enqueue_dma source(%dma_start3A_50 : memref<8000xf32, #tpu.memory_space<hbm>>) target(%arg9 : memref<8000xf32, #tpu.memory_space<vmem>>) target_semaphore(%run_scoped3A : memref<!tpu.dma_semaphore, #tpu.memory_space<semaphore_mem>>)
        %dma_wait3A = tpu.memref_slice %arg4[%mul3A_44] : memref<320000xf32, #tpu.memory_space<hbm>> -> memref<8000xf32, #tpu.memory_space<hbm>>
        %dma_wait3A_51 = tpu.memref_slice %arg4[%mul3A_44] : memref<320000xf32, #tpu.memory_space<hbm>> -> memref<8000xf32, #tpu.memory_space<hbm>>
        tpu.wait_dma2 semaphore(%run_scoped3A : memref<!tpu.dma_semaphore, #tpu.memory_space<semaphore_mem>>) src(%dma_wait3A_51 : memref<8000xf32, #tpu.memory_space<hbm>>) dst(%arg9 : memref<8000xf32, #tpu.memory_space<vmem>>)
        tpu.yield
      }) : () -> ()
      %scan3A_45 = arith.constant 0 : i32
      %scan3A_46 = arith.constant 500 : i32
      %scan3A_47 = arith.addi %scan3A_45, %scan3A_46 : i32
      %scan3A_48 = arith.constant 1 : i32
      scf.for %scan3A_50 = %scan3A_45 to %scan3A_47 step %scan3A_48  : i32 {
        %mul3A_51 = arith.constant 1 : i32
        %mul3A_52 = arith.muli %scan3A_50, %mul3A_51 : i32
        %add3A_53 = arith.constant 0 : i32
        %add3A_54 = arith.addi %add3A_53, %mul3A_52 : i32
        %mul3A_55 = arith.constant 16 : i32
        %mul3A_56 = arith.muli %add3A_54, %mul3A_55 : i32
        %get3A = arith.index_cast %mul3A_56 : i32 to index
        %get3A_57 = tpu.vector_load %arg8[%get3A] {strides = array<i32>} : memref<8000xi32, #tpu.memory_space<vmem>>, vector<16xi32>,
        %mul3A_58 = arith.constant 16 : i32
        %mul3A_59 = arith.muli %add3A_54, %mul3A_58 : i32
        %get3A_60 = arith.index_cast %mul3A_59 : i32 to index
        %get3A_61 = tpu.vector_load %arg9[%get3A_60] {strides = array<i32>} : memref<8000xf32, #tpu.memory_space<vmem>>, vector<16xf32>,
        %shift_right_logical3A = arith.constant 14 : i32
        %shift_right_logical3A_62 = vector.broadcast %shift_right_logical3A : i32 to vector<16xi32>
        %shift_right_logical3A_63 = arith.shrui %get3A_57, %shift_right_logical3A_62 : vector<16xi32>
        %and3A = arith.constant 16383 : i32
        %and3A_64 = vector.broadcast %and3A : i32 to vector<16xi32>
        %and3A_65 = arith.andi %get3A_57, %and3A_64 : vector<16xi32>
        %gather3A = tpu.vector_load_idx %arg6[%broadcast_in_dim3A_24, %shift_right_logical3A_63] : memref<4x10000xf32, #tpu.memory_space<vmem>>[vector<16xi32>, vector<16xi32>], vector<16xf32>,
        %mul3A_66 = arith.mulf %gather3A, %get3A_61 : vector<16xf32>
        tpu.vector_store_idx %arg7[%broadcast_in_dim3A_24, %and3A_65], %mul3A_66 {add = true} : memref<4x10000xf32, #tpu.memory_space<vmem>>[vector<16xi32>, vector<16xi32>], vector<16xf32>,
        %gather3A_67 = tpu.vector_load_idx %arg6[%broadcast_in_dim3A_26, %shift_right_logical3A_63] : memref<4x10000xf32, #tpu.memory_space<vmem>>[vector<16xi32>, vector<16xi32>], vector<16xf32>,
        %mul3A_68 = arith.mulf %gather3A_67, %get3A_61 : vector<16xf32>
        tpu.vector_store_idx %arg7[%broadcast_in_dim3A_26, %and3A_65], %mul3A_68 {add = true} : memref<4x10000xf32, #tpu.memory_space<vmem>>[vector<16xi32>, vector<16xi32>], vector<16xf32>,
        %gather3A_69 = tpu.vector_load_idx %arg6[%broadcast_in_dim3A_28, %shift_right_logical3A_63] : memref<4x10000xf32, #tpu.memory_space<vmem>>[vector<16xi32>, vector<16xi32>], vector<16xf32>,
        %mul3A_70 = arith.mulf %gather3A_69, %get3A_61 : vector<16xf32>
        tpu.vector_store_idx %arg7[%broadcast_in_dim3A_28, %and3A_65], %mul3A_70 {add = true} : memref<4x10000xf32, #tpu.memory_space<vmem>>[vector<16xi32>, vector<16xi32>], vector<16xf32>,
        %gather3A_71 = tpu.vector_load_idx %arg6[%broadcast_in_dim3A_30, %shift_right_logical3A_63] : memref<4x10000xf32, #tpu.memory_space<vmem>>[vector<16xi32>, vector<16xi32>], vector<16xf32>,
        %mul3A_72 = arith.mulf %gather3A_71, %get3A_61 : vector<16xf32>
        tpu.vector_store_idx %arg7[%broadcast_in_dim3A_30, %and3A_65], %mul3A_72 {add = true} : memref<4x10000xf32, #tpu.memory_space<vmem>>[vector<16xi32>, vector<16xi32>], vector<16xf32>,
      }
      %scan3A_49 = arith.constant 500 : i32
    }
    %scan3A_35 = arith.constant 40 : i32
    "tpu.region"() ({
      %run_scoped3A = tpu.sem_alloc : memref<!tpu.dma_semaphore, #tpu.memory_space<semaphore_mem>>
      %dma_start3A = arith.constant 0 : i32
      %dma_start3A_36 = tpu.memref_slice %arg5[%mul3A_2, %dma_start3A] : memref<128x10000xf32, #tpu.memory_space<hbm>> -> memref<4x10000xf32, #tpu.memory_space<hbm>>
      %dma_start3A_37 = arith.constant 0 : i32
      %dma_start3A_38 = tpu.memref_slice %arg5[%mul3A_2, %dma_start3A_37] : memref<128x10000xf32, #tpu.memory_space<hbm>> -> memref<4x10000xf32, #tpu.memory_space<hbm>>
      tpu.enqueue_dma source(%arg7 : memref<4x10000xf32, #tpu.memory_space<vmem>>) target(%dma_start3A_38 : memref<4x10000xf32, #tpu.memory_space<hbm>>) target_semaphore(%run_scoped3A : memref<!tpu.dma_semaphore, #tpu.memory_space<semaphore_mem>>)
      %dma_wait3A = arith.constant 0 : i32
      %dma_wait3A_39 = tpu.memref_slice %arg5[%mul3A_2, %dma_wait3A] : memref<128x10000xf32, #tpu.memory_space<hbm>> -> memref<4x10000xf32, #tpu.memory_space<hbm>>
      %dma_wait3A_40 = arith.constant 0 : i32
      %dma_wait3A_41 = tpu.memref_slice %arg5[%mul3A_2, %dma_wait3A_40] : memref<128x10000xf32, #tpu.memory_space<hbm>> -> memref<4x10000xf32, #tpu.memory_space<hbm>>
      tpu.wait_dma2 semaphore(%run_scoped3A : memref<!tpu.dma_semaphore, #tpu.memory_space<semaphore_mem>>) src(%arg7 : memref<4x10000xf32, #tpu.memory_space<vmem>>) dst(%dma_wait3A_41 : memref<4x10000xf32, #tpu.memory_space<hbm>>)
      tpu.yield
    }) : () -> ()
    return
  }
}

#map = affine_map<(d0, d1) -> (0, 0)>
#map1 = affine_map<(d0, d1) -> (0)>
module attributes {stable_mosaic.version = 14 : i64} {
  func.func @_spmm_body(%arg0: i32, %arg1: i32, %arg2: memref<128x10000xf32, #tpu.memory_space<hbm>>, %arg3: memref<320000xi32, #tpu.memory_space<hbm>>, %arg4: memref<320000xf32, #tpu.memory_space<hbm>>, %arg5: memref<128x10000xf32, #tpu.memory_space<hbm>>, %arg6: memref<4x10000xf32, #tpu.memory_space<vmem>>, %arg7: memref<4x10000xf32, #tpu.memory_space<vmem>>, %arg8: memref<8000xi32, #tpu.memory_space<vmem>>, %arg9: memref<8000xf32, #tpu.memory_space<vmem>>) attributes {dimension_semantics = [#tpu.dimension_semantics<core_parallel>, #tpu.dimension_semantics<subcore_parallel>], iteration_bounds = array<i64: 2, 16>, scalar_prefetch = 0 : i64, scratch_operands = 4 : i64, tpu.core_type = #tpu.core_type<sc_vector_subcore>, window_params = [{transform_indices = #map}, {transform_indices = #map1}, {transform_indices = #map1}, {transform_indices = #map}]} {
    %mul3A = arith.constant 2 : i32
    %mul3A_0 = arith.muli %arg1, %mul3A : i32
    %add3A = arith.addi %mul3A_0, %arg0 : i32
    %mul3A_1 = arith.constant 4 : i32
    %mul3A_2 = arith.muli %add3A, %mul3A_1 : i32
    "tpu.region"() ({
      %run_scoped3A = tpu.sem_alloc : memref<!tpu.dma_semaphore, #tpu.memory_space<semaphore_mem>>
      %dma_start3A = arith.constant 0 : i32
      %dma_start3A_36 = tpu.memref_slice %arg2[%mul3A_2, %dma_start3A] : memref<128x10000xf32, #tpu.memory_space<hbm>> -> memref<4x10000xf32, #tpu.memory_space<hbm>>
      %dma_start3A_37 = arith.constant 0 : i32
      %dma_start3A_38 = tpu.memref_slice %arg2[%mul3A_2, %dma_start3A_37] : memref<128x10000xf32, #tpu.memory_space<hbm>> -> memref<4x10000xf32, #tpu.memory_space<hbm>>
      tpu.enqueue_dma source(%dma_start3A_38 : memref<4x10000xf32, #tpu.memory_space<hbm>>) target(%arg6 : memref<4x10000xf32, #tpu.memory_space<vmem>>) target_semaphore(%run_scoped3A : memref<!tpu.dma_semaphore, #tpu.memory_space<semaphore_mem>>)
      %dma_wait3A = arith.constant 0 : i32
      %dma_wait3A_39 = tpu.memref_slice %arg2[%mul3A_2, %dma_wait3A] : memref<128x10000xf32, #tpu.memory_space<hbm>> -> memref<4x10000xf32, #tpu.memory_space<hbm>>
      %dma_wait3A_40 = arith.constant 0 : i32
      %dma_wait3A_41 = tpu.memref_slice %arg2[%mul3A_2, %dma_wait3A_40] : memref<128x10000xf32, #tpu.memory_space<hbm>> -> memref<4x10000xf32, #tpu.memory_space<hbm>>
      tpu.wait_dma2 semaphore(%run_scoped3A : memref<!tpu.dma_semaphore, #tpu.memory_space<semaphore_mem>>) src(%dma_wait3A_41 : memref<4x10000xf32, #tpu.memory_space<hbm>>) dst(%arg6 : memref<4x10000xf32, #tpu.memory_space<vmem>>)
      tpu.yield
    }) : () -> ()
    %broadcast_in_dim3A = arith.constant 0.000000e+00 : f32
    %broadcast_in_dim3A_3 = vector.broadcast %broadcast_in_dim3A : f32 to vector<16xf32>
    %scan3A = arith.constant 0 : i32
    %scan3A_4 = arith.constant 625 : i32
    %scan3A_5 = arith.addi %scan3A, %scan3A_4 : i32
    %scan3A_6 = arith.constant 1 : i32
    scf.for %scan3A_36 = %scan3A to %scan3A_5 step %scan3A_6  : i32 {
      %mul3A_37 = arith.constant 1 : i32
      %mul3A_38 = arith.muli %scan3A_36, %mul3A_37 : i32
      %add3A_39 = arith.constant 0 : i32
      %add3A_40 = arith.addi %add3A_39, %mul3A_38 : i32
      %mul3A_41 = arith.constant 16 : i32
      %mul3A_42 = arith.muli %add3A_40, %mul3A_41 : i32
      %swap3A = arith.constant 0 : i32
      %swap3A_43 = arith.index_cast %swap3A : i32 to index
      %swap3A_44 = arith.index_cast %mul3A_42 : i32 to index
      %swap3A_45 = tpu.vector_load %arg7[%swap3A_43, %swap3A_44] {strides = array<i32>} : memref<4x10000xf32, #tpu.memory_space<vmem>>, vector<16xf32>,
      tpu.vector_store %arg7[%swap3A_43, %swap3A_44], %broadcast_in_dim3A_3 {strides = array<i32>} : memref<4x10000xf32, #tpu.memory_space<vmem>>, vector<16xf32>,
    }
    %scan3A_7 = arith.constant 625 : i32
    %scan3A_8 = arith.constant 0 : i32
    %scan3A_9 = arith.constant 625 : i32
    %scan3A_10 = arith.addi %scan3A_8, %scan3A_9 : i32
    %scan3A_11 = arith.constant 1 : i32
    scf.for %scan3A_36 = %scan3A_8 to %scan3A_10 step %scan3A_11  : i32 {
      %mul3A_37 = arith.constant 1 : i32
      %mul3A_38 = arith.muli %scan3A_36, %mul3A_37 : i32
      %add3A_39 = arith.constant 0 : i32
      %add3A_40 = arith.addi %add3A_39, %mul3A_38 : i32
      %mul3A_41 = arith.constant 16 : i32
      %mul3A_42 = arith.muli %add3A_40, %mul3A_41 : i32
      %swap3A = arith.constant 1 : i32
      %swap3A_43 = arith.index_cast %swap3A : i32 to index
      %swap3A_44 = arith.index_cast %mul3A_42 : i32 to index
      %swap3A_45 = tpu.vector_load %arg7[%swap3A_43, %swap3A_44] {strides = array<i32>} : memref<4x10000xf32, #tpu.memory_space<vmem>>, vector<16xf32>,
      tpu.vector_store %arg7[%swap3A_43, %swap3A_44], %broadcast_in_dim3A_3 {strides = array<i32>} : memref<4x10000xf32, #tpu.memory_space<vmem>>, vector<16xf32>,
    }
    %scan3A_12 = arith.constant 625 : i32
    %scan3A_13 = arith.constant 0 : i32
    %scan3A_14 = arith.constant 625 : i32
    %scan3A_15 = arith.addi %scan3A_13, %scan3A_14 : i32
    %scan3A_16 = arith.constant 1 : i32
    scf.for %scan3A_36 = %scan3A_13 to %scan3A_15 step %scan3A_16  : i32 {
      %mul3A_37 = arith.constant 1 : i32
      %mul3A_38 = arith.muli %scan3A_36, %mul3A_37 : i32
      %add3A_39 = arith.constant 0 : i32
      %add3A_40 = arith.addi %add3A_39, %mul3A_38 : i32
      %mul3A_41 = arith.constant 16 : i32
      %mul3A_42 = arith.muli %add3A_40, %mul3A_41 : i32
      %swap3A = arith.constant 2 : i32
      %swap3A_43 = arith.index_cast %swap3A : i32 to index
      %swap3A_44 = arith.index_cast %mul3A_42 : i32 to index
      %swap3A_45 = tpu.vector_load %arg7[%swap3A_43, %swap3A_44] {strides = array<i32>} : memref<4x10000xf32, #tpu.memory_space<vmem>>, vector<16xf32>,
      tpu.vector_store %arg7[%swap3A_43, %swap3A_44], %broadcast_in_dim3A_3 {strides = array<i32>} : memref<4x10000xf32, #tpu.memory_space<vmem>>, vector<16xf32>,
    }
    %scan3A_17 = arith.constant 625 : i32
    %scan3A_18 = arith.constant 0 : i32
    %scan3A_19 = arith.constant 625 : i32
    %scan3A_20 = arith.addi %scan3A_18, %scan3A_19 : i32
    %scan3A_21 = arith.constant 1 : i32
    scf.for %scan3A_36 = %scan3A_18 to %scan3A_20 step %scan3A_21  : i32 {
      %mul3A_37 = arith.constant 1 : i32
      %mul3A_38 = arith.muli %scan3A_36, %mul3A_37 : i32
      %add3A_39 = arith.constant 0 : i32
      %add3A_40 = arith.addi %add3A_39, %mul3A_38 : i32
      %mul3A_41 = arith.constant 16 : i32
      %mul3A_42 = arith.muli %add3A_40, %mul3A_41 : i32
      %swap3A = arith.constant 3 : i32
      %swap3A_43 = arith.index_cast %swap3A : i32 to index
      %swap3A_44 = arith.index_cast %mul3A_42 : i32 to index
      %swap3A_45 = tpu.vector_load %arg7[%swap3A_43, %swap3A_44] {strides = array<i32>} : memref<4x10000xf32, #tpu.memory_space<vmem>>, vector<16xf32>,
      tpu.vector_store %arg7[%swap3A_43, %swap3A_44], %broadcast_in_dim3A_3 {strides = array<i32>} : memref<4x10000xf32, #tpu.memory_space<vmem>>, vector<16xf32>,
    }
    %scan3A_22 = arith.constant 625 : i32
    %broadcast_in_dim3A_23 = arith.constant 0 : i32
    %broadcast_in_dim3A_24 = vector.broadcast %broadcast_in_dim3A_23 : i32 to vector<16xi32>
    %broadcast_in_dim3A_25 = arith.constant 1 : i32
    %broadcast_in_dim3A_26 = vector.broadcast %broadcast_in_dim3A_25 : i32 to vector<16xi32>
    %broadcast_in_dim3A_27 = arith.constant 2 : i32
    %broadcast_in_dim3A_28 = vector.broadcast %broadcast_in_dim3A_27 : i32 to vector<16xi32>
    %broadcast_in_dim3A_29 = arith.constant 3 : i32
    %broadcast_in_dim3A_30 = vector.broadcast %broadcast_in_dim3A_29 : i32 to vector<16xi32>
    %scan3A_31 = arith.constant 0 : i32
    %scan3A_32 = arith.constant 40 : i32
    %scan3A_33 = arith.addi %scan3A_31, %scan3A_32 : i32
    %scan3A_34 = arith.constant 1 : i32
    scf.for %scan3A_36 = %scan3A_31 to %scan3A_33 step %scan3A_34  : i32 {
      %mul3A_37 = arith.constant 1 : i32
      %mul3A_38 = arith.muli %scan3A_36, %mul3A_37 : i32
      %add3A_39 = arith.constant 0 : i32
      %add3A_40 = arith.addi %add3A_39, %mul3A_38 : i32
      %mul3A_41 = arith.constant 8000 : i32
      %mul3A_42 = arith.muli %add3A_40, %mul3A_41 : i32
      "tpu.region"() ({
        %run_scoped3A = tpu.sem_alloc : memref<!tpu.dma_semaphore, #tpu.memory_space<semaphore_mem>>
        %dma_start3A = tpu.memref_slice %arg3[%mul3A_42] : memref<320000xi32, #tpu.memory_space<hbm>> -> memref<8000xi32, #tpu.memory_space<hbm>>
        %dma_start3A_50 = tpu.memref_slice %arg3[%mul3A_42] : memref<320000xi32, #tpu.memory_space<hbm>> -> memref<8000xi32, #tpu.memory_space<hbm>>
        tpu.enqueue_dma source(%dma_start3A_50 : memref<8000xi32, #tpu.memory_space<hbm>>) target(%arg8 : memref<8000xi32, #tpu.memory_space<vmem>>) target_semaphore(%run_scoped3A : memref<!tpu.dma_semaphore, #tpu.memory_space<semaphore_mem>>)
        %dma_wait3A = tpu.memref_slice %arg3[%mul3A_42] : memref<320000xi32, #tpu.memory_space<hbm>> -> memref<8000xi32, #tpu.memory_space<hbm>>
        %dma_wait3A_51 = tpu.memref_slice %arg3[%mul3A_42] : memref<320000xi32, #tpu.memory_space<hbm>> -> memref<8000xi32, #tpu.memory_space<hbm>>
        tpu.wait_dma2 semaphore(%run_scoped3A : memref<!tpu.dma_semaphore, #tpu.memory_space<semaphore_mem>>) src(%dma_wait3A_51 : memref<8000xi32, #tpu.memory_space<hbm>>) dst(%arg8 : memref<8000xi32, #tpu.memory_space<vmem>>)
        tpu.yield
      }) : () -> ()
      %mul3A_43 = arith.constant 8000 : i32
      %mul3A_44 = arith.muli %add3A_40, %mul3A_43 : i32
      "tpu.region"() ({
        %run_scoped3A = tpu.sem_alloc : memref<!tpu.dma_semaphore, #tpu.memory_space<semaphore_mem>>
        %dma_start3A = tpu.memref_slice %arg4[%mul3A_44] : memref<320000xf32, #tpu.memory_space<hbm>> -> memref<8000xf32, #tpu.memory_space<hbm>>
        %dma_start3A_50 = tpu.memref_slice %arg4[%mul3A_44] : memref<320000xf32, #tpu.memory_space<hbm>> -> memref<8000xf32, #tpu.memory_space<hbm>>
        tpu.enqueue_dma source(%dma_start3A_50 : memref<8000xf32, #tpu.memory_space<hbm>>) target(%arg9 : memref<8000xf32, #tpu.memory_space<vmem>>) target_semaphore(%run_scoped3A : memref<!tpu.dma_semaphore, #tpu.memory_space<semaphore_mem>>)
        %dma_wait3A = tpu.memref_slice %arg4[%mul3A_44] : memref<320000xf32, #tpu.memory_space<hbm>> -> memref<8000xf32, #tpu.memory_space<hbm>>
        %dma_wait3A_51 = tpu.memref_slice %arg4[%mul3A_44] : memref<320000xf32, #tpu.memory_space<hbm>> -> memref<8000xf32, #tpu.memory_space<hbm>>
        tpu.wait_dma2 semaphore(%run_scoped3A : memref<!tpu.dma_semaphore, #tpu.memory_space<semaphore_mem>>) src(%dma_wait3A_51 : memref<8000xf32, #tpu.memory_space<hbm>>) dst(%arg9 : memref<8000xf32, #tpu.memory_space<vmem>>)
        tpu.yield
      }) : () -> ()
      %scan3A_45 = arith.constant 0 : i32
      %scan3A_46 = arith.constant 500 : i32
      %scan3A_47 = arith.addi %scan3A_45, %scan3A_46 : i32
      %scan3A_48 = arith.constant 1 : i32
      scf.for %scan3A_50 = %scan3A_45 to %scan3A_47 step %scan3A_48  : i32 {
        %mul3A_51 = arith.constant 1 : i32
        %mul3A_52 = arith.muli %scan3A_50, %mul3A_51 : i32
        %add3A_53 = arith.constant 0 : i32
        %add3A_54 = arith.addi %add3A_53, %mul3A_52 : i32
        %mul3A_55 = arith.constant 16 : i32
        %mul3A_56 = arith.muli %add3A_54, %mul3A_55 : i32
        %get3A = arith.index_cast %mul3A_56 : i32 to index
        %get3A_57 = tpu.vector_load %arg8[%get3A] {strides = array<i32>} : memref<8000xi32, #tpu.memory_space<vmem>>, vector<16xi32>,
        %mul3A_58 = arith.constant 16 : i32
        %mul3A_59 = arith.muli %add3A_54, %mul3A_58 : i32
        %get3A_60 = arith.index_cast %mul3A_59 : i32 to index
        %get3A_61 = tpu.vector_load %arg9[%get3A_60] {strides = array<i32>} : memref<8000xf32, #tpu.memory_space<vmem>>, vector<16xf32>,
        %shift_right_logical3A = arith.constant 14 : i32
        %shift_right_logical3A_62 = vector.broadcast %shift_right_logical3A : i32 to vector<16xi32>
        %shift_right_logical3A_63 = arith.shrui %get3A_57, %shift_right_logical3A_62 : vector<16xi32>
        %and3A = arith.constant 16383 : i32
        %and3A_64 = vector.broadcast %and3A : i32 to vector<16xi32>
        %and3A_65 = arith.andi %get3A_57, %and3A_64 : vector<16xi32>
        %gather3A = tpu.vector_load_idx %arg6[%broadcast_in_dim3A_24, %shift_right_logical3A_63] : memref<4x10000xf32, #tpu.memory_space<vmem>>[vector<16xi32>, vector<16xi32>], vector<16xf32>,
        %mul3A_66 = arith.mulf %gather3A, %get3A_61 : vector<16xf32>
        tpu.vector_store_idx %arg7[%broadcast_in_dim3A_24, %and3A_65], %mul3A_66 {add = true} : memref<4x10000xf32, #tpu.memory_space<vmem>>[vector<16xi32>, vector<16xi32>], vector<16xf32>,
        %gather3A_67 = tpu.vector_load_idx %arg6[%broadcast_in_dim3A_26, %shift_right_logical3A_63] : memref<4x10000xf32, #tpu.memory_space<vmem>>[vector<16xi32>, vector<16xi32>], vector<16xf32>,
        %mul3A_68 = arith.mulf %gather3A_67, %get3A_61 : vector<16xf32>
        tpu.vector_store_idx %arg7[%broadcast_in_dim3A_26, %and3A_65], %mul3A_68 {add = true} : memref<4x10000xf32, #tpu.memory_space<vmem>>[vector<16xi32>, vector<16xi32>], vector<16xf32>,
        %gather3A_69 = tpu.vector_load_idx %arg6[%broadcast_in_dim3A_28, %shift_right_logical3A_63] : memref<4x10000xf32, #tpu.memory_space<vmem>>[vector<16xi32>, vector<16xi32>], vector<16xf32>,
        %mul3A_70 = arith.mulf %gather3A_69, %get3A_61 : vector<16xf32>
        tpu.vector_store_idx %arg7[%broadcast_in_dim3A_28, %and3A_65], %mul3A_70 {add = true} : memref<4x10000xf32, #tpu.memory_space<vmem>>[vector<16xi32>, vector<16xi32>], vector<16xf32>,
        %gather3A_71 = tpu.vector_load_idx %arg6[%broadcast_in_dim3A_30, %shift_right_logical3A_63] : memref<4x10000xf32, #tpu.memory_space<vmem>>[vector<16xi32>, vector<16xi32>], vector<16xf32>,
        %mul3A_72 = arith.mulf %gather3A_71, %get3A_61 : vector<16xf32>
        tpu.vector_store_idx %arg7[%broadcast_in_dim3A_30, %and3A_65], %mul3A_72 {add = true} : memref<4x10000xf32, #tpu.memory_space<vmem>>[vector<16xi32>, vector<16xi32>], vector<16xf32>,
      }
      %scan3A_49 = arith.constant 500 : i32
    }
    %scan3A_35 = arith.constant 40 : i32
    "tpu.region"() ({
      %run_scoped3A = tpu.sem_alloc : memref<!tpu.dma_semaphore, #tpu.memory_space<semaphore_mem>>
      %dma_start3A = arith.constant 0 : i32
      %dma_start3A_36 = tpu.memref_slice %arg5[%mul3A_2, %dma_start3A] : memref<128x10000xf32, #tpu.memory_space<hbm>> -> memref<4x10000xf32, #tpu.memory_space<hbm>>
      %dma_start3A_37 = arith.constant 0 : i32
      %dma_start3A_38 = tpu.memref_slice %arg5[%mul3A_2, %dma_start3A_37] : memref<128x10000xf32, #tpu.memory_space<hbm>> -> memref<4x10000xf32, #tpu.memory_space<hbm>>
      tpu.enqueue_dma source(%arg7 : memref<4x10000xf32, #tpu.memory_space<vmem>>) target(%dma_start3A_38 : memref<4x10000xf32, #tpu.memory_space<hbm>>) target_semaphore(%run_scoped3A : memref<!tpu.dma_semaphore, #tpu.memory_space<semaphore_mem>>)
      %dma_wait3A = arith.constant 0 : i32
      %dma_wait3A_39 = tpu.memref_slice %arg5[%mul3A_2, %dma_wait3A] : memref<128x10000xf32, #tpu.memory_space<hbm>> -> memref<4x10000xf32, #tpu.memory_space<hbm>>
      %dma_wait3A_40 = arith.constant 0 : i32
      %dma_wait3A_41 = tpu.memref_slice %arg5[%mul3A_2, %dma_wait3A_40] : memref<128x10000xf32, #tpu.memory_space<hbm>> -> memref<4x10000xf32, #tpu.memory_space<hbm>>
      tpu.wait_dma2 semaphore(%run_scoped3A : memref<!tpu.dma_semaphore, #tpu.memory_space<semaphore_mem>>) src(%arg7 : memref<4x10000xf32, #tpu.memory_space<vmem>>) dst(%dma_wait3A_41 : memref<4x10000xf32, #tpu.memory_space<hbm>>)
      tpu.yield
    }) : () -> ()
    return
  }
}

#map = affine_map<(d0, d1) -> (0, 0)>
#map1 = affine_map<(d0, d1) -> (0)>
module attributes {stable_mosaic.version = 14 : i64} {
  func.func @_spmm_body(%arg0: i32, %arg1: i32, %arg2: memref<128x10000xf32, #tpu.memory_space<hbm>>, %arg3: memref<320000xi32, #tpu.memory_space<hbm>>, %arg4: memref<320000xf32, #tpu.memory_space<hbm>>, %arg5: memref<128x10000xf32, #tpu.memory_space<hbm>>, %arg6: memref<4x10000xf32, #tpu.memory_space<vmem>>, %arg7: memref<4x10000xf32, #tpu.memory_space<vmem>>, %arg8: memref<8000xi32, #tpu.memory_space<vmem>>, %arg9: memref<8000xf32, #tpu.memory_space<vmem>>) attributes {dimension_semantics = [#tpu.dimension_semantics<core_parallel>, #tpu.dimension_semantics<subcore_parallel>], iteration_bounds = array<i64: 2, 16>, scalar_prefetch = 0 : i64, scratch_operands = 4 : i64, tpu.core_type = #tpu.core_type<sc_vector_subcore>, window_params = [{transform_indices = #map}, {transform_indices = #map1}, {transform_indices = #map1}, {transform_indices = #map}]} {
    %mul3A = arith.constant 2 : i32
    %mul3A_0 = arith.muli %arg1, %mul3A : i32
    %add3A = arith.addi %mul3A_0, %arg0 : i32
    %mul3A_1 = arith.constant 4 : i32
    %mul3A_2 = arith.muli %add3A, %mul3A_1 : i32
    "tpu.region"() ({
      %run_scoped3A = tpu.sem_alloc : memref<!tpu.dma_semaphore, #tpu.memory_space<semaphore_mem>>
      %dma_start3A = arith.constant 0 : i32
      %dma_start3A_36 = tpu.memref_slice %arg2[%mul3A_2, %dma_start3A] : memref<128x10000xf32, #tpu.memory_space<hbm>> -> memref<4x10000xf32, #tpu.memory_space<hbm>>
      %dma_start3A_37 = arith.constant 0 : i32
      %dma_start3A_38 = tpu.memref_slice %arg2[%mul3A_2, %dma_start3A_37] : memref<128x10000xf32, #tpu.memory_space<hbm>> -> memref<4x10000xf32, #tpu.memory_space<hbm>>
      tpu.enqueue_dma source(%dma_start3A_38 : memref<4x10000xf32, #tpu.memory_space<hbm>>) target(%arg6 : memref<4x10000xf32, #tpu.memory_space<vmem>>) target_semaphore(%run_scoped3A : memref<!tpu.dma_semaphore, #tpu.memory_space<semaphore_mem>>)
      %dma_wait3A = arith.constant 0 : i32
      %dma_wait3A_39 = tpu.memref_slice %arg2[%mul3A_2, %dma_wait3A] : memref<128x10000xf32, #tpu.memory_space<hbm>> -> memref<4x10000xf32, #tpu.memory_space<hbm>>
      %dma_wait3A_40 = arith.constant 0 : i32
      %dma_wait3A_41 = tpu.memref_slice %arg2[%mul3A_2, %dma_wait3A_40] : memref<128x10000xf32, #tpu.memory_space<hbm>> -> memref<4x10000xf32, #tpu.memory_space<hbm>>
      tpu.wait_dma2 semaphore(%run_scoped3A : memref<!tpu.dma_semaphore, #tpu.memory_space<semaphore_mem>>) src(%dma_wait3A_41 : memref<4x10000xf32, #tpu.memory_space<hbm>>) dst(%arg6 : memref<4x10000xf32, #tpu.memory_space<vmem>>)
      tpu.yield
    }) : () -> ()
    %broadcast_in_dim3A = arith.constant 0.000000e+00 : f32
    %broadcast_in_dim3A_3 = vector.broadcast %broadcast_in_dim3A : f32 to vector<16xf32>
    %scan3A = arith.constant 0 : i32
    %scan3A_4 = arith.constant 625 : i32
    %scan3A_5 = arith.addi %scan3A, %scan3A_4 : i32
    %scan3A_6 = arith.constant 1 : i32
    scf.for %scan3A_36 = %scan3A to %scan3A_5 step %scan3A_6  : i32 {
      %mul3A_37 = arith.constant 1 : i32
      %mul3A_38 = arith.muli %scan3A_36, %mul3A_37 : i32
      %add3A_39 = arith.constant 0 : i32
      %add3A_40 = arith.addi %add3A_39, %mul3A_38 : i32
      %mul3A_41 = arith.constant 16 : i32
      %mul3A_42 = arith.muli %add3A_40, %mul3A_41 : i32
      %swap3A = arith.constant 0 : i32
      %swap3A_43 = arith.index_cast %swap3A : i32 to index
      %swap3A_44 = arith.index_cast %mul3A_42 : i32 to index
      %swap3A_45 = tpu.vector_load %arg7[%swap3A_43, %swap3A_44] {strides = array<i32>} : memref<4x10000xf32, #tpu.memory_space<vmem>>, vector<16xf32>,
      tpu.vector_store %arg7[%swap3A_43, %swap3A_44], %broadcast_in_dim3A_3 {strides = array<i32>} : memref<4x10000xf32, #tpu.memory_space<vmem>>, vector<16xf32>,
    }
    %scan3A_7 = arith.constant 625 : i32
    %scan3A_8 = arith.constant 0 : i32
    %scan3A_9 = arith.constant 625 : i32
    %scan3A_10 = arith.addi %scan3A_8, %scan3A_9 : i32
    %scan3A_11 = arith.constant 1 : i32
    scf.for %scan3A_36 = %scan3A_8 to %scan3A_10 step %scan3A_11  : i32 {
      %mul3A_37 = arith.constant 1 : i32
      %mul3A_38 = arith.muli %scan3A_36, %mul3A_37 : i32
      %add3A_39 = arith.constant 0 : i32
      %add3A_40 = arith.addi %add3A_39, %mul3A_38 : i32
      %mul3A_41 = arith.constant 16 : i32
      %mul3A_42 = arith.muli %add3A_40, %mul3A_41 : i32
      %swap3A = arith.constant 1 : i32
      %swap3A_43 = arith.index_cast %swap3A : i32 to index
      %swap3A_44 = arith.index_cast %mul3A_42 : i32 to index
      %swap3A_45 = tpu.vector_load %arg7[%swap3A_43, %swap3A_44] {strides = array<i32>} : memref<4x10000xf32, #tpu.memory_space<vmem>>, vector<16xf32>,
      tpu.vector_store %arg7[%swap3A_43, %swap3A_44], %broadcast_in_dim3A_3 {strides = array<i32>} : memref<4x10000xf32, #tpu.memory_space<vmem>>, vector<16xf32>,
    }
    %scan3A_12 = arith.constant 625 : i32
    %scan3A_13 = arith.constant 0 : i32
    %scan3A_14 = arith.constant 625 : i32
    %scan3A_15 = arith.addi %scan3A_13, %scan3A_14 : i32
    %scan3A_16 = arith.constant 1 : i32
    scf.for %scan3A_36 = %scan3A_13 to %scan3A_15 step %scan3A_16  : i32 {
      %mul3A_37 = arith.constant 1 : i32
      %mul3A_38 = arith.muli %scan3A_36, %mul3A_37 : i32
      %add3A_39 = arith.constant 0 : i32
      %add3A_40 = arith.addi %add3A_39, %mul3A_38 : i32
      %mul3A_41 = arith.constant 16 : i32
      %mul3A_42 = arith.muli %add3A_40, %mul3A_41 : i32
      %swap3A = arith.constant 2 : i32
      %swap3A_43 = arith.index_cast %swap3A : i32 to index
      %swap3A_44 = arith.index_cast %mul3A_42 : i32 to index
      %swap3A_45 = tpu.vector_load %arg7[%swap3A_43, %swap3A_44] {strides = array<i32>} : memref<4x10000xf32, #tpu.memory_space<vmem>>, vector<16xf32>,
      tpu.vector_store %arg7[%swap3A_43, %swap3A_44], %broadcast_in_dim3A_3 {strides = array<i32>} : memref<4x10000xf32, #tpu.memory_space<vmem>>, vector<16xf32>,
    }
    %scan3A_17 = arith.constant 625 : i32
    %scan3A_18 = arith.constant 0 : i32
    %scan3A_19 = arith.constant 625 : i32
    %scan3A_20 = arith.addi %scan3A_18, %scan3A_19 : i32
    %scan3A_21 = arith.constant 1 : i32
    scf.for %scan3A_36 = %scan3A_18 to %scan3A_20 step %scan3A_21  : i32 {
      %mul3A_37 = arith.constant 1 : i32
      %mul3A_38 = arith.muli %scan3A_36, %mul3A_37 : i32
      %add3A_39 = arith.constant 0 : i32
      %add3A_40 = arith.addi %add3A_39, %mul3A_38 : i32
      %mul3A_41 = arith.constant 16 : i32
      %mul3A_42 = arith.muli %add3A_40, %mul3A_41 : i32
      %swap3A = arith.constant 3 : i32
      %swap3A_43 = arith.index_cast %swap3A : i32 to index
      %swap3A_44 = arith.index_cast %mul3A_42 : i32 to index
      %swap3A_45 = tpu.vector_load %arg7[%swap3A_43, %swap3A_44] {strides = array<i32>} : memref<4x10000xf32, #tpu.memory_space<vmem>>, vector<16xf32>,
      tpu.vector_store %arg7[%swap3A_43, %swap3A_44], %broadcast_in_dim3A_3 {strides = array<i32>} : memref<4x10000xf32, #tpu.memory_space<vmem>>, vector<16xf32>,
    }
    %scan3A_22 = arith.constant 625 : i32
    %broadcast_in_dim3A_23 = arith.constant 0 : i32
    %broadcast_in_dim3A_24 = vector.broadcast %broadcast_in_dim3A_23 : i32 to vector<16xi32>
    %broadcast_in_dim3A_25 = arith.constant 1 : i32
    %broadcast_in_dim3A_26 = vector.broadcast %broadcast_in_dim3A_25 : i32 to vector<16xi32>
    %broadcast_in_dim3A_27 = arith.constant 2 : i32
    %broadcast_in_dim3A_28 = vector.broadcast %broadcast_in_dim3A_27 : i32 to vector<16xi32>
    %broadcast_in_dim3A_29 = arith.constant 3 : i32
    %broadcast_in_dim3A_30 = vector.broadcast %broadcast_in_dim3A_29 : i32 to vector<16xi32>
    %scan3A_31 = arith.constant 0 : i32
    %scan3A_32 = arith.constant 40 : i32
    %scan3A_33 = arith.addi %scan3A_31, %scan3A_32 : i32
    %scan3A_34 = arith.constant 1 : i32
    scf.for %scan3A_36 = %scan3A_31 to %scan3A_33 step %scan3A_34  : i32 {
      %mul3A_37 = arith.constant 1 : i32
      %mul3A_38 = arith.muli %scan3A_36, %mul3A_37 : i32
      %add3A_39 = arith.constant 0 : i32
      %add3A_40 = arith.addi %add3A_39, %mul3A_38 : i32
      %mul3A_41 = arith.constant 8000 : i32
      %mul3A_42 = arith.muli %add3A_40, %mul3A_41 : i32
      "tpu.region"() ({
        %run_scoped3A = tpu.sem_alloc : memref<!tpu.dma_semaphore, #tpu.memory_space<semaphore_mem>>
        %dma_start3A = tpu.memref_slice %arg3[%mul3A_42] : memref<320000xi32, #tpu.memory_space<hbm>> -> memref<8000xi32, #tpu.memory_space<hbm>>
        %dma_start3A_50 = tpu.memref_slice %arg3[%mul3A_42] : memref<320000xi32, #tpu.memory_space<hbm>> -> memref<8000xi32, #tpu.memory_space<hbm>>
        tpu.enqueue_dma source(%dma_start3A_50 : memref<8000xi32, #tpu.memory_space<hbm>>) target(%arg8 : memref<8000xi32, #tpu.memory_space<vmem>>) target_semaphore(%run_scoped3A : memref<!tpu.dma_semaphore, #tpu.memory_space<semaphore_mem>>)
        %dma_wait3A = tpu.memref_slice %arg3[%mul3A_42] : memref<320000xi32, #tpu.memory_space<hbm>> -> memref<8000xi32, #tpu.memory_space<hbm>>
        %dma_wait3A_51 = tpu.memref_slice %arg3[%mul3A_42] : memref<320000xi32, #tpu.memory_space<hbm>> -> memref<8000xi32, #tpu.memory_space<hbm>>
        tpu.wait_dma2 semaphore(%run_scoped3A : memref<!tpu.dma_semaphore, #tpu.memory_space<semaphore_mem>>) src(%dma_wait3A_51 : memref<8000xi32, #tpu.memory_space<hbm>>) dst(%arg8 : memref<8000xi32, #tpu.memory_space<vmem>>)
        tpu.yield
      }) : () -> ()
      %mul3A_43 = arith.constant 8000 : i32
      %mul3A_44 = arith.muli %add3A_40, %mul3A_43 : i32
      "tpu.region"() ({
        %run_scoped3A = tpu.sem_alloc : memref<!tpu.dma_semaphore, #tpu.memory_space<semaphore_mem>>
        %dma_start3A = tpu.memref_slice %arg4[%mul3A_44] : memref<320000xf32, #tpu.memory_space<hbm>> -> memref<8000xf32, #tpu.memory_space<hbm>>
        %dma_start3A_50 = tpu.memref_slice %arg4[%mul3A_44] : memref<320000xf32, #tpu.memory_space<hbm>> -> memref<8000xf32, #tpu.memory_space<hbm>>
        tpu.enqueue_dma source(%dma_start3A_50 : memref<8000xf32, #tpu.memory_space<hbm>>) target(%arg9 : memref<8000xf32, #tpu.memory_space<vmem>>) target_semaphore(%run_scoped3A : memref<!tpu.dma_semaphore, #tpu.memory_space<semaphore_mem>>)
        %dma_wait3A = tpu.memref_slice %arg4[%mul3A_44] : memref<320000xf32, #tpu.memory_space<hbm>> -> memref<8000xf32, #tpu.memory_space<hbm>>
        %dma_wait3A_51 = tpu.memref_slice %arg4[%mul3A_44] : memref<320000xf32, #tpu.memory_space<hbm>> -> memref<8000xf32, #tpu.memory_space<hbm>>
        tpu.wait_dma2 semaphore(%run_scoped3A : memref<!tpu.dma_semaphore, #tpu.memory_space<semaphore_mem>>) src(%dma_wait3A_51 : memref<8000xf32, #tpu.memory_space<hbm>>) dst(%arg9 : memref<8000xf32, #tpu.memory_space<vmem>>)
        tpu.yield
      }) : () -> ()
      %scan3A_45 = arith.constant 0 : i32
      %scan3A_46 = arith.constant 500 : i32
      %scan3A_47 = arith.addi %scan3A_45, %scan3A_46 : i32
      %scan3A_48 = arith.constant 1 : i32
      scf.for %scan3A_50 = %scan3A_45 to %scan3A_47 step %scan3A_48  : i32 {
        %mul3A_51 = arith.constant 1 : i32
        %mul3A_52 = arith.muli %scan3A_50, %mul3A_51 : i32
        %add3A_53 = arith.constant 0 : i32
        %add3A_54 = arith.addi %add3A_53, %mul3A_52 : i32
        %mul3A_55 = arith.constant 16 : i32
        %mul3A_56 = arith.muli %add3A_54, %mul3A_55 : i32
        %get3A = arith.index_cast %mul3A_56 : i32 to index
        %get3A_57 = tpu.vector_load %arg8[%get3A] {strides = array<i32>} : memref<8000xi32, #tpu.memory_space<vmem>>, vector<16xi32>,
        %mul3A_58 = arith.constant 16 : i32
        %mul3A_59 = arith.muli %add3A_54, %mul3A_58 : i32
        %get3A_60 = arith.index_cast %mul3A_59 : i32 to index
        %get3A_61 = tpu.vector_load %arg9[%get3A_60] {strides = array<i32>} : memref<8000xf32, #tpu.memory_space<vmem>>, vector<16xf32>,
        %shift_right_logical3A = arith.constant 14 : i32
        %shift_right_logical3A_62 = vector.broadcast %shift_right_logical3A : i32 to vector<16xi32>
        %shift_right_logical3A_63 = arith.shrui %get3A_57, %shift_right_logical3A_62 : vector<16xi32>
        %and3A = arith.constant 16383 : i32
        %and3A_64 = vector.broadcast %and3A : i32 to vector<16xi32>
        %and3A_65 = arith.andi %get3A_57, %and3A_64 : vector<16xi32>
        %gather3A = tpu.vector_load_idx %arg6[%broadcast_in_dim3A_24, %shift_right_logical3A_63] : memref<4x10000xf32, #tpu.memory_space<vmem>>[vector<16xi32>, vector<16xi32>], vector<16xf32>,
        %mul3A_66 = arith.mulf %gather3A, %get3A_61 : vector<16xf32>
        tpu.vector_store_idx %arg7[%broadcast_in_dim3A_24, %and3A_65], %mul3A_66 {add = true} : memref<4x10000xf32, #tpu.memory_space<vmem>>[vector<16xi32>, vector<16xi32>], vector<16xf32>,
        %gather3A_67 = tpu.vector_load_idx %arg6[%broadcast_in_dim3A_26, %shift_right_logical3A_63] : memref<4x10000xf32, #tpu.memory_space<vmem>>[vector<16xi32>, vector<16xi32>], vector<16xf32>,
        %mul3A_68 = arith.mulf %gather3A_67, %get3A_61 : vector<16xf32>
        tpu.vector_store_idx %arg7[%broadcast_in_dim3A_26, %and3A_65], %mul3A_68 {add = true} : memref<4x10000xf32, #tpu.memory_space<vmem>>[vector<16xi32>, vector<16xi32>], vector<16xf32>,
        %gather3A_69 = tpu.vector_load_idx %arg6[%broadcast_in_dim3A_28, %shift_right_logical3A_63] : memref<4x10000xf32, #tpu.memory_space<vmem>>[vector<16xi32>, vector<16xi32>], vector<16xf32>,
        %mul3A_70 = arith.mulf %gather3A_69, %get3A_61 : vector<16xf32>
        tpu.vector_store_idx %arg7[%broadcast_in_dim3A_28, %and3A_65], %mul3A_70 {add = true} : memref<4x10000xf32, #tpu.memory_space<vmem>>[vector<16xi32>, vector<16xi32>], vector<16xf32>,
        %gather3A_71 = tpu.vector_load_idx %arg6[%broadcast_in_dim3A_30, %shift_right_logical3A_63] : memref<4x10000xf32, #tpu.memory_space<vmem>>[vector<16xi32>, vector<16xi32>], vector<16xf32>,
        %mul3A_72 = arith.mulf %gather3A_71, %get3A_61 : vector<16xf32>
        tpu.vector_store_idx %arg7[%broadcast_in_dim3A_30, %and3A_65], %mul3A_72 {add = true} : memref<4x10000xf32, #tpu.memory_space<vmem>>[vector<16xi32>, vector<16xi32>], vector<16xf32>,
      }
      %scan3A_49 = arith.constant 500 : i32
    }
    %scan3A_35 = arith.constant 40 : i32
    "tpu.region"() ({
      %run_scoped3A = tpu.sem_alloc : memref<!tpu.dma_semaphore, #tpu.memory_space<semaphore_mem>>
      %dma_start3A = arith.constant 0 : i32
      %dma_start3A_36 = tpu.memref_slice %arg5[%mul3A_2, %dma_start3A] : memref<128x10000xf32, #tpu.memory_space<hbm>> -> memref<4x10000xf32, #tpu.memory_space<hbm>>
      %dma_start3A_37 = arith.constant 0 : i32
      %dma_start3A_38 = tpu.memref_slice %arg5[%mul3A_2, %dma_start3A_37] : memref<128x10000xf32, #tpu.memory_space<hbm>> -> memref<4x10000xf32, #tpu.memory_space<hbm>>
      tpu.enqueue_dma source(%arg7 : memref<4x10000xf32, #tpu.memory_space<vmem>>) target(%dma_start3A_38 : memref<4x10000xf32, #tpu.memory_space<hbm>>) target_semaphore(%run_scoped3A : memref<!tpu.dma_semaphore, #tpu.memory_space<semaphore_mem>>)
      %dma_wait3A = arith.constant 0 : i32
      %dma_wait3A_39 = tpu.memref_slice %arg5[%mul3A_2, %dma_wait3A] : memref<128x10000xf32, #tpu.memory_space<hbm>> -> memref<4x10000xf32, #tpu.memory_space<hbm>>
      %dma_wait3A_40 = arith.constant 0 : i32
      %dma_wait3A_41 = tpu.memref_slice %arg5[%mul3A_2, %dma_wait3A_40] : memref<128x10000xf32, #tpu.memory_space<hbm>> -> memref<4x10000xf32, #tpu.memory_space<hbm>>
      tpu.wait_dma2 semaphore(%run_scoped3A : memref<!tpu.dma_semaphore, #tpu.memory_space<semaphore_mem>>) src(%arg7 : memref<4x10000xf32, #tpu.memory_space<vmem>>) dst(%dma_wait3A_41 : memref<4x10000xf32, #tpu.memory_space<hbm>>)
      tpu.yield
    }) : () -> ()
    return
  }
}

#map = affine_map<(d0, d1) -> (0, 0)>
#map1 = affine_map<(d0, d1) -> (0)>
module attributes {stable_mosaic.version = 14 : i64} {
  func.func @_spmm_body(%arg0: i32, %arg1: i32, %arg2: memref<128x10000xf32, #tpu.memory_space<hbm>>, %arg3: memref<320000xi32, #tpu.memory_space<hbm>>, %arg4: memref<320000xf32, #tpu.memory_space<hbm>>, %arg5: memref<128x10000xf32, #tpu.memory_space<hbm>>, %arg6: memref<4x10000xf32, #tpu.memory_space<vmem>>, %arg7: memref<4x10000xf32, #tpu.memory_space<vmem>>, %arg8: memref<8000xi32, #tpu.memory_space<vmem>>, %arg9: memref<8000xf32, #tpu.memory_space<vmem>>) attributes {dimension_semantics = [#tpu.dimension_semantics<core_parallel>, #tpu.dimension_semantics<subcore_parallel>], iteration_bounds = array<i64: 2, 16>, scalar_prefetch = 0 : i64, scratch_operands = 4 : i64, tpu.core_type = #tpu.core_type<sc_vector_subcore>, window_params = [{transform_indices = #map}, {transform_indices = #map1}, {transform_indices = #map1}, {transform_indices = #map}]} {
    %mul3A = arith.constant 2 : i32
    %mul3A_0 = arith.muli %arg1, %mul3A : i32
    %add3A = arith.addi %mul3A_0, %arg0 : i32
    %mul3A_1 = arith.constant 4 : i32
    %mul3A_2 = arith.muli %add3A, %mul3A_1 : i32
    "tpu.region"() ({
      %run_scoped3A = tpu.sem_alloc : memref<!tpu.dma_semaphore, #tpu.memory_space<semaphore_mem>>
      %dma_start3A = arith.constant 0 : i32
      %dma_start3A_36 = tpu.memref_slice %arg2[%mul3A_2, %dma_start3A] : memref<128x10000xf32, #tpu.memory_space<hbm>> -> memref<4x10000xf32, #tpu.memory_space<hbm>>
      %dma_start3A_37 = arith.constant 0 : i32
      %dma_start3A_38 = tpu.memref_slice %arg2[%mul3A_2, %dma_start3A_37] : memref<128x10000xf32, #tpu.memory_space<hbm>> -> memref<4x10000xf32, #tpu.memory_space<hbm>>
      tpu.enqueue_dma source(%dma_start3A_38 : memref<4x10000xf32, #tpu.memory_space<hbm>>) target(%arg6 : memref<4x10000xf32, #tpu.memory_space<vmem>>) target_semaphore(%run_scoped3A : memref<!tpu.dma_semaphore, #tpu.memory_space<semaphore_mem>>)
      %dma_wait3A = arith.constant 0 : i32
      %dma_wait3A_39 = tpu.memref_slice %arg2[%mul3A_2, %dma_wait3A] : memref<128x10000xf32, #tpu.memory_space<hbm>> -> memref<4x10000xf32, #tpu.memory_space<hbm>>
      %dma_wait3A_40 = arith.constant 0 : i32
      %dma_wait3A_41 = tpu.memref_slice %arg2[%mul3A_2, %dma_wait3A_40] : memref<128x10000xf32, #tpu.memory_space<hbm>> -> memref<4x10000xf32, #tpu.memory_space<hbm>>
      tpu.wait_dma2 semaphore(%run_scoped3A : memref<!tpu.dma_semaphore, #tpu.memory_space<semaphore_mem>>) src(%dma_wait3A_41 : memref<4x10000xf32, #tpu.memory_space<hbm>>) dst(%arg6 : memref<4x10000xf32, #tpu.memory_space<vmem>>)
      tpu.yield
    }) : () -> ()
    %broadcast_in_dim3A = arith.constant 0.000000e+00 : f32
    %broadcast_in_dim3A_3 = vector.broadcast %broadcast_in_dim3A : f32 to vector<16xf32>
    %scan3A = arith.constant 0 : i32
    %scan3A_4 = arith.constant 625 : i32
    %scan3A_5 = arith.addi %scan3A, %scan3A_4 : i32
    %scan3A_6 = arith.constant 1 : i32
    scf.for %scan3A_36 = %scan3A to %scan3A_5 step %scan3A_6  : i32 {
      %mul3A_37 = arith.constant 1 : i32
      %mul3A_38 = arith.muli %scan3A_36, %mul3A_37 : i32
      %add3A_39 = arith.constant 0 : i32
      %add3A_40 = arith.addi %add3A_39, %mul3A_38 : i32
      %mul3A_41 = arith.constant 16 : i32
      %mul3A_42 = arith.muli %add3A_40, %mul3A_41 : i32
      %swap3A = arith.constant 0 : i32
      %swap3A_43 = arith.index_cast %swap3A : i32 to index
      %swap3A_44 = arith.index_cast %mul3A_42 : i32 to index
      %swap3A_45 = tpu.vector_load %arg7[%swap3A_43, %swap3A_44] {strides = array<i32>} : memref<4x10000xf32, #tpu.memory_space<vmem>>, vector<16xf32>,
      tpu.vector_store %arg7[%swap3A_43, %swap3A_44], %broadcast_in_dim3A_3 {strides = array<i32>} : memref<4x10000xf32, #tpu.memory_space<vmem>>, vector<16xf32>,
    }
    %scan3A_7 = arith.constant 625 : i32
    %scan3A_8 = arith.constant 0 : i32
    %scan3A_9 = arith.constant 625 : i32
    %scan3A_10 = arith.addi %scan3A_8, %scan3A_9 : i32
    %scan3A_11 = arith.constant 1 : i32
    scf.for %scan3A_36 = %scan3A_8 to %scan3A_10 step %scan3A_11  : i32 {
      %mul3A_37 = arith.constant 1 : i32
      %mul3A_38 = arith.muli %scan3A_36, %mul3A_37 : i32
      %add3A_39 = arith.constant 0 : i32
      %add3A_40 = arith.addi %add3A_39, %mul3A_38 : i32
      %mul3A_41 = arith.constant 16 : i32
      %mul3A_42 = arith.muli %add3A_40, %mul3A_41 : i32
      %swap3A = arith.constant 1 : i32
      %swap3A_43 = arith.index_cast %swap3A : i32 to index
      %swap3A_44 = arith.index_cast %mul3A_42 : i32 to index
      %swap3A_45 = tpu.vector_load %arg7[%swap3A_43, %swap3A_44] {strides = array<i32>} : memref<4x10000xf32, #tpu.memory_space<vmem>>, vector<16xf32>,
      tpu.vector_store %arg7[%swap3A_43, %swap3A_44], %broadcast_in_dim3A_3 {strides = array<i32>} : memref<4x10000xf32, #tpu.memory_space<vmem>>, vector<16xf32>,
    }
    %scan3A_12 = arith.constant 625 : i32
    %scan3A_13 = arith.constant 0 : i32
    %scan3A_14 = arith.constant 625 : i32
    %scan3A_15 = arith.addi %scan3A_13, %scan3A_14 : i32
    %scan3A_16 = arith.constant 1 : i32
    scf.for %scan3A_36 = %scan3A_13 to %scan3A_15 step %scan3A_16  : i32 {
      %mul3A_37 = arith.constant 1 : i32
      %mul3A_38 = arith.muli %scan3A_36, %mul3A_37 : i32
      %add3A_39 = arith.constant 0 : i32
      %add3A_40 = arith.addi %add3A_39, %mul3A_38 : i32
      %mul3A_41 = arith.constant 16 : i32
      %mul3A_42 = arith.muli %add3A_40, %mul3A_41 : i32
      %swap3A = arith.constant 2 : i32
      %swap3A_43 = arith.index_cast %swap3A : i32 to index
      %swap3A_44 = arith.index_cast %mul3A_42 : i32 to index
      %swap3A_45 = tpu.vector_load %arg7[%swap3A_43, %swap3A_44] {strides = array<i32>} : memref<4x10000xf32, #tpu.memory_space<vmem>>, vector<16xf32>,
      tpu.vector_store %arg7[%swap3A_43, %swap3A_44], %broadcast_in_dim3A_3 {strides = array<i32>} : memref<4x10000xf32, #tpu.memory_space<vmem>>, vector<16xf32>,
    }
    %scan3A_17 = arith.constant 625 : i32
    %scan3A_18 = arith.constant 0 : i32
    %scan3A_19 = arith.constant 625 : i32
    %scan3A_20 = arith.addi %scan3A_18, %scan3A_19 : i32
    %scan3A_21 = arith.constant 1 : i32
    scf.for %scan3A_36 = %scan3A_18 to %scan3A_20 step %scan3A_21  : i32 {
      %mul3A_37 = arith.constant 1 : i32
      %mul3A_38 = arith.muli %scan3A_36, %mul3A_37 : i32
      %add3A_39 = arith.constant 0 : i32
      %add3A_40 = arith.addi %add3A_39, %mul3A_38 : i32
      %mul3A_41 = arith.constant 16 : i32
      %mul3A_42 = arith.muli %add3A_40, %mul3A_41 : i32
      %swap3A = arith.constant 3 : i32
      %swap3A_43 = arith.index_cast %swap3A : i32 to index
      %swap3A_44 = arith.index_cast %mul3A_42 : i32 to index
      %swap3A_45 = tpu.vector_load %arg7[%swap3A_43, %swap3A_44] {strides = array<i32>} : memref<4x10000xf32, #tpu.memory_space<vmem>>, vector<16xf32>,
      tpu.vector_store %arg7[%swap3A_43, %swap3A_44], %broadcast_in_dim3A_3 {strides = array<i32>} : memref<4x10000xf32, #tpu.memory_space<vmem>>, vector<16xf32>,
    }
    %scan3A_22 = arith.constant 625 : i32
    %broadcast_in_dim3A_23 = arith.constant 0 : i32
    %broadcast_in_dim3A_24 = vector.broadcast %broadcast_in_dim3A_23 : i32 to vector<16xi32>
    %broadcast_in_dim3A_25 = arith.constant 1 : i32
    %broadcast_in_dim3A_26 = vector.broadcast %broadcast_in_dim3A_25 : i32 to vector<16xi32>
    %broadcast_in_dim3A_27 = arith.constant 2 : i32
    %broadcast_in_dim3A_28 = vector.broadcast %broadcast_in_dim3A_27 : i32 to vector<16xi32>
    %broadcast_in_dim3A_29 = arith.constant 3 : i32
    %broadcast_in_dim3A_30 = vector.broadcast %broadcast_in_dim3A_29 : i32 to vector<16xi32>
    %scan3A_31 = arith.constant 0 : i32
    %scan3A_32 = arith.constant 40 : i32
    %scan3A_33 = arith.addi %scan3A_31, %scan3A_32 : i32
    %scan3A_34 = arith.constant 1 : i32
    scf.for %scan3A_36 = %scan3A_31 to %scan3A_33 step %scan3A_34  : i32 {
      %mul3A_37 = arith.constant 1 : i32
      %mul3A_38 = arith.muli %scan3A_36, %mul3A_37 : i32
      %add3A_39 = arith.constant 0 : i32
      %add3A_40 = arith.addi %add3A_39, %mul3A_38 : i32
      %mul3A_41 = arith.constant 8000 : i32
      %mul3A_42 = arith.muli %add3A_40, %mul3A_41 : i32
      "tpu.region"() ({
        %run_scoped3A = tpu.sem_alloc : memref<!tpu.dma_semaphore, #tpu.memory_space<semaphore_mem>>
        %dma_start3A = tpu.memref_slice %arg3[%mul3A_42] : memref<320000xi32, #tpu.memory_space<hbm>> -> memref<8000xi32, #tpu.memory_space<hbm>>
        %dma_start3A_50 = tpu.memref_slice %arg3[%mul3A_42] : memref<320000xi32, #tpu.memory_space<hbm>> -> memref<8000xi32, #tpu.memory_space<hbm>>
        tpu.enqueue_dma source(%dma_start3A_50 : memref<8000xi32, #tpu.memory_space<hbm>>) target(%arg8 : memref<8000xi32, #tpu.memory_space<vmem>>) target_semaphore(%run_scoped3A : memref<!tpu.dma_semaphore, #tpu.memory_space<semaphore_mem>>)
        %dma_wait3A = tpu.memref_slice %arg3[%mul3A_42] : memref<320000xi32, #tpu.memory_space<hbm>> -> memref<8000xi32, #tpu.memory_space<hbm>>
        %dma_wait3A_51 = tpu.memref_slice %arg3[%mul3A_42] : memref<320000xi32, #tpu.memory_space<hbm>> -> memref<8000xi32, #tpu.memory_space<hbm>>
        tpu.wait_dma2 semaphore(%run_scoped3A : memref<!tpu.dma_semaphore, #tpu.memory_space<semaphore_mem>>) src(%dma_wait3A_51 : memref<8000xi32, #tpu.memory_space<hbm>>) dst(%arg8 : memref<8000xi32, #tpu.memory_space<vmem>>)
        tpu.yield
      }) : () -> ()
      %mul3A_43 = arith.constant 8000 : i32
      %mul3A_44 = arith.muli %add3A_40, %mul3A_43 : i32
      "tpu.region"() ({
        %run_scoped3A = tpu.sem_alloc : memref<!tpu.dma_semaphore, #tpu.memory_space<semaphore_mem>>
        %dma_start3A = tpu.memref_slice %arg4[%mul3A_44] : memref<320000xf32, #tpu.memory_space<hbm>> -> memref<8000xf32, #tpu.memory_space<hbm>>
        %dma_start3A_50 = tpu.memref_slice %arg4[%mul3A_44] : memref<320000xf32, #tpu.memory_space<hbm>> -> memref<8000xf32, #tpu.memory_space<hbm>>
        tpu.enqueue_dma source(%dma_start3A_50 : memref<8000xf32, #tpu.memory_space<hbm>>) target(%arg9 : memref<8000xf32, #tpu.memory_space<vmem>>) target_semaphore(%run_scoped3A : memref<!tpu.dma_semaphore, #tpu.memory_space<semaphore_mem>>)
        %dma_wait3A = tpu.memref_slice %arg4[%mul3A_44] : memref<320000xf32, #tpu.memory_space<hbm>> -> memref<8000xf32, #tpu.memory_space<hbm>>
        %dma_wait3A_51 = tpu.memref_slice %arg4[%mul3A_44] : memref<320000xf32, #tpu.memory_space<hbm>> -> memref<8000xf32, #tpu.memory_space<hbm>>
        tpu.wait_dma2 semaphore(%run_scoped3A : memref<!tpu.dma_semaphore, #tpu.memory_space<semaphore_mem>>) src(%dma_wait3A_51 : memref<8000xf32, #tpu.memory_space<hbm>>) dst(%arg9 : memref<8000xf32, #tpu.memory_space<vmem>>)
        tpu.yield
      }) : () -> ()
      %scan3A_45 = arith.constant 0 : i32
      %scan3A_46 = arith.constant 500 : i32
      %scan3A_47 = arith.addi %scan3A_45, %scan3A_46 : i32
      %scan3A_48 = arith.constant 1 : i32
      scf.for %scan3A_50 = %scan3A_45 to %scan3A_47 step %scan3A_48  : i32 {
        %mul3A_51 = arith.constant 1 : i32
        %mul3A_52 = arith.muli %scan3A_50, %mul3A_51 : i32
        %add3A_53 = arith.constant 0 : i32
        %add3A_54 = arith.addi %add3A_53, %mul3A_52 : i32
        %mul3A_55 = arith.constant 16 : i32
        %mul3A_56 = arith.muli %add3A_54, %mul3A_55 : i32
        %get3A = arith.index_cast %mul3A_56 : i32 to index
        %get3A_57 = tpu.vector_load %arg8[%get3A] {strides = array<i32>} : memref<8000xi32, #tpu.memory_space<vmem>>, vector<16xi32>,
        %mul3A_58 = arith.constant 16 : i32
        %mul3A_59 = arith.muli %add3A_54, %mul3A_58 : i32
        %get3A_60 = arith.index_cast %mul3A_59 : i32 to index
        %get3A_61 = tpu.vector_load %arg9[%get3A_60] {strides = array<i32>} : memref<8000xf32, #tpu.memory_space<vmem>>, vector<16xf32>,
        %shift_right_logical3A = arith.constant 14 : i32
        %shift_right_logical3A_62 = vector.broadcast %shift_right_logical3A : i32 to vector<16xi32>
        %shift_right_logical3A_63 = arith.shrui %get3A_57, %shift_right_logical3A_62 : vector<16xi32>
        %and3A = arith.constant 16383 : i32
        %and3A_64 = vector.broadcast %and3A : i32 to vector<16xi32>
        %and3A_65 = arith.andi %get3A_57, %and3A_64 : vector<16xi32>
        %gather3A = tpu.vector_load_idx %arg6[%broadcast_in_dim3A_24, %shift_right_logical3A_63] : memref<4x10000xf32, #tpu.memory_space<vmem>>[vector<16xi32>, vector<16xi32>], vector<16xf32>,
        %mul3A_66 = arith.mulf %gather3A, %get3A_61 : vector<16xf32>
        tpu.vector_store_idx %arg7[%broadcast_in_dim3A_24, %and3A_65], %mul3A_66 {add = true} : memref<4x10000xf32, #tpu.memory_space<vmem>>[vector<16xi32>, vector<16xi32>], vector<16xf32>,
        %gather3A_67 = tpu.vector_load_idx %arg6[%broadcast_in_dim3A_26, %shift_right_logical3A_63] : memref<4x10000xf32, #tpu.memory_space<vmem>>[vector<16xi32>, vector<16xi32>], vector<16xf32>,
        %mul3A_68 = arith.mulf %gather3A_67, %get3A_61 : vector<16xf32>
        tpu.vector_store_idx %arg7[%broadcast_in_dim3A_26, %and3A_65], %mul3A_68 {add = true} : memref<4x10000xf32, #tpu.memory_space<vmem>>[vector<16xi32>, vector<16xi32>], vector<16xf32>,
        %gather3A_69 = tpu.vector_load_idx %arg6[%broadcast_in_dim3A_28, %shift_right_logical3A_63] : memref<4x10000xf32, #tpu.memory_space<vmem>>[vector<16xi32>, vector<16xi32>], vector<16xf32>,
        %mul3A_70 = arith.mulf %gather3A_69, %get3A_61 : vector<16xf32>
        tpu.vector_store_idx %arg7[%broadcast_in_dim3A_28, %and3A_65], %mul3A_70 {add = true} : memref<4x10000xf32, #tpu.memory_space<vmem>>[vector<16xi32>, vector<16xi32>], vector<16xf32>,
        %gather3A_71 = tpu.vector_load_idx %arg6[%broadcast_in_dim3A_30, %shift_right_logical3A_63] : memref<4x10000xf32, #tpu.memory_space<vmem>>[vector<16xi32>, vector<16xi32>], vector<16xf32>,
        %mul3A_72 = arith.mulf %gather3A_71, %get3A_61 : vector<16xf32>
        tpu.vector_store_idx %arg7[%broadcast_in_dim3A_30, %and3A_65], %mul3A_72 {add = true} : memref<4x10000xf32, #tpu.memory_space<vmem>>[vector<16xi32>, vector<16xi32>], vector<16xf32>,
      }
      %scan3A_49 = arith.constant 500 : i32
    }
    %scan3A_35 = arith.constant 40 : i32
    "tpu.region"() ({
      %run_scoped3A = tpu.sem_alloc : memref<!tpu.dma_semaphore, #tpu.memory_space<semaphore_mem>>
      %dma_start3A = arith.constant 0 : i32
      %dma_start3A_36 = tpu.memref_slice %arg5[%mul3A_2, %dma_start3A] : memref<128x10000xf32, #tpu.memory_space<hbm>> -> memref<4x10000xf32, #tpu.memory_space<hbm>>
      %dma_start3A_37 = arith.constant 0 : i32
      %dma_start3A_38 = tpu.memref_slice %arg5[%mul3A_2, %dma_start3A_37] : memref<128x10000xf32, #tpu.memory_space<hbm>> -> memref<4x10000xf32, #tpu.memory_space<hbm>>
      tpu.enqueue_dma source(%arg7 : memref<4x10000xf32, #tpu.memory_space<vmem>>) target(%dma_start3A_38 : memref<4x10000xf32, #tpu.memory_space<hbm>>) target_semaphore(%run_scoped3A : memref<!tpu.dma_semaphore, #tpu.memory_space<semaphore_mem>>)
      %dma_wait3A = arith.constant 0 : i32
      %dma_wait3A_39 = tpu.memref_slice %arg5[%mul3A_2, %dma_wait3A] : memref<128x10000xf32, #tpu.memory_space<hbm>> -> memref<4x10000xf32, #tpu.memory_space<hbm>>
      %dma_wait3A_40 = arith.constant 0 : i32
      %dma_wait3A_41 = tpu.memref_slice %arg5[%mul3A_2, %dma_wait3A_40] : memref<128x10000xf32, #tpu.memory_space<hbm>> -> memref<4x10000xf32, #tpu.memory_space<hbm>>
      tpu.wait_dma2 semaphore(%run_scoped3A : memref<!tpu.dma_semaphore, #tpu.memory_space<semaphore_mem>>) src(%arg7 : memref<4x10000xf32, #tpu.memory_space<vmem>>) dst(%dma_wait3A_41 : memref<4x10000xf32, #tpu.memory_space<hbm>>)
      tpu.yield
    }) : () -> ()
    return
  }
}

#map = affine_map<(d0, d1) -> (0, 0)>
#map1 = affine_map<(d0, d1) -> (0)>
module attributes {stable_mosaic.version = 14 : i64} {
  func.func @_spmm_body(%arg0: i32, %arg1: i32, %arg2: memref<128x10000xf32, #tpu.memory_space<hbm>>, %arg3: memref<320000xi32, #tpu.memory_space<hbm>>, %arg4: memref<320000xf32, #tpu.memory_space<hbm>>, %arg5: memref<128x10000xf32, #tpu.memory_space<hbm>>, %arg6: memref<4x10000xf32, #tpu.memory_space<vmem>>, %arg7: memref<4x10000xf32, #tpu.memory_space<vmem>>, %arg8: memref<8000xi32, #tpu.memory_space<vmem>>, %arg9: memref<8000xf32, #tpu.memory_space<vmem>>) attributes {dimension_semantics = [#tpu.dimension_semantics<core_parallel>, #tpu.dimension_semantics<subcore_parallel>], iteration_bounds = array<i64: 2, 16>, scalar_prefetch = 0 : i64, scratch_operands = 4 : i64, tpu.core_type = #tpu.core_type<sc_vector_subcore>, window_params = [{transform_indices = #map}, {transform_indices = #map1}, {transform_indices = #map1}, {transform_indices = #map}]} {
    %mul3A = arith.constant 2 : i32
    %mul3A_0 = arith.muli %arg1, %mul3A : i32
    %add3A = arith.addi %mul3A_0, %arg0 : i32
    %mul3A_1 = arith.constant 4 : i32
    %mul3A_2 = arith.muli %add3A, %mul3A_1 : i32
    "tpu.region"() ({
      %run_scoped3A = tpu.sem_alloc : memref<!tpu.dma_semaphore, #tpu.memory_space<semaphore_mem>>
      %dma_start3A = arith.constant 0 : i32
      %dma_start3A_36 = tpu.memref_slice %arg2[%mul3A_2, %dma_start3A] : memref<128x10000xf32, #tpu.memory_space<hbm>> -> memref<4x10000xf32, #tpu.memory_space<hbm>>
      %dma_start3A_37 = arith.constant 0 : i32
      %dma_start3A_38 = tpu.memref_slice %arg2[%mul3A_2, %dma_start3A_37] : memref<128x10000xf32, #tpu.memory_space<hbm>> -> memref<4x10000xf32, #tpu.memory_space<hbm>>
      tpu.enqueue_dma source(%dma_start3A_38 : memref<4x10000xf32, #tpu.memory_space<hbm>>) target(%arg6 : memref<4x10000xf32, #tpu.memory_space<vmem>>) target_semaphore(%run_scoped3A : memref<!tpu.dma_semaphore, #tpu.memory_space<semaphore_mem>>)
      %dma_wait3A = arith.constant 0 : i32
      %dma_wait3A_39 = tpu.memref_slice %arg2[%mul3A_2, %dma_wait3A] : memref<128x10000xf32, #tpu.memory_space<hbm>> -> memref<4x10000xf32, #tpu.memory_space<hbm>>
      %dma_wait3A_40 = arith.constant 0 : i32
      %dma_wait3A_41 = tpu.memref_slice %arg2[%mul3A_2, %dma_wait3A_40] : memref<128x10000xf32, #tpu.memory_space<hbm>> -> memref<4x10000xf32, #tpu.memory_space<hbm>>
      tpu.wait_dma2 semaphore(%run_scoped3A : memref<!tpu.dma_semaphore, #tpu.memory_space<semaphore_mem>>) src(%dma_wait3A_41 : memref<4x10000xf32, #tpu.memory_space<hbm>>) dst(%arg6 : memref<4x10000xf32, #tpu.memory_space<vmem>>)
      tpu.yield
    }) : () -> ()
    %broadcast_in_dim3A = arith.constant 0.000000e+00 : f32
    %broadcast_in_dim3A_3 = vector.broadcast %broadcast_in_dim3A : f32 to vector<16xf32>
    %scan3A = arith.constant 0 : i32
    %scan3A_4 = arith.constant 625 : i32
    %scan3A_5 = arith.addi %scan3A, %scan3A_4 : i32
    %scan3A_6 = arith.constant 1 : i32
    scf.for %scan3A_36 = %scan3A to %scan3A_5 step %scan3A_6  : i32 {
      %mul3A_37 = arith.constant 1 : i32
      %mul3A_38 = arith.muli %scan3A_36, %mul3A_37 : i32
      %add3A_39 = arith.constant 0 : i32
      %add3A_40 = arith.addi %add3A_39, %mul3A_38 : i32
      %mul3A_41 = arith.constant 16 : i32
      %mul3A_42 = arith.muli %add3A_40, %mul3A_41 : i32
      %swap3A = arith.constant 0 : i32
      %swap3A_43 = arith.index_cast %swap3A : i32 to index
      %swap3A_44 = arith.index_cast %mul3A_42 : i32 to index
      %swap3A_45 = tpu.vector_load %arg7[%swap3A_43, %swap3A_44] {strides = array<i32>} : memref<4x10000xf32, #tpu.memory_space<vmem>>, vector<16xf32>,
      tpu.vector_store %arg7[%swap3A_43, %swap3A_44], %broadcast_in_dim3A_3 {strides = array<i32>} : memref<4x10000xf32, #tpu.memory_space<vmem>>, vector<16xf32>,
    }
    %scan3A_7 = arith.constant 625 : i32
    %scan3A_8 = arith.constant 0 : i32
    %scan3A_9 = arith.constant 625 : i32
    %scan3A_10 = arith.addi %scan3A_8, %scan3A_9 : i32
    %scan3A_11 = arith.constant 1 : i32
    scf.for %scan3A_36 = %scan3A_8 to %scan3A_10 step %scan3A_11  : i32 {
      %mul3A_37 = arith.constant 1 : i32
      %mul3A_38 = arith.muli %scan3A_36, %mul3A_37 : i32
      %add3A_39 = arith.constant 0 : i32
      %add3A_40 = arith.addi %add3A_39, %mul3A_38 : i32
      %mul3A_41 = arith.constant 16 : i32
      %mul3A_42 = arith.muli %add3A_40, %mul3A_41 : i32
      %swap3A = arith.constant 1 : i32
      %swap3A_43 = arith.index_cast %swap3A : i32 to index
      %swap3A_44 = arith.index_cast %mul3A_42 : i32 to index
      %swap3A_45 = tpu.vector_load %arg7[%swap3A_43, %swap3A_44] {strides = array<i32>} : memref<4x10000xf32, #tpu.memory_space<vmem>>, vector<16xf32>,
      tpu.vector_store %arg7[%swap3A_43, %swap3A_44], %broadcast_in_dim3A_3 {strides = array<i32>} : memref<4x10000xf32, #tpu.memory_space<vmem>>, vector<16xf32>,
    }
    %scan3A_12 = arith.constant 625 : i32
    %scan3A_13 = arith.constant 0 : i32
    %scan3A_14 = arith.constant 625 : i32
    %scan3A_15 = arith.addi %scan3A_13, %scan3A_14 : i32
    %scan3A_16 = arith.constant 1 : i32
    scf.for %scan3A_36 = %scan3A_13 to %scan3A_15 step %scan3A_16  : i32 {
      %mul3A_37 = arith.constant 1 : i32
      %mul3A_38 = arith.muli %scan3A_36, %mul3A_37 : i32
      %add3A_39 = arith.constant 0 : i32
      %add3A_40 = arith.addi %add3A_39, %mul3A_38 : i32
      %mul3A_41 = arith.constant 16 : i32
      %mul3A_42 = arith.muli %add3A_40, %mul3A_41 : i32
      %swap3A = arith.constant 2 : i32
      %swap3A_43 = arith.index_cast %swap3A : i32 to index
      %swap3A_44 = arith.index_cast %mul3A_42 : i32 to index
      %swap3A_45 = tpu.vector_load %arg7[%swap3A_43, %swap3A_44] {strides = array<i32>} : memref<4x10000xf32, #tpu.memory_space<vmem>>, vector<16xf32>,
      tpu.vector_store %arg7[%swap3A_43, %swap3A_44], %broadcast_in_dim3A_3 {strides = array<i32>} : memref<4x10000xf32, #tpu.memory_space<vmem>>, vector<16xf32>,
    }
    %scan3A_17 = arith.constant 625 : i32
    %scan3A_18 = arith.constant 0 : i32
    %scan3A_19 = arith.constant 625 : i32
    %scan3A_20 = arith.addi %scan3A_18, %scan3A_19 : i32
    %scan3A_21 = arith.constant 1 : i32
    scf.for %scan3A_36 = %scan3A_18 to %scan3A_20 step %scan3A_21  : i32 {
      %mul3A_37 = arith.constant 1 : i32
      %mul3A_38 = arith.muli %scan3A_36, %mul3A_37 : i32
      %add3A_39 = arith.constant 0 : i32
      %add3A_40 = arith.addi %add3A_39, %mul3A_38 : i32
      %mul3A_41 = arith.constant 16 : i32
      %mul3A_42 = arith.muli %add3A_40, %mul3A_41 : i32
      %swap3A = arith.constant 3 : i32
      %swap3A_43 = arith.index_cast %swap3A : i32 to index
      %swap3A_44 = arith.index_cast %mul3A_42 : i32 to index
      %swap3A_45 = tpu.vector_load %arg7[%swap3A_43, %swap3A_44] {strides = array<i32>} : memref<4x10000xf32, #tpu.memory_space<vmem>>, vector<16xf32>,
      tpu.vector_store %arg7[%swap3A_43, %swap3A_44], %broadcast_in_dim3A_3 {strides = array<i32>} : memref<4x10000xf32, #tpu.memory_space<vmem>>, vector<16xf32>,
    }
    %scan3A_22 = arith.constant 625 : i32
    %broadcast_in_dim3A_23 = arith.constant 0 : i32
    %broadcast_in_dim3A_24 = vector.broadcast %broadcast_in_dim3A_23 : i32 to vector<16xi32>
    %broadcast_in_dim3A_25 = arith.constant 1 : i32
    %broadcast_in_dim3A_26 = vector.broadcast %broadcast_in_dim3A_25 : i32 to vector<16xi32>
    %broadcast_in_dim3A_27 = arith.constant 2 : i32
    %broadcast_in_dim3A_28 = vector.broadcast %broadcast_in_dim3A_27 : i32 to vector<16xi32>
    %broadcast_in_dim3A_29 = arith.constant 3 : i32
    %broadcast_in_dim3A_30 = vector.broadcast %broadcast_in_dim3A_29 : i32 to vector<16xi32>
    %scan3A_31 = arith.constant 0 : i32
    %scan3A_32 = arith.constant 40 : i32
    %scan3A_33 = arith.addi %scan3A_31, %scan3A_32 : i32
    %scan3A_34 = arith.constant 1 : i32
    scf.for %scan3A_36 = %scan3A_31 to %scan3A_33 step %scan3A_34  : i32 {
      %mul3A_37 = arith.constant 1 : i32
      %mul3A_38 = arith.muli %scan3A_36, %mul3A_37 : i32
      %add3A_39 = arith.constant 0 : i32
      %add3A_40 = arith.addi %add3A_39, %mul3A_38 : i32
      %mul3A_41 = arith.constant 8000 : i32
      %mul3A_42 = arith.muli %add3A_40, %mul3A_41 : i32
      "tpu.region"() ({
        %run_scoped3A = tpu.sem_alloc : memref<!tpu.dma_semaphore, #tpu.memory_space<semaphore_mem>>
        %dma_start3A = tpu.memref_slice %arg3[%mul3A_42] : memref<320000xi32, #tpu.memory_space<hbm>> -> memref<8000xi32, #tpu.memory_space<hbm>>
        %dma_start3A_50 = tpu.memref_slice %arg3[%mul3A_42] : memref<320000xi32, #tpu.memory_space<hbm>> -> memref<8000xi32, #tpu.memory_space<hbm>>
        tpu.enqueue_dma source(%dma_start3A_50 : memref<8000xi32, #tpu.memory_space<hbm>>) target(%arg8 : memref<8000xi32, #tpu.memory_space<vmem>>) target_semaphore(%run_scoped3A : memref<!tpu.dma_semaphore, #tpu.memory_space<semaphore_mem>>)
        %dma_wait3A = tpu.memref_slice %arg3[%mul3A_42] : memref<320000xi32, #tpu.memory_space<hbm>> -> memref<8000xi32, #tpu.memory_space<hbm>>
        %dma_wait3A_51 = tpu.memref_slice %arg3[%mul3A_42] : memref<320000xi32, #tpu.memory_space<hbm>> -> memref<8000xi32, #tpu.memory_space<hbm>>
        tpu.wait_dma2 semaphore(%run_scoped3A : memref<!tpu.dma_semaphore, #tpu.memory_space<semaphore_mem>>) src(%dma_wait3A_51 : memref<8000xi32, #tpu.memory_space<hbm>>) dst(%arg8 : memref<8000xi32, #tpu.memory_space<vmem>>)
        tpu.yield
      }) : () -> ()
      %mul3A_43 = arith.constant 8000 : i32
      %mul3A_44 = arith.muli %add3A_40, %mul3A_43 : i32
      "tpu.region"() ({
        %run_scoped3A = tpu.sem_alloc : memref<!tpu.dma_semaphore, #tpu.memory_space<semaphore_mem>>
        %dma_start3A = tpu.memref_slice %arg4[%mul3A_44] : memref<320000xf32, #tpu.memory_space<hbm>> -> memref<8000xf32, #tpu.memory_space<hbm>>
        %dma_start3A_50 = tpu.memref_slice %arg4[%mul3A_44] : memref<320000xf32, #tpu.memory_space<hbm>> -> memref<8000xf32, #tpu.memory_space<hbm>>
        tpu.enqueue_dma source(%dma_start3A_50 : memref<8000xf32, #tpu.memory_space<hbm>>) target(%arg9 : memref<8000xf32, #tpu.memory_space<vmem>>) target_semaphore(%run_scoped3A : memref<!tpu.dma_semaphore, #tpu.memory_space<semaphore_mem>>)
        %dma_wait3A = tpu.memref_slice %arg4[%mul3A_44] : memref<320000xf32, #tpu.memory_space<hbm>> -> memref<8000xf32, #tpu.memory_space<hbm>>
        %dma_wait3A_51 = tpu.memref_slice %arg4[%mul3A_44] : memref<320000xf32, #tpu.memory_space<hbm>> -> memref<8000xf32, #tpu.memory_space<hbm>>
        tpu.wait_dma2 semaphore(%run_scoped3A : memref<!tpu.dma_semaphore, #tpu.memory_space<semaphore_mem>>) src(%dma_wait3A_51 : memref<8000xf32, #tpu.memory_space<hbm>>) dst(%arg9 : memref<8000xf32, #tpu.memory_space<vmem>>)
        tpu.yield
      }) : () -> ()
      %scan3A_45 = arith.constant 0 : i32
      %scan3A_46 = arith.constant 500 : i32
      %scan3A_47 = arith.addi %scan3A_45, %scan3A_46 : i32
      %scan3A_48 = arith.constant 1 : i32
      scf.for %scan3A_50 = %scan3A_45 to %scan3A_47 step %scan3A_48  : i32 {
        %mul3A_51 = arith.constant 1 : i32
        %mul3A_52 = arith.muli %scan3A_50, %mul3A_51 : i32
        %add3A_53 = arith.constant 0 : i32
        %add3A_54 = arith.addi %add3A_53, %mul3A_52 : i32
        %mul3A_55 = arith.constant 16 : i32
        %mul3A_56 = arith.muli %add3A_54, %mul3A_55 : i32
        %get3A = arith.index_cast %mul3A_56 : i32 to index
        %get3A_57 = tpu.vector_load %arg8[%get3A] {strides = array<i32>} : memref<8000xi32, #tpu.memory_space<vmem>>, vector<16xi32>,
        %mul3A_58 = arith.constant 16 : i32
        %mul3A_59 = arith.muli %add3A_54, %mul3A_58 : i32
        %get3A_60 = arith.index_cast %mul3A_59 : i32 to index
        %get3A_61 = tpu.vector_load %arg9[%get3A_60] {strides = array<i32>} : memref<8000xf32, #tpu.memory_space<vmem>>, vector<16xf32>,
        %shift_right_logical3A = arith.constant 14 : i32
        %shift_right_logical3A_62 = vector.broadcast %shift_right_logical3A : i32 to vector<16xi32>
        %shift_right_logical3A_63 = arith.shrui %get3A_57, %shift_right_logical3A_62 : vector<16xi32>
        %and3A = arith.constant 16383 : i32
        %and3A_64 = vector.broadcast %and3A : i32 to vector<16xi32>
        %and3A_65 = arith.andi %get3A_57, %and3A_64 : vector<16xi32>
        %gather3A = tpu.vector_load_idx %arg6[%broadcast_in_dim3A_24, %shift_right_logical3A_63] : memref<4x10000xf32, #tpu.memory_space<vmem>>[vector<16xi32>, vector<16xi32>], vector<16xf32>,
        %mul3A_66 = arith.mulf %gather3A, %get3A_61 : vector<16xf32>
        tpu.vector_store_idx %arg7[%broadcast_in_dim3A_24, %and3A_65], %mul3A_66 {add = true} : memref<4x10000xf32, #tpu.memory_space<vmem>>[vector<16xi32>, vector<16xi32>], vector<16xf32>,
        %gather3A_67 = tpu.vector_load_idx %arg6[%broadcast_in_dim3A_26, %shift_right_logical3A_63] : memref<4x10000xf32, #tpu.memory_space<vmem>>[vector<16xi32>, vector<16xi32>], vector<16xf32>,
        %mul3A_68 = arith.mulf %gather3A_67, %get3A_61 : vector<16xf32>
        tpu.vector_store_idx %arg7[%broadcast_in_dim3A_26, %and3A_65], %mul3A_68 {add = true} : memref<4x10000xf32, #tpu.memory_space<vmem>>[vector<16xi32>, vector<16xi32>], vector<16xf32>,
        %gather3A_69 = tpu.vector_load_idx %arg6[%broadcast_in_dim3A_28, %shift_right_logical3A_63] : memref<4x10000xf32, #tpu.memory_space<vmem>>[vector<16xi32>, vector<16xi32>], vector<16xf32>,
        %mul3A_70 = arith.mulf %gather3A_69, %get3A_61 : vector<16xf32>
        tpu.vector_store_idx %arg7[%broadcast_in_dim3A_28, %and3A_65], %mul3A_70 {add = true} : memref<4x10000xf32, #tpu.memory_space<vmem>>[vector<16xi32>, vector<16xi32>], vector<16xf32>,
        %gather3A_71 = tpu.vector_load_idx %arg6[%broadcast_in_dim3A_30, %shift_right_logical3A_63] : memref<4x10000xf32, #tpu.memory_space<vmem>>[vector<16xi32>, vector<16xi32>], vector<16xf32>,
        %mul3A_72 = arith.mulf %gather3A_71, %get3A_61 : vector<16xf32>
        tpu.vector_store_idx %arg7[%broadcast_in_dim3A_30, %and3A_65], %mul3A_72 {add = true} : memref<4x10000xf32, #tpu.memory_space<vmem>>[vector<16xi32>, vector<16xi32>], vector<16xf32>,
      }
      %scan3A_49 = arith.constant 500 : i32
    }
    %scan3A_35 = arith.constant 40 : i32
    "tpu.region"() ({
      %run_scoped3A = tpu.sem_alloc : memref<!tpu.dma_semaphore, #tpu.memory_space<semaphore_mem>>
      %dma_start3A = arith.constant 0 : i32
      %dma_start3A_36 = tpu.memref_slice %arg5[%mul3A_2, %dma_start3A] : memref<128x10000xf32, #tpu.memory_space<hbm>> -> memref<4x10000xf32, #tpu.memory_space<hbm>>
      %dma_start3A_37 = arith.constant 0 : i32
      %dma_start3A_38 = tpu.memref_slice %arg5[%mul3A_2, %dma_start3A_37] : memref<128x10000xf32, #tpu.memory_space<hbm>> -> memref<4x10000xf32, #tpu.memory_space<hbm>>
      tpu.enqueue_dma source(%arg7 : memref<4x10000xf32, #tpu.memory_space<vmem>>) target(%dma_start3A_38 : memref<4x10000xf32, #tpu.memory_space<hbm>>) target_semaphore(%run_scoped3A : memref<!tpu.dma_semaphore, #tpu.memory_space<semaphore_mem>>)
      %dma_wait3A = arith.constant 0 : i32
      %dma_wait3A_39 = tpu.memref_slice %arg5[%mul3A_2, %dma_wait3A] : memref<128x10000xf32, #tpu.memory_space<hbm>> -> memref<4x10000xf32, #tpu.memory_space<hbm>>
      %dma_wait3A_40 = arith.constant 0 : i32
      %dma_wait3A_41 = tpu.memref_slice %arg5[%mul3A_2, %dma_wait3A_40] : memref<128x10000xf32, #tpu.memory_space<hbm>> -> memref<4x10000xf32, #tpu.memory_space<hbm>>
      tpu.wait_dma2 semaphore(%run_scoped3A : memref<!tpu.dma_semaphore, #tpu.memory_space<semaphore_mem>>) src(%arg7 : memref<4x10000xf32, #tpu.memory_space<vmem>>) dst(%dma_wait3A_41 : memref<4x10000xf32, #tpu.memory_space<hbm>>)
      tpu.yield
    }) : () -> ()
    return
  }
}

#map = affine_map<(d0, d1) -> (0, 0)>
#map1 = affine_map<(d0, d1) -> (0)>
module attributes {stable_mosaic.version = 14 : i64} {
  func.func @_spmm_body(%arg0: i32, %arg1: i32, %arg2: memref<128x10000xf32, #tpu.memory_space<hbm>>, %arg3: memref<320000xi32, #tpu.memory_space<hbm>>, %arg4: memref<320000xf32, #tpu.memory_space<hbm>>, %arg5: memref<128x10000xf32, #tpu.memory_space<hbm>>, %arg6: memref<4x10000xf32, #tpu.memory_space<vmem>>, %arg7: memref<4x10000xf32, #tpu.memory_space<vmem>>, %arg8: memref<8000xi32, #tpu.memory_space<vmem>>, %arg9: memref<8000xf32, #tpu.memory_space<vmem>>) attributes {dimension_semantics = [#tpu.dimension_semantics<core_parallel>, #tpu.dimension_semantics<subcore_parallel>], iteration_bounds = array<i64: 2, 16>, scalar_prefetch = 0 : i64, scratch_operands = 4 : i64, tpu.core_type = #tpu.core_type<sc_vector_subcore>, window_params = [{transform_indices = #map}, {transform_indices = #map1}, {transform_indices = #map1}, {transform_indices = #map}]} {
    %mul3A = arith.constant 2 : i32
    %mul3A_0 = arith.muli %arg1, %mul3A : i32
    %add3A = arith.addi %mul3A_0, %arg0 : i32
    %mul3A_1 = arith.constant 4 : i32
    %mul3A_2 = arith.muli %add3A, %mul3A_1 : i32
    "tpu.region"() ({
      %run_scoped3A = tpu.sem_alloc : memref<!tpu.dma_semaphore, #tpu.memory_space<semaphore_mem>>
      %dma_start3A = arith.constant 0 : i32
      %dma_start3A_36 = tpu.memref_slice %arg2[%mul3A_2, %dma_start3A] : memref<128x10000xf32, #tpu.memory_space<hbm>> -> memref<4x10000xf32, #tpu.memory_space<hbm>>
      %dma_start3A_37 = arith.constant 0 : i32
      %dma_start3A_38 = tpu.memref_slice %arg2[%mul3A_2, %dma_start3A_37] : memref<128x10000xf32, #tpu.memory_space<hbm>> -> memref<4x10000xf32, #tpu.memory_space<hbm>>
      tpu.enqueue_dma source(%dma_start3A_38 : memref<4x10000xf32, #tpu.memory_space<hbm>>) target(%arg6 : memref<4x10000xf32, #tpu.memory_space<vmem>>) target_semaphore(%run_scoped3A : memref<!tpu.dma_semaphore, #tpu.memory_space<semaphore_mem>>)
      %dma_wait3A = arith.constant 0 : i32
      %dma_wait3A_39 = tpu.memref_slice %arg2[%mul3A_2, %dma_wait3A] : memref<128x10000xf32, #tpu.memory_space<hbm>> -> memref<4x10000xf32, #tpu.memory_space<hbm>>
      %dma_wait3A_40 = arith.constant 0 : i32
      %dma_wait3A_41 = tpu.memref_slice %arg2[%mul3A_2, %dma_wait3A_40] : memref<128x10000xf32, #tpu.memory_space<hbm>> -> memref<4x10000xf32, #tpu.memory_space<hbm>>
      tpu.wait_dma2 semaphore(%run_scoped3A : memref<!tpu.dma_semaphore, #tpu.memory_space<semaphore_mem>>) src(%dma_wait3A_41 : memref<4x10000xf32, #tpu.memory_space<hbm>>) dst(%arg6 : memref<4x10000xf32, #tpu.memory_space<vmem>>)
      tpu.yield
    }) : () -> ()
    %broadcast_in_dim3A = arith.constant 0.000000e+00 : f32
    %broadcast_in_dim3A_3 = vector.broadcast %broadcast_in_dim3A : f32 to vector<16xf32>
    %scan3A = arith.constant 0 : i32
    %scan3A_4 = arith.constant 625 : i32
    %scan3A_5 = arith.addi %scan3A, %scan3A_4 : i32
    %scan3A_6 = arith.constant 1 : i32
    scf.for %scan3A_36 = %scan3A to %scan3A_5 step %scan3A_6  : i32 {
      %mul3A_37 = arith.constant 1 : i32
      %mul3A_38 = arith.muli %scan3A_36, %mul3A_37 : i32
      %add3A_39 = arith.constant 0 : i32
      %add3A_40 = arith.addi %add3A_39, %mul3A_38 : i32
      %mul3A_41 = arith.constant 16 : i32
      %mul3A_42 = arith.muli %add3A_40, %mul3A_41 : i32
      %swap3A = arith.constant 0 : i32
      %swap3A_43 = arith.index_cast %swap3A : i32 to index
      %swap3A_44 = arith.index_cast %mul3A_42 : i32 to index
      %swap3A_45 = tpu.vector_load %arg7[%swap3A_43, %swap3A_44] {strides = array<i32>} : memref<4x10000xf32, #tpu.memory_space<vmem>>, vector<16xf32>,
      tpu.vector_store %arg7[%swap3A_43, %swap3A_44], %broadcast_in_dim3A_3 {strides = array<i32>} : memref<4x10000xf32, #tpu.memory_space<vmem>>, vector<16xf32>,
    }
    %scan3A_7 = arith.constant 625 : i32
    %scan3A_8 = arith.constant 0 : i32
    %scan3A_9 = arith.constant 625 : i32
    %scan3A_10 = arith.addi %scan3A_8, %scan3A_9 : i32
    %scan3A_11 = arith.constant 1 : i32
    scf.for %scan3A_36 = %scan3A_8 to %scan3A_10 step %scan3A_11  : i32 {
      %mul3A_37 = arith.constant 1 : i32
      %mul3A_38 = arith.muli %scan3A_36, %mul3A_37 : i32
      %add3A_39 = arith.constant 0 : i32
      %add3A_40 = arith.addi %add3A_39, %mul3A_38 : i32
      %mul3A_41 = arith.constant 16 : i32
      %mul3A_42 = arith.muli %add3A_40, %mul3A_41 : i32
      %swap3A = arith.constant 1 : i32
      %swap3A_43 = arith.index_cast %swap3A : i32 to index
      %swap3A_44 = arith.index_cast %mul3A_42 : i32 to index
      %swap3A_45 = tpu.vector_load %arg7[%swap3A_43, %swap3A_44] {strides = array<i32>} : memref<4x10000xf32, #tpu.memory_space<vmem>>, vector<16xf32>,
      tpu.vector_store %arg7[%swap3A_43, %swap3A_44], %broadcast_in_dim3A_3 {strides = array<i32>} : memref<4x10000xf32, #tpu.memory_space<vmem>>, vector<16xf32>,
    }
    %scan3A_12 = arith.constant 625 : i32
    %scan3A_13 = arith.constant 0 : i32
    %scan3A_14 = arith.constant 625 : i32
    %scan3A_15 = arith.addi %scan3A_13, %scan3A_14 : i32
    %scan3A_16 = arith.constant 1 : i32
    scf.for %scan3A_36 = %scan3A_13 to %scan3A_15 step %scan3A_16  : i32 {
      %mul3A_37 = arith.constant 1 : i32
      %mul3A_38 = arith.muli %scan3A_36, %mul3A_37 : i32
      %add3A_39 = arith.constant 0 : i32
      %add3A_40 = arith.addi %add3A_39, %mul3A_38 : i32
      %mul3A_41 = arith.constant 16 : i32
      %mul3A_42 = arith.muli %add3A_40, %mul3A_41 : i32
      %swap3A = arith.constant 2 : i32
      %swap3A_43 = arith.index_cast %swap3A : i32 to index
      %swap3A_44 = arith.index_cast %mul3A_42 : i32 to index
      %swap3A_45 = tpu.vector_load %arg7[%swap3A_43, %swap3A_44] {strides = array<i32>} : memref<4x10000xf32, #tpu.memory_space<vmem>>, vector<16xf32>,
      tpu.vector_store %arg7[%swap3A_43, %swap3A_44], %broadcast_in_dim3A_3 {strides = array<i32>} : memref<4x10000xf32, #tpu.memory_space<vmem>>, vector<16xf32>,
    }
    %scan3A_17 = arith.constant 625 : i32
    %scan3A_18 = arith.constant 0 : i32
    %scan3A_19 = arith.constant 625 : i32
    %scan3A_20 = arith.addi %scan3A_18, %scan3A_19 : i32
    %scan3A_21 = arith.constant 1 : i32
    scf.for %scan3A_36 = %scan3A_18 to %scan3A_20 step %scan3A_21  : i32 {
      %mul3A_37 = arith.constant 1 : i32
      %mul3A_38 = arith.muli %scan3A_36, %mul3A_37 : i32
      %add3A_39 = arith.constant 0 : i32
      %add3A_40 = arith.addi %add3A_39, %mul3A_38 : i32
      %mul3A_41 = arith.constant 16 : i32
      %mul3A_42 = arith.muli %add3A_40, %mul3A_41 : i32
      %swap3A = arith.constant 3 : i32
      %swap3A_43 = arith.index_cast %swap3A : i32 to index
      %swap3A_44 = arith.index_cast %mul3A_42 : i32 to index
      %swap3A_45 = tpu.vector_load %arg7[%swap3A_43, %swap3A_44] {strides = array<i32>} : memref<4x10000xf32, #tpu.memory_space<vmem>>, vector<16xf32>,
      tpu.vector_store %arg7[%swap3A_43, %swap3A_44], %broadcast_in_dim3A_3 {strides = array<i32>} : memref<4x10000xf32, #tpu.memory_space<vmem>>, vector<16xf32>,
    }
    %scan3A_22 = arith.constant 625 : i32
    %broadcast_in_dim3A_23 = arith.constant 0 : i32
    %broadcast_in_dim3A_24 = vector.broadcast %broadcast_in_dim3A_23 : i32 to vector<16xi32>
    %broadcast_in_dim3A_25 = arith.constant 1 : i32
    %broadcast_in_dim3A_26 = vector.broadcast %broadcast_in_dim3A_25 : i32 to vector<16xi32>
    %broadcast_in_dim3A_27 = arith.constant 2 : i32
    %broadcast_in_dim3A_28 = vector.broadcast %broadcast_in_dim3A_27 : i32 to vector<16xi32>
    %broadcast_in_dim3A_29 = arith.constant 3 : i32
    %broadcast_in_dim3A_30 = vector.broadcast %broadcast_in_dim3A_29 : i32 to vector<16xi32>
    %scan3A_31 = arith.constant 0 : i32
    %scan3A_32 = arith.constant 40 : i32
    %scan3A_33 = arith.addi %scan3A_31, %scan3A_32 : i32
    %scan3A_34 = arith.constant 1 : i32
    scf.for %scan3A_36 = %scan3A_31 to %scan3A_33 step %scan3A_34  : i32 {
      %mul3A_37 = arith.constant 1 : i32
      %mul3A_38 = arith.muli %scan3A_36, %mul3A_37 : i32
      %add3A_39 = arith.constant 0 : i32
      %add3A_40 = arith.addi %add3A_39, %mul3A_38 : i32
      %mul3A_41 = arith.constant 8000 : i32
      %mul3A_42 = arith.muli %add3A_40, %mul3A_41 : i32
      "tpu.region"() ({
        %run_scoped3A = tpu.sem_alloc : memref<!tpu.dma_semaphore, #tpu.memory_space<semaphore_mem>>
        %dma_start3A = tpu.memref_slice %arg3[%mul3A_42] : memref<320000xi32, #tpu.memory_space<hbm>> -> memref<8000xi32, #tpu.memory_space<hbm>>
        %dma_start3A_50 = tpu.memref_slice %arg3[%mul3A_42] : memref<320000xi32, #tpu.memory_space<hbm>> -> memref<8000xi32, #tpu.memory_space<hbm>>
        tpu.enqueue_dma source(%dma_start3A_50 : memref<8000xi32, #tpu.memory_space<hbm>>) target(%arg8 : memref<8000xi32, #tpu.memory_space<vmem>>) target_semaphore(%run_scoped3A : memref<!tpu.dma_semaphore, #tpu.memory_space<semaphore_mem>>)
        %dma_wait3A = tpu.memref_slice %arg3[%mul3A_42] : memref<320000xi32, #tpu.memory_space<hbm>> -> memref<8000xi32, #tpu.memory_space<hbm>>
        %dma_wait3A_51 = tpu.memref_slice %arg3[%mul3A_42] : memref<320000xi32, #tpu.memory_space<hbm>> -> memref<8000xi32, #tpu.memory_space<hbm>>
        tpu.wait_dma2 semaphore(%run_scoped3A : memref<!tpu.dma_semaphore, #tpu.memory_space<semaphore_mem>>) src(%dma_wait3A_51 : memref<8000xi32, #tpu.memory_space<hbm>>) dst(%arg8 : memref<8000xi32, #tpu.memory_space<vmem>>)
        tpu.yield
      }) : () -> ()
      %mul3A_43 = arith.constant 8000 : i32
      %mul3A_44 = arith.muli %add3A_40, %mul3A_43 : i32
      "tpu.region"() ({
        %run_scoped3A = tpu.sem_alloc : memref<!tpu.dma_semaphore, #tpu.memory_space<semaphore_mem>>
        %dma_start3A = tpu.memref_slice %arg4[%mul3A_44] : memref<320000xf32, #tpu.memory_space<hbm>> -> memref<8000xf32, #tpu.memory_space<hbm>>
        %dma_start3A_50 = tpu.memref_slice %arg4[%mul3A_44] : memref<320000xf32, #tpu.memory_space<hbm>> -> memref<8000xf32, #tpu.memory_space<hbm>>
        tpu.enqueue_dma source(%dma_start3A_50 : memref<8000xf32, #tpu.memory_space<hbm>>) target(%arg9 : memref<8000xf32, #tpu.memory_space<vmem>>) target_semaphore(%run_scoped3A : memref<!tpu.dma_semaphore, #tpu.memory_space<semaphore_mem>>)
        %dma_wait3A = tpu.memref_slice %arg4[%mul3A_44] : memref<320000xf32, #tpu.memory_space<hbm>> -> memref<8000xf32, #tpu.memory_space<hbm>>
        %dma_wait3A_51 = tpu.memref_slice %arg4[%mul3A_44] : memref<320000xf32, #tpu.memory_space<hbm>> -> memref<8000xf32, #tpu.memory_space<hbm>>
        tpu.wait_dma2 semaphore(%run_scoped3A : memref<!tpu.dma_semaphore, #tpu.memory_space<semaphore_mem>>) src(%dma_wait3A_51 : memref<8000xf32, #tpu.memory_space<hbm>>) dst(%arg9 : memref<8000xf32, #tpu.memory_space<vmem>>)
        tpu.yield
      }) : () -> ()
      %scan3A_45 = arith.constant 0 : i32
      %scan3A_46 = arith.constant 500 : i32
      %scan3A_47 = arith.addi %scan3A_45, %scan3A_46 : i32
      %scan3A_48 = arith.constant 1 : i32
      scf.for %scan3A_50 = %scan3A_45 to %scan3A_47 step %scan3A_48  : i32 {
        %mul3A_51 = arith.constant 1 : i32
        %mul3A_52 = arith.muli %scan3A_50, %mul3A_51 : i32
        %add3A_53 = arith.constant 0 : i32
        %add3A_54 = arith.addi %add3A_53, %mul3A_52 : i32
        %mul3A_55 = arith.constant 16 : i32
        %mul3A_56 = arith.muli %add3A_54, %mul3A_55 : i32
        %get3A = arith.index_cast %mul3A_56 : i32 to index
        %get3A_57 = tpu.vector_load %arg8[%get3A] {strides = array<i32>} : memref<8000xi32, #tpu.memory_space<vmem>>, vector<16xi32>,
        %mul3A_58 = arith.constant 16 : i32
        %mul3A_59 = arith.muli %add3A_54, %mul3A_58 : i32
        %get3A_60 = arith.index_cast %mul3A_59 : i32 to index
        %get3A_61 = tpu.vector_load %arg9[%get3A_60] {strides = array<i32>} : memref<8000xf32, #tpu.memory_space<vmem>>, vector<16xf32>,
        %shift_right_logical3A = arith.constant 14 : i32
        %shift_right_logical3A_62 = vector.broadcast %shift_right_logical3A : i32 to vector<16xi32>
        %shift_right_logical3A_63 = arith.shrui %get3A_57, %shift_right_logical3A_62 : vector<16xi32>
        %and3A = arith.constant 16383 : i32
        %and3A_64 = vector.broadcast %and3A : i32 to vector<16xi32>
        %and3A_65 = arith.andi %get3A_57, %and3A_64 : vector<16xi32>
        %gather3A = tpu.vector_load_idx %arg6[%broadcast_in_dim3A_24, %shift_right_logical3A_63] : memref<4x10000xf32, #tpu.memory_space<vmem>>[vector<16xi32>, vector<16xi32>], vector<16xf32>,
        %mul3A_66 = arith.mulf %gather3A, %get3A_61 : vector<16xf32>
        tpu.vector_store_idx %arg7[%broadcast_in_dim3A_24, %and3A_65], %mul3A_66 {add = true} : memref<4x10000xf32, #tpu.memory_space<vmem>>[vector<16xi32>, vector<16xi32>], vector<16xf32>,
        %gather3A_67 = tpu.vector_load_idx %arg6[%broadcast_in_dim3A_26, %shift_right_logical3A_63] : memref<4x10000xf32, #tpu.memory_space<vmem>>[vector<16xi32>, vector<16xi32>], vector<16xf32>,
        %mul3A_68 = arith.mulf %gather3A_67, %get3A_61 : vector<16xf32>
        tpu.vector_store_idx %arg7[%broadcast_in_dim3A_26, %and3A_65], %mul3A_68 {add = true} : memref<4x10000xf32, #tpu.memory_space<vmem>>[vector<16xi32>, vector<16xi32>], vector<16xf32>,
        %gather3A_69 = tpu.vector_load_idx %arg6[%broadcast_in_dim3A_28, %shift_right_logical3A_63] : memref<4x10000xf32, #tpu.memory_space<vmem>>[vector<16xi32>, vector<16xi32>], vector<16xf32>,
        %mul3A_70 = arith.mulf %gather3A_69, %get3A_61 : vector<16xf32>
        tpu.vector_store_idx %arg7[%broadcast_in_dim3A_28, %and3A_65], %mul3A_70 {add = true} : memref<4x10000xf32, #tpu.memory_space<vmem>>[vector<16xi32>, vector<16xi32>], vector<16xf32>,
        %gather3A_71 = tpu.vector_load_idx %arg6[%broadcast_in_dim3A_30, %shift_right_logical3A_63] : memref<4x10000xf32, #tpu.memory_space<vmem>>[vector<16xi32>, vector<16xi32>], vector<16xf32>,
        %mul3A_72 = arith.mulf %gather3A_71, %get3A_61 : vector<16xf32>
        tpu.vector_store_idx %arg7[%broadcast_in_dim3A_30, %and3A_65], %mul3A_72 {add = true} : memref<4x10000xf32, #tpu.memory_space<vmem>>[vector<16xi32>, vector<16xi32>], vector<16xf32>,
      }
      %scan3A_49 = arith.constant 500 : i32
    }
    %scan3A_35 = arith.constant 40 : i32
    "tpu.region"() ({
      %run_scoped3A = tpu.sem_alloc : memref<!tpu.dma_semaphore, #tpu.memory_space<semaphore_mem>>
      %dma_start3A = arith.constant 0 : i32
      %dma_start3A_36 = tpu.memref_slice %arg5[%mul3A_2, %dma_start3A] : memref<128x10000xf32, #tpu.memory_space<hbm>> -> memref<4x10000xf32, #tpu.memory_space<hbm>>
      %dma_start3A_37 = arith.constant 0 : i32
      %dma_start3A_38 = tpu.memref_slice %arg5[%mul3A_2, %dma_start3A_37] : memref<128x10000xf32, #tpu.memory_space<hbm>> -> memref<4x10000xf32, #tpu.memory_space<hbm>>
      tpu.enqueue_dma source(%arg7 : memref<4x10000xf32, #tpu.memory_space<vmem>>) target(%dma_start3A_38 : memref<4x10000xf32, #tpu.memory_space<hbm>>) target_semaphore(%run_scoped3A : memref<!tpu.dma_semaphore, #tpu.memory_space<semaphore_mem>>)
      %dma_wait3A = arith.constant 0 : i32
      %dma_wait3A_39 = tpu.memref_slice %arg5[%mul3A_2, %dma_wait3A] : memref<128x10000xf32, #tpu.memory_space<hbm>> -> memref<4x10000xf32, #tpu.memory_space<hbm>>
      %dma_wait3A_40 = arith.constant 0 : i32
      %dma_wait3A_41 = tpu.memref_slice %arg5[%mul3A_2, %dma_wait3A_40] : memref<128x10000xf32, #tpu.memory_space<hbm>> -> memref<4x10000xf32, #tpu.memory_space<hbm>>
      tpu.wait_dma2 semaphore(%run_scoped3A : memref<!tpu.dma_semaphore, #tpu.memory_space<semaphore_mem>>) src(%arg7 : memref<4x10000xf32, #tpu.memory_space<vmem>>) dst(%dma_wait3A_41 : memref<4x10000xf32, #tpu.memory_space<hbm>>)
      tpu.yield
    }) : () -> ()
    return
  }
}

#map = affine_map<(d0, d1) -> (0, 0)>
#map1 = affine_map<(d0, d1) -> (0)>
module attributes {stable_mosaic.version = 14 : i64} {
  func.func @_spmm_body(%arg0: i32, %arg1: i32, %arg2: memref<128x10000xf32, #tpu.memory_space<hbm>>, %arg3: memref<320000xi32, #tpu.memory_space<hbm>>, %arg4: memref<320000xf32, #tpu.memory_space<hbm>>, %arg5: memref<128x10000xf32, #tpu.memory_space<hbm>>, %arg6: memref<4x10000xf32, #tpu.memory_space<vmem>>, %arg7: memref<4x10000xf32, #tpu.memory_space<vmem>>, %arg8: memref<8000xi32, #tpu.memory_space<vmem>>, %arg9: memref<8000xf32, #tpu.memory_space<vmem>>) attributes {dimension_semantics = [#tpu.dimension_semantics<core_parallel>, #tpu.dimension_semantics<subcore_parallel>], iteration_bounds = array<i64: 2, 16>, scalar_prefetch = 0 : i64, scratch_operands = 4 : i64, tpu.core_type = #tpu.core_type<sc_vector_subcore>, window_params = [{transform_indices = #map}, {transform_indices = #map1}, {transform_indices = #map1}, {transform_indices = #map}]} {
    %mul3A = arith.constant 2 : i32
    %mul3A_0 = arith.muli %arg1, %mul3A : i32
    %add3A = arith.addi %mul3A_0, %arg0 : i32
    %mul3A_1 = arith.constant 4 : i32
    %mul3A_2 = arith.muli %add3A, %mul3A_1 : i32
    "tpu.region"() ({
      %run_scoped3A = tpu.sem_alloc : memref<!tpu.dma_semaphore, #tpu.memory_space<semaphore_mem>>
      %dma_start3A = arith.constant 0 : i32
      %dma_start3A_36 = tpu.memref_slice %arg2[%mul3A_2, %dma_start3A] : memref<128x10000xf32, #tpu.memory_space<hbm>> -> memref<4x10000xf32, #tpu.memory_space<hbm>>
      %dma_start3A_37 = arith.constant 0 : i32
      %dma_start3A_38 = tpu.memref_slice %arg2[%mul3A_2, %dma_start3A_37] : memref<128x10000xf32, #tpu.memory_space<hbm>> -> memref<4x10000xf32, #tpu.memory_space<hbm>>
      tpu.enqueue_dma source(%dma_start3A_38 : memref<4x10000xf32, #tpu.memory_space<hbm>>) target(%arg6 : memref<4x10000xf32, #tpu.memory_space<vmem>>) target_semaphore(%run_scoped3A : memref<!tpu.dma_semaphore, #tpu.memory_space<semaphore_mem>>)
      %dma_wait3A = arith.constant 0 : i32
      %dma_wait3A_39 = tpu.memref_slice %arg2[%mul3A_2, %dma_wait3A] : memref<128x10000xf32, #tpu.memory_space<hbm>> -> memref<4x10000xf32, #tpu.memory_space<hbm>>
      %dma_wait3A_40 = arith.constant 0 : i32
      %dma_wait3A_41 = tpu.memref_slice %arg2[%mul3A_2, %dma_wait3A_40] : memref<128x10000xf32, #tpu.memory_space<hbm>> -> memref<4x10000xf32, #tpu.memory_space<hbm>>
      tpu.wait_dma2 semaphore(%run_scoped3A : memref<!tpu.dma_semaphore, #tpu.memory_space<semaphore_mem>>) src(%dma_wait3A_41 : memref<4x10000xf32, #tpu.memory_space<hbm>>) dst(%arg6 : memref<4x10000xf32, #tpu.memory_space<vmem>>)
      tpu.yield
    }) : () -> ()
    %broadcast_in_dim3A = arith.constant 0.000000e+00 : f32
    %broadcast_in_dim3A_3 = vector.broadcast %broadcast_in_dim3A : f32 to vector<16xf32>
    %scan3A = arith.constant 0 : i32
    %scan3A_4 = arith.constant 625 : i32
    %scan3A_5 = arith.addi %scan3A, %scan3A_4 : i32
    %scan3A_6 = arith.constant 1 : i32
    scf.for %scan3A_36 = %scan3A to %scan3A_5 step %scan3A_6  : i32 {
      %mul3A_37 = arith.constant 1 : i32
      %mul3A_38 = arith.muli %scan3A_36, %mul3A_37 : i32
      %add3A_39 = arith.constant 0 : i32
      %add3A_40 = arith.addi %add3A_39, %mul3A_38 : i32
      %mul3A_41 = arith.constant 16 : i32
      %mul3A_42 = arith.muli %add3A_40, %mul3A_41 : i32
      %swap3A = arith.constant 0 : i32
      %swap3A_43 = arith.index_cast %swap3A : i32 to index
      %swap3A_44 = arith.index_cast %mul3A_42 : i32 to index
      %swap3A_45 = tpu.vector_load %arg7[%swap3A_43, %swap3A_44] {strides = array<i32>} : memref<4x10000xf32, #tpu.memory_space<vmem>>, vector<16xf32>,
      tpu.vector_store %arg7[%swap3A_43, %swap3A_44], %broadcast_in_dim3A_3 {strides = array<i32>} : memref<4x10000xf32, #tpu.memory_space<vmem>>, vector<16xf32>,
    }
    %scan3A_7 = arith.constant 625 : i32
    %scan3A_8 = arith.constant 0 : i32
    %scan3A_9 = arith.constant 625 : i32
    %scan3A_10 = arith.addi %scan3A_8, %scan3A_9 : i32
    %scan3A_11 = arith.constant 1 : i32
    scf.for %scan3A_36 = %scan3A_8 to %scan3A_10 step %scan3A_11  : i32 {
      %mul3A_37 = arith.constant 1 : i32
      %mul3A_38 = arith.muli %scan3A_36, %mul3A_37 : i32
      %add3A_39 = arith.constant 0 : i32
      %add3A_40 = arith.addi %add3A_39, %mul3A_38 : i32
      %mul3A_41 = arith.constant 16 : i32
      %mul3A_42 = arith.muli %add3A_40, %mul3A_41 : i32
      %swap3A = arith.constant 1 : i32
      %swap3A_43 = arith.index_cast %swap3A : i32 to index
      %swap3A_44 = arith.index_cast %mul3A_42 : i32 to index
      %swap3A_45 = tpu.vector_load %arg7[%swap3A_43, %swap3A_44] {strides = array<i32>} : memref<4x10000xf32, #tpu.memory_space<vmem>>, vector<16xf32>,
      tpu.vector_store %arg7[%swap3A_43, %swap3A_44], %broadcast_in_dim3A_3 {strides = array<i32>} : memref<4x10000xf32, #tpu.memory_space<vmem>>, vector<16xf32>,
    }
    %scan3A_12 = arith.constant 625 : i32
    %scan3A_13 = arith.constant 0 : i32
    %scan3A_14 = arith.constant 625 : i32
    %scan3A_15 = arith.addi %scan3A_13, %scan3A_14 : i32
    %scan3A_16 = arith.constant 1 : i32
    scf.for %scan3A_36 = %scan3A_13 to %scan3A_15 step %scan3A_16  : i32 {
      %mul3A_37 = arith.constant 1 : i32
      %mul3A_38 = arith.muli %scan3A_36, %mul3A_37 : i32
      %add3A_39 = arith.constant 0 : i32
      %add3A_40 = arith.addi %add3A_39, %mul3A_38 : i32
      %mul3A_41 = arith.constant 16 : i32
      %mul3A_42 = arith.muli %add3A_40, %mul3A_41 : i32
      %swap3A = arith.constant 2 : i32
      %swap3A_43 = arith.index_cast %swap3A : i32 to index
      %swap3A_44 = arith.index_cast %mul3A_42 : i32 to index
      %swap3A_45 = tpu.vector_load %arg7[%swap3A_43, %swap3A_44] {strides = array<i32>} : memref<4x10000xf32, #tpu.memory_space<vmem>>, vector<16xf32>,
      tpu.vector_store %arg7[%swap3A_43, %swap3A_44], %broadcast_in_dim3A_3 {strides = array<i32>} : memref<4x10000xf32, #tpu.memory_space<vmem>>, vector<16xf32>,
    }
    %scan3A_17 = arith.constant 625 : i32
    %scan3A_18 = arith.constant 0 : i32
    %scan3A_19 = arith.constant 625 : i32
    %scan3A_20 = arith.addi %scan3A_18, %scan3A_19 : i32
    %scan3A_21 = arith.constant 1 : i32
    scf.for %scan3A_36 = %scan3A_18 to %scan3A_20 step %scan3A_21  : i32 {
      %mul3A_37 = arith.constant 1 : i32
      %mul3A_38 = arith.muli %scan3A_36, %mul3A_37 : i32
      %add3A_39 = arith.constant 0 : i32
      %add3A_40 = arith.addi %add3A_39, %mul3A_38 : i32
      %mul3A_41 = arith.constant 16 : i32
      %mul3A_42 = arith.muli %add3A_40, %mul3A_41 : i32
      %swap3A = arith.constant 3 : i32
      %swap3A_43 = arith.index_cast %swap3A : i32 to index
      %swap3A_44 = arith.index_cast %mul3A_42 : i32 to index
      %swap3A_45 = tpu.vector_load %arg7[%swap3A_43, %swap3A_44] {strides = array<i32>} : memref<4x10000xf32, #tpu.memory_space<vmem>>, vector<16xf32>,
      tpu.vector_store %arg7[%swap3A_43, %swap3A_44], %broadcast_in_dim3A_3 {strides = array<i32>} : memref<4x10000xf32, #tpu.memory_space<vmem>>, vector<16xf32>,
    }
    %scan3A_22 = arith.constant 625 : i32
    %broadcast_in_dim3A_23 = arith.constant 0 : i32
    %broadcast_in_dim3A_24 = vector.broadcast %broadcast_in_dim3A_23 : i32 to vector<16xi32>
    %broadcast_in_dim3A_25 = arith.constant 1 : i32
    %broadcast_in_dim3A_26 = vector.broadcast %broadcast_in_dim3A_25 : i32 to vector<16xi32>
    %broadcast_in_dim3A_27 = arith.constant 2 : i32
    %broadcast_in_dim3A_28 = vector.broadcast %broadcast_in_dim3A_27 : i32 to vector<16xi32>
    %broadcast_in_dim3A_29 = arith.constant 3 : i32
    %broadcast_in_dim3A_30 = vector.broadcast %broadcast_in_dim3A_29 : i32 to vector<16xi32>
    %scan3A_31 = arith.constant 0 : i32
    %scan3A_32 = arith.constant 40 : i32
    %scan3A_33 = arith.addi %scan3A_31, %scan3A_32 : i32
    %scan3A_34 = arith.constant 1 : i32
    scf.for %scan3A_36 = %scan3A_31 to %scan3A_33 step %scan3A_34  : i32 {
      %mul3A_37 = arith.constant 1 : i32
      %mul3A_38 = arith.muli %scan3A_36, %mul3A_37 : i32
      %add3A_39 = arith.constant 0 : i32
      %add3A_40 = arith.addi %add3A_39, %mul3A_38 : i32
      %mul3A_41 = arith.constant 8000 : i32
      %mul3A_42 = arith.muli %add3A_40, %mul3A_41 : i32
      "tpu.region"() ({
        %run_scoped3A = tpu.sem_alloc : memref<!tpu.dma_semaphore, #tpu.memory_space<semaphore_mem>>
        %dma_start3A = tpu.memref_slice %arg3[%mul3A_42] : memref<320000xi32, #tpu.memory_space<hbm>> -> memref<8000xi32, #tpu.memory_space<hbm>>
        %dma_start3A_50 = tpu.memref_slice %arg3[%mul3A_42] : memref<320000xi32, #tpu.memory_space<hbm>> -> memref<8000xi32, #tpu.memory_space<hbm>>
        tpu.enqueue_dma source(%dma_start3A_50 : memref<8000xi32, #tpu.memory_space<hbm>>) target(%arg8 : memref<8000xi32, #tpu.memory_space<vmem>>) target_semaphore(%run_scoped3A : memref<!tpu.dma_semaphore, #tpu.memory_space<semaphore_mem>>)
        %dma_wait3A = tpu.memref_slice %arg3[%mul3A_42] : memref<320000xi32, #tpu.memory_space<hbm>> -> memref<8000xi32, #tpu.memory_space<hbm>>
        %dma_wait3A_51 = tpu.memref_slice %arg3[%mul3A_42] : memref<320000xi32, #tpu.memory_space<hbm>> -> memref<8000xi32, #tpu.memory_space<hbm>>
        tpu.wait_dma2 semaphore(%run_scoped3A : memref<!tpu.dma_semaphore, #tpu.memory_space<semaphore_mem>>) src(%dma_wait3A_51 : memref<8000xi32, #tpu.memory_space<hbm>>) dst(%arg8 : memref<8000xi32, #tpu.memory_space<vmem>>)
        tpu.yield
      }) : () -> ()
      %mul3A_43 = arith.constant 8000 : i32
      %mul3A_44 = arith.muli %add3A_40, %mul3A_43 : i32
      "tpu.region"() ({
        %run_scoped3A = tpu.sem_alloc : memref<!tpu.dma_semaphore, #tpu.memory_space<semaphore_mem>>
        %dma_start3A = tpu.memref_slice %arg4[%mul3A_44] : memref<320000xf32, #tpu.memory_space<hbm>> -> memref<8000xf32, #tpu.memory_space<hbm>>
        %dma_start3A_50 = tpu.memref_slice %arg4[%mul3A_44] : memref<320000xf32, #tpu.memory_space<hbm>> -> memref<8000xf32, #tpu.memory_space<hbm>>
        tpu.enqueue_dma source(%dma_start3A_50 : memref<8000xf32, #tpu.memory_space<hbm>>) target(%arg9 : memref<8000xf32, #tpu.memory_space<vmem>>) target_semaphore(%run_scoped3A : memref<!tpu.dma_semaphore, #tpu.memory_space<semaphore_mem>>)
        %dma_wait3A = tpu.memref_slice %arg4[%mul3A_44] : memref<320000xf32, #tpu.memory_space<hbm>> -> memref<8000xf32, #tpu.memory_space<hbm>>
        %dma_wait3A_51 = tpu.memref_slice %arg4[%mul3A_44] : memref<320000xf32, #tpu.memory_space<hbm>> -> memref<8000xf32, #tpu.memory_space<hbm>>
        tpu.wait_dma2 semaphore(%run_scoped3A : memref<!tpu.dma_semaphore, #tpu.memory_space<semaphore_mem>>) src(%dma_wait3A_51 : memref<8000xf32, #tpu.memory_space<hbm>>) dst(%arg9 : memref<8000xf32, #tpu.memory_space<vmem>>)
        tpu.yield
      }) : () -> ()
      %scan3A_45 = arith.constant 0 : i32
      %scan3A_46 = arith.constant 500 : i32
      %scan3A_47 = arith.addi %scan3A_45, %scan3A_46 : i32
      %scan3A_48 = arith.constant 1 : i32
      scf.for %scan3A_50 = %scan3A_45 to %scan3A_47 step %scan3A_48  : i32 {
        %mul3A_51 = arith.constant 1 : i32
        %mul3A_52 = arith.muli %scan3A_50, %mul3A_51 : i32
        %add3A_53 = arith.constant 0 : i32
        %add3A_54 = arith.addi %add3A_53, %mul3A_52 : i32
        %mul3A_55 = arith.constant 16 : i32
        %mul3A_56 = arith.muli %add3A_54, %mul3A_55 : i32
        %get3A = arith.index_cast %mul3A_56 : i32 to index
        %get3A_57 = tpu.vector_load %arg8[%get3A] {strides = array<i32>} : memref<8000xi32, #tpu.memory_space<vmem>>, vector<16xi32>,
        %mul3A_58 = arith.constant 16 : i32
        %mul3A_59 = arith.muli %add3A_54, %mul3A_58 : i32
        %get3A_60 = arith.index_cast %mul3A_59 : i32 to index
        %get3A_61 = tpu.vector_load %arg9[%get3A_60] {strides = array<i32>} : memref<8000xf32, #tpu.memory_space<vmem>>, vector<16xf32>,
        %shift_right_logical3A = arith.constant 14 : i32
        %shift_right_logical3A_62 = vector.broadcast %shift_right_logical3A : i32 to vector<16xi32>
        %shift_right_logical3A_63 = arith.shrui %get3A_57, %shift_right_logical3A_62 : vector<16xi32>
        %and3A = arith.constant 16383 : i32
        %and3A_64 = vector.broadcast %and3A : i32 to vector<16xi32>
        %and3A_65 = arith.andi %get3A_57, %and3A_64 : vector<16xi32>
        %gather3A = tpu.vector_load_idx %arg6[%broadcast_in_dim3A_24, %shift_right_logical3A_63] : memref<4x10000xf32, #tpu.memory_space<vmem>>[vector<16xi32>, vector<16xi32>], vector<16xf32>,
        %mul3A_66 = arith.mulf %gather3A, %get3A_61 : vector<16xf32>
        tpu.vector_store_idx %arg7[%broadcast_in_dim3A_24, %and3A_65], %mul3A_66 {add = true} : memref<4x10000xf32, #tpu.memory_space<vmem>>[vector<16xi32>, vector<16xi32>], vector<16xf32>,
        %gather3A_67 = tpu.vector_load_idx %arg6[%broadcast_in_dim3A_26, %shift_right_logical3A_63] : memref<4x10000xf32, #tpu.memory_space<vmem>>[vector<16xi32>, vector<16xi32>], vector<16xf32>,
        %mul3A_68 = arith.mulf %gather3A_67, %get3A_61 : vector<16xf32>
        tpu.vector_store_idx %arg7[%broadcast_in_dim3A_26, %and3A_65], %mul3A_68 {add = true} : memref<4x10000xf32, #tpu.memory_space<vmem>>[vector<16xi32>, vector<16xi32>], vector<16xf32>,
        %gather3A_69 = tpu.vector_load_idx %arg6[%broadcast_in_dim3A_28, %shift_right_logical3A_63] : memref<4x10000xf32, #tpu.memory_space<vmem>>[vector<16xi32>, vector<16xi32>], vector<16xf32>,
        %mul3A_70 = arith.mulf %gather3A_69, %get3A_61 : vector<16xf32>
        tpu.vector_store_idx %arg7[%broadcast_in_dim3A_28, %and3A_65], %mul3A_70 {add = true} : memref<4x10000xf32, #tpu.memory_space<vmem>>[vector<16xi32>, vector<16xi32>], vector<16xf32>,
        %gather3A_71 = tpu.vector_load_idx %arg6[%broadcast_in_dim3A_30, %shift_right_logical3A_63] : memref<4x10000xf32, #tpu.memory_space<vmem>>[vector<16xi32>, vector<16xi32>], vector<16xf32>,
        %mul3A_72 = arith.mulf %gather3A_71, %get3A_61 : vector<16xf32>
        tpu.vector_store_idx %arg7[%broadcast_in_dim3A_30, %and3A_65], %mul3A_72 {add = true} : memref<4x10000xf32, #tpu.memory_space<vmem>>[vector<16xi32>, vector<16xi32>], vector<16xf32>,
      }
      %scan3A_49 = arith.constant 500 : i32
    }
    %scan3A_35 = arith.constant 40 : i32
    "tpu.region"() ({
      %run_scoped3A = tpu.sem_alloc : memref<!tpu.dma_semaphore, #tpu.memory_space<semaphore_mem>>
      %dma_start3A = arith.constant 0 : i32
      %dma_start3A_36 = tpu.memref_slice %arg5[%mul3A_2, %dma_start3A] : memref<128x10000xf32, #tpu.memory_space<hbm>> -> memref<4x10000xf32, #tpu.memory_space<hbm>>
      %dma_start3A_37 = arith.constant 0 : i32
      %dma_start3A_38 = tpu.memref_slice %arg5[%mul3A_2, %dma_start3A_37] : memref<128x10000xf32, #tpu.memory_space<hbm>> -> memref<4x10000xf32, #tpu.memory_space<hbm>>
      tpu.enqueue_dma source(%arg7 : memref<4x10000xf32, #tpu.memory_space<vmem>>) target(%dma_start3A_38 : memref<4x10000xf32, #tpu.memory_space<hbm>>) target_semaphore(%run_scoped3A : memref<!tpu.dma_semaphore, #tpu.memory_space<semaphore_mem>>)
      %dma_wait3A = arith.constant 0 : i32
      %dma_wait3A_39 = tpu.memref_slice %arg5[%mul3A_2, %dma_wait3A] : memref<128x10000xf32, #tpu.memory_space<hbm>> -> memref<4x10000xf32, #tpu.memory_space<hbm>>
      %dma_wait3A_40 = arith.constant 0 : i32
      %dma_wait3A_41 = tpu.memref_slice %arg5[%mul3A_2, %dma_wait3A_40] : memref<128x10000xf32, #tpu.memory_space<hbm>> -> memref<4x10000xf32, #tpu.memory_space<hbm>>
      tpu.wait_dma2 semaphore(%run_scoped3A : memref<!tpu.dma_semaphore, #tpu.memory_space<semaphore_mem>>) src(%arg7 : memref<4x10000xf32, #tpu.memory_space<vmem>>) dst(%dma_wait3A_41 : memref<4x10000xf32, #tpu.memory_space<hbm>>)
      tpu.yield
    }) : () -> ()
    return
  }
}

module attributes {stable_mosaic.version = 14 : i64} {
  func.func @_enc_body(%arg0: memref<128x10000xf32, #tpu.memory_space<vmem>>, %arg1: memref<128x128xf32, #tpu.memory_space<vmem>>, %arg2: memref<128x1xf32, #tpu.memory_space<vmem>>, %arg3: memref<128x10000xf32, #tpu.memory_space<vmem>>, %arg4: memref<128x10000xf32, #tpu.memory_space<vmem>>) attributes {dimension_semantics = [], scalar_prefetch = 0 : i64, scratch_operands = 0 : i64, tpu.core_type = #tpu.core_type<tc>} {
    %get3A = arith.constant 0 : index
    %get3A_0 = arith.constant 0 : index
    %get3A_1 = vector.load %arg1[%get3A, %get3A_0] : memref<128x128xf32, #tpu.memory_space<vmem>>, vector<128x128xf32>
    %get3A_2 = arith.constant 0 : index
    %get3A_3 = arith.constant 0 : index
    %get3A_4 = vector.load %arg0[%get3A_2, %get3A_3] : memref<128x10000xf32, #tpu.memory_space<vmem>>, vector<128x10000xf32>
    %dot_general3A = arith.constant dense<0.000000e+00> : vector<128x10000xf32>
    %dot_general3A_5 = tpu.matmul %get3A_1, %get3A_4, %dot_general3A {dimension_numbers = #tpu.dot_dimension_numbers<[1], [0], [0], [1], [0, 0, 1, 1], [], []>, transpose_lhs_hint = false} : vector<128x128xf32>, vector<128x10000xf32>, vector<128x10000xf32> -> vector<128x10000xf32>
    %get3A_6 = arith.constant 0 : index
    %get3A_7 = arith.constant 0 : index
    %get3A_8 = vector.load %arg2[%get3A_6, %get3A_7] : memref<128x1xf32, #tpu.memory_space<vmem>>, vector<128x1xf32>
    %add3A = vector.broadcast %get3A_8 : vector<128x1xf32> to vector<128x10000xf32>
    %add3A_9 = arith.addf %dot_general3A_5, %add3A : vector<128x10000xf32>
    %swap3A = arith.constant 0 : index
    %swap3A_10 = arith.constant 0 : index
    %swap3A_11 = vector.load %arg3[%swap3A, %swap3A_10] : memref<128x10000xf32, #tpu.memory_space<vmem>>, vector<128x10000xf32>
    tpu.vector_store %arg3[%swap3A, %swap3A_10], %add3A_9 {strides = array<i32>} : memref<128x10000xf32, #tpu.memory_space<vmem>>, vector<128x10000xf32>,
    %mul3A = arith.constant 1.000000e+00 : f32
    %mul3A_12 = vector.broadcast %mul3A : f32 to vector<128x10000xf32>
    %mul3A_13 = arith.mulf %mul3A_12, %add3A_9 : vector<128x10000xf32>
    %swap3A_14 = arith.constant 0 : index
    %swap3A_15 = arith.constant 0 : index
    %swap3A_16 = vector.load %arg4[%swap3A_14, %swap3A_15] : memref<128x10000xf32, #tpu.memory_space<vmem>>, vector<128x10000xf32>
    tpu.vector_store %arg4[%swap3A_14, %swap3A_15], %mul3A_13 {strides = array<i32>} : memref<128x10000xf32, #tpu.memory_space<vmem>>, vector<128x10000xf32>,
    return
  }
}

module attributes {stable_mosaic.version = 14 : i64} {
  func.func @_upd_body(%arg0: memref<128x10000xf32, #tpu.memory_space<vmem>>, %arg1: memref<128x10000xf32, #tpu.memory_space<vmem>>, %arg2: memref<128x10000xf32, #tpu.memory_space<vmem>>, %arg3: memref<128x10000xf32, #tpu.memory_space<vmem>>, %arg4: memref<128x128xf32, #tpu.memory_space<vmem>>, %arg5: memref<128x10000xf32, #tpu.memory_space<vmem>>, %arg6: memref<128x10000xf32, #tpu.memory_space<vmem>>, %arg7: memref<128x10000xf32, #tpu.memory_space<vmem>>) attributes {dimension_semantics = [], scalar_prefetch = 0 : i64, scratch_operands = 0 : i64, tpu.core_type = #tpu.core_type<tc>} {
    %get3A = arith.constant 0 : index
    %get3A_0 = arith.constant 0 : index
    %get3A_1 = vector.load %arg4[%get3A, %get3A_0] : memref<128x128xf32, #tpu.memory_space<vmem>>, vector<128x128xf32>
    %get3A_2 = arith.constant 0 : index
    %get3A_3 = arith.constant 0 : index
    %get3A_4 = vector.load %arg0[%get3A_2, %get3A_3] : memref<128x10000xf32, #tpu.memory_space<vmem>>, vector<128x10000xf32>
    %dot_general3A = arith.constant dense<0.000000e+00> : vector<128x10000xf32>
    %dot_general3A_5 = tpu.matmul %get3A_1, %get3A_4, %dot_general3A {dimension_numbers = #tpu.dot_dimension_numbers<[1], [0], [0], [1], [0, 0, 1, 1], [], []>, transpose_lhs_hint = false} : vector<128x128xf32>, vector<128x10000xf32>, vector<128x10000xf32> -> vector<128x10000xf32>
    %get3A_6 = arith.constant 0 : index
    %get3A_7 = arith.constant 0 : index
    %get3A_8 = vector.load %arg1[%get3A_6, %get3A_7] : memref<128x10000xf32, #tpu.memory_space<vmem>>, vector<128x10000xf32>
    %get3A_9 = arith.constant 0 : index
    %get3A_10 = arith.constant 0 : index
    %get3A_11 = vector.load %arg2[%get3A_9, %get3A_10] : memref<128x10000xf32, #tpu.memory_space<vmem>>, vector<128x10000xf32>
    %mul3A = arith.constant 4.500000e-01 : f32
    %mul3A_12 = vector.broadcast %mul3A : f32 to vector<128x10000xf32>
    %mul3A_13 = arith.mulf %mul3A_12, %dot_general3A_5 : vector<128x10000xf32>
    %add3A = arith.addf %get3A_8, %mul3A_13 : vector<128x10000xf32>
    %div3A = arith.constant 2.000000e+00 : f32
    %div3A_14 = vector.broadcast %div3A : f32 to vector<128x10000xf32>
    %div3A_15 = arith.divf %add3A, %div3A_14 : vector<128x10000xf32>
    %mul3A_16 = arith.constant 2.000000e+00 : f32
    %mul3A_17 = vector.broadcast %mul3A_16 : f32 to vector<128x10000xf32>
    %mul3A_18 = arith.mulf %mul3A_17, %div3A_15 : vector<128x10000xf32>
    %sub3A = arith.subf %mul3A_18, %get3A_11 : vector<128x10000xf32>
    %max3A = arith.constant 0.000000e+00 : f32
    %max3A_19 = vector.broadcast %max3A : f32 to vector<128x10000xf32>
    %max3A_20 = arith.maximumf %sub3A, %max3A_19 : vector<128x10000xf32>
    %mul3A_21 = arith.constant 2.000000e+00 : f32
    %mul3A_22 = vector.broadcast %mul3A_21 : f32 to vector<128x10000xf32>
    %mul3A_23 = arith.mulf %mul3A_22, %max3A_20 : vector<128x10000xf32>
    %sub3A_24 = arith.subf %mul3A_23, %sub3A : vector<128x10000xf32>
    %swap3A = arith.constant 0 : index
    %swap3A_25 = arith.constant 0 : index
    %swap3A_26 = vector.load %arg5[%swap3A, %swap3A_25] : memref<128x10000xf32, #tpu.memory_space<vmem>>, vector<128x10000xf32>
    tpu.vector_store %arg5[%swap3A, %swap3A_25], %sub3A_24 {strides = array<i32>} : memref<128x10000xf32, #tpu.memory_space<vmem>>, vector<128x10000xf32>,
    %get3A_27 = arith.constant 0 : index
    %get3A_28 = arith.constant 0 : index
    %get3A_29 = vector.load %arg3[%get3A_27, %get3A_28] : memref<128x10000xf32, #tpu.memory_space<vmem>>, vector<128x10000xf32>
    %mul3A_30 = arith.constant 1.000000e+00 : f32
    %mul3A_31 = vector.broadcast %mul3A_30 : f32 to vector<128x10000xf32>
    %mul3A_32 = arith.mulf %mul3A_31, %get3A_29 : vector<128x10000xf32>
    %add3A_33 = arith.addf %sub3A_24, %mul3A_32 : vector<128x10000xf32>
    %swap3A_34 = arith.constant 0 : index
    %swap3A_35 = arith.constant 0 : index
    %swap3A_36 = vector.load %arg6[%swap3A_34, %swap3A_35] : memref<128x10000xf32, #tpu.memory_space<vmem>>, vector<128x10000xf32>
    tpu.vector_store %arg6[%swap3A_34, %swap3A_35], %add3A_33 {strides = array<i32>} : memref<128x10000xf32, #tpu.memory_space<vmem>>, vector<128x10000xf32>,
    %swap3A_37 = arith.constant 0 : index
    %swap3A_38 = arith.constant 0 : index
    %swap3A_39 = vector.load %arg7[%swap3A_37, %swap3A_38] : memref<128x10000xf32, #tpu.memory_space<vmem>>, vector<128x10000xf32>
    tpu.vector_store %arg7[%swap3A_37, %swap3A_38], %max3A_20 {strides = array<i32>} : memref<128x10000xf32, #tpu.memory_space<vmem>>, vector<128x10000xf32>,
    return
  }
}

module attributes {stable_mosaic.version = 14 : i64} {
  func.func @_upd_body(%arg0: memref<128x10000xf32, #tpu.memory_space<vmem>>, %arg1: memref<128x10000xf32, #tpu.memory_space<vmem>>, %arg2: memref<128x10000xf32, #tpu.memory_space<vmem>>, %arg3: memref<128x10000xf32, #tpu.memory_space<vmem>>, %arg4: memref<128x128xf32, #tpu.memory_space<vmem>>, %arg5: memref<128x10000xf32, #tpu.memory_space<vmem>>, %arg6: memref<128x10000xf32, #tpu.memory_space<vmem>>, %arg7: memref<128x10000xf32, #tpu.memory_space<vmem>>) attributes {dimension_semantics = [], scalar_prefetch = 0 : i64, scratch_operands = 0 : i64, tpu.core_type = #tpu.core_type<tc>} {
    %get3A = arith.constant 0 : index
    %get3A_0 = arith.constant 0 : index
    %get3A_1 = vector.load %arg4[%get3A, %get3A_0] : memref<128x128xf32, #tpu.memory_space<vmem>>, vector<128x128xf32>
    %get3A_2 = arith.constant 0 : index
    %get3A_3 = arith.constant 0 : index
    %get3A_4 = vector.load %arg0[%get3A_2, %get3A_3] : memref<128x10000xf32, #tpu.memory_space<vmem>>, vector<128x10000xf32>
    %dot_general3A = arith.constant dense<0.000000e+00> : vector<128x10000xf32>
    %dot_general3A_5 = tpu.matmul %get3A_1, %get3A_4, %dot_general3A {dimension_numbers = #tpu.dot_dimension_numbers<[1], [0], [0], [1], [0, 0, 1, 1], [], []>, transpose_lhs_hint = false} : vector<128x128xf32>, vector<128x10000xf32>, vector<128x10000xf32> -> vector<128x10000xf32>
    %get3A_6 = arith.constant 0 : index
    %get3A_7 = arith.constant 0 : index
    %get3A_8 = vector.load %arg1[%get3A_6, %get3A_7] : memref<128x10000xf32, #tpu.memory_space<vmem>>, vector<128x10000xf32>
    %get3A_9 = arith.constant 0 : index
    %get3A_10 = arith.constant 0 : index
    %get3A_11 = vector.load %arg2[%get3A_9, %get3A_10] : memref<128x10000xf32, #tpu.memory_space<vmem>>, vector<128x10000xf32>
    %mul3A = arith.constant 4.500000e-01 : f32
    %mul3A_12 = vector.broadcast %mul3A : f32 to vector<128x10000xf32>
    %mul3A_13 = arith.mulf %mul3A_12, %dot_general3A_5 : vector<128x10000xf32>
    %add3A = arith.addf %get3A_8, %mul3A_13 : vector<128x10000xf32>
    %div3A = arith.constant 2.000000e+00 : f32
    %div3A_14 = vector.broadcast %div3A : f32 to vector<128x10000xf32>
    %div3A_15 = arith.divf %add3A, %div3A_14 : vector<128x10000xf32>
    %mul3A_16 = arith.constant 2.000000e+00 : f32
    %mul3A_17 = vector.broadcast %mul3A_16 : f32 to vector<128x10000xf32>
    %mul3A_18 = arith.mulf %mul3A_17, %div3A_15 : vector<128x10000xf32>
    %sub3A = arith.subf %mul3A_18, %get3A_11 : vector<128x10000xf32>
    %max3A = arith.constant 0.000000e+00 : f32
    %max3A_19 = vector.broadcast %max3A : f32 to vector<128x10000xf32>
    %max3A_20 = arith.maximumf %sub3A, %max3A_19 : vector<128x10000xf32>
    %mul3A_21 = arith.constant 2.000000e+00 : f32
    %mul3A_22 = vector.broadcast %mul3A_21 : f32 to vector<128x10000xf32>
    %mul3A_23 = arith.mulf %mul3A_22, %max3A_20 : vector<128x10000xf32>
    %sub3A_24 = arith.subf %mul3A_23, %sub3A : vector<128x10000xf32>
    %swap3A = arith.constant 0 : index
    %swap3A_25 = arith.constant 0 : index
    %swap3A_26 = vector.load %arg5[%swap3A, %swap3A_25] : memref<128x10000xf32, #tpu.memory_space<vmem>>, vector<128x10000xf32>
    tpu.vector_store %arg5[%swap3A, %swap3A_25], %sub3A_24 {strides = array<i32>} : memref<128x10000xf32, #tpu.memory_space<vmem>>, vector<128x10000xf32>,
    %get3A_27 = arith.constant 0 : index
    %get3A_28 = arith.constant 0 : index
    %get3A_29 = vector.load %arg3[%get3A_27, %get3A_28] : memref<128x10000xf32, #tpu.memory_space<vmem>>, vector<128x10000xf32>
    %mul3A_30 = arith.constant 1.000000e+00 : f32
    %mul3A_31 = vector.broadcast %mul3A_30 : f32 to vector<128x10000xf32>
    %mul3A_32 = arith.mulf %mul3A_31, %get3A_29 : vector<128x10000xf32>
    %add3A_33 = arith.addf %sub3A_24, %mul3A_32 : vector<128x10000xf32>
    %swap3A_34 = arith.constant 0 : index
    %swap3A_35 = arith.constant 0 : index
    %swap3A_36 = vector.load %arg6[%swap3A_34, %swap3A_35] : memref<128x10000xf32, #tpu.memory_space<vmem>>, vector<128x10000xf32>
    tpu.vector_store %arg6[%swap3A_34, %swap3A_35], %add3A_33 {strides = array<i32>} : memref<128x10000xf32, #tpu.memory_space<vmem>>, vector<128x10000xf32>,
    %swap3A_37 = arith.constant 0 : index
    %swap3A_38 = arith.constant 0 : index
    %swap3A_39 = vector.load %arg7[%swap3A_37, %swap3A_38] : memref<128x10000xf32, #tpu.memory_space<vmem>>, vector<128x10000xf32>
    tpu.vector_store %arg7[%swap3A_37, %swap3A_38], %max3A_20 {strides = array<i32>} : memref<128x10000xf32, #tpu.memory_space<vmem>>, vector<128x10000xf32>,
    return
  }
}

module attributes {stable_mosaic.version = 14 : i64} {
  func.func @_dec_body(%arg0: memref<128x10000xf32, #tpu.memory_space<vmem>>, %arg1: memref<128x128xf32, #tpu.memory_space<vmem>>, %arg2: memref<128x10000xf32, #tpu.memory_space<vmem>>) attributes {dimension_semantics = [], scalar_prefetch = 0 : i64, scratch_operands = 0 : i64, tpu.core_type = #tpu.core_type<tc>} {
    %get3A = arith.constant 0 : index
    %get3A_0 = arith.constant 0 : index
    %get3A_1 = vector.load %arg1[%get3A, %get3A_0] : memref<128x128xf32, #tpu.memory_space<vmem>>, vector<128x128xf32>
    %get3A_2 = arith.constant 0 : index
    %get3A_3 = arith.constant 0 : index
    %get3A_4 = vector.load %arg0[%get3A_2, %get3A_3] : memref<128x10000xf32, #tpu.memory_space<vmem>>, vector<128x10000xf32>
    %max3A = arith.constant 0.000000e+00 : f32
    %max3A_5 = vector.broadcast %max3A : f32 to vector<128x10000xf32>
    %max3A_6 = arith.maximumf %get3A_4, %max3A_5 : vector<128x10000xf32>
    %dot_general3A = arith.constant dense<0.000000e+00> : vector<128x10000xf32>
    %dot_general3A_7 = tpu.matmul %get3A_1, %max3A_6, %dot_general3A {dimension_numbers = #tpu.dot_dimension_numbers<[1], [0], [0], [1], [0, 0, 1, 1], [], []>, transpose_lhs_hint = false} : vector<128x128xf32>, vector<128x10000xf32>, vector<128x10000xf32> -> vector<128x10000xf32>
    %swap3A = arith.constant 0 : index
    %swap3A_8 = arith.constant 0 : index
    %swap3A_9 = vector.load %arg2[%swap3A, %swap3A_8] : memref<128x10000xf32, #tpu.memory_space<vmem>>, vector<128x10000xf32>
    tpu.vector_store %arg2[%swap3A, %swap3A_8], %dot_general3A_7 {strides = array<i32>} : memref<128x10000xf32, #tpu.memory_space<vmem>>, vector<128x10000xf32>,
    return
  }
}

</mosaic_0001>

<sc_bundles>
// kernel: kernel.24.cloned.1.call-start
scs
__scs_entry_jumppad:
0x0: {  	(pc) =	sbr.rel $0x88, $3  }
0x1: {  	(tag) =	ssettag $0x0;
	lr =	simm.s32 $0x1  }
0x2: {  	[smem:$0x3F9A] =	sst lr;
	_ =	strace $0xD0000000  }
0x3: {  	_ = 	snop  }
0x4: {  	_ = 	snop  }
0x5: {  	_ = 	snop  }
0x6: {  	_ = 	snop  }
0x7: {  	_ = 	snop  }
__scs_overlays_trampoline_lowered:
0x8: {  	[smem:$0x3FA9] =	sst s0  }
0x9: {  	[smem:$0x3FAA] =	sst s1  }
0xa: {  	[smem:$0x3FAB] =	sst s2  }
0xb: {  	[smem:$0x3FAC] =	sst s3  }
0xc: {  	[smem:$0x3FAD] =	sst s4  }
0xd: {  	[smem:$0x3FAE] =	sst s5  }
0xe: {  	[smem:$0x3FAF] =	sst s6  }
0xf: {  	[smem:$0x3FB0] =	sst s7  }
0x10: {  	[smem:$0x3FB1] =	sst s8  }
0x11: {  	[smem:$0x3FB2] =	sst s9;
	s0 =	simm.s32 @!p0 $0x0  }
0x12: {  	s1 =	sld [smem:$0x3F98];
	s0 =	simm.s32 @p0 $0x1  }
0x13: {  	[smem:$0x3FB3] =	sst s0;
	s0 =	simm.s32 @!p1 $0x0  }
0x14: {  	s2 =	sld [smem:$0x3F97];
	s0 =	simm.s32 @p1 $0x1  }
0x15: {  	[smem:$0x3FB4] =	sst s0;
	s0 =	simm.s32 @!p2 $0x0  }
0x16: {  	s3 =	sld [smem:$0x3FDB];
	s0 =	simm.s32 @p2 $0x1  }
0x17: {  	s4 =	simm.s32 $0x1BF5;
	[smem:$0x3FB6] =	sst s0  }
0x18: {  	s0 =	sld [smem:$0x3F99];
	_ =	swait.ge [sflag:s4], $0x0  }
0x19: {  	s7 =	sld [smem:$0x3F9A]  }
0x1a: {  	s8 =	sadd.s32 $0xFFFFE003, lr  }
0x1b: {  	s9 =	sadd.s32 $0xFFFFFEF7, lr;
	s5 =	simm.s32 $0xFFFFFFFF;
	p2 =	slt.u32 s8, $0xFFFFF086  }
0x1c: {  	p1 =	slt.u32 s9, $0xF7A;
	s5 =	simm.s32 @!p2 $0x0  }
0x1d: {  	s5 =	simm.s32 @p1 $0x1;
	p0 =	seq.s32 s7, s2  }
0x1e: {  	s7 =	smul.u32 @!p0 $0xF7A, s2;
	p2 =	seq.s32 @!p0 s5, $0x0  }
0x1f: {  	s9 =	smul.u32 $0xF7A, s1;
	s8 =	simm.s32 @!p0 $0x1BF5;
	p2 =	por !p2, p0  }
0x20: {  	[sflag:s8] =	ssyncset.s32 @!p0 $0xFFFFF086;
	s6 =	sadd.s32 @!p0 s3, s7;
	s7 =	simm.s32 @!p0 $0x108  }
0x21: {  	s3 =	sadd.s32 s3, s9;
	s6 =	sadd.s32 @!p0 $0x88, s6;
	s7 =	simm.s32 @p2 $0x1082  }
0x22: {  	[simem:s7], [sflag:s8] =	dma.local @!p0 [hbm:s6], $0xF7A  }
0x23: {  	s9 =	sor.u32 $0xD0000000, s2;
	s6 =	simm.s32 $0x108;
	_ =	swait.ge @!p0 [sflag:s8], $0x0  }
0x24: {  	s3 =	sadd.s32 $0x88, s3;
	s6 =	simm.s32 @!p1 $0x1082;
	[sflag:s4] =	ssyncset.s32 $0xFFFFF086  }
0x25: {  	[simem:s6], [sflag:s4] =	dma.local [hbm:s3], $0xF7A  }
0x26: {  	[smem:$0x3F9A] =	sst s1;
	(tag) =	ssettag s2;
	_ =	strace s9  }
0x27: {  	s1 =	sld [smem:$0x3FAA]  }
0x28: {  	s2 =	sld [smem:$0x3FAB]  }
0x29: {  	s4 =	sld [smem:$0x3FAD]  }
0x2a: {  	p0 =	seq.s32 s5, $0x0;
	s5 =	sld [smem:$0x3FAE]  }
0x2b: {  	s6 =	sld [smem:$0x3FAF]  }
0x2c: {  	s7 =	sld [smem:$0x3FB0]  }
0x2d: {  	s3 =	simm.s32 $0x108;
	s8 =	sld [smem:$0x3FB1]  }
0x2e: {  	s3 =	simm.s32 @!p0 $0x1082;
	s9 =	sld [smem:$0x3FB2]  }
0x2f: {  	lr =	sadd.s32 s0, s3;
	s0 =	sld [smem:$0x3FA9]  }
0x30: {  	s3 =	sld [smem:$0x3FAC]  }
0x31: {  	[smem:$0x3FB5] =	sst s10  }
0x32: {  	s10 =	sld [smem:$0x3FB3];
	_ =	sdelay $0x3  }
0x33: {  	p0 =	seq.s32 s10, $0x1;
	s10 =	sld [smem:$0x3FB5];
	_ =	sdelay $0x3  }
0x34: {  	[smem:$0x3FB5] =	sst s10  }
0x35: {  	s10 =	sld [smem:$0x3FB4];
	_ =	sdelay $0x3  }
0x36: {  	p1 =	seq.s32 s10, $0x1;
	s10 =	sld [smem:$0x3FB5];
	_ =	sdelay $0x3  }
0x37: {  	[smem:$0x3FB5] =	sst s10  }
0x38: {  	s10 =	sld [smem:$0x3FB6]  }
0x39: {  	_ = 	snop;
	(pc) =	sbr.ind lr, $3  }
0x3a: {  	_ = 	snop  }
0x3b: {  	_ = 	snop  }
0x3c: {  	p2 =	seq.s32 s10, $0x1;
	s10 =	sld [smem:$0x3FB5]  }
0x3d: {  	_ =	shalt  }
0x3e: {  	_ =	shalt  }
0x3f: {  	_ =	shalt  }
0x40: {  	_ =	shalt  }
0x41: {  	_ =	shalt  }
0x42: {  	_ =	shalt  }
0x43: {  	_ =	shalt  }
0x44: {  	_ =	shalt  }
0x45: {  	_ =	shalt  }
0x46: {  	_ =	shalt  }
0x47: {  	_ =	shalt  }
0x48: {  	_ =	shalt  }
0x49: {  	_ =	shalt  }
0x4a: {  	_ =	shalt  }
0x4b: {  	_ =	shalt  }
0x4c: {  	_ =	shalt  }
0x4d: {  	_ =	shalt  }
0x4e: {  	_ =	shalt  }
0x4f: {  	_ =	shalt  }
0x50: {  	_ =	shalt  }
0x51: {  	_ =	shalt  }
0x52: {  	_ =	shalt  }
0x53: {  	_ =	shalt  }
0x54: {  	_ =	shalt  }
0x55: {  	_ =	shalt  }
0x56: {  	_ =	shalt  }
0x57: {  	_ =	shalt  }
0x58: {  	_ =	shalt  }
0x59: {  	_ =	shalt  }
0x5a: {  	_ =	shalt  }
0x5b: {  	_ =	shalt  }
0x5c: {  	_ =	shalt  }
0x5d: {  	_ =	shalt  }
0x5e: {  	_ =	shalt  }
0x5f: {  	_ =	shalt  }
0x60: {  	_ =	shalt  }
0x61: {  	_ =	shalt  }
0x62: {  	_ =	shalt  }
0x63: {  	_ =	shalt  }
0x64: {  	_ =	shalt  }
0x65: {  	_ =	shalt  }
0x66: {  	_ =	shalt  }
0x67: {  	_ =	shalt  }
0x68: {  	_ =	shalt  }
0x69: {  	_ =	shalt  }
0x6a: {  	_ =	shalt  }
0x6b: {  	_ =	shalt  }
0x6c: {  	_ =	shalt  }
0x6d: {  	_ =	shalt  }
0x6e: {  	_ =	shalt  }
0x6f: {  	_ =	shalt  }
0x70: {  	_ =	shalt  }
0x71: {  	_ =	shalt  }
0x72: {  	_ =	shalt  }
0x73: {  	_ =	shalt  }
0x74: {  	_ =	shalt  }
0x75: {  	_ =	shalt  }
0x76: {  	_ =	shalt  }
0x77: {  	_ =	shalt  }
0x78: {  	_ =	shalt  }
0x79: {  	_ =	shalt  }
0x7a: {  	_ =	shalt  }
0x7b: {  	_ =	shalt  }
0x7c: {  	_ =	shalt  }
0x7d: {  	_ =	shalt  }
0x7e: {  	_ =	shalt  }
0x7f: {  	_ =	shalt  }
0x80: {  	_ =	shalt  }
0x81: {  	_ =	shalt  }
0x82: {  	_ =	shalt  }
0x83: {  	_ =	shalt  }
0x84: {  	_ =	shalt  }
0x85: {  	_ =	shalt  }
0x86: {  	_ =	shalt  }
0x87: {  	_ =	shalt  }
.Lfunc_end0:
.L_simem_size_0:
called_computation_lowered:
.L_overlay_start_0:
0x88: {  	s2 =	sld [smem:$0x3FD9]  }
0x89: {  	s3 =	sld [smem:$0x3FFE];
	_ =	sdelay $0x1  }
0x8a: {  	s1 =	srdreg.scid  }
0x8b: {  	s0 =	sand.u32 $0x1, s1  }
0x8c: {  	s17 =	sshll.u32 s0, $0xA;
	s2 =	sadd.s32 s3, s2  }
0x8d: {  	s2 =	sadd.s32 s2, s17  }
0x8e: {  	[smem:$0x3FC1] =	sst s2  }
0x8f: {  	_ = 	snop  }
0x90: {  	s2 =	sld [smem:$0x3FC7]  }
0x91: {  	s18 =	sld [smem:$0x3FD0];
	(tm) =	ssettm $0x1  }
0x92: {  	s4 =	sld [smem:$0x3FFB];
	_ =	sdelay $0x3  }
0x93: {  	_ =	strace s4  }
0x94: {  	s4 =	sld [smem:$0x3FFC];
	_ =	sdelay $0x3  }
0x95: {  	_ =	strace s4  }
0x96: {  	s4 =	sld [smem:$0x3FFD];
	_ =	sdelay $0x3  }
0x97: {  	_ =	strace s4  }
0x98: {  	_ =	strace $0x8FFFFFFF  }
0x99: {  	s19 =	sld [smem:$0x3FDB];
	_ =	sdelay $0x1  }
0x9a: {  	s5 =	simm.s32 $_scs_section_size  }
0x9b: {  	s6 =	simm.s32 $_size__tile_overlayer_lowered;
	s7 =	simm.s32 $_tile_overlayer_lowered  }
0x9c: {  	s22 =	simm.s32 $0x1BFF;
	s21 =	sshll.u32 s7, $0x1;
	s4 =	sadd.s32 s5, s19  }
0x9d: {  	s8 =	simm.s32 $0x0;
	s20 =	sshll.u32 s6, $0x1;
	s6 =	sadd.s32 s21, s4  }
0x9e: {  	[timem:s8], [sflag:s22] =	dma.local [hbm:s6], s20  }
0x9f: {  	_ =	swait.ge [sflag:s22], s20  }
0xa0: {  	s5 =	ssub.s32 $0x0, s20;
	[sflag:s22] =	ssyncset.done $0x0  }
0xa1: {  	[sflag:s22] =	ssyncadd.s32 s5;
	_ =	sdelay $0x1  }
0xa2: {  	s23 =	simm.s32 $0x1B8B  }
0xa3: {  	_ =	swait.ge [sflag:s23], $0x1  }
0xa4: {  	[sflag:s23] =	ssyncset.done $0x0  }
0xa5: {  	s25 =	simm.s32 $0x1B8E;
	s24 =	sld [smem:$0x3FFE];
	[sflag:s23] =	ssyncadd.s32 $0xFFFFFFFF  }
0xa6: {  	s26 =	simm.s32 $execute0_lowered;
	[smem:$0x3FD2] =	sst s25  }
0xa7: {  	s6 =	sshll.u32 s26, $0x1;
	_ =	strace $0x80000046;
	[dreg:$0x1] =	wrdreg $0xFFFFFFFF  }
0xa8: {  	s28 =	simm.s32 $_size_execute0_lowered;
	s4 =	sadd.s32 s4, s6;
	[dreg:$0x0] =	wrdreg $0x0  }
0xa9: {  	s6 =	sshll.u32 s28, $0x1;
	[dreg:$0x2] =	wrdreg s4  }
0xaa: {  	[dreg:$0x3] =	wrdreg s6  }
0xab: {  	[dreg:$0x4] =	wrdreg $0xC0  }
0xac: {  	_ =	task [dreg:s8], $0x5FFFF  }
0xad: {  	[dreg:$0x1] =	wrdreg $0xFFFFFFFF  }
0xae: {  	[dreg:$0x0] =	wrdreg $0x60  }
0xaf: {  	[dreg:$0x2] =	wrdreg s24  }
0xb0: {  	[dreg:$0x3] =	wrdreg s18  }
0xb1: {  	[dreg:$0x4] =	wrdreg s2  }
0xb2: {  	[dreg:$0x5] =	wrdreg $0x9  }
0xb3: {  	_ =	task.clear_ibuf [dreg:s8], $0x6FFFF;
	_ =	strace $0x90000046  }
0xb4: {  	s29 =	simm.s32 $0x9;
	_ =	strace $0x80000048  }
0xb5: {  	_ =	swait.ge [sflag:s29], $0x1  }
0xb6: {  	[sflag:s29] =	ssyncadd.s32 $0xFFFFFFFF  }
0xb7: {  	_ =	strace $0x90000048  }
0xb8: {  	_ =	sfence  }
0xb9: {  	s30 =	sld [smem:$0x0];
	_ =	sdelay $0x2  }
0xba: {  	s31 =	sshll.u32 s1, $0xD;
	s1 =	sshrl.u32 s1, $0x2  }
0xbb: {  	s3 =	sand.u32 $0x4000, s31;
	s1 =	sadd.s32 s1, s30  }
0xbc: {  	s0 =	sor.u32 s3, s0;
	s1 =	sshll.u32 s1, $0x11  }
0xbd: {  	s0 =	sor.u32 s1, s0  }
0xbe: {  	s0 =	sadd.s32 $0x8F2B, s0  }
0xbf: {  	[sflag:s0] =	ssyncadd.remote.s32 $0x1  }
0xc0: {  	_ =	sfence.sel $0xFFFF  }
0xc1: {  	[dreg:$0x0] =	wrdreg $0xFFFFFFFF;
	(pc) =	sbr.abs _section_cstart, $3  }
0xc2: {  	[dreg:$0x1] =	wrdreg $0xFFFFFFFF  }
0xc3: {  	_ =	task.clear_ibuf [dreg:s8], $0x2FFFF;
	_ =	strace $0x9FFFFFFF  }
0xc4: {  	(tm) =	ssettm $0x7FFFFFFF  }
0xc5: {  	_ =	shalt  }
tec
execute0_lowered:
.L_overlay_start_1:
0x0: {  	(tag) =	ssettag $0x1  }
0x1: {  	s5 =	rddreg [dreg:$0x0];
	s1 =	srdreg.scid  }
0x2: {  	s0 =	stileid.u32;
	s2 =	rddreg [dreg:$0x1]  }
0x3: {  	s3 =	rddreg [dreg:$0x2];
	s9 =	simm.s32 $0x400;
	s10 =	simm.s32 $0x1  }
0x4: {  	s11 =	simm.s32 $0x13C00;
	s6 =	sand.u32 $0x1, s1;
	s4 =	smul.u32 $0x13C00, s0  }
0x5: {  	s12 =	simm.s32 $0x15B80;
	s13 =	simm.s32 $0x9E00;
	s7 =	sshll.u32 s6, $0x9  }
0x6: {  	s14 =	simm.s32 $0x0;
	s1 =	rddreg [dreg:$0x3];
	s7 =	sor.u32 s7, s4  }
0x7: {  	s6 =	ssub.s32 $0x2, s6;
	s4 =	simm.s32 $0x0;
	s7 =	sshrl.u32 s7, $0x3  }
0x8: {  	s31 =	sshrl.u32 s6, $0x1;
	[smem:$0x7FF] =	sst s4;
	s7 =	sadd.s32 s7, s5  }
0x9: {  	s8 =	ssub.s32 s6, s31;
	_ =	strace $0x80000047;
	s5 =	sadd.s32 $0x7C00, s7  }
0xa: {  	v0 =	vimm.f32 $0.0e+00;
	s6 =	sadd.s32 $0x56C00, s7;
	s7 =	smax.u32 s8, $0x1;
	s8 =	simm.s32 $0x200  }
.LBB2_1:
0xb: {  	[tilespmem:s4], [sflag:$0x1] =	stream.strided.gather [hbm4b:s5+s8], $0x9E00, s9, s8, $0x38;
	[tilespmem:$0x17B00] =	vst v63  }
0xc: {  	_ =	swait.ge [sflag:s10], $0x9E00  }
0xd: {  	s15 =	sand.u32 $0x70, s4;
	s16 =	sand.u32 $0xFE00, s4;
	[sflag:s10] =	ssyncset.done $0x0  }
0xe: {  	s16 =	sor.u32 s15, s16;
	[sflag:s10] =	ssyncadd.s32 $0xFFFF6200  }
0xf: {  	s17 =	simm.s32 $0x0;
	s15 =	simm.s32 $0x10;
	[tilespmem:s16+$0x9E00] =	vst v0  }
.LBB2_2:
0x10: {  	p0 =	sne.s32 s15, $0x2700  }
.Ltmp0:
0x11: {  	_ = 	snop;
	(pc) =	sbr.rel @p0 .LBB2_2-.Ltmp0, $4  }
0x12: {  	s17 =	sadd.s32 $0x40, s17  }
0x13: {  	s16 =	sand.u32 $0x70, s15;
	s18 =	sand.u32 $0xFE00, s17  }
0x14: {  	s16 =	sor.u32 s16, s18  }
0x15: {  	s15 =	sadd.s32 $0x10, s15;
	[tilespmem:s16+$0x9E00] =	vst v0;
	s16 =	simm.s32 $0x0  }
0x16: {  	s15 =	sand.u32 $0x70, s16;
	s17 =	sand.u32 $0xFE00, s16  }
0x17: {  	s15 =	sor.u32 s15, s17  }
0x18: {  	s18 =	simm.s32 $0x0;
	s17 =	simm.s32 $0x10;
	[tilespmem:s15+$0x9E80] =	vst v0  }
.LBB2_4:
0x19: {  	p0 =	sne.s32 s17, $0x2700  }
.Ltmp1:
0x1a: {  	_ = 	snop;
	(pc) =	sbr.rel @p0 .LBB2_4-.Ltmp1, $4  }
0x1b: {  	s18 =	sadd.s32 $0x40, s18  }
0x1c: {  	s19 =	sand.u32 $0x70, s17;
	s20 =	sand.u32 $0xFE00, s18  }
0x1d: {  	s19 =	sor.u32 s19, s20  }
0x1e: {  	s17 =	sadd.s32 $0x10, s17;
	[tilespmem:s19+$0x9E80] =	vst v0  }
0x1f: {  	s17 =	simm.s32 $0x10;
	[tilespmem:s15+$0x9F00] =	vst v0  }
.LBB2_6:
0x20: {  	p0 =	sne.s32 s17, $0x2700  }
.Ltmp2:
0x21: {  	_ = 	snop;
	(pc) =	sbr.rel @p0 .LBB2_6-.Ltmp2, $4  }
0x22: {  	s16 =	sadd.s32 $0x40, s16  }
0x23: {  	s15 =	sand.u32 $0x70, s17;
	s18 =	sand.u32 $0xFE00, s16  }
0x24: {  	s15 =	sor.u32 s15, s18  }
0x25: {  	s17 =	sadd.s32 $0x10, s17;
	[tilespmem:s15+$0x9F00] =	vst v0;
	s15 =	simm.s32 $0x0  }
0x26: {  	s16 =	sand.u32 $0x70, s15;
	s17 =	sand.u32 $0xFE00, s15  }
0x27: {  	s17 =	sor.u32 s16, s17  }
0x28: {  	s16 =	simm.s32 $0x10;
	[tilespmem:s17+$0x9F80] =	vst v0;
	s17 =	simm.s32 $0x0  }
.LBB2_8:
0x29: {  	p0 =	sne.s32 s16, $0x2700  }
.Ltmp3:
0x2a: {  	_ = 	snop;
	(pc) =	sbr.rel @p0 .LBB2_8-.Ltmp3, $4  }
0x2b: {  	s17 =	sadd.s32 $0x40, s17  }
0x2c: {  	s18 =	sand.u32 $0x70, s16;
	s19 =	sand.u32 $0xFE00, s17  }
0x2d: {  	s18 =	sor.u32 s18, s19  }
0x2e: {  	s16 =	sadd.s32 $0x10, s16;
	[tilespmem:s18+$0x9F80] =	vst v0  }
.LBB2_9:
0x2f: {  	s16 =	smul.u32 $0x3E8, s15;
	_ =	sdelay $0x1  }
0x30: {  	s18 =	simm.s32 $0x0;
	s17 =	sadd.s32 s2, s16  }
0x31: {  	[tilespmem:s11], [sflag:$0x1] =	stream.linear.gather [hbm4b:s17+s18], $0x1F40, $0x38;
	[tilespmem:$0x17B00] =	vst v63  }
0x32: {  	_ =	swait.ge [sflag:s10], $0x1F40  }
0x33: {  	[sflag:s10] =	ssyncset.done $0x0  }
0x34: {  	s16 =	sadd.s32 s3, s16;
	[sflag:s10] =	ssyncadd.s32 $0xFFFFE0C0  }
0x35: {  	[tilespmem:s12], [sflag:$0x1] =	stream.linear.gather [hbm4b:s16+s18], $0x1F40, $0x38;
	[tilespmem:$0x17B00] =	vst v63  }
0x36: {  	_ =	swait.ge [sflag:s10], $0x1F40  }
0x37: {  	[sflag:s10] =	ssyncset.done $0x0  }
0x38: {  	s31 =	simm.s32 $0x0;
	[sflag:s10] =	ssyncadd.s32 $0xFFFFE0C0  }
0x39: {  	v1 =	vld [tilespmem:s31+$0x13C00];
	_ =	sdelay $0x4  }
0x3a: {  	v2 =	vshrl.u32 v1, $0xE;
	v3 =	vshrl.u32 v1, $0xC  }
0x3b: {  	v2 =	vand.u32 $0x7F, v2;
	v3 =	vand.u32 $0xFFE00, v3  }
0x3c: {  	v2 =	vor.u32 v2, v3;
	_ =	sdelay $0x3  }
0x3d: {  	v5 =	vld [tilespmem:s31+$0x15B80]  }
0x3e: {  	v4 =	vshll.u32 v1, $0x2;
	v3 =	vld.idx.msk [tilespmem:v2+s4+$0x0], $0xffff  }
0x3f: {  	v1 =	vand.u32 $0x7F, v1;
	v4 =	vand.u32 $0xFE00, v4  }
0x40: {  	v1 =	vor.u32 v1, v4  }
0x41: {  	v61 =	vor.u32 $0x80, v2;
	_ =	sdelay $0x1  }
0x42: {  	v3 =	vmul.f32 v3, v5;
	_ =	sdelay $0x1  }
0x43: {  	[tilespmem:v1+s13+$0x0] =	vst.idx.add.f32.msk $0xffff, v3  }
0x44: {  	v3 =	vld.idx.msk [tilespmem:v61+s4+$0x0], $0xffff;
	_ =	sdelay $0x1  }
0x45: {  	v62 =	vor.u32 $0x80, v1  }
0x46: {  	v6 =	vor.u32 $0x100, v2;
	_ =	sdelay $0x1  }
0x47: {  	v3 =	vmul.f32 v3, v5;
	_ =	sdelay $0x1  }
0x48: {  	[tilespmem:v62+s13+$0x0] =	vst.idx.add.f32.msk $0xffff, v3  }
0x49: {  	v3 =	vld.idx.msk [tilespmem:v6+s4+$0x0], $0xffff;
	_ =	sdelay $0x1  }
0x4a: {  	v63 =	vor.u32 $0x100, v1  }
0x4b: {  	v2 =	vor.u32 $0x180, v2;
	_ =	sdelay $0x1  }
0x4c: {  	v3 =	vmul.f32 v3, v5;
	_ =	sdelay $0x1  }
0x4d: {  	[tilespmem:v63+s13+$0x0] =	vst.idx.add.f32.msk $0xffff, v3  }
0x4e: {  	v2 =	vld.idx.msk [tilespmem:v2+s4+$0x0], $0xffff;
	_ =	sdelay $0x1  }
0x4f: {  	v1 =	vor.u32 $0x180, v1;
	_ =	sdelay $0x2  }
0x50: {  	s17 =	simm.s32 $0x80;
	s16 =	simm.s32 $0x40;
	v2 =	vmul.f32 v2, v5  }
.LBB2_10:
0x51: {  	p0 =	sne.s32 s17, $0x7CC0  }
0x52: {  	s18 =	sshra.s32 s16, $0x2;
	s16 =	smov.u32 s17;
	s17 =	sadd.s32 $0x40, s17;
	[tilespmem:v1+s13+$0x0] =	vst.idx.add.f32.msk $0xffff, v2  }
0x53: {  	v1 =	vld [tilespmem:s18+$0x13C00];
	_ =	sdelay $0x4  }
0x54: {  	v2 =	vshrl.u32 v1, $0xE;
	v3 =	vshrl.u32 v1, $0xC;
	v4 =	vshll.u32 v1, $0x2  }
0x55: {  	v2 =	vand.u32 $0x7F, v2;
	v3 =	vand.u32 $0xFFE00, v3;
	v4 =	vand.u32 $0xFE00, v4  }
0x56: {  	v2 =	vor.u32 v2, v3;
	_ =	sdelay $0x4  }
0x57: {  	v3 =	vld.idx.msk [tilespmem:v2+s4+$0x0], $0xffff  }
0x58: {  	v5 =	vld [tilespmem:s18+$0x15B80]  }
0x59: {  	v1 =	vand.u32 $0x7F, v1  }
0x5a: {  	v1 =	vor.u32 v1, v4  }
0x5b: {  	v4 =	vor.u32 $0x80, v2;
	_ =	sdelay $0x1  }
0x5c: {  	v3 =	vmul.f32 v3, v5;
	_ =	sdelay $0x1  }
0x5d: {  	[tilespmem:v1+s13+$0x0] =	vst.idx.add.f32.msk $0xffff, v3  }
0x5e: {  	v3 =	vld.idx.msk [tilespmem:v4+s4+$0x0], $0xffff;
	_ =	sdelay $0x2  }
0x5f: {  	v4 =	vor.u32 $0x80, v1  }
0x60: {  	v6 =	vor.u32 $0x100, v2;
	_ =	sdelay $0x1  }
0x61: {  	v3 =	vmul.f32 v3, v5;
	_ =	sdelay $0x1  }
0x62: {  	[tilespmem:v4+s13+$0x0] =	vst.idx.add.f32.msk $0xffff, v3  }
0x63: {  	v3 =	vld.idx.msk [tilespmem:v6+s4+$0x0], $0xffff;
	_ =	sdelay $0x2  }
0x64: {  	v4 =	vor.u32 $0x100, v1  }
0x65: {  	v2 =	vor.u32 $0x180, v2;
	_ =	sdelay $0x1  }
0x66: {  	v3 =	vmul.f32 v3, v5;
	_ =	sdelay $0x1  }
0x67: {  	[tilespmem:v4+s13+$0x0] =	vst.idx.add.f32.msk $0xffff, v3  }
0x68: {  	v2 =	vld.idx.msk [tilespmem:v2+s4+$0x0], $0xffff;
	_ =	sdelay $0x1  }
.Ltmp4:
0x69: {  	(pc) =	sbr.rel @p0 .LBB2_10-.Ltmp4, $2  }
0x6a: {  	v1 =	vor.u32 $0x180, v1;
	_ =	sdelay $0x2  }
0x6b: {  	v2 =	vmul.f32 v2, v5  }
0x6c: {  	_ =	sdelay $0x3  }
0x6d: {  	s16 =	sshra.s32 s16, $0x2;
	[tilespmem:v1+s13+$0x0] =	vst.idx.add.f32.msk $0xffff, v2  }
0x6e: {  	v1 =	vld [tilespmem:s16+$0x13C00];
	_ =	sdelay $0x4  }
0x6f: {  	v2 =	vshrl.u32 v1, $0xE;
	v3 =	vshrl.u32 v1, $0xC  }
0x70: {  	v2 =	vand.u32 $0x7F, v2;
	v3 =	vand.u32 $0xFFE00, v3  }
0x71: {  	v2 =	vor.u32 v2, v3;
	_ =	sdelay $0x3  }
0x72: {  	v5 =	vld [tilespmem:s16+$0x15B80]  }
0x73: {  	v4 =	vshll.u32 v1, $0x2;
	v3 =	vld.idx.msk [tilespmem:v2+s4+$0x0], $0xffff  }
0x74: {  	v1 =	vand.u32 $0x7F, v1;
	v4 =	vand.u32 $0xFE00, v4  }
0x75: {  	v1 =	vor.u32 v1, v4  }
0x76: {  	v61 =	vor.u32 $0x80, v2;
	_ =	sdelay $0x1  }
0x77: {  	v3 =	vmul.f32 v3, v5;
	_ =	sdelay $0x1  }
0x78: {  	[tilespmem:v1+s13+$0x0] =	vst.idx.add.f32.msk $0xffff, v3  }
0x79: {  	v3 =	vld.idx.msk [tilespmem:v61+s4+$0x0], $0xffff;
	_ =	sdelay $0x1  }
0x7a: {  	v62 =	vor.u32 $0x80, v1  }
0x7b: {  	v6 =	vor.u32 $0x100, v2;
	_ =	sdelay $0x1  }
0x7c: {  	v3 =	vmul.f32 v3, v5;
	_ =	sdelay $0x1  }
0x7d: {  	[tilespmem:v62+s13+$0x0] =	vst.idx.add.f32.msk $0xffff, v3  }
0x7e: {  	v3 =	vld.idx.msk [tilespmem:v6+s4+$0x0], $0xffff;
	_ =	sdelay $0x1  }
0x7f: {  	v63 =	vor.u32 $0x100, v1  }
0x80: {  	v2 =	vor.u32 $0x180, v2;
	_ =	sdelay $0x1  }
0x81: {  	v3 =	vmul.f32 v3, v5;
	_ =	sdelay $0x1  }
0x82: {  	[tilespmem:v63+s13+$0x0] =	vst.idx.add.f32.msk $0xffff, v3  }
0x83: {  	v2 =	vld.idx.msk [tilespmem:v2+s4+$0x0], $0xffff  }
0x84: {  	s15 =	sadd.s32 $0x1, s15  }
0x85: {  	p0 =	sne.s32 s15, $0x28;
	v1 =	vor.u32 $0x180, v1  }
.Ltmp5:
0x86: {  	_ = 	snop;
	(pc) =	sbr.rel @p0 .LBB2_9-.Ltmp5, $3  }
0x87: {  	_ = 	snop  }
0x88: {  	v2 =	vmul.f32 v2, v5;
	_ =	sdelay $0x1  }
0x89: {  	[tilespmem:v1+s13+$0x0] =	vst.idx.add.f32.msk $0xffff, v2  }
0x8a: {  	s14 =	sadd.s32 $0x1, s14  }
0x8b: {  	p0 =	sne.s32 s14, s7  }
.Ltmp6:
0x8c: {  	_ = 	snop;
	(pc) =	sbr.rel @p0 .LBB2_1-.Ltmp6, $4  }
0x8d: {  	[hbm4b:s6+s8] =	stream.strided.scatter [tilespmem:s13], [sflag:$0x1], $0x9E00, s9, s8, $0x38;
	[tilespmem:$0x17B00] =	vst v63  }
0x8e: {  	_ =	swait.ge [sflag:s10], $0x9E00  }
0x8f: {  	[sflag:s10] =	ssyncset.done $0x0  }
0x90: {  	[sflag:s10] =	ssyncadd.s32 $0xFFFF6200  }
0x91: {  	_ =	sfence.sel $0x180000  }
0x92: {  	[bflag:$0x0] =	sbarrier.arrive $0xFFFF  }
0x93: {  	p0 =	sne.s32 s0, $0x0;
	_ =	strace $0x90000047  }
0x94: {  	s0 =	sadd.s32 @!p0 $0x100000, s1;
	[bflag:$0x2] =	sbarrier.arrive $0xFFFF  }
0x95: {  	[sflag:s0] =	ssyncadd.tile.s32 @!p0 $0x1;
	_ =	shalt  }
.Lfunc_end2:
_tile_overlayer_lowered:
.L_overlay_start_2:
0x96: {  	(tag) =	ssettag $0x2  }
0x97: {  	s0 =	rddreg [dreg:$0x0];
	s2 =	stileid.u32  }
0x98: {  	s1 =	rddreg [dreg:$0x1];
	p0 =	sne.s32 s2, $0x0  }
0x99: {  	s3 =	rddreg [dreg:$0x2];
	[bflag:$0x3] =	sbarrier.arrive $0xFFFF;
	s2 =	simm.s32 @!p0 $0x1C01  }
0x9a: {  	[timem:s3], [sflag:s2] =	dma.local @!p0 [hbm:s0], s1  }
0x9b: {  	s0 =	simm.s32 @!p0 $0x1  }
0x9c: {  	_ =	swait.ge @!p0 [sflag:s0], s1  }
0x9d: {  	s1 =	ssub.s32 @!p0 $0x0, s1;
	[sflag:s0] =	ssyncset.done @!p0 $0x0  }
0x9e: {  	[sflag:s0] =	ssyncadd.s32 @!p0 s1  }
0x9f: {  	[bflag:$0x3] =	sbarrier.arrive $0xFFFF  }
0xa0: {  	_ =	shalt  }

// kernel: kernel.27.cloned.1.call-start
scs
__scs_entry_jumppad:
0x0: {  	(pc) =	sbr.rel $0x88, $3  }
0x1: {  	(tag) =	ssettag $0x0;
	lr =	simm.s32 $0x1  }
0x2: {  	[smem:$0x3F9A] =	sst lr;
	_ =	strace $0xD0000000  }
0x3: {  	_ = 	snop  }
0x4: {  	_ = 	snop  }
0x5: {  	_ = 	snop  }
0x6: {  	_ = 	snop  }
0x7: {  	_ = 	snop  }
__scs_overlays_trampoline_lowered:
0x8: {  	[smem:$0x3FA9] =	sst s0  }
0x9: {  	[smem:$0x3FAA] =	sst s1  }
0xa: {  	[smem:$0x3FAB] =	sst s2  }
0xb: {  	[smem:$0x3FAC] =	sst s3  }
0xc: {  	[smem:$0x3FAD] =	sst s4  }
0xd: {  	[smem:$0x3FAE] =	sst s5  }
0xe: {  	[smem:$0x3FAF] =	sst s6  }
0xf: {  	[smem:$0x3FB0] =	sst s7  }
0x10: {  	[smem:$0x3FB1] =	sst s8  }
0x11: {  	[smem:$0x3FB2] =	sst s9;
	s0 =	simm.s32 @!p0 $0x0  }
0x12: {  	s1 =	sld [smem:$0x3F98];
	s0 =	simm.s32 @p0 $0x1  }
0x13: {  	[smem:$0x3FB3] =	sst s0;
	s0 =	simm.s32 @!p1 $0x0  }
0x14: {  	s2 =	sld [smem:$0x3F97];
	s0 =	simm.s32 @p1 $0x1  }
0x15: {  	[smem:$0x3FB4] =	sst s0;
	s0 =	simm.s32 @!p2 $0x0  }
0x16: {  	s3 =	sld [smem:$0x3FDB];
	s0 =	simm.s32 @p2 $0x1  }
0x17: {  	s4 =	simm.s32 $0x1BF5;
	[smem:$0x3FB6] =	sst s0  }
0x18: {  	s0 =	sld [smem:$0x3F99];
	_ =	swait.ge [sflag:s4], $0x0  }
0x19: {  	s7 =	sld [smem:$0x3F9A]  }
0x1a: {  	s8 =	sadd.s32 $0xFFFFE003, lr  }
0x1b: {  	s9 =	sadd.s32 $0xFFFFFEF7, lr;
	s5 =	simm.s32 $0xFFFFFFFF;
	p2 =	slt.u32 s8, $0xFFFFF086  }
0x1c: {  	p1 =	slt.u32 s9, $0xF7A;
	s5 =	simm.s32 @!p2 $0x0  }
0x1d: {  	s5 =	simm.s32 @p1 $0x1;
	p0 =	seq.s32 s7, s2  }
0x1e: {  	s7 =	smul.u32 @!p0 $0xF7A, s2;
	p2 =	seq.s32 @!p0 s5, $0x0  }
0x1f: {  	s9 =	smul.u32 $0xF7A, s1;
	s8 =	simm.s32 @!p0 $0x1BF5;
	p2 =	por !p2, p0  }
0x20: {  	[sflag:s8] =	ssyncset.s32 @!p0 $0xFFFFF086;
	s6 =	sadd.s32 @!p0 s3, s7;
	s7 =	simm.s32 @!p0 $0x108  }
0x21: {  	s3 =	sadd.s32 s3, s9;
	s6 =	sadd.s32 @!p0 $0x88, s6;
	s7 =	simm.s32 @p2 $0x1082  }
0x22: {  	[simem:s7], [sflag:s8] =	dma.local @!p0 [hbm:s6], $0xF7A  }
0x23: {  	s9 =	sor.u32 $0xD0000000, s2;
	s6 =	simm.s32 $0x108;
	_ =	swait.ge @!p0 [sflag:s8], $0x0  }
0x24: {  	s3 =	sadd.s32 $0x88, s3;
	s6 =	simm.s32 @!p1 $0x1082;
	[sflag:s4] =	ssyncset.s32 $0xFFFFF086  }
0x25: {  	[simem:s6], [sflag:s4] =	dma.local [hbm:s3], $0xF7A  }
0x26: {  	[smem:$0x3F9A] =	sst s1;
	(tag) =	ssettag s2;
	_ =	strace s9  }
0x27: {  	s1 =	sld [smem:$0x3FAA]  }
0x28: {  	s2 =	sld [smem:$0x3FAB]  }
0x29: {  	s4 =	sld [smem:$0x3FAD]  }
0x2a: {  	p0 =	seq.s32 s5, $0x0;
	s5 =	sld [smem:$0x3FAE]  }
0x2b: {  	s6 =	sld [smem:$0x3FAF]  }
0x2c: {  	s7 =	sld [smem:$0x3FB0]  }
0x2d: {  	s3 =	simm.s32 $0x108;
	s8 =	sld [smem:$0x3FB1]  }
0x2e: {  	s3 =	simm.s32 @!p0 $0x1082;
	s9 =	sld [smem:$0x3FB2]  }
0x2f: {  	lr =	sadd.s32 s0, s3;
	s0 =	sld [smem:$0x3FA9]  }
0x30: {  	s3 =	sld [smem:$0x3FAC]  }
0x31: {  	[smem:$0x3FB5] =	sst s10  }
0x32: {  	s10 =	sld [smem:$0x3FB3];
	_ =	sdelay $0x3  }
0x33: {  	p0 =	seq.s32 s10, $0x1;
	s10 =	sld [smem:$0x3FB5];
	_ =	sdelay $0x3  }
0x34: {  	[smem:$0x3FB5] =	sst s10  }
0x35: {  	s10 =	sld [smem:$0x3FB4];
	_ =	sdelay $0x3  }
0x36: {  	p1 =	seq.s32 s10, $0x1;
	s10 =	sld [smem:$0x3FB5];
	_ =	sdelay $0x3  }
0x37: {  	[smem:$0x3FB5] =	sst s10  }
0x38: {  	s10 =	sld [smem:$0x3FB6]  }
0x39: {  	_ = 	snop;
	(pc) =	sbr.ind lr, $3  }
0x3a: {  	_ = 	snop  }
0x3b: {  	_ = 	snop  }
0x3c: {  	p2 =	seq.s32 s10, $0x1;
	s10 =	sld [smem:$0x3FB5]  }
0x3d: {  	_ =	shalt  }
0x3e: {  	_ =	shalt  }
0x3f: {  	_ =	shalt  }
0x40: {  	_ =	shalt  }
0x41: {  	_ =	shalt  }
0x42: {  	_ =	shalt  }
0x43: {  	_ =	shalt  }
0x44: {  	_ =	shalt  }
0x45: {  	_ =	shalt  }
0x46: {  	_ =	shalt  }
0x47: {  	_ =	shalt  }
0x48: {  	_ =	shalt  }
0x49: {  	_ =	shalt  }
0x4a: {  	_ =	shalt  }
0x4b: {  	_ =	shalt  }
0x4c: {  	_ =	shalt  }
0x4d: {  	_ =	shalt  }
0x4e: {  	_ =	shalt  }
0x4f: {  	_ =	shalt  }
0x50: {  	_ =	shalt  }
0x51: {  	_ =	shalt  }
0x52: {  	_ =	shalt  }
0x53: {  	_ =	shalt  }
0x54: {  	_ =	shalt  }
0x55: {  	_ =	shalt  }
0x56: {  	_ =	shalt  }
0x57: {  	_ =	shalt  }
0x58: {  	_ =	shalt  }
0x59: {  	_ =	shalt  }
0x5a: {  	_ =	shalt  }
0x5b: {  	_ =	shalt  }
0x5c: {  	_ =	shalt  }
0x5d: {  	_ =	shalt  }
0x5e: {  	_ =	shalt  }
0x5f: {  	_ =	shalt  }
0x60: {  	_ =	shalt  }
0x61: {  	_ =	shalt  }
0x62: {  	_ =	shalt  }
0x63: {  	_ =	shalt  }
0x64: {  	_ =	shalt  }
0x65: {  	_ =	shalt  }
0x66: {  	_ =	shalt  }
0x67: {  	_ =	shalt  }
0x68: {  	_ =	shalt  }
0x69: {  	_ =	shalt  }
0x6a: {  	_ =	shalt  }
0x6b: {  	_ =	shalt  }
0x6c: {  	_ =	shalt  }
0x6d: {  	_ =	shalt  }
0x6e: {  	_ =	shalt  }
0x6f: {  	_ =	shalt  }
0x70: {  	_ =	shalt  }
0x71: {  	_ =	shalt  }
0x72: {  	_ =	shalt  }
0x73: {  	_ =	shalt  }
0x74: {  	_ =	shalt  }
0x75: {  	_ =	shalt  }
0x76: {  	_ =	shalt  }
0x77: {  	_ =	shalt  }
0x78: {  	_ =	shalt  }
0x79: {  	_ =	shalt  }
0x7a: {  	_ =	shalt  }
0x7b: {  	_ =	shalt  }
0x7c: {  	_ =	shalt  }
0x7d: {  	_ =	shalt  }
0x7e: {  	_ =	shalt  }
0x7f: {  	_ =	shalt  }
0x80: {  	_ =	shalt  }
0x81: {  	_ =	shalt  }
0x82: {  	_ =	shalt  }
0x83: {  	_ =	shalt  }
0x84: {  	_ =	shalt  }
0x85: {  	_ =	shalt  }
0x86: {  	_ =	shalt  }
0x87: {  	_ =	shalt  }
.Lfunc_end0:
.L_simem_size_0:
called_computation.1_lowered:
.L_overlay_start_0:
0x88: {  	s2 =	sld [smem:$0x3FD9]  }
0x89: {  	s3 =	sld [smem:$0x3FFE];
	_ =	sdelay $0x1  }
0x8a: {  	s1 =	srdreg.scid  }
0x8b: {  	s0 =	sand.u32 $0x1, s1  }
0x8c: {  	s17 =	sshll.u32 s0, $0xA;
	s2 =	sadd.s32 s3, s2  }
0x8d: {  	s2 =	sadd.s32 s2, s17  }
0x8e: {  	[smem:$0x3FC1] =	sst s2  }
0x8f: {  	_ = 	snop  }
0x90: {  	s2 =	sld [smem:$0x3FC7]  }
0x91: {  	s18 =	sld [smem:$0x3FD0];
	(tm) =	ssettm $0x1  }
0x92: {  	s4 =	sld [smem:$0x3FFB];
	_ =	sdelay $0x3  }
0x93: {  	_ =	strace s4  }
0x94: {  	s4 =	sld [smem:$0x3FFC];
	_ =	sdelay $0x3  }
0x95: {  	_ =	strace s4  }
0x96: {  	s4 =	sld [smem:$0x3FFD];
	_ =	sdelay $0x3  }
0x97: {  	_ =	strace s4  }
0x98: {  	_ =	strace $0x8FFFFFFF  }
0x99: {  	s19 =	sld [smem:$0x3FDB];
	_ =	sdelay $0x1  }
0x9a: {  	s5 =	simm.s32 $_scs_section_size  }
0x9b: {  	s6 =	simm.s32 $_size__tile_overlayer_lowered;
	s7 =	simm.s32 $_tile_overlayer_lowered  }
0x9c: {  	s22 =	simm.s32 $0x1BFF;
	s21 =	sshll.u32 s7, $0x1;
	s4 =	sadd.s32 s5, s19  }
0x9d: {  	s8 =	simm.s32 $0x0;
	s20 =	sshll.u32 s6, $0x1;
	s6 =	sadd.s32 s21, s4  }
0x9e: {  	[timem:s8], [sflag:s22] =	dma.local [hbm:s6], s20  }
0x9f: {  	_ =	swait.ge [sflag:s22], s20  }
0xa0: {  	s5 =	ssub.s32 $0x0, s20;
	[sflag:s22] =	ssyncset.done $0x0  }
0xa1: {  	[sflag:s22] =	ssyncadd.s32 s5;
	_ =	sdelay $0x1  }
0xa2: {  	s23 =	simm.s32 $0x1B8B  }
0xa3: {  	_ =	swait.ge [sflag:s23], $0x1  }
0xa4: {  	[sflag:s23] =	ssyncset.done $0x0  }
0xa5: {  	s25 =	simm.s32 $0x1B8E;
	s24 =	sld [smem:$0x3FFE];
	[sflag:s23] =	ssyncadd.s32 $0xFFFFFFFF  }
0xa6: {  	s26 =	simm.s32 $execute0_lowered;
	[smem:$0x3FD2] =	sst s25  }
0xa7: {  	s6 =	sshll.u32 s26, $0x1;
	_ =	strace $0x80000049;
	[dreg:$0x1] =	wrdreg $0xFFFFFFFF  }
0xa8: {  	s28 =	simm.s32 $_size_execute0_lowered;
	s4 =	sadd.s32 s4, s6;
	[dreg:$0x0] =	wrdreg $0x0  }
0xa9: {  	s6 =	sshll.u32 s28, $0x1;
	[dreg:$0x2] =	wrdreg s4  }
0xaa: {  	[dreg:$0x3] =	wrdreg s6  }
0xab: {  	[dreg:$0x4] =	wrdreg $0xC0  }
0xac: {  	_ =	task [dreg:s8], $0x5FFFF  }
0xad: {  	[dreg:$0x1] =	wrdreg $0xFFFFFFFF  }
0xae: {  	[dreg:$0x0] =	wrdreg $0x60  }
0xaf: {  	[dreg:$0x2] =	wrdreg s24  }
0xb0: {  	[dreg:$0x3] =	wrdreg s18  }
0xb1: {  	[dreg:$0x4] =	wrdreg s2  }
0xb2: {  	[dreg:$0x5] =	wrdreg $0x9  }
0xb3: {  	_ =	task.clear_ibuf [dreg:s8], $0x6FFFF;
	_ =	strace $0x90000049  }
0xb4: {  	s29 =	simm.s32 $0x9;
	_ =	strace $0x8000004B  }
0xb5: {  	_ =	swait.ge [sflag:s29], $0x1  }
0xb6: {  	[sflag:s29] =	ssyncadd.s32 $0xFFFFFFFF  }
0xb7: {  	_ =	strace $0x9000004B  }
0xb8: {  	_ =	sfence  }
0xb9: {  	s30 =	sld [smem:$0x0];
	_ =	sdelay $0x2  }
0xba: {  	s31 =	sshll.u32 s1, $0xD;
	s1 =	sshrl.u32 s1, $0x2  }
0xbb: {  	s3 =	sand.u32 $0x4000, s31;
	s1 =	sadd.s32 s1, s30  }
0xbc: {  	s0 =	sor.u32 s3, s0;
	s1 =	sshll.u32 s1, $0x11  }
0xbd: {  	s0 =	sor.u32 s1, s0  }
0xbe: {  	s0 =	sadd.s32 $0x8F2B, s0  }
0xbf: {  	[sflag:s0] =	ssyncadd.remote.s32 $0x1  }
0xc0: {  	_ =	sfence.sel $0xFFFF  }
0xc1: {  	[dreg:$0x0] =	wrdreg $0xFFFFFFFF;
	(pc) =	sbr.abs _section_cstart, $3  }
0xc2: {  	[dreg:$0x1] =	wrdreg $0xFFFFFFFF  }
0xc3: {  	_ =	task.clear_ibuf [dreg:s8], $0x2FFFF;
	_ =	strace $0x9FFFFFFF  }
0xc4: {  	(tm) =	ssettm $0x7FFFFFFF  }
0xc5: {  	_ =	shalt  }
tec
execute0_lowered:
.L_overlay_start_1:
0x0: {  	(tag) =	ssettag $0x1  }
0x1: {  	s5 =	rddreg [dreg:$0x0];
	s1 =	srdreg.scid  }
0x2: {  	s0 =	stileid.u32;
	s2 =	rddreg [dreg:$0x1]  }
0x3: {  	s3 =	rddreg [dreg:$0x2];
	s9 =	simm.s32 $0x400;
	s10 =	simm.s32 $0x1  }
0x4: {  	s11 =	simm.s32 $0x13C00;
	s6 =	sand.u32 $0x1, s1;
	s4 =	smul.u32 $0x13C00, s0  }
0x5: {  	s12 =	simm.s32 $0x15B80;
	s13 =	simm.s32 $0x9E00;
	s7 =	sshll.u32 s6, $0x9  }
0x6: {  	s14 =	simm.s32 $0x0;
	s1 =	rddreg [dreg:$0x3];
	s7 =	sor.u32 s7, s4  }
0x7: {  	s6 =	ssub.s32 $0x2, s6;
	s4 =	simm.s32 $0x0;
	s7 =	sshrl.u32 s7, $0x3  }
0x8: {  	s31 =	sshrl.u32 s6, $0x1;
	[smem:$0x7FF] =	sst s4;
	s7 =	sadd.s32 s7, s5  }
0x9: {  	s8 =	ssub.s32 s6, s31;
	_ =	strace $0x8000004A;
	s5 =	sadd.s32 $0x7C00, s7  }
0xa: {  	v0 =	vimm.f32 $0.0e+00;
	s6 =	sadd.s32 $0x7E400, s7;
	s7 =	smax.u32 s8, $0x1;
	s8 =	simm.s32 $0x200  }
.LBB2_1:
0xb: {  	[tilespmem:s4], [sflag:$0x1] =	stream.strided.gather [hbm4b:s5+s8], $0x9E00, s9, s8, $0x38;
	[tilespmem:$0x17B00] =	vst v63  }
0xc: {  	_ =	swait.ge [sflag:s10], $0x9E00  }
0xd: {  	s15 =	sand.u32 $0x70, s4;
	s16 =	sand.u32 $0xFE00, s4;
	[sflag:s10] =	ssyncset.done $0x0  }
0xe: {  	s16 =	sor.u32 s15, s16;
	[sflag:s10] =	ssyncadd.s32 $0xFFFF6200  }
0xf: {  	s17 =	simm.s32 $0x0;
	s15 =	simm.s32 $0x10;
	[tilespmem:s16+$0x9E00] =	vst v0  }
.LBB2_2:
0x10: {  	p0 =	sne.s32 s15, $0x2700  }
.Ltmp0:
0x11: {  	_ = 	snop;
	(pc) =	sbr.rel @p0 .LBB2_2-.Ltmp0, $4  }
0x12: {  	s17 =	sadd.s32 $0x40, s17  }
0x13: {  	s16 =	sand.u32 $0x70, s15;
	s18 =	sand.u32 $0xFE00, s17  }
0x14: {  	s16 =	sor.u32 s16, s18  }
0x15: {  	s15 =	sadd.s32 $0x10, s15;
	[tilespmem:s16+$0x9E00] =	vst v0;
	s16 =	simm.s32 $0x0  }
0x16: {  	s15 =	sand.u32 $0x70, s16;
	s17 =	sand.u32 $0xFE00, s16  }
0x17: {  	s15 =	sor.u32 s15, s17  }
0x18: {  	s18 =	simm.s32 $0x0;
	s17 =	simm.s32 $0x10;
	[tilespmem:s15+$0x9E80] =	vst v0  }
.LBB2_4:
0x19: {  	p0 =	sne.s32 s17, $0x2700  }
.Ltmp1:
0x1a: {  	_ = 	snop;
	(pc) =	sbr.rel @p0 .LBB2_4-.Ltmp1, $4  }
0x1b: {  	s18 =	sadd.s32 $0x40, s18  }
0x1c: {  	s19 =	sand.u32 $0x70, s17;
	s20 =	sand.u32 $0xFE00, s18  }
0x1d: {  	s19 =	sor.u32 s19, s20  }
0x1e: {  	s17 =	sadd.s32 $0x10, s17;
	[tilespmem:s19+$0x9E80] =	vst v0  }
0x1f: {  	s17 =	simm.s32 $0x10;
	[tilespmem:s15+$0x9F00] =	vst v0  }
.LBB2_6:
0x20: {  	p0 =	sne.s32 s17, $0x2700  }
.Ltmp2:
0x21: {  	_ = 	snop;
	(pc) =	sbr.rel @p0 .LBB2_6-.Ltmp2, $4  }
0x22: {  	s16 =	sadd.s32 $0x40, s16  }
0x23: {  	s15 =	sand.u32 $0x70, s17;
	s18 =	sand.u32 $0xFE00, s16  }
0x24: {  	s15 =	sor.u32 s15, s18  }
0x25: {  	s17 =	sadd.s32 $0x10, s17;
	[tilespmem:s15+$0x9F00] =	vst v0;
	s15 =	simm.s32 $0x0  }
0x26: {  	s16 =	sand.u32 $0x70, s15;
	s17 =	sand.u32 $0xFE00, s15  }
0x27: {  	s17 =	sor.u32 s16, s17  }
0x28: {  	s16 =	simm.s32 $0x10;
	[tilespmem:s17+$0x9F80] =	vst v0;
	s17 =	simm.s32 $0x0  }
.LBB2_8:
0x29: {  	p0 =	sne.s32 s16, $0x2700  }
.Ltmp3:
0x2a: {  	_ = 	snop;
	(pc) =	sbr.rel @p0 .LBB2_8-.Ltmp3, $4  }
0x2b: {  	s17 =	sadd.s32 $0x40, s17  }
0x2c: {  	s18 =	sand.u32 $0x70, s16;
	s19 =	sand.u32 $0xFE00, s17  }
0x2d: {  	s18 =	sor.u32 s18, s19  }
0x2e: {  	s16 =	sadd.s32 $0x10, s16;
	[tilespmem:s18+$0x9F80] =	vst v0  }
.LBB2_9:
0x2f: {  	s16 =	smul.u32 $0x3E8, s15;
	_ =	sdelay $0x1  }
0x30: {  	s18 =	simm.s32 $0x0;
	s17 =	sadd.s32 s2, s16  }
0x31: {  	[tilespmem:s11], [sflag:$0x1] =	stream.linear.gather [hbm4b:s17+s18], $0x1F40, $0x38;
	[tilespmem:$0x17B00] =	vst v63  }
0x32: {  	_ =	swait.ge [sflag:s10], $0x1F40  }
0x33: {  	[sflag:s10] =	ssyncset.done $0x0  }
0x34: {  	s16 =	sadd.s32 s3, s16;
	[sflag:s10] =	ssyncadd.s32 $0xFFFFE0C0  }
0x35: {  	[tilespmem:s12], [sflag:$0x1] =	stream.linear.gather [hbm4b:s16+s18], $0x1F40, $0x38;
	[tilespmem:$0x17B00] =	vst v63  }
0x36: {  	_ =	swait.ge [sflag:s10], $0x1F40  }
0x37: {  	[sflag:s10] =	ssyncset.done $0x0  }
0x38: {  	s31 =	simm.s32 $0x0;
	[sflag:s10] =	ssyncadd.s32 $0xFFFFE0C0  }
0x39: {  	v1 =	vld [tilespmem:s31+$0x13C00];
	_ =	sdelay $0x4  }
0x3a: {  	v2 =	vshrl.u32 v1, $0xE;
	v3 =	vshrl.u32 v1, $0xC  }
0x3b: {  	v2 =	vand.u32 $0x7F, v2;
	v3 =	vand.u32 $0xFFE00, v3  }
0x3c: {  	v2 =	vor.u32 v2, v3;
	_ =	sdelay $0x3  }
0x3d: {  	v5 =	vld [tilespmem:s31+$0x15B80]  }
0x3e: {  	v4 =	vshll.u32 v1, $0x2;
	v3 =	vld.idx.msk [tilespmem:v2+s4+$0x0], $0xffff  }
0x3f: {  	v1 =	vand.u32 $0x7F, v1;
	v4 =	vand.u32 $0xFE00, v4  }
0x40: {  	v1 =	vor.u32 v1, v4  }
0x41: {  	v61 =	vor.u32 $0x80, v2;
	_ =	sdelay $0x1  }
0x42: {  	v3 =	vmul.f32 v3, v5;
	_ =	sdelay $0x1  }
0x43: {  	[tilespmem:v1+s13+$0x0] =	vst.idx.add.f32.msk $0xffff, v3  }
0x44: {  	v3 =	vld.idx.msk [tilespmem:v61+s4+$0x0], $0xffff;
	_ =	sdelay $0x1  }
0x45: {  	v62 =	vor.u32 $0x80, v1  }
0x46: {  	v6 =	vor.u32 $0x100, v2;
	_ =	sdelay $0x1  }
0x47: {  	v3 =	vmul.f32 v3, v5;
	_ =	sdelay $0x1  }
0x48: {  	[tilespmem:v62+s13+$0x0] =	vst.idx.add.f32.msk $0xffff, v3  }
0x49: {  	v3 =	vld.idx.msk [tilespmem:v6+s4+$0x0], $0xffff;
	_ =	sdelay $0x1  }
0x4a: {  	v63 =	vor.u32 $0x100, v1  }
0x4b: {  	v2 =	vor.u32 $0x180, v2;
	_ =	sdelay $0x1  }
0x4c: {  	v3 =	vmul.f32 v3, v5;
	_ =	sdelay $0x1  }
0x4d: {  	[tilespmem:v63+s13+$0x0] =	vst.idx.add.f32.msk $0xffff, v3  }
0x4e: {  	v2 =	vld.idx.msk [tilespmem:v2+s4+$0x0], $0xffff;
	_ =	sdelay $0x1  }
0x4f: {  	v1 =	vor.u32 $0x180, v1;
	_ =	sdelay $0x2  }
0x50: {  	s17 =	simm.s32 $0x80;
	s16 =	simm.s32 $0x40;
	v2 =	vmul.f32 v2, v5  }
.LBB2_10:
0x51: {  	p0 =	sne.s32 s17, $0x7CC0  }
0x52: {  	s18 =	sshra.s32 s16, $0x2;
	s16 =	smov.u32 s17;
	s17 =	sadd.s32 $0x40, s17;
	[tilespmem:v1+s13+$0x0] =	vst.idx.add.f32.msk $0xffff, v2  }
0x53: {  	v1 =	vld [tilespmem:s18+$0x13C00];
	_ =	sdelay $0x4  }
0x54: {  	v2 =	vshrl.u32 v1, $0xE;
	v3 =	vshrl.u32 v1, $0xC;
	v4 =	vshll.u32 v1, $0x2  }
0x55: {  	v2 =	vand.u32 $0x7F, v2;
	v3 =	vand.u32 $0xFFE00, v3;
	v4 =	vand.u32 $0xFE00, v4  }
0x56: {  	v2 =	vor.u32 v2, v3;
	_ =	sdelay $0x4  }
0x57: {  	v3 =	vld.idx.msk [tilespmem:v2+s4+$0x0], $0xffff  }
0x58: {  	v5 =	vld [tilespmem:s18+$0x15B80]  }
0x59: {  	v1 =	vand.u32 $0x7F, v1  }
0x5a: {  	v1 =	vor.u32 v1, v4  }
0x5b: {  	v4 =	vor.u32 $0x80, v2;
	_ =	sdelay $0x1  }
0x5c: {  	v3 =	vmul.f32 v3, v5;
	_ =	sdelay $0x1  }
0x5d: {  	[tilespmem:v1+s13+$0x0] =	vst.idx.add.f32.msk $0xffff, v3  }
0x5e: {  	v3 =	vld.idx.msk [tilespmem:v4+s4+$0x0], $0xffff;
	_ =	sdelay $0x2  }
0x5f: {  	v4 =	vor.u32 $0x80, v1  }
0x60: {  	v6 =	vor.u32 $0x100, v2;
	_ =	sdelay $0x1  }
0x61: {  	v3 =	vmul.f32 v3, v5;
	_ =	sdelay $0x1  }
0x62: {  	[tilespmem:v4+s13+$0x0] =	vst.idx.add.f32.msk $0xffff, v3  }
0x63: {  	v3 =	vld.idx.msk [tilespmem:v6+s4+$0x0], $0xffff;
	_ =	sdelay $0x2  }
0x64: {  	v4 =	vor.u32 $0x100, v1  }
0x65: {  	v2 =	vor.u32 $0x180, v2;
	_ =	sdelay $0x1  }
0x66: {  	v3 =	vmul.f32 v3, v5;
	_ =	sdelay $0x1  }
0x67: {  	[tilespmem:v4+s13+$0x0] =	vst.idx.add.f32.msk $0xffff, v3  }
0x68: {  	v2 =	vld.idx.msk [tilespmem:v2+s4+$0x0], $0xffff;
	_ =	sdelay $0x1  }
.Ltmp4:
0x69: {  	(pc) =	sbr.rel @p0 .LBB2_10-.Ltmp4, $2  }
0x6a: {  	v1 =	vor.u32 $0x180, v1;
	_ =	sdelay $0x2  }
0x6b: {  	v2 =	vmul.f32 v2, v5  }
0x6c: {  	_ =	sdelay $0x3  }
0x6d: {  	s16 =	sshra.s32 s16, $0x2;
	[tilespmem:v1+s13+$0x0] =	vst.idx.add.f32.msk $0xffff, v2  }
0x6e: {  	v1 =	vld [tilespmem:s16+$0x13C00];
	_ =	sdelay $0x4  }
0x6f: {  	v2 =	vshrl.u32 v1, $0xE;
	v3 =	vshrl.u32 v1, $0xC  }
0x70: {  	v2 =	vand.u32 $0x7F, v2;
	v3 =	vand.u32 $0xFFE00, v3  }
0x71: {  	v2 =	vor.u32 v2, v3;
	_ =	sdelay $0x3  }
0x72: {  	v5 =	vld [tilespmem:s16+$0x15B80]  }
0x73: {  	v4 =	vshll.u32 v1, $0x2;
	v3 =	vld.idx.msk [tilespmem:v2+s4+$0x0], $0xffff  }
0x74: {  	v1 =	vand.u32 $0x7F, v1;
	v4 =	vand.u32 $0xFE00, v4  }
0x75: {  	v1 =	vor.u32 v1, v4  }
0x76: {  	v61 =	vor.u32 $0x80, v2;
	_ =	sdelay $0x1  }
0x77: {  	v3 =	vmul.f32 v3, v5;
	_ =	sdelay $0x1  }
0x78: {  	[tilespmem:v1+s13+$0x0] =	vst.idx.add.f32.msk $0xffff, v3  }
0x79: {  	v3 =	vld.idx.msk [tilespmem:v61+s4+$0x0], $0xffff;
	_ =	sdelay $0x1  }
0x7a: {  	v62 =	vor.u32 $0x80, v1  }
0x7b: {  	v6 =	vor.u32 $0x100, v2;
	_ =	sdelay $0x1  }
0x7c: {  	v3 =	vmul.f32 v3, v5;
	_ =	sdelay $0x1  }
0x7d: {  	[tilespmem:v62+s13+$0x0] =	vst.idx.add.f32.msk $0xffff, v3  }
0x7e: {  	v3 =	vld.idx.msk [tilespmem:v6+s4+$0x0], $0xffff;
	_ =	sdelay $0x1  }
0x7f: {  	v63 =	vor.u32 $0x100, v1  }
0x80: {  	v2 =	vor.u32 $0x180, v2;
	_ =	sdelay $0x1  }
0x81: {  	v3 =	vmul.f32 v3, v5;
	_ =	sdelay $0x1  }
0x82: {  	[tilespmem:v63+s13+$0x0] =	vst.idx.add.f32.msk $0xffff, v3  }
0x83: {  	v2 =	vld.idx.msk [tilespmem:v2+s4+$0x0], $0xffff  }
0x84: {  	s15 =	sadd.s32 $0x1, s15  }
0x85: {  	p0 =	sne.s32 s15, $0x28;
	v1 =	vor.u32 $0x180, v1  }
.Ltmp5:
0x86: {  	_ = 	snop;
	(pc) =	sbr.rel @p0 .LBB2_9-.Ltmp5, $3  }
0x87: {  	_ = 	snop  }
0x88: {  	v2 =	vmul.f32 v2, v5;
	_ =	sdelay $0x1  }
0x89: {  	[tilespmem:v1+s13+$0x0] =	vst.idx.add.f32.msk $0xffff, v2  }
0x8a: {  	s14 =	sadd.s32 $0x1, s14  }
0x8b: {  	p0 =	sne.s32 s14, s7  }
.Ltmp6:
0x8c: {  	_ = 	snop;
	(pc) =	sbr.rel @p0 .LBB2_1-.Ltmp6, $4  }
0x8d: {  	[hbm4b:s6+s8] =	stream.strided.scatter [tilespmem:s13], [sflag:$0x1], $0x9E00, s9, s8, $0x38;
	[tilespmem:$0x17B00] =	vst v63  }
0x8e: {  	_ =	swait.ge [sflag:s10], $0x9E00  }
0x8f: {  	[sflag:s10] =	ssyncset.done $0x0  }
0x90: {  	[sflag:s10] =	ssyncadd.s32 $0xFFFF6200  }
0x91: {  	_ =	sfence.sel $0x180000  }
0x92: {  	[bflag:$0x0] =	sbarrier.arrive $0xFFFF  }
0x93: {  	p0 =	sne.s32 s0, $0x0;
	_ =	strace $0x9000004A  }
0x94: {  	s0 =	sadd.s32 @!p0 $0x100000, s1;
	[bflag:$0x2] =	sbarrier.arrive $0xFFFF  }
0x95: {  	[sflag:s0] =	ssyncadd.tile.s32 @!p0 $0x1;
	_ =	shalt  }
.Lfunc_end2:
_tile_overlayer_lowered:
.L_overlay_start_2:
0x96: {  	(tag) =	ssettag $0x2  }
0x97: {  	s0 =	rddreg [dreg:$0x0];
	s2 =	stileid.u32  }
0x98: {  	s1 =	rddreg [dreg:$0x1];
	p0 =	sne.s32 s2, $0x0  }
0x99: {  	s3 =	rddreg [dreg:$0x2];
	[bflag:$0x3] =	sbarrier.arrive $0xFFFF;
	s2 =	simm.s32 @!p0 $0x1C01  }
0x9a: {  	[timem:s3], [sflag:s2] =	dma.local @!p0 [hbm:s0], s1  }
0x9b: {  	s0 =	simm.s32 @!p0 $0x1  }
0x9c: {  	_ =	swait.ge @!p0 [sflag:s0], s1  }
0x9d: {  	s1 =	ssub.s32 @!p0 $0x0, s1;
	[sflag:s0] =	ssyncset.done @!p0 $0x0  }
0x9e: {  	[sflag:s0] =	ssyncadd.s32 @!p0 s1  }
0x9f: {  	[bflag:$0x3] =	sbarrier.arrive $0xFFFF  }
0xa0: {  	_ =	shalt  }

// kernel: kernel.30.cloned.1.call-start
scs
__scs_entry_jumppad:
0x0: {  	(pc) =	sbr.rel $0x88, $3  }
0x1: {  	(tag) =	ssettag $0x0;
	lr =	simm.s32 $0x1  }
0x2: {  	[smem:$0x3F9A] =	sst lr;
	_ =	strace $0xD0000000  }
0x3: {  	_ = 	snop  }
0x4: {  	_ = 	snop  }
0x5: {  	_ = 	snop  }
0x6: {  	_ = 	snop  }
0x7: {  	_ = 	snop  }
__scs_overlays_trampoline_lowered:
0x8: {  	[smem:$0x3FA9] =	sst s0  }
0x9: {  	[smem:$0x3FAA] =	sst s1  }
0xa: {  	[smem:$0x3FAB] =	sst s2  }
0xb: {  	[smem:$0x3FAC] =	sst s3  }
0xc: {  	[smem:$0x3FAD] =	sst s4  }
0xd: {  	[smem:$0x3FAE] =	sst s5  }
0xe: {  	[smem:$0x3FAF] =	sst s6  }
0xf: {  	[smem:$0x3FB0] =	sst s7  }
0x10: {  	[smem:$0x3FB1] =	sst s8  }
0x11: {  	[smem:$0x3FB2] =	sst s9;
	s0 =	simm.s32 @!p0 $0x0  }
0x12: {  	s1 =	sld [smem:$0x3F98];
	s0 =	simm.s32 @p0 $0x1  }
0x13: {  	[smem:$0x3FB3] =	sst s0;
	s0 =	simm.s32 @!p1 $0x0  }
0x14: {  	s2 =	sld [smem:$0x3F97];
	s0 =	simm.s32 @p1 $0x1  }
0x15: {  	[smem:$0x3FB4] =	sst s0;
	s0 =	simm.s32 @!p2 $0x0  }
0x16: {  	s3 =	sld [smem:$0x3FDB];
	s0 =	simm.s32 @p2 $0x1  }
0x17: {  	s4 =	simm.s32 $0x1BF5;
	[smem:$0x3FB6] =	sst s0  }
0x18: {  	s0 =	sld [smem:$0x3F99];
	_ =	swait.ge [sflag:s4], $0x0  }
0x19: {  	s7 =	sld [smem:$0x3F9A]  }
0x1a: {  	s8 =	sadd.s32 $0xFFFFE003, lr  }
0x1b: {  	s9 =	sadd.s32 $0xFFFFFEF7, lr;
	s5 =	simm.s32 $0xFFFFFFFF;
	p2 =	slt.u32 s8, $0xFFFFF086  }
0x1c: {  	p1 =	slt.u32 s9, $0xF7A;
	s5 =	simm.s32 @!p2 $0x0  }
0x1d: {  	s5 =	simm.s32 @p1 $0x1;
	p0 =	seq.s32 s7, s2  }
0x1e: {  	s7 =	smul.u32 @!p0 $0xF7A, s2;
	p2 =	seq.s32 @!p0 s5, $0x0  }
0x1f: {  	s9 =	smul.u32 $0xF7A, s1;
	s8 =	simm.s32 @!p0 $0x1BF5;
	p2 =	por !p2, p0  }
0x20: {  	[sflag:s8] =	ssyncset.s32 @!p0 $0xFFFFF086;
	s6 =	sadd.s32 @!p0 s3, s7;
	s7 =	simm.s32 @!p0 $0x108  }
0x21: {  	s3 =	sadd.s32 s3, s9;
	s6 =	sadd.s32 @!p0 $0x88, s6;
	s7 =	simm.s32 @p2 $0x1082  }
0x22: {  	[simem:s7], [sflag:s8] =	dma.local @!p0 [hbm:s6], $0xF7A  }
0x23: {  	s9 =	sor.u32 $0xD0000000, s2;
	s6 =	simm.s32 $0x108;
	_ =	swait.ge @!p0 [sflag:s8], $0x0  }
0x24: {  	s3 =	sadd.s32 $0x88, s3;
	s6 =	simm.s32 @!p1 $0x1082;
	[sflag:s4] =	ssyncset.s32 $0xFFFFF086  }
0x25: {  	[simem:s6], [sflag:s4] =	dma.local [hbm:s3], $0xF7A  }
0x26: {  	[smem:$0x3F9A] =	sst s1;
	(tag) =	ssettag s2;
	_ =	strace s9  }
0x27: {  	s1 =	sld [smem:$0x3FAA]  }
0x28: {  	s2 =	sld [smem:$0x3FAB]  }
0x29: {  	s4 =	sld [smem:$0x3FAD]  }
0x2a: {  	p0 =	seq.s32 s5, $0x0;
	s5 =	sld [smem:$0x3FAE]  }
0x2b: {  	s6 =	sld [smem:$0x3FAF]  }
0x2c: {  	s7 =	sld [smem:$0x3FB0]  }
0x2d: {  	s3 =	simm.s32 $0x108;
	s8 =	sld [smem:$0x3FB1]  }
0x2e: {  	s3 =	simm.s32 @!p0 $0x1082;
	s9 =	sld [smem:$0x3FB2]  }
0x2f: {  	lr =	sadd.s32 s0, s3;
	s0 =	sld [smem:$0x3FA9]  }
0x30: {  	s3 =	sld [smem:$0x3FAC]  }
0x31: {  	[smem:$0x3FB5] =	sst s10  }
0x32: {  	s10 =	sld [smem:$0x3FB3];
	_ =	sdelay $0x3  }
0x33: {  	p0 =	seq.s32 s10, $0x1;
	s10 =	sld [smem:$0x3FB5];
	_ =	sdelay $0x3  }
0x34: {  	[smem:$0x3FB5] =	sst s10  }
0x35: {  	s10 =	sld [smem:$0x3FB4];
	_ =	sdelay $0x3  }
0x36: {  	p1 =	seq.s32 s10, $0x1;
	s10 =	sld [smem:$0x3FB5];
	_ =	sdelay $0x3  }
0x37: {  	[smem:$0x3FB5] =	sst s10  }
0x38: {  	s10 =	sld [smem:$0x3FB6]  }
0x39: {  	_ = 	snop;
	(pc) =	sbr.ind lr, $3  }
0x3a: {  	_ = 	snop  }
0x3b: {  	_ = 	snop  }
0x3c: {  	p2 =	seq.s32 s10, $0x1;
	s10 =	sld [smem:$0x3FB5]  }
0x3d: {  	_ =	shalt  }
0x3e: {  	_ =	shalt  }
0x3f: {  	_ =	shalt  }
0x40: {  	_ =	shalt  }
0x41: {  	_ =	shalt  }
0x42: {  	_ =	shalt  }
0x43: {  	_ =	shalt  }
0x44: {  	_ =	shalt  }
0x45: {  	_ =	shalt  }
0x46: {  	_ =	shalt  }
0x47: {  	_ =	shalt  }
0x48: {  	_ =	shalt  }
0x49: {  	_ =	shalt  }
0x4a: {  	_ =	shalt  }
0x4b: {  	_ =	shalt  }
0x4c: {  	_ =	shalt  }
0x4d: {  	_ =	shalt  }
0x4e: {  	_ =	shalt  }
0x4f: {  	_ =	shalt  }
0x50: {  	_ =	shalt  }
0x51: {  	_ =	shalt  }
0x52: {  	_ =	shalt  }
0x53: {  	_ =	shalt  }
0x54: {  	_ =	shalt  }
0x55: {  	_ =	shalt  }
0x56: {  	_ =	shalt  }
0x57: {  	_ =	shalt  }
0x58: {  	_ =	shalt  }
0x59: {  	_ =	shalt  }
0x5a: {  	_ =	shalt  }
0x5b: {  	_ =	shalt  }
0x5c: {  	_ =	shalt  }
0x5d: {  	_ =	shalt  }
0x5e: {  	_ =	shalt  }
0x5f: {  	_ =	shalt  }
0x60: {  	_ =	shalt  }
0x61: {  	_ =	shalt  }
0x62: {  	_ =	shalt  }
0x63: {  	_ =	shalt  }
0x64: {  	_ =	shalt  }
0x65: {  	_ =	shalt  }
0x66: {  	_ =	shalt  }
0x67: {  	_ =	shalt  }
0x68: {  	_ =	shalt  }
0x69: {  	_ =	shalt  }
0x6a: {  	_ =	shalt  }
0x6b: {  	_ =	shalt  }
0x6c: {  	_ =	shalt  }
0x6d: {  	_ =	shalt  }
0x6e: {  	_ =	shalt  }
0x6f: {  	_ =	shalt  }
0x70: {  	_ =	shalt  }
0x71: {  	_ =	shalt  }
0x72: {  	_ =	shalt  }
0x73: {  	_ =	shalt  }
0x74: {  	_ =	shalt  }
0x75: {  	_ =	shalt  }
0x76: {  	_ =	shalt  }
0x77: {  	_ =	shalt  }
0x78: {  	_ =	shalt  }
0x79: {  	_ =	shalt  }
0x7a: {  	_ =	shalt  }
0x7b: {  	_ =	shalt  }
0x7c: {  	_ =	shalt  }
0x7d: {  	_ =	shalt  }
0x7e: {  	_ =	shalt  }
0x7f: {  	_ =	shalt  }
0x80: {  	_ =	shalt  }
0x81: {  	_ =	shalt  }
0x82: {  	_ =	shalt  }
0x83: {  	_ =	shalt  }
0x84: {  	_ =	shalt  }
0x85: {  	_ =	shalt  }
0x86: {  	_ =	shalt  }
0x87: {  	_ =	shalt  }
.Lfunc_end0:
.L_simem_size_0:
called_computation.2_lowered:
.L_overlay_start_0:
0x88: {  	s2 =	sld [smem:$0x3FD9]  }
0x89: {  	s3 =	sld [smem:$0x3FFE];
	_ =	sdelay $0x1  }
0x8a: {  	s1 =	srdreg.scid  }
0x8b: {  	s0 =	sand.u32 $0x1, s1  }
0x8c: {  	s17 =	sshll.u32 s0, $0xA;
	s2 =	sadd.s32 s3, s2  }
0x8d: {  	s2 =	sadd.s32 s2, s17  }
0x8e: {  	[smem:$0x3FC1] =	sst s2  }
0x8f: {  	_ = 	snop  }
0x90: {  	s2 =	sld [smem:$0x3FC7]  }
0x91: {  	s18 =	sld [smem:$0x3FD0];
	(tm) =	ssettm $0x1  }
0x92: {  	s4 =	sld [smem:$0x3FFB];
	_ =	sdelay $0x3  }
0x93: {  	_ =	strace s4  }
0x94: {  	s4 =	sld [smem:$0x3FFC];
	_ =	sdelay $0x3  }
0x95: {  	_ =	strace s4  }
0x96: {  	s4 =	sld [smem:$0x3FFD];
	_ =	sdelay $0x3  }
0x97: {  	_ =	strace s4  }
0x98: {  	_ =	strace $0x8FFFFFFF  }
0x99: {  	s19 =	sld [smem:$0x3FDB];
	_ =	sdelay $0x1  }
0x9a: {  	s5 =	simm.s32 $_scs_section_size  }
0x9b: {  	s6 =	simm.s32 $_size__tile_overlayer_lowered;
	s7 =	simm.s32 $_tile_overlayer_lowered  }
0x9c: {  	s22 =	simm.s32 $0x1BFF;
	s21 =	sshll.u32 s7, $0x1;
	s4 =	sadd.s32 s5, s19  }
0x9d: {  	s8 =	simm.s32 $0x0;
	s20 =	sshll.u32 s6, $0x1;
	s6 =	sadd.s32 s21, s4  }
0x9e: {  	[timem:s8], [sflag:s22] =	dma.local [hbm:s6], s20  }
0x9f: {  	_ =	swait.ge [sflag:s22], s20  }
0xa0: {  	s5 =	ssub.s32 $0x0, s20;
	[sflag:s22] =	ssyncset.done $0x0  }
0xa1: {  	[sflag:s22] =	ssyncadd.s32 s5;
	_ =	sdelay $0x1  }
0xa2: {  	s23 =	simm.s32 $0x1B8B  }
0xa3: {  	_ =	swait.ge [sflag:s23], $0x1  }
0xa4: {  	[sflag:s23] =	ssyncset.done $0x0  }
0xa5: {  	s25 =	simm.s32 $0x1B8E;
	s24 =	sld [smem:$0x3FFE];
	[sflag:s23] =	ssyncadd.s32 $0xFFFFFFFF  }
0xa6: {  	s26 =	simm.s32 $execute0_lowered;
	[smem:$0x3FD2] =	sst s25  }
0xa7: {  	s6 =	sshll.u32 s26, $0x1;
	_ =	strace $0x8000004C;
	[dreg:$0x1] =	wrdreg $0xFFFFFFFF  }
0xa8: {  	s28 =	simm.s32 $_size_execute0_lowered;
	s4 =	sadd.s32 s4, s6;
	[dreg:$0x0] =	wrdreg $0x0  }
0xa9: {  	s6 =	sshll.u32 s28, $0x1;
	[dreg:$0x2] =	wrdreg s4  }
0xaa: {  	[dreg:$0x3] =	wrdreg s6  }
0xab: {  	[dreg:$0x4] =	wrdreg $0xC0  }
0xac: {  	_ =	task [dreg:s8], $0x5FFFF  }
0xad: {  	[dreg:$0x1] =	wrdreg $0xFFFFFFFF  }
0xae: {  	[dreg:$0x0] =	wrdreg $0x60  }
0xaf: {  	[dreg:$0x2] =	wrdreg s24  }
0xb0: {  	[dreg:$0x3] =	wrdreg s18  }
0xb1: {  	[dreg:$0x4] =	wrdreg s2  }
0xb2: {  	[dreg:$0x5] =	wrdreg $0x9  }
0xb3: {  	_ =	task.clear_ibuf [dreg:s8], $0x6FFFF;
	_ =	strace $0x9000004C  }
0xb4: {  	s29 =	simm.s32 $0x9;
	_ =	strace $0x8000004E  }
0xb5: {  	_ =	swait.ge [sflag:s29], $0x1  }
0xb6: {  	[sflag:s29] =	ssyncadd.s32 $0xFFFFFFFF  }
0xb7: {  	_ =	strace $0x9000004E  }
0xb8: {  	_ =	sfence  }
0xb9: {  	s30 =	sld [smem:$0x0];
	_ =	sdelay $0x2  }
0xba: {  	s31 =	sshll.u32 s1, $0xD;
	s1 =	sshrl.u32 s1, $0x2  }
0xbb: {  	s3 =	sand.u32 $0x4000, s31;
	s1 =	sadd.s32 s1, s30  }
0xbc: {  	s0 =	sor.u32 s3, s0;
	s1 =	sshll.u32 s1, $0x11  }
0xbd: {  	s0 =	sor.u32 s1, s0  }
0xbe: {  	s0 =	sadd.s32 $0x8F2B, s0  }
0xbf: {  	[sflag:s0] =	ssyncadd.remote.s32 $0x1  }
0xc0: {  	_ =	sfence.sel $0xFFFF  }
0xc1: {  	[dreg:$0x0] =	wrdreg $0xFFFFFFFF;
	(pc) =	sbr.abs _section_cstart, $3  }
0xc2: {  	[dreg:$0x1] =	wrdreg $0xFFFFFFFF  }
0xc3: {  	_ =	task.clear_ibuf [dreg:s8], $0x2FFFF;
	_ =	strace $0x9FFFFFFF  }
0xc4: {  	(tm) =	ssettm $0x7FFFFFFF  }
0xc5: {  	_ =	shalt  }
tec
execute0_lowered:
.L_overlay_start_1:
0x0: {  	(tag) =	ssettag $0x1  }
0x1: {  	s5 =	rddreg [dreg:$0x0];
	s1 =	srdreg.scid  }
0x2: {  	s0 =	stileid.u32;
	s2 =	rddreg [dreg:$0x1]  }
0x3: {  	s3 =	rddreg [dreg:$0x2];
	s9 =	simm.s32 $0x400;
	s10 =	simm.s32 $0x1  }
0x4: {  	s11 =	simm.s32 $0x13C00;
	s6 =	sand.u32 $0x1, s1;
	s4 =	smul.u32 $0x13C00, s0  }
0x5: {  	s12 =	simm.s32 $0x15B80;
	s13 =	simm.s32 $0x9E00;
	s7 =	sshll.u32 s6, $0x9  }
0x6: {  	s14 =	simm.s32 $0x0;
	s1 =	rddreg [dreg:$0x3];
	s7 =	sor.u32 s7, s4  }
0x7: {  	s6 =	ssub.s32 $0x2, s6;
	s4 =	simm.s32 $0x0;
	s7 =	sshrl.u32 s7, $0x3  }
0x8: {  	s31 =	sshrl.u32 s6, $0x1;
	[smem:$0x7FF] =	sst s4;
	s7 =	sadd.s32 s7, s5  }
0x9: {  	s8 =	ssub.s32 s6, s31;
	_ =	strace $0x8000004D;
	s5 =	sadd.s32 $0x7C00, s7  }
0xa: {  	v0 =	vimm.f32 $0.0e+00;
	s6 =	sadd.s32 $0x7E400, s7;
	s7 =	smax.u32 s8, $0x1;
	s8 =	simm.s32 $0x200  }
.LBB2_1:
0xb: {  	[tilespmem:s4], [sflag:$0x1] =	stream.strided.gather [hbm4b:s5+s8], $0x9E00, s9, s8, $0x38;
	[tilespmem:$0x17B00] =	vst v63  }
0xc: {  	_ =	swait.ge [sflag:s10], $0x9E00  }
0xd: {  	s15 =	sand.u32 $0x70, s4;
	s16 =	sand.u32 $0xFE00, s4;
	[sflag:s10] =	ssyncset.done $0x0  }
0xe: {  	s16 =	sor.u32 s15, s16;
	[sflag:s10] =	ssyncadd.s32 $0xFFFF6200  }
0xf: {  	s17 =	simm.s32 $0x0;
	s15 =	simm.s32 $0x10;
	[tilespmem:s16+$0x9E00] =	vst v0  }
.LBB2_2:
0x10: {  	p0 =	sne.s32 s15, $0x2700  }
.Ltmp0:
0x11: {  	_ = 	snop;
	(pc) =	sbr.rel @p0 .LBB2_2-.Ltmp0, $4  }
0x12: {  	s17 =	sadd.s32 $0x40, s17  }
0x13: {  	s16 =	sand.u32 $0x70, s15;
	s18 =	sand.u32 $0xFE00, s17  }
0x14: {  	s16 =	sor.u32 s16, s18  }
0x15: {  	s15 =	sadd.s32 $0x10, s15;
	[tilespmem:s16+$0x9E00] =	vst v0;
	s16 =	simm.s32 $0x0  }
0x16: {  	s15 =	sand.u32 $0x70, s16;
	s17 =	sand.u32 $0xFE00, s16  }
0x17: {  	s15 =	sor.u32 s15, s17  }
0x18: {  	s18 =	simm.s32 $0x0;
	s17 =	simm.s32 $0x10;
	[tilespmem:s15+$0x9E80] =	vst v0  }
.LBB2_4:
0x19: {  	p0 =	sne.s32 s17, $0x2700  }
.Ltmp1:
0x1a: {  	_ = 	snop;
	(pc) =	sbr.rel @p0 .LBB2_4-.Ltmp1, $4  }
0x1b: {  	s18 =	sadd.s32 $0x40, s18  }
0x1c: {  	s19 =	sand.u32 $0x70, s17;
	s20 =	sand.u32 $0xFE00, s18  }
0x1d: {  	s19 =	sor.u32 s19, s20  }
0x1e: {  	s17 =	sadd.s32 $0x10, s17;
	[tilespmem:s19+$0x9E80] =	vst v0  }
0x1f: {  	s17 =	simm.s32 $0x10;
	[tilespmem:s15+$0x9F00] =	vst v0  }
.LBB2_6:
0x20: {  	p0 =	sne.s32 s17, $0x2700  }
.Ltmp2:
0x21: {  	_ = 	snop;
	(pc) =	sbr.rel @p0 .LBB2_6-.Ltmp2, $4  }
0x22: {  	s16 =	sadd.s32 $0x40, s16  }
0x23: {  	s15 =	sand.u32 $0x70, s17;
	s18 =	sand.u32 $0xFE00, s16  }
0x24: {  	s15 =	sor.u32 s15, s18  }
0x25: {  	s17 =	sadd.s32 $0x10, s17;
	[tilespmem:s15+$0x9F00] =	vst v0;
	s15 =	simm.s32 $0x0  }
0x26: {  	s16 =	sand.u32 $0x70, s15;
	s17 =	sand.u32 $0xFE00, s15  }
0x27: {  	s17 =	sor.u32 s16, s17  }
0x28: {  	s16 =	simm.s32 $0x10;
	[tilespmem:s17+$0x9F80] =	vst v0;
	s17 =	simm.s32 $0x0  }
.LBB2_8:
0x29: {  	p0 =	sne.s32 s16, $0x2700  }
.Ltmp3:
0x2a: {  	_ = 	snop;
	(pc) =	sbr.rel @p0 .LBB2_8-.Ltmp3, $4  }
0x2b: {  	s17 =	sadd.s32 $0x40, s17  }
0x2c: {  	s18 =	sand.u32 $0x70, s16;
	s19 =	sand.u32 $0xFE00, s17  }
0x2d: {  	s18 =	sor.u32 s18, s19  }
0x2e: {  	s16 =	sadd.s32 $0x10, s16;
	[tilespmem:s18+$0x9F80] =	vst v0  }
.LBB2_9:
0x2f: {  	s16 =	smul.u32 $0x3E8, s15;
	_ =	sdelay $0x1  }
0x30: {  	s18 =	simm.s32 $0x0;
	s17 =	sadd.s32 s2, s16  }
0x31: {  	[tilespmem:s11], [sflag:$0x1] =	stream.linear.gather [hbm4b:s17+s18], $0x1F40, $0x38;
	[tilespmem:$0x17B00] =	vst v63  }
0x32: {  	_ =	swait.ge [sflag:s10], $0x1F40  }
0x33: {  	[sflag:s10] =	ssyncset.done $0x0  }
0x34: {  	s16 =	sadd.s32 s3, s16;
	[sflag:s10] =	ssyncadd.s32 $0xFFFFE0C0  }
0x35: {  	[tilespmem:s12], [sflag:$0x1] =	stream.linear.gather [hbm4b:s16+s18], $0x1F40, $0x38;
	[tilespmem:$0x17B00] =	vst v63  }
0x36: {  	_ =	swait.ge [sflag:s10], $0x1F40  }
0x37: {  	[sflag:s10] =	ssyncset.done $0x0  }
0x38: {  	s31 =	simm.s32 $0x0;
	[sflag:s10] =	ssyncadd.s32 $0xFFFFE0C0  }
0x39: {  	v1 =	vld [tilespmem:s31+$0x13C00];
	_ =	sdelay $0x4  }
0x3a: {  	v2 =	vshrl.u32 v1, $0xE;
	v3 =	vshrl.u32 v1, $0xC  }
0x3b: {  	v2 =	vand.u32 $0x7F, v2;
	v3 =	vand.u32 $0xFFE00, v3  }
0x3c: {  	v2 =	vor.u32 v2, v3;
	_ =	sdelay $0x3  }
0x3d: {  	v5 =	vld [tilespmem:s31+$0x15B80]  }
0x3e: {  	v4 =	vshll.u32 v1, $0x2;
	v3 =	vld.idx.msk [tilespmem:v2+s4+$0x0], $0xffff  }
0x3f: {  	v1 =	vand.u32 $0x7F, v1;
	v4 =	vand.u32 $0xFE00, v4  }
0x40: {  	v1 =	vor.u32 v1, v4  }
0x41: {  	v61 =	vor.u32 $0x80, v2;
	_ =	sdelay $0x1  }
0x42: {  	v3 =	vmul.f32 v3, v5;
	_ =	sdelay $0x1  }
0x43: {  	[tilespmem:v1+s13+$0x0] =	vst.idx.add.f32.msk $0xffff, v3  }
0x44: {  	v3 =	vld.idx.msk [tilespmem:v61+s4+$0x0], $0xffff;
	_ =	sdelay $0x1  }
0x45: {  	v62 =	vor.u32 $0x80, v1  }
0x46: {  	v6 =	vor.u32 $0x100, v2;
	_ =	sdelay $0x1  }
0x47: {  	v3 =	vmul.f32 v3, v5;
	_ =	sdelay $0x1  }
0x48: {  	[tilespmem:v62+s13+$0x0] =	vst.idx.add.f32.msk $0xffff, v3  }
0x49: {  	v3 =	vld.idx.msk [tilespmem:v6+s4+$0x0], $0xffff;
	_ =	sdelay $0x1  }
0x4a: {  	v63 =	vor.u32 $0x100, v1  }
0x4b: {  	v2 =	vor.u32 $0x180, v2;
	_ =	sdelay $0x1  }
0x4c: {  	v3 =	vmul.f32 v3, v5;
	_ =	sdelay $0x1  }
0x4d: {  	[tilespmem:v63+s13+$0x0] =	vst.idx.add.f32.msk $0xffff, v3  }
0x4e: {  	v2 =	vld.idx.msk [tilespmem:v2+s4+$0x0], $0xffff;
	_ =	sdelay $0x1  }
0x4f: {  	v1 =	vor.u32 $0x180, v1;
	_ =	sdelay $0x2  }
0x50: {  	s17 =	simm.s32 $0x80;
	s16 =	simm.s32 $0x40;
	v2 =	vmul.f32 v2, v5  }
.LBB2_10:
0x51: {  	p0 =	sne.s32 s17, $0x7CC0  }
0x52: {  	s18 =	sshra.s32 s16, $0x2;
	s16 =	smov.u32 s17;
	s17 =	sadd.s32 $0x40, s17;
	[tilespmem:v1+s13+$0x0] =	vst.idx.add.f32.msk $0xffff, v2  }
0x53: {  	v1 =	vld [tilespmem:s18+$0x13C00];
	_ =	sdelay $0x4  }
0x54: {  	v2 =	vshrl.u32 v1, $0xE;
	v3 =	vshrl.u32 v1, $0xC;
	v4 =	vshll.u32 v1, $0x2  }
0x55: {  	v2 =	vand.u32 $0x7F, v2;
	v3 =	vand.u32 $0xFFE00, v3;
	v4 =	vand.u32 $0xFE00, v4  }
0x56: {  	v2 =	vor.u32 v2, v3;
	_ =	sdelay $0x4  }
0x57: {  	v3 =	vld.idx.msk [tilespmem:v2+s4+$0x0], $0xffff  }
0x58: {  	v5 =	vld [tilespmem:s18+$0x15B80]  }
0x59: {  	v1 =	vand.u32 $0x7F, v1  }
0x5a: {  	v1 =	vor.u32 v1, v4  }
0x5b: {  	v4 =	vor.u32 $0x80, v2;
	_ =	sdelay $0x1  }
0x5c: {  	v3 =	vmul.f32 v3, v5;
	_ =	sdelay $0x1  }
0x5d: {  	[tilespmem:v1+s13+$0x0] =	vst.idx.add.f32.msk $0xffff, v3  }
0x5e: {  	v3 =	vld.idx.msk [tilespmem:v4+s4+$0x0], $0xffff;
	_ =	sdelay $0x2  }
0x5f: {  	v4 =	vor.u32 $0x80, v1  }
0x60: {  	v6 =	vor.u32 $0x100, v2;
	_ =	sdelay $0x1  }
0x61: {  	v3 =	vmul.f32 v3, v5;
	_ =	sdelay $0x1  }
0x62: {  	[tilespmem:v4+s13+$0x0] =	vst.idx.add.f32.msk $0xffff, v3  }
0x63: {  	v3 =	vld.idx.msk [tilespmem:v6+s4+$0x0], $0xffff;
	_ =	sdelay $0x2  }
0x64: {  	v4 =	vor.u32 $0x100, v1  }
0x65: {  	v2 =	vor.u32 $0x180, v2;
	_ =	sdelay $0x1  }
0x66: {  	v3 =	vmul.f32 v3, v5;
	_ =	sdelay $0x1  }
0x67: {  	[tilespmem:v4+s13+$0x0] =	vst.idx.add.f32.msk $0xffff, v3  }
0x68: {  	v2 =	vld.idx.msk [tilespmem:v2+s4+$0x0], $0xffff;
	_ =	sdelay $0x1  }
.Ltmp4:
0x69: {  	(pc) =	sbr.rel @p0 .LBB2_10-.Ltmp4, $2  }
0x6a: {  	v1 =	vor.u32 $0x180, v1;
	_ =	sdelay $0x2  }
0x6b: {  	v2 =	vmul.f32 v2, v5  }
0x6c: {  	_ =	sdelay $0x3  }
0x6d: {  	s16 =	sshra.s32 s16, $0x2;
	[tilespmem:v1+s13+$0x0] =	vst.idx.add.f32.msk $0xffff, v2  }
0x6e: {  	v1 =	vld [tilespmem:s16+$0x13C00];
	_ =	sdelay $0x4  }
0x6f: {  	v2 =	vshrl.u32 v1, $0xE;
	v3 =	vshrl.u32 v1, $0xC  }
0x70: {  	v2 =	vand.u32 $0x7F, v2;
	v3 =	vand.u32 $0xFFE00, v3  }
0x71: {  	v2 =	vor.u32 v2, v3;
	_ =	sdelay $0x3  }
0x72: {  	v5 =	vld [tilespmem:s16+$0x15B80]  }
0x73: {  	v4 =	vshll.u32 v1, $0x2;
	v3 =	vld.idx.msk [tilespmem:v2+s4+$0x0], $0xffff  }
0x74: {  	v1 =	vand.u32 $0x7F, v1;
	v4 =	vand.u32 $0xFE00, v4  }
0x75: {  	v1 =	vor.u32 v1, v4  }
0x76: {  	v61 =	vor.u32 $0x80, v2;
	_ =	sdelay $0x1  }
0x77: {  	v3 =	vmul.f32 v3, v5;
	_ =	sdelay $0x1  }
0x78: {  	[tilespmem:v1+s13+$0x0] =	vst.idx.add.f32.msk $0xffff, v3  }
0x79: {  	v3 =	vld.idx.msk [tilespmem:v61+s4+$0x0], $0xffff;
	_ =	sdelay $0x1  }
0x7a: {  	v62 =	vor.u32 $0x80, v1  }
0x7b: {  	v6 =	vor.u32 $0x100, v2;
	_ =	sdelay $0x1  }
0x7c: {  	v3 =	vmul.f32 v3, v5;
	_ =	sdelay $0x1  }
0x7d: {  	[tilespmem:v62+s13+$0x0] =	vst.idx.add.f32.msk $0xffff, v3  }
0x7e: {  	v3 =	vld.idx.msk [tilespmem:v6+s4+$0x0], $0xffff;
	_ =	sdelay $0x1  }
0x7f: {  	v63 =	vor.u32 $0x100, v1  }
0x80: {  	v2 =	vor.u32 $0x180, v2;
	_ =	sdelay $0x1  }
0x81: {  	v3 =	vmul.f32 v3, v5;
	_ =	sdelay $0x1  }
0x82: {  	[tilespmem:v63+s13+$0x0] =	vst.idx.add.f32.msk $0xffff, v3  }
0x83: {  	v2 =	vld.idx.msk [tilespmem:v2+s4+$0x0], $0xffff  }
0x84: {  	s15 =	sadd.s32 $0x1, s15  }
0x85: {  	p0 =	sne.s32 s15, $0x28;
	v1 =	vor.u32 $0x180, v1  }
.Ltmp5:
0x86: {  	_ = 	snop;
	(pc) =	sbr.rel @p0 .LBB2_9-.Ltmp5, $3  }
0x87: {  	_ = 	snop  }
0x88: {  	v2 =	vmul.f32 v2, v5;
	_ =	sdelay $0x1  }
0x89: {  	[tilespmem:v1+s13+$0x0] =	vst.idx.add.f32.msk $0xffff, v2  }
0x8a: {  	s14 =	sadd.s32 $0x1, s14  }
0x8b: {  	p0 =	sne.s32 s14, s7  }
.Ltmp6:
0x8c: {  	_ = 	snop;
	(pc) =	sbr.rel @p0 .LBB2_1-.Ltmp6, $4  }
0x8d: {  	[hbm4b:s6+s8] =	stream.strided.scatter [tilespmem:s13], [sflag:$0x1], $0x9E00, s9, s8, $0x38;
	[tilespmem:$0x17B00] =	vst v63  }
0x8e: {  	_ =	swait.ge [sflag:s10], $0x9E00  }
0x8f: {  	[sflag:s10] =	ssyncset.done $0x0  }
0x90: {  	[sflag:s10] =	ssyncadd.s32 $0xFFFF6200  }
0x91: {  	_ =	sfence.sel $0x180000  }
0x92: {  	[bflag:$0x0] =	sbarrier.arrive $0xFFFF  }
0x93: {  	p0 =	sne.s32 s0, $0x0;
	_ =	strace $0x9000004D  }
0x94: {  	s0 =	sadd.s32 @!p0 $0x100000, s1;
	[bflag:$0x2] =	sbarrier.arrive $0xFFFF  }
0x95: {  	[sflag:s0] =	ssyncadd.tile.s32 @!p0 $0x1;
	_ =	shalt  }
.Lfunc_end2:
_tile_overlayer_lowered:
.L_overlay_start_2:
0x96: {  	(tag) =	ssettag $0x2  }
0x97: {  	s0 =	rddreg [dreg:$0x0];
	s2 =	stileid.u32  }
0x98: {  	s1 =	rddreg [dreg:$0x1];
	p0 =	sne.s32 s2, $0x0  }
0x99: {  	s3 =	rddreg [dreg:$0x2];
	[bflag:$0x3] =	sbarrier.arrive $0xFFFF;
	s2 =	simm.s32 @!p0 $0x1C01  }
0x9a: {  	[timem:s3], [sflag:s2] =	dma.local @!p0 [hbm:s0], s1  }
0x9b: {  	s0 =	simm.s32 @!p0 $0x1  }
0x9c: {  	_ =	swait.ge @!p0 [sflag:s0], s1  }
0x9d: {  	s1 =	ssub.s32 @!p0 $0x0, s1;
	[sflag:s0] =	ssyncset.done @!p0 $0x0  }
0x9e: {  	[sflag:s0] =	ssyncadd.s32 @!p0 s1  }
0x9f: {  	[bflag:$0x3] =	sbarrier.arrive $0xFFFF  }
0xa0: {  	_ =	shalt  }

// kernel: kernel.33.cloned.1.call-start
scs
__scs_entry_jumppad:
0x0: {  	(pc) =	sbr.rel $0x88, $3  }
0x1: {  	(tag) =	ssettag $0x0;
	lr =	simm.s32 $0x1  }
0x2: {  	[smem:$0x3F9A] =	sst lr;
	_ =	strace $0xD0000000  }
0x3: {  	_ = 	snop  }
0x4: {  	_ = 	snop  }
0x5: {  	_ = 	snop  }
0x6: {  	_ = 	snop  }
0x7: {  	_ = 	snop  }
__scs_overlays_trampoline_lowered:
0x8: {  	[smem:$0x3FA9] =	sst s0  }
0x9: {  	[smem:$0x3FAA] =	sst s1  }
0xa: {  	[smem:$0x3FAB] =	sst s2  }
0xb: {  	[smem:$0x3FAC] =	sst s3  }
0xc: {  	[smem:$0x3FAD] =	sst s4  }
0xd: {  	[smem:$0x3FAE] =	sst s5  }
0xe: {  	[smem:$0x3FAF] =	sst s6  }
0xf: {  	[smem:$0x3FB0] =	sst s7  }
0x10: {  	[smem:$0x3FB1] =	sst s8  }
0x11: {  	[smem:$0x3FB2] =	sst s9;
	s0 =	simm.s32 @!p0 $0x0  }
0x12: {  	s1 =	sld [smem:$0x3F98];
	s0 =	simm.s32 @p0 $0x1  }
0x13: {  	[smem:$0x3FB3] =	sst s0;
	s0 =	simm.s32 @!p1 $0x0  }
0x14: {  	s2 =	sld [smem:$0x3F97];
	s0 =	simm.s32 @p1 $0x1  }
0x15: {  	[smem:$0x3FB4] =	sst s0;
	s0 =	simm.s32 @!p2 $0x0  }
0x16: {  	s3 =	sld [smem:$0x3FDB];
	s0 =	simm.s32 @p2 $0x1  }
0x17: {  	s4 =	simm.s32 $0x1BF5;
	[smem:$0x3FB6] =	sst s0  }
0x18: {  	s0 =	sld [smem:$0x3F99];
	_ =	swait.ge [sflag:s4], $0x0  }
0x19: {  	s7 =	sld [smem:$0x3F9A]  }
0x1a: {  	s8 =	sadd.s32 $0xFFFFE003, lr  }
0x1b: {  	s9 =	sadd.s32 $0xFFFFFEF7, lr;
	s5 =	simm.s32 $0xFFFFFFFF;
	p2 =	slt.u32 s8, $0xFFFFF086  }
0x1c: {  	p1 =	slt.u32 s9, $0xF7A;
	s5 =	simm.s32 @!p2 $0x0  }
0x1d: {  	s5 =	simm.s32 @p1 $0x1;
	p0 =	seq.s32 s7, s2  }
0x1e: {  	s7 =	smul.u32 @!p0 $0xF7A, s2;
	p2 =	seq.s32 @!p0 s5, $0x0  }
0x1f: {  	s9 =	smul.u32 $0xF7A, s1;
	s8 =	simm.s32 @!p0 $0x1BF5;
	p2 =	por !p2, p0  }
0x20: {  	[sflag:s8] =	ssyncset.s32 @!p0 $0xFFFFF086;
	s6 =	sadd.s32 @!p0 s3, s7;
	s7 =	simm.s32 @!p0 $0x108  }
0x21: {  	s3 =	sadd.s32 s3, s9;
	s6 =	sadd.s32 @!p0 $0x88, s6;
	s7 =	simm.s32 @p2 $0x1082  }
0x22: {  	[simem:s7], [sflag:s8] =	dma.local @!p0 [hbm:s6], $0xF7A  }
0x23: {  	s9 =	sor.u32 $0xD0000000, s2;
	s6 =	simm.s32 $0x108;
	_ =	swait.ge @!p0 [sflag:s8], $0x0  }
0x24: {  	s3 =	sadd.s32 $0x88, s3;
	s6 =	simm.s32 @!p1 $0x1082;
	[sflag:s4] =	ssyncset.s32 $0xFFFFF086  }
0x25: {  	[simem:s6], [sflag:s4] =	dma.local [hbm:s3], $0xF7A  }
0x26: {  	[smem:$0x3F9A] =	sst s1;
	(tag) =	ssettag s2;
	_ =	strace s9  }
0x27: {  	s1 =	sld [smem:$0x3FAA]  }
0x28: {  	s2 =	sld [smem:$0x3FAB]  }
0x29: {  	s4 =	sld [smem:$0x3FAD]  }
0x2a: {  	p0 =	seq.s32 s5, $0x0;
	s5 =	sld [smem:$0x3FAE]  }
0x2b: {  	s6 =	sld [smem:$0x3FAF]  }
0x2c: {  	s7 =	sld [smem:$0x3FB0]  }
0x2d: {  	s3 =	simm.s32 $0x108;
	s8 =	sld [smem:$0x3FB1]  }
0x2e: {  	s3 =	simm.s32 @!p0 $0x1082;
	s9 =	sld [smem:$0x3FB2]  }
0x2f: {  	lr =	sadd.s32 s0, s3;
	s0 =	sld [smem:$0x3FA9]  }
0x30: {  	s3 =	sld [smem:$0x3FAC]  }
0x31: {  	[smem:$0x3FB5] =	sst s10  }
0x32: {  	s10 =	sld [smem:$0x3FB3];
	_ =	sdelay $0x3  }
0x33: {  	p0 =	seq.s32 s10, $0x1;
	s10 =	sld [smem:$0x3FB5];
	_ =	sdelay $0x3  }
0x34: {  	[smem:$0x3FB5] =	sst s10  }
0x35: {  	s10 =	sld [smem:$0x3FB4];
	_ =	sdelay $0x3  }
0x36: {  	p1 =	seq.s32 s10, $0x1;
	s10 =	sld [smem:$0x3FB5];
	_ =	sdelay $0x3  }
0x37: {  	[smem:$0x3FB5] =	sst s10  }
0x38: {  	s10 =	sld [smem:$0x3FB6]  }
0x39: {  	_ = 	snop;
	(pc) =	sbr.ind lr, $3  }
0x3a: {  	_ = 	snop  }
0x3b: {  	_ = 	snop  }
0x3c: {  	p2 =	seq.s32 s10, $0x1;
	s10 =	sld [smem:$0x3FB5]  }
0x3d: {  	_ =	shalt  }
0x3e: {  	_ =	shalt  }
0x3f: {  	_ =	shalt  }
0x40: {  	_ =	shalt  }
0x41: {  	_ =	shalt  }
0x42: {  	_ =	shalt  }
0x43: {  	_ =	shalt  }
0x44: {  	_ =	shalt  }
0x45: {  	_ =	shalt  }
0x46: {  	_ =	shalt  }
0x47: {  	_ =	shalt  }
0x48: {  	_ =	shalt  }
0x49: {  	_ =	shalt  }
0x4a: {  	_ =	shalt  }
0x4b: {  	_ =	shalt  }
0x4c: {  	_ =	shalt  }
0x4d: {  	_ =	shalt  }
0x4e: {  	_ =	shalt  }
0x4f: {  	_ =	shalt  }
0x50: {  	_ =	shalt  }
0x51: {  	_ =	shalt  }
0x52: {  	_ =	shalt  }
0x53: {  	_ =	shalt  }
0x54: {  	_ =	shalt  }
0x55: {  	_ =	shalt  }
0x56: {  	_ =	shalt  }
0x57: {  	_ =	shalt  }
0x58: {  	_ =	shalt  }
0x59: {  	_ =	shalt  }
0x5a: {  	_ =	shalt  }
0x5b: {  	_ =	shalt  }
0x5c: {  	_ =	shalt  }
0x5d: {  	_ =	shalt  }
0x5e: {  	_ =	shalt  }
0x5f: {  	_ =	shalt  }
0x60: {  	_ =	shalt  }
0x61: {  	_ =	shalt  }
0x62: {  	_ =	shalt  }
0x63: {  	_ =	shalt  }
0x64: {  	_ =	shalt  }
0x65: {  	_ =	shalt  }
0x66: {  	_ =	shalt  }
0x67: {  	_ =	shalt  }
0x68: {  	_ =	shalt  }
0x69: {  	_ =	shalt  }
0x6a: {  	_ =	shalt  }
0x6b: {  	_ =	shalt  }
0x6c: {  	_ =	shalt  }
0x6d: {  	_ =	shalt  }
0x6e: {  	_ =	shalt  }
0x6f: {  	_ =	shalt  }
0x70: {  	_ =	shalt  }
0x71: {  	_ =	shalt  }
0x72: {  	_ =	shalt  }
0x73: {  	_ =	shalt  }
0x74: {  	_ =	shalt  }
0x75: {  	_ =	shalt  }
0x76: {  	_ =	shalt  }
0x77: {  	_ =	shalt  }
0x78: {  	_ =	shalt  }
0x79: {  	_ =	shalt  }
0x7a: {  	_ =	shalt  }
0x7b: {  	_ =	shalt  }
0x7c: {  	_ =	shalt  }
0x7d: {  	_ =	shalt  }
0x7e: {  	_ =	shalt  }
0x7f: {  	_ =	shalt  }
0x80: {  	_ =	shalt  }
0x81: {  	_ =	shalt  }
0x82: {  	_ =	shalt  }
0x83: {  	_ =	shalt  }
0x84: {  	_ =	shalt  }
0x85: {  	_ =	shalt  }
0x86: {  	_ =	shalt  }
0x87: {  	_ =	shalt  }
.Lfunc_end0:
.L_simem_size_0:
called_computation.3_lowered:
.L_overlay_start_0:
0x88: {  	s2 =	sld [smem:$0x3FD9]  }
0x89: {  	s3 =	sld [smem:$0x3FFE];
	_ =	sdelay $0x1  }
0x8a: {  	s1 =	srdreg.scid  }
0x8b: {  	s0 =	sand.u32 $0x1, s1  }
0x8c: {  	s17 =	sshll.u32 s0, $0xA;
	s2 =	sadd.s32 s3, s2  }
0x8d: {  	s2 =	sadd.s32 s2, s17  }
0x8e: {  	[smem:$0x3FC1] =	sst s2  }
0x8f: {  	_ = 	snop  }
0x90: {  	s2 =	sld [smem:$0x3FC7]  }
0x91: {  	s18 =	sld [smem:$0x3FD0];
	(tm) =	ssettm $0x1  }
0x92: {  	s4 =	sld [smem:$0x3FFB];
	_ =	sdelay $0x3  }
0x93: {  	_ =	strace s4  }
0x94: {  	s4 =	sld [smem:$0x3FFC];
	_ =	sdelay $0x3  }
0x95: {  	_ =	strace s4  }
0x96: {  	s4 =	sld [smem:$0x3FFD];
	_ =	sdelay $0x3  }
0x97: {  	_ =	strace s4  }
0x98: {  	_ =	strace $0x8FFFFFFF  }
0x99: {  	s19 =	sld [smem:$0x3FDB];
	_ =	sdelay $0x1  }
0x9a: {  	s5 =	simm.s32 $_scs_section_size  }
0x9b: {  	s6 =	simm.s32 $_size__tile_overlayer_lowered;
	s7 =	simm.s32 $_tile_overlayer_lowered  }
0x9c: {  	s22 =	simm.s32 $0x1BFF;
	s21 =	sshll.u32 s7, $0x1;
	s4 =	sadd.s32 s5, s19  }
0x9d: {  	s8 =	simm.s32 $0x0;
	s20 =	sshll.u32 s6, $0x1;
	s6 =	sadd.s32 s21, s4  }
0x9e: {  	[timem:s8], [sflag:s22] =	dma.local [hbm:s6], s20  }
0x9f: {  	_ =	swait.ge [sflag:s22], s20  }
0xa0: {  	s5 =	ssub.s32 $0x0, s20;
	[sflag:s22] =	ssyncset.done $0x0  }
0xa1: {  	[sflag:s22] =	ssyncadd.s32 s5;
	_ =	sdelay $0x1  }
0xa2: {  	s23 =	simm.s32 $0x1B8B  }
0xa3: {  	_ =	swait.ge [sflag:s23], $0x1  }
0xa4: {  	[sflag:s23] =	ssyncset.done $0x0  }
0xa5: {  	s25 =	simm.s32 $0x1B8E;
	s24 =	sld [smem:$0x3FFE];
	[sflag:s23] =	ssyncadd.s32 $0xFFFFFFFF  }
0xa6: {  	s26 =	simm.s32 $execute0_lowered;
	[smem:$0x3FD2] =	sst s25  }
0xa7: {  	s6 =	sshll.u32 s26, $0x1;
	_ =	strace $0x8000004F;
	[dreg:$0x1] =	wrdreg $0xFFFFFFFF  }
0xa8: {  	s28 =	simm.s32 $_size_execute0_lowered;
	s4 =	sadd.s32 s4, s6;
	[dreg:$0x0] =	wrdreg $0x0  }
0xa9: {  	s6 =	sshll.u32 s28, $0x1;
	[dreg:$0x2] =	wrdreg s4  }
0xaa: {  	[dreg:$0x3] =	wrdreg s6  }
0xab: {  	[dreg:$0x4] =	wrdreg $0xC0  }
0xac: {  	_ =	task [dreg:s8], $0x5FFFF  }
0xad: {  	[dreg:$0x1] =	wrdreg $0xFFFFFFFF  }
0xae: {  	[dreg:$0x0] =	wrdreg $0x60  }
0xaf: {  	[dreg:$0x2] =	wrdreg s24  }
0xb0: {  	[dreg:$0x3] =	wrdreg s18  }
0xb1: {  	[dreg:$0x4] =	wrdreg s2  }
0xb2: {  	[dreg:$0x5] =	wrdreg $0x9  }
0xb3: {  	_ =	task.clear_ibuf [dreg:s8], $0x6FFFF;
	_ =	strace $0x9000004F  }
0xb4: {  	s29 =	simm.s32 $0x9;
	_ =	strace $0x80000051  }
0xb5: {  	_ =	swait.ge [sflag:s29], $0x1  }
0xb6: {  	[sflag:s29] =	ssyncadd.s32 $0xFFFFFFFF  }
0xb7: {  	_ =	strace $0x90000051  }
0xb8: {  	_ =	sfence  }
0xb9: {  	s30 =	sld [smem:$0x0];
	_ =	sdelay $0x2  }
0xba: {  	s31 =	sshll.u32 s1, $0xD;
	s1 =	sshrl.u32 s1, $0x2  }
0xbb: {  	s3 =	sand.u32 $0x4000, s31;
	s1 =	sadd.s32 s1, s30  }
0xbc: {  	s0 =	sor.u32 s3, s0;
	s1 =	sshll.u32 s1, $0x11  }
0xbd: {  	s0 =	sor.u32 s1, s0  }
0xbe: {  	s0 =	sadd.s32 $0x8F2B, s0  }
0xbf: {  	[sflag:s0] =	ssyncadd.remote.s32 $0x1  }
0xc0: {  	_ =	sfence.sel $0xFFFF  }
0xc1: {  	[dreg:$0x0] =	wrdreg $0xFFFFFFFF;
	(pc) =	sbr.abs _section_cstart, $3  }
0xc2: {  	[dreg:$0x1] =	wrdreg $0xFFFFFFFF  }
0xc3: {  	_ =	task.clear_ibuf [dreg:s8], $0x2FFFF;
	_ =	strace $0x9FFFFFFF  }
0xc4: {  	(tm) =	ssettm $0x7FFFFFFF  }
0xc5: {  	_ =	shalt  }
tec
execute0_lowered:
.L_overlay_start_1:
0x0: {  	(tag) =	ssettag $0x1  }
0x1: {  	s5 =	rddreg [dreg:$0x0];
	s1 =	srdreg.scid  }
0x2: {  	s0 =	stileid.u32;
	s2 =	rddreg [dreg:$0x1]  }
0x3: {  	s3 =	rddreg [dreg:$0x2];
	s9 =	simm.s32 $0x400;
	s10 =	simm.s32 $0x1  }
0x4: {  	s11 =	simm.s32 $0x13C00;
	s6 =	sand.u32 $0x1, s1;
	s4 =	smul.u32 $0x13C00, s0  }
0x5: {  	s12 =	simm.s32 $0x15B80;
	s13 =	simm.s32 $0x9E00;
	s7 =	sshll.u32 s6, $0x9  }
0x6: {  	s14 =	simm.s32 $0x0;
	s1 =	rddreg [dreg:$0x3];
	s7 =	sor.u32 s7, s4  }
0x7: {  	s6 =	ssub.s32 $0x2, s6;
	s4 =	simm.s32 $0x0;
	s7 =	sshrl.u32 s7, $0x3  }
0x8: {  	s31 =	sshrl.u32 s6, $0x1;
	[smem:$0x7FF] =	sst s4;
	s7 =	sadd.s32 s7, s5  }
0x9: {  	s8 =	ssub.s32 s6, s31;
	_ =	strace $0x80000050;
	s5 =	sadd.s32 $0x7C00, s7  }
0xa: {  	v0 =	vimm.f32 $0.0e+00;
	s6 =	sadd.s32 $0x7E400, s7;
	s7 =	smax.u32 s8, $0x1;
	s8 =	simm.s32 $0x200  }
.LBB2_1:
0xb: {  	[tilespmem:s4], [sflag:$0x1] =	stream.strided.gather [hbm4b:s5+s8], $0x9E00, s9, s8, $0x38;
	[tilespmem:$0x17B00] =	vst v63  }
0xc: {  	_ =	swait.ge [sflag:s10], $0x9E00  }
0xd: {  	s15 =	sand.u32 $0x70, s4;
	s16 =	sand.u32 $0xFE00, s4;
	[sflag:s10] =	ssyncset.done $0x0  }
0xe: {  	s16 =	sor.u32 s15, s16;
	[sflag:s10] =	ssyncadd.s32 $0xFFFF6200  }
0xf: {  	s17 =	simm.s32 $0x0;
	s15 =	simm.s32 $0x10;
	[tilespmem:s16+$0x9E00] =	vst v0  }
.LBB2_2:
0x10: {  	p0 =	sne.s32 s15, $0x2700  }
.Ltmp0:
0x11: {  	_ = 	snop;
	(pc) =	sbr.rel @p0 .LBB2_2-.Ltmp0, $4  }
0x12: {  	s17 =	sadd.s32 $0x40, s17  }
0x13: {  	s16 =	sand.u32 $0x70, s15;
	s18 =	sand.u32 $0xFE00, s17  }
0x14: {  	s16 =	sor.u32 s16, s18  }
0x15: {  	s15 =	sadd.s32 $0x10, s15;
	[tilespmem:s16+$0x9E00] =	vst v0;
	s16 =	simm.s32 $0x0  }
0x16: {  	s15 =	sand.u32 $0x70, s16;
	s17 =	sand.u32 $0xFE00, s16  }
0x17: {  	s15 =	sor.u32 s15, s17  }
0x18: {  	s18 =	simm.s32 $0x0;
	s17 =	simm.s32 $0x10;
	[tilespmem:s15+$0x9E80] =	vst v0  }
.LBB2_4:
0x19: {  	p0 =	sne.s32 s17, $0x2700  }
.Ltmp1:
0x1a: {  	_ = 	snop;
	(pc) =	sbr.rel @p0 .LBB2_4-.Ltmp1, $4  }
0x1b: {  	s18 =	sadd.s32 $0x40, s18  }
0x1c: {  	s19 =	sand.u32 $0x70, s17;
	s20 =	sand.u32 $0xFE00, s18  }
0x1d: {  	s19 =	sor.u32 s19, s20  }
0x1e: {  	s17 =	sadd.s32 $0x10, s17;
	[tilespmem:s19+$0x9E80] =	vst v0  }
0x1f: {  	s17 =	simm.s32 $0x10;
	[tilespmem:s15+$0x9F00] =	vst v0  }
.LBB2_6:
0x20: {  	p0 =	sne.s32 s17, $0x2700  }
.Ltmp2:
0x21: {  	_ = 	snop;
	(pc) =	sbr.rel @p0 .LBB2_6-.Ltmp2, $4  }
0x22: {  	s16 =	sadd.s32 $0x40, s16  }
0x23: {  	s15 =	sand.u32 $0x70, s17;
	s18 =	sand.u32 $0xFE00, s16  }
0x24: {  	s15 =	sor.u32 s15, s18  }
0x25: {  	s17 =	sadd.s32 $0x10, s17;
	[tilespmem:s15+$0x9F00] =	vst v0;
	s15 =	simm.s32 $0x0  }
0x26: {  	s16 =	sand.u32 $0x70, s15;
	s17 =	sand.u32 $0xFE00, s15  }
0x27: {  	s17 =	sor.u32 s16, s17  }
0x28: {  	s16 =	simm.s32 $0x10;
	[tilespmem:s17+$0x9F80] =	vst v0;
	s17 =	simm.s32 $0x0  }
.LBB2_8:
0x29: {  	p0 =	sne.s32 s16, $0x2700  }
.Ltmp3:
0x2a: {  	_ = 	snop;
	(pc) =	sbr.rel @p0 .LBB2_8-.Ltmp3, $4  }
0x2b: {  	s17 =	sadd.s32 $0x40, s17  }
0x2c: {  	s18 =	sand.u32 $0x70, s16;
	s19 =	sand.u32 $0xFE00, s17  }
0x2d: {  	s18 =	sor.u32 s18, s19  }
0x2e: {  	s16 =	sadd.s32 $0x10, s16;
	[tilespmem:s18+$0x9F80] =	vst v0  }
.LBB2_9:
0x2f: {  	s16 =	smul.u32 $0x3E8, s15;
	_ =	sdelay $0x1  }
0x30: {  	s18 =	simm.s32 $0x0;
	s17 =	sadd.s32 s2, s16  }
0x31: {  	[tilespmem:s11], [sflag:$0x1] =	stream.linear.gather [hbm4b:s17+s18], $0x1F40, $0x38;
	[tilespmem:$0x17B00] =	vst v63  }
0x32: {  	_ =	swait.ge [sflag:s10], $0x1F40  }
0x33: {  	[sflag:s10] =	ssyncset.done $0x0  }
0x34: {  	s16 =	sadd.s32 s3, s16;
	[sflag:s10] =	ssyncadd.s32 $0xFFFFE0C0  }
0x35: {  	[tilespmem:s12], [sflag:$0x1] =	stream.linear.gather [hbm4b:s16+s18], $0x1F40, $0x38;
	[tilespmem:$0x17B00] =	vst v63  }
0x36: {  	_ =	swait.ge [sflag:s10], $0x1F40  }
0x37: {  	[sflag:s10] =	ssyncset.done $0x0  }
0x38: {  	s31 =	simm.s32 $0x0;
	[sflag:s10] =	ssyncadd.s32 $0xFFFFE0C0  }
0x39: {  	v1 =	vld [tilespmem:s31+$0x13C00];
	_ =	sdelay $0x4  }
0x3a: {  	v2 =	vshrl.u32 v1, $0xE;
	v3 =	vshrl.u32 v1, $0xC  }
0x3b: {  	v2 =	vand.u32 $0x7F, v2;
	v3 =	vand.u32 $0xFFE00, v3  }
0x3c: {  	v2 =	vor.u32 v2, v3;
	_ =	sdelay $0x3  }
0x3d: {  	v5 =	vld [tilespmem:s31+$0x15B80]  }
0x3e: {  	v4 =	vshll.u32 v1, $0x2;
	v3 =	vld.idx.msk [tilespmem:v2+s4+$0x0], $0xffff  }
0x3f: {  	v1 =	vand.u32 $0x7F, v1;
	v4 =	vand.u32 $0xFE00, v4  }
0x40: {  	v1 =	vor.u32 v1, v4  }
0x41: {  	v61 =	vor.u32 $0x80, v2;
	_ =	sdelay $0x1  }
0x42: {  	v3 =	vmul.f32 v3, v5;
	_ =	sdelay $0x1  }
0x43: {  	[tilespmem:v1+s13+$0x0] =	vst.idx.add.f32.msk $0xffff, v3  }
0x44: {  	v3 =	vld.idx.msk [tilespmem:v61+s4+$0x0], $0xffff;
	_ =	sdelay $0x1  }
0x45: {  	v62 =	vor.u32 $0x80, v1  }
0x46: {  	v6 =	vor.u32 $0x100, v2;
	_ =	sdelay $0x1  }
0x47: {  	v3 =	vmul.f32 v3, v5;
	_ =	sdelay $0x1  }
0x48: {  	[tilespmem:v62+s13+$0x0] =	vst.idx.add.f32.msk $0xffff, v3  }
0x49: {  	v3 =	vld.idx.msk [tilespmem:v6+s4+$0x0], $0xffff;
	_ =	sdelay $0x1  }
0x4a: {  	v63 =	vor.u32 $0x100, v1  }
0x4b: {  	v2 =	vor.u32 $0x180, v2;
	_ =	sdelay $0x1  }
0x4c: {  	v3 =	vmul.f32 v3, v5;
	_ =	sdelay $0x1  }
0x4d: {  	[tilespmem:v63+s13+$0x0] =	vst.idx.add.f32.msk $0xffff, v3  }
0x4e: {  	v2 =	vld.idx.msk [tilespmem:v2+s4+$0x0], $0xffff;
	_ =	sdelay $0x1  }
0x4f: {  	v1 =	vor.u32 $0x180, v1;
	_ =	sdelay $0x2  }
0x50: {  	s17 =	simm.s32 $0x80;
	s16 =	simm.s32 $0x40;
	v2 =	vmul.f32 v2, v5  }
.LBB2_10:
0x51: {  	p0 =	sne.s32 s17, $0x7CC0  }
0x52: {  	s18 =	sshra.s32 s16, $0x2;
	s16 =	smov.u32 s17;
	s17 =	sadd.s32 $0x40, s17;
	[tilespmem:v1+s13+$0x0] =	vst.idx.add.f32.msk $0xffff, v2  }
0x53: {  	v1 =	vld [tilespmem:s18+$0x13C00];
	_ =	sdelay $0x4  }
0x54: {  	v2 =	vshrl.u32 v1, $0xE;
	v3 =	vshrl.u32 v1, $0xC;
	v4 =	vshll.u32 v1, $0x2  }
0x55: {  	v2 =	vand.u32 $0x7F, v2;
	v3 =	vand.u32 $0xFFE00, v3;
	v4 =	vand.u32 $0xFE00, v4  }
0x56: {  	v2 =	vor.u32 v2, v3;
	_ =	sdelay $0x4  }
0x57: {  	v3 =	vld.idx.msk [tilespmem:v2+s4+$0x0], $0xffff  }
0x58: {  	v5 =	vld [tilespmem:s18+$0x15B80]  }
0x59: {  	v1 =	vand.u32 $0x7F, v1  }
0x5a: {  	v1 =	vor.u32 v1, v4  }
0x5b: {  	v4 =	vor.u32 $0x80, v2;
	_ =	sdelay $0x1  }
0x5c: {  	v3 =	vmul.f32 v3, v5;
	_ =	sdelay $0x1  }
0x5d: {  	[tilespmem:v1+s13+$0x0] =	vst.idx.add.f32.msk $0xffff, v3  }
0x5e: {  	v3 =	vld.idx.msk [tilespmem:v4+s4+$0x0], $0xffff;
	_ =	sdelay $0x2  }
0x5f: {  	v4 =	vor.u32 $0x80, v1  }
0x60: {  	v6 =	vor.u32 $0x100, v2;
	_ =	sdelay $0x1  }
0x61: {  	v3 =	vmul.f32 v3, v5;
	_ =	sdelay $0x1  }
0x62: {  	[tilespmem:v4+s13+$0x0] =	vst.idx.add.f32.msk $0xffff, v3  }
0x63: {  	v3 =	vld.idx.msk [tilespmem:v6+s4+$0x0], $0xffff;
	_ =	sdelay $0x2  }
0x64: {  	v4 =	vor.u32 $0x100, v1  }
0x65: {  	v2 =	vor.u32 $0x180, v2;
	_ =	sdelay $0x1  }
0x66: {  	v3 =	vmul.f32 v3, v5;
	_ =	sdelay $0x1  }
0x67: {  	[tilespmem:v4+s13+$0x0] =	vst.idx.add.f32.msk $0xffff, v3  }
0x68: {  	v2 =	vld.idx.msk [tilespmem:v2+s4+$0x0], $0xffff;
	_ =	sdelay $0x1  }
.Ltmp4:
0x69: {  	(pc) =	sbr.rel @p0 .LBB2_10-.Ltmp4, $2  }
0x6a: {  	v1 =	vor.u32 $0x180, v1;
	_ =	sdelay $0x2  }
0x6b: {  	v2 =	vmul.f32 v2, v5  }
0x6c: {  	_ =	sdelay $0x3  }
0x6d: {  	s16 =	sshra.s32 s16, $0x2;
	[tilespmem:v1+s13+$0x0] =	vst.idx.add.f32.msk $0xffff, v2  }
0x6e: {  	v1 =	vld [tilespmem:s16+$0x13C00];
	_ =	sdelay $0x4  }
0x6f: {  	v2 =	vshrl.u32 v1, $0xE;
	v3 =	vshrl.u32 v1, $0xC  }
0x70: {  	v2 =	vand.u32 $0x7F, v2;
	v3 =	vand.u32 $0xFFE00, v3  }
0x71: {  	v2 =	vor.u32 v2, v3;
	_ =	sdelay $0x3  }
0x72: {  	v5 =	vld [tilespmem:s16+$0x15B80]  }
0x73: {  	v4 =	vshll.u32 v1, $0x2;
	v3 =	vld.idx.msk [tilespmem:v2+s4+$0x0], $0xffff  }
0x74: {  	v1 =	vand.u32 $0x7F, v1;
	v4 =	vand.u32 $0xFE00, v4  }
0x75: {  	v1 =	vor.u32 v1, v4  }
0x76: {  	v61 =	vor.u32 $0x80, v2;
	_ =	sdelay $0x1  }
0x77: {  	v3 =	vmul.f32 v3, v5;
	_ =	sdelay $0x1  }
0x78: {  	[tilespmem:v1+s13+$0x0] =	vst.idx.add.f32.msk $0xffff, v3  }
0x79: {  	v3 =	vld.idx.msk [tilespmem:v61+s4+$0x0], $0xffff;
	_ =	sdelay $0x1  }
0x7a: {  	v62 =	vor.u32 $0x80, v1  }
0x7b: {  	v6 =	vor.u32 $0x100, v2;
	_ =	sdelay $0x1  }
0x7c: {  	v3 =	vmul.f32 v3, v5;
	_ =	sdelay $0x1  }
0x7d: {  	[tilespmem:v62+s13+$0x0] =	vst.idx.add.f32.msk $0xffff, v3  }
0x7e: {  	v3 =	vld.idx.msk [tilespmem:v6+s4+$0x0], $0xffff;
	_ =	sdelay $0x1  }
0x7f: {  	v63 =	vor.u32 $0x100, v1  }
0x80: {  	v2 =	vor.u32 $0x180, v2;
	_ =	sdelay $0x1  }
0x81: {  	v3 =	vmul.f32 v3, v5;
	_ =	sdelay $0x1  }
0x82: {  	[tilespmem:v63+s13+$0x0] =	vst.idx.add.f32.msk $0xffff, v3  }
0x83: {  	v2 =	vld.idx.msk [tilespmem:v2+s4+$0x0], $0xffff  }
0x84: {  	s15 =	sadd.s32 $0x1, s15  }
0x85: {  	p0 =	sne.s32 s15, $0x28;
	v1 =	vor.u32 $0x180, v1  }
.Ltmp5:
0x86: {  	_ = 	snop;
	(pc) =	sbr.rel @p0 .LBB2_9-.Ltmp5, $3  }
0x87: {  	_ = 	snop  }
0x88: {  	v2 =	vmul.f32 v2, v5;
	_ =	sdelay $0x1  }
0x89: {  	[tilespmem:v1+s13+$0x0] =	vst.idx.add.f32.msk $0xffff, v2  }
0x8a: {  	s14 =	sadd.s32 $0x1, s14  }
0x8b: {  	p0 =	sne.s32 s14, s7  }
.Ltmp6:
0x8c: {  	_ = 	snop;
	(pc) =	sbr.rel @p0 .LBB2_1-.Ltmp6, $4  }
0x8d: {  	[hbm4b:s6+s8] =	stream.strided.scatter [tilespmem:s13], [sflag:$0x1], $0x9E00, s9, s8, $0x38;
	[tilespmem:$0x17B00] =	vst v63  }
0x8e: {  	_ =	swait.ge [sflag:s10], $0x9E00  }
0x8f: {  	[sflag:s10] =	ssyncset.done $0x0  }
0x90: {  	[sflag:s10] =	ssyncadd.s32 $0xFFFF6200  }
0x91: {  	_ =	sfence.sel $0x180000  }
0x92: {  	[bflag:$0x0] =	sbarrier.arrive $0xFFFF  }
0x93: {  	p0 =	sne.s32 s0, $0x0;
	_ =	strace $0x90000050  }
0x94: {  	s0 =	sadd.s32 @!p0 $0x100000, s1;
	[bflag:$0x2] =	sbarrier.arrive $0xFFFF  }
0x95: {  	[sflag:s0] =	ssyncadd.tile.s32 @!p0 $0x1;
	_ =	shalt  }
.Lfunc_end2:
_tile_overlayer_lowered:
.L_overlay_start_2:
0x96: {  	(tag) =	ssettag $0x2  }
0x97: {  	s0 =	rddreg [dreg:$0x0];
	s2 =	stileid.u32  }
0x98: {  	s1 =	rddreg [dreg:$0x1];
	p0 =	sne.s32 s2, $0x0  }
0x99: {  	s3 =	rddreg [dreg:$0x2];
	[bflag:$0x3] =	sbarrier.arrive $0xFFFF;
	s2 =	simm.s32 @!p0 $0x1C01  }
0x9a: {  	[timem:s3], [sflag:s2] =	dma.local @!p0 [hbm:s0], s1  }
0x9b: {  	s0 =	simm.s32 @!p0 $0x1  }
0x9c: {  	_ =	swait.ge @!p0 [sflag:s0], s1  }
0x9d: {  	s1 =	ssub.s32 @!p0 $0x0, s1;
	[sflag:s0] =	ssyncset.done @!p0 $0x0  }
0x9e: {  	[sflag:s0] =	ssyncadd.s32 @!p0 s1  }
0x9f: {  	[bflag:$0x3] =	sbarrier.arrive $0xFFFF  }
0xa0: {  	_ =	shalt  }

// kernel: kernel.36.cloned.1.call-start
scs
__scs_entry_jumppad:
0x0: {  	(pc) =	sbr.rel $0x88, $3  }
0x1: {  	(tag) =	ssettag $0x0;
	lr =	simm.s32 $0x1  }
0x2: {  	[smem:$0x3F9A] =	sst lr;
	_ =	strace $0xD0000000  }
0x3: {  	_ = 	snop  }
0x4: {  	_ = 	snop  }
0x5: {  	_ = 	snop  }
0x6: {  	_ = 	snop  }
0x7: {  	_ = 	snop  }
__scs_overlays_trampoline_lowered:
0x8: {  	[smem:$0x3FA9] =	sst s0  }
0x9: {  	[smem:$0x3FAA] =	sst s1  }
0xa: {  	[smem:$0x3FAB] =	sst s2  }
0xb: {  	[smem:$0x3FAC] =	sst s3  }
0xc: {  	[smem:$0x3FAD] =	sst s4  }
0xd: {  	[smem:$0x3FAE] =	sst s5  }
0xe: {  	[smem:$0x3FAF] =	sst s6  }
0xf: {  	[smem:$0x3FB0] =	sst s7  }
0x10: {  	[smem:$0x3FB1] =	sst s8  }
0x11: {  	[smem:$0x3FB2] =	sst s9;
	s0 =	simm.s32 @!p0 $0x0  }
0x12: {  	s1 =	sld [smem:$0x3F98];
	s0 =	simm.s32 @p0 $0x1  }
0x13: {  	[smem:$0x3FB3] =	sst s0;
	s0 =	simm.s32 @!p1 $0x0  }
0x14: {  	s2 =	sld [smem:$0x3F97];
	s0 =	simm.s32 @p1 $0x1  }
0x15: {  	[smem:$0x3FB4] =	sst s0;
	s0 =	simm.s32 @!p2 $0x0  }
0x16: {  	s3 =	sld [smem:$0x3FDB];
	s0 =	simm.s32 @p2 $0x1  }
0x17: {  	s4 =	simm.s32 $0x1BF5;
	[smem:$0x3FB6] =	sst s0  }
0x18: {  	s0 =	sld [smem:$0x3F99];
	_ =	swait.ge [sflag:s4], $0x0  }
0x19: {  	s7 =	sld [smem:$0x3F9A]  }
0x1a: {  	s8 =	sadd.s32 $0xFFFFE003, lr  }
0x1b: {  	s9 =	sadd.s32 $0xFFFFFEF7, lr;
	s5 =	simm.s32 $0xFFFFFFFF;
	p2 =	slt.u32 s8, $0xFFFFF086  }
0x1c: {  	p1 =	slt.u32 s9, $0xF7A;
	s5 =	simm.s32 @!p2 $0x0  }
0x1d: {  	s5 =	simm.s32 @p1 $0x1;
	p0 =	seq.s32 s7, s2  }
0x1e: {  	s7 =	smul.u32 @!p0 $0xF7A, s2;
	p2 =	seq.s32 @!p0 s5, $0x0  }
0x1f: {  	s9 =	smul.u32 $0xF7A, s1;
	s8 =	simm.s32 @!p0 $0x1BF5;
	p2 =	por !p2, p0  }
0x20: {  	[sflag:s8] =	ssyncset.s32 @!p0 $0xFFFFF086;
	s6 =	sadd.s32 @!p0 s3, s7;
	s7 =	simm.s32 @!p0 $0x108  }
0x21: {  	s3 =	sadd.s32 s3, s9;
	s6 =	sadd.s32 @!p0 $0x88, s6;
	s7 =	simm.s32 @p2 $0x1082  }
0x22: {  	[simem:s7], [sflag:s8] =	dma.local @!p0 [hbm:s6], $0xF7A  }
0x23: {  	s9 =	sor.u32 $0xD0000000, s2;
	s6 =	simm.s32 $0x108;
	_ =	swait.ge @!p0 [sflag:s8], $0x0  }
0x24: {  	s3 =	sadd.s32 $0x88, s3;
	s6 =	simm.s32 @!p1 $0x1082;
	[sflag:s4] =	ssyncset.s32 $0xFFFFF086  }
0x25: {  	[simem:s6], [sflag:s4] =	dma.local [hbm:s3], $0xF7A  }
0x26: {  	[smem:$0x3F9A] =	sst s1;
	(tag) =	ssettag s2;
	_ =	strace s9  }
0x27: {  	s1 =	sld [smem:$0x3FAA]  }
0x28: {  	s2 =	sld [smem:$0x3FAB]  }
0x29: {  	s4 =	sld [smem:$0x3FAD]  }
0x2a: {  	p0 =	seq.s32 s5, $0x0;
	s5 =	sld [smem:$0x3FAE]  }
0x2b: {  	s6 =	sld [smem:$0x3FAF]  }
0x2c: {  	s7 =	sld [smem:$0x3FB0]  }
0x2d: {  	s3 =	simm.s32 $0x108;
	s8 =	sld [smem:$0x3FB1]  }
0x2e: {  	s3 =	simm.s32 @!p0 $0x1082;
	s9 =	sld [smem:$0x3FB2]  }
0x2f: {  	lr =	sadd.s32 s0, s3;
	s0 =	sld [smem:$0x3FA9]  }
0x30: {  	s3 =	sld [smem:$0x3FAC]  }
0x31: {  	[smem:$0x3FB5] =	sst s10  }
0x32: {  	s10 =	sld [smem:$0x3FB3];
	_ =	sdelay $0x3  }
0x33: {  	p0 =	seq.s32 s10, $0x1;
	s10 =	sld [smem:$0x3FB5];
	_ =	sdelay $0x3  }
0x34: {  	[smem:$0x3FB5] =	sst s10  }
0x35: {  	s10 =	sld [smem:$0x3FB4];
	_ =	sdelay $0x3  }
0x36: {  	p1 =	seq.s32 s10, $0x1;
	s10 =	sld [smem:$0x3FB5];
	_ =	sdelay $0x3  }
0x37: {  	[smem:$0x3FB5] =	sst s10  }
0x38: {  	s10 =	sld [smem:$0x3FB6]  }
0x39: {  	_ = 	snop;
	(pc) =	sbr.ind lr, $3  }
0x3a: {  	_ = 	snop  }
0x3b: {  	_ = 	snop  }
0x3c: {  	p2 =	seq.s32 s10, $0x1;
	s10 =	sld [smem:$0x3FB5]  }
0x3d: {  	_ =	shalt  }
0x3e: {  	_ =	shalt  }
0x3f: {  	_ =	shalt  }
0x40: {  	_ =	shalt  }
0x41: {  	_ =	shalt  }
0x42: {  	_ =	shalt  }
0x43: {  	_ =	shalt  }
0x44: {  	_ =	shalt  }
0x45: {  	_ =	shalt  }
0x46: {  	_ =	shalt  }
0x47: {  	_ =	shalt  }
0x48: {  	_ =	shalt  }
0x49: {  	_ =	shalt  }
0x4a: {  	_ =	shalt  }
0x4b: {  	_ =	shalt  }
0x4c: {  	_ =	shalt  }
0x4d: {  	_ =	shalt  }
0x4e: {  	_ =	shalt  }
0x4f: {  	_ =	shalt  }
0x50: {  	_ =	shalt  }
0x51: {  	_ =	shalt  }
0x52: {  	_ =	shalt  }
0x53: {  	_ =	shalt  }
0x54: {  	_ =	shalt  }
0x55: {  	_ =	shalt  }
0x56: {  	_ =	shalt  }
0x57: {  	_ =	shalt  }
0x58: {  	_ =	shalt  }
0x59: {  	_ =	shalt  }
0x5a: {  	_ =	shalt  }
0x5b: {  	_ =	shalt  }
0x5c: {  	_ =	shalt  }
0x5d: {  	_ =	shalt  }
0x5e: {  	_ =	shalt  }
0x5f: {  	_ =	shalt  }
0x60: {  	_ =	shalt  }
0x61: {  	_ =	shalt  }
0x62: {  	_ =	shalt  }
0x63: {  	_ =	shalt  }
0x64: {  	_ =	shalt  }
0x65: {  	_ =	shalt  }
0x66: {  	_ =	shalt  }
0x67: {  	_ =	shalt  }
0x68: {  	_ =	shalt  }
0x69: {  	_ =	shalt  }
0x6a: {  	_ =	shalt  }
0x6b: {  	_ =	shalt  }
0x6c: {  	_ =	shalt  }
0x6d: {  	_ =	shalt  }
0x6e: {  	_ =	shalt  }
0x6f: {  	_ =	shalt  }
0x70: {  	_ =	shalt  }
0x71: {  	_ =	shalt  }
0x72: {  	_ =	shalt  }
0x73: {  	_ =	shalt  }
0x74: {  	_ =	shalt  }
0x75: {  	_ =	shalt  }
0x76: {  	_ =	shalt  }
0x77: {  	_ =	shalt  }
0x78: {  	_ =	shalt  }
0x79: {  	_ =	shalt  }
0x7a: {  	_ =	shalt  }
0x7b: {  	_ =	shalt  }
0x7c: {  	_ =	shalt  }
0x7d: {  	_ =	shalt  }
0x7e: {  	_ =	shalt  }
0x7f: {  	_ =	shalt  }
0x80: {  	_ =	shalt  }
0x81: {  	_ =	shalt  }
0x82: {  	_ =	shalt  }
0x83: {  	_ =	shalt  }
0x84: {  	_ =	shalt  }
0x85: {  	_ =	shalt  }
0x86: {  	_ =	shalt  }
0x87: {  	_ =	shalt  }
.Lfunc_end0:
.L_simem_size_0:
called_computation.4_lowered:
.L_overlay_start_0:
0x88: {  	s2 =	sld [smem:$0x3FD9]  }
0x89: {  	s3 =	sld [smem:$0x3FFE];
	_ =	sdelay $0x1  }
0x8a: {  	s1 =	srdreg.scid  }
0x8b: {  	s0 =	sand.u32 $0x1, s1  }
0x8c: {  	s17 =	sshll.u32 s0, $0xA;
	s2 =	sadd.s32 s3, s2  }
0x8d: {  	s2 =	sadd.s32 s2, s17  }
0x8e: {  	[smem:$0x3FC1] =	sst s2  }
0x8f: {  	_ = 	snop  }
0x90: {  	s2 =	sld [smem:$0x3FC7]  }
0x91: {  	s18 =	sld [smem:$0x3FD0];
	(tm) =	ssettm $0x1  }
0x92: {  	s4 =	sld [smem:$0x3FFB];
	_ =	sdelay $0x3  }
0x93: {  	_ =	strace s4  }
0x94: {  	s4 =	sld [smem:$0x3FFC];
	_ =	sdelay $0x3  }
0x95: {  	_ =	strace s4  }
0x96: {  	s4 =	sld [smem:$0x3FFD];
	_ =	sdelay $0x3  }
0x97: {  	_ =	strace s4  }
0x98: {  	_ =	strace $0x8FFFFFFF  }
0x99: {  	s19 =	sld [smem:$0x3FDB];
	_ =	sdelay $0x1  }
0x9a: {  	s5 =	simm.s32 $_scs_section_size  }
0x9b: {  	s6 =	simm.s32 $_size__tile_overlayer_lowered;
	s7 =	simm.s32 $_tile_overlayer_lowered  }
0x9c: {  	s22 =	simm.s32 $0x1BFF;
	s21 =	sshll.u32 s7, $0x1;
	s4 =	sadd.s32 s5, s19  }
0x9d: {  	s8 =	simm.s32 $0x0;
	s20 =	sshll.u32 s6, $0x1;
	s6 =	sadd.s32 s21, s4  }
0x9e: {  	[timem:s8], [sflag:s22] =	dma.local [hbm:s6], s20  }
0x9f: {  	_ =	swait.ge [sflag:s22], s20  }
0xa0: {  	s5 =	ssub.s32 $0x0, s20;
	[sflag:s22] =	ssyncset.done $0x0  }
0xa1: {  	[sflag:s22] =	ssyncadd.s32 s5;
	_ =	sdelay $0x1  }
0xa2: {  	s23 =	simm.s32 $0x1B8B  }
0xa3: {  	_ =	swait.ge [sflag:s23], $0x1  }
0xa4: {  	[sflag:s23] =	ssyncset.done $0x0  }
0xa5: {  	s25 =	simm.s32 $0x1B8E;
	s24 =	sld [smem:$0x3FFE];
	[sflag:s23] =	ssyncadd.s32 $0xFFFFFFFF  }
0xa6: {  	s26 =	simm.s32 $execute0_lowered;
	[smem:$0x3FD2] =	sst s25  }
0xa7: {  	s6 =	sshll.u32 s26, $0x1;
	_ =	strace $0x80000052;
	[dreg:$0x1] =	wrdreg $0xFFFFFFFF  }
0xa8: {  	s28 =	simm.s32 $_size_execute0_lowered;
	s4 =	sadd.s32 s4, s6;
	[dreg:$0x0] =	wrdreg $0x0  }
0xa9: {  	s6 =	sshll.u32 s28, $0x1;
	[dreg:$0x2] =	wrdreg s4  }
0xaa: {  	[dreg:$0x3] =	wrdreg s6  }
0xab: {  	[dreg:$0x4] =	wrdreg $0xC0  }
0xac: {  	_ =	task [dreg:s8], $0x5FFFF  }
0xad: {  	[dreg:$0x1] =	wrdreg $0xFFFFFFFF  }
0xae: {  	[dreg:$0x0] =	wrdreg $0x60  }
0xaf: {  	[dreg:$0x2] =	wrdreg s24  }
0xb0: {  	[dreg:$0x3] =	wrdreg s18  }
0xb1: {  	[dreg:$0x4] =	wrdreg s2  }
0xb2: {  	[dreg:$0x5] =	wrdreg $0x9  }
0xb3: {  	_ =	task.clear_ibuf [dreg:s8], $0x6FFFF;
	_ =	strace $0x90000052  }
0xb4: {  	s29 =	simm.s32 $0x9;
	_ =	strace $0x80000054  }
0xb5: {  	_ =	swait.ge [sflag:s29], $0x1  }
0xb6: {  	[sflag:s29] =	ssyncadd.s32 $0xFFFFFFFF  }
0xb7: {  	_ =	strace $0x90000054  }
0xb8: {  	_ =	sfence  }
0xb9: {  	s30 =	sld [smem:$0x0];
	_ =	sdelay $0x2  }
0xba: {  	s31 =	sshll.u32 s1, $0xD;
	s1 =	sshrl.u32 s1, $0x2  }
0xbb: {  	s3 =	sand.u32 $0x4000, s31;
	s1 =	sadd.s32 s1, s30  }
0xbc: {  	s0 =	sor.u32 s3, s0;
	s1 =	sshll.u32 s1, $0x11  }
0xbd: {  	s0 =	sor.u32 s1, s0  }
0xbe: {  	s0 =	sadd.s32 $0x8F2B, s0  }
0xbf: {  	[sflag:s0] =	ssyncadd.remote.s32 $0x1  }
0xc0: {  	_ =	sfence.sel $0xFFFF  }
0xc1: {  	[dreg:$0x0] =	wrdreg $0xFFFFFFFF;
	(pc) =	sbr.abs _section_cstart, $3  }
0xc2: {  	[dreg:$0x1] =	wrdreg $0xFFFFFFFF  }
0xc3: {  	_ =	task.clear_ibuf [dreg:s8], $0x2FFFF;
	_ =	strace $0x9FFFFFFF  }
0xc4: {  	(tm) =	ssettm $0x7FFFFFFF  }
0xc5: {  	_ =	shalt  }
tec
execute0_lowered:
.L_overlay_start_1:
0x0: {  	(tag) =	ssettag $0x1  }
0x1: {  	s5 =	rddreg [dreg:$0x0];
	s1 =	srdreg.scid  }
0x2: {  	s0 =	stileid.u32;
	s2 =	rddreg [dreg:$0x1]  }
0x3: {  	s3 =	rddreg [dreg:$0x2];
	s9 =	simm.s32 $0x400;
	s10 =	simm.s32 $0x1  }
0x4: {  	s11 =	simm.s32 $0x13C00;
	s6 =	sand.u32 $0x1, s1;
	s4 =	smul.u32 $0x13C00, s0  }
0x5: {  	s12 =	simm.s32 $0x15B80;
	s13 =	simm.s32 $0x9E00;
	s7 =	sshll.u32 s6, $0x9  }
0x6: {  	s14 =	simm.s32 $0x0;
	s1 =	rddreg [dreg:$0x3];
	s7 =	sor.u32 s7, s4  }
0x7: {  	s6 =	ssub.s32 $0x2, s6;
	s4 =	simm.s32 $0x0;
	s7 =	sshrl.u32 s7, $0x3  }
0x8: {  	s31 =	sshrl.u32 s6, $0x1;
	[smem:$0x7FF] =	sst s4;
	s7 =	sadd.s32 s7, s5  }
0x9: {  	s8 =	ssub.s32 s6, s31;
	_ =	strace $0x80000053;
	s5 =	sadd.s32 $0x7C00, s7  }
0xa: {  	v0 =	vimm.f32 $0.0e+00;
	s6 =	sadd.s32 $0x7E400, s7;
	s7 =	smax.u32 s8, $0x1;
	s8 =	simm.s32 $0x200  }
.LBB2_1:
0xb: {  	[tilespmem:s4], [sflag:$0x1] =	stream.strided.gather [hbm4b:s5+s8], $0x9E00, s9, s8, $0x38;
	[tilespmem:$0x17B00] =	vst v63  }
0xc: {  	_ =	swait.ge [sflag:s10], $0x9E00  }
0xd: {  	s15 =	sand.u32 $0x70, s4;
	s16 =	sand.u32 $0xFE00, s4;
	[sflag:s10] =	ssyncset.done $0x0  }
0xe: {  	s16 =	sor.u32 s15, s16;
	[sflag:s10] =	ssyncadd.s32 $0xFFFF6200  }
0xf: {  	s17 =	simm.s32 $0x0;
	s15 =	simm.s32 $0x10;
	[tilespmem:s16+$0x9E00] =	vst v0  }
.LBB2_2:
0x10: {  	p0 =	sne.s32 s15, $0x2700  }
.Ltmp0:
0x11: {  	_ = 	snop;
	(pc) =	sbr.rel @p0 .LBB2_2-.Ltmp0, $4  }
0x12: {  	s17 =	sadd.s32 $0x40, s17  }
0x13: {  	s16 =	sand.u32 $0x70, s15;
	s18 =	sand.u32 $0xFE00, s17  }
0x14: {  	s16 =	sor.u32 s16, s18  }
0x15: {  	s15 =	sadd.s32 $0x10, s15;
	[tilespmem:s16+$0x9E00] =	vst v0;
	s16 =	simm.s32 $0x0  }
0x16: {  	s15 =	sand.u32 $0x70, s16;
	s17 =	sand.u32 $0xFE00, s16  }
0x17: {  	s15 =	sor.u32 s15, s17  }
0x18: {  	s18 =	simm.s32 $0x0;
	s17 =	simm.s32 $0x10;
	[tilespmem:s15+$0x9E80] =	vst v0  }
.LBB2_4:
0x19: {  	p0 =	sne.s32 s17, $0x2700  }
.Ltmp1:
0x1a: {  	_ = 	snop;
	(pc) =	sbr.rel @p0 .LBB2_4-.Ltmp1, $4  }
0x1b: {  	s18 =	sadd.s32 $0x40, s18  }
0x1c: {  	s19 =	sand.u32 $0x70, s17;
	s20 =	sand.u32 $0xFE00, s18  }
0x1d: {  	s19 =	sor.u32 s19, s20  }
0x1e: {  	s17 =	sadd.s32 $0x10, s17;
	[tilespmem:s19+$0x9E80] =	vst v0  }
0x1f: {  	s17 =	simm.s32 $0x10;
	[tilespmem:s15+$0x9F00] =	vst v0  }
.LBB2_6:
0x20: {  	p0 =	sne.s32 s17, $0x2700  }
.Ltmp2:
0x21: {  	_ = 	snop;
	(pc) =	sbr.rel @p0 .LBB2_6-.Ltmp2, $4  }
0x22: {  	s16 =	sadd.s32 $0x40, s16  }
0x23: {  	s15 =	sand.u32 $0x70, s17;
	s18 =	sand.u32 $0xFE00, s16  }
0x24: {  	s15 =	sor.u32 s15, s18  }
0x25: {  	s17 =	sadd.s32 $0x10, s17;
	[tilespmem:s15+$0x9F00] =	vst v0;
	s15 =	simm.s32 $0x0  }
0x26: {  	s16 =	sand.u32 $0x70, s15;
	s17 =	sand.u32 $0xFE00, s15  }
0x27: {  	s17 =	sor.u32 s16, s17  }
0x28: {  	s16 =	simm.s32 $0x10;
	[tilespmem:s17+$0x9F80] =	vst v0;
	s17 =	simm.s32 $0x0  }
.LBB2_8:
0x29: {  	p0 =	sne.s32 s16, $0x2700  }
.Ltmp3:
0x2a: {  	_ = 	snop;
	(pc) =	sbr.rel @p0 .LBB2_8-.Ltmp3, $4  }
0x2b: {  	s17 =	sadd.s32 $0x40, s17  }
0x2c: {  	s18 =	sand.u32 $0x70, s16;
	s19 =	sand.u32 $0xFE00, s17  }
0x2d: {  	s18 =	sor.u32 s18, s19  }
0x2e: {  	s16 =	sadd.s32 $0x10, s16;
	[tilespmem:s18+$0x9F80] =	vst v0  }
.LBB2_9:
0x2f: {  	s16 =	smul.u32 $0x3E8, s15;
	_ =	sdelay $0x1  }
0x30: {  	s18 =	simm.s32 $0x0;
	s17 =	sadd.s32 s2, s16  }
0x31: {  	[tilespmem:s11], [sflag:$0x1] =	stream.linear.gather [hbm4b:s17+s18], $0x1F40, $0x38;
	[tilespmem:$0x17B00] =	vst v63  }
0x32: {  	_ =	swait.ge [sflag:s10], $0x1F40  }
0x33: {  	[sflag:s10] =	ssyncset.done $0x0  }
0x34: {  	s16 =	sadd.s32 s3, s16;
	[sflag:s10] =	ssyncadd.s32 $0xFFFFE0C0  }
0x35: {  	[tilespmem:s12], [sflag:$0x1] =	stream.linear.gather [hbm4b:s16+s18], $0x1F40, $0x38;
	[tilespmem:$0x17B00] =	vst v63  }
0x36: {  	_ =	swait.ge [sflag:s10], $0x1F40  }
0x37: {  	[sflag:s10] =	ssyncset.done $0x0  }
0x38: {  	s31 =	simm.s32 $0x0;
	[sflag:s10] =	ssyncadd.s32 $0xFFFFE0C0  }
0x39: {  	v1 =	vld [tilespmem:s31+$0x13C00];
	_ =	sdelay $0x4  }
0x3a: {  	v2 =	vshrl.u32 v1, $0xE;
	v3 =	vshrl.u32 v1, $0xC  }
0x3b: {  	v2 =	vand.u32 $0x7F, v2;
	v3 =	vand.u32 $0xFFE00, v3  }
0x3c: {  	v2 =	vor.u32 v2, v3;
	_ =	sdelay $0x3  }
0x3d: {  	v5 =	vld [tilespmem:s31+$0x15B80]  }
0x3e: {  	v4 =	vshll.u32 v1, $0x2;
	v3 =	vld.idx.msk [tilespmem:v2+s4+$0x0], $0xffff  }
0x3f: {  	v1 =	vand.u32 $0x7F, v1;
	v4 =	vand.u32 $0xFE00, v4  }
0x40: {  	v1 =	vor.u32 v1, v4  }
0x41: {  	v61 =	vor.u32 $0x80, v2;
	_ =	sdelay $0x1  }
0x42: {  	v3 =	vmul.f32 v3, v5;
	_ =	sdelay $0x1  }
0x43: {  	[tilespmem:v1+s13+$0x0] =	vst.idx.add.f32.msk $0xffff, v3  }
0x44: {  	v3 =	vld.idx.msk [tilespmem:v61+s4+$0x0], $0xffff;
	_ =	sdelay $0x1  }
0x45: {  	v62 =	vor.u32 $0x80, v1  }
0x46: {  	v6 =	vor.u32 $0x100, v2;
	_ =	sdelay $0x1  }
0x47: {  	v3 =	vmul.f32 v3, v5;
	_ =	sdelay $0x1  }
0x48: {  	[tilespmem:v62+s13+$0x0] =	vst.idx.add.f32.msk $0xffff, v3  }
0x49: {  	v3 =	vld.idx.msk [tilespmem:v6+s4+$0x0], $0xffff;
	_ =	sdelay $0x1  }
0x4a: {  	v63 =	vor.u32 $0x100, v1  }
0x4b: {  	v2 =	vor.u32 $0x180, v2;
	_ =	sdelay $0x1  }
0x4c: {  	v3 =	vmul.f32 v3, v5;
	_ =	sdelay $0x1  }
0x4d: {  	[tilespmem:v63+s13+$0x0] =	vst.idx.add.f32.msk $0xffff, v3  }
0x4e: {  	v2 =	vld.idx.msk [tilespmem:v2+s4+$0x0], $0xffff;
	_ =	sdelay $0x1  }
0x4f: {  	v1 =	vor.u32 $0x180, v1;
	_ =	sdelay $0x2  }
0x50: {  	s17 =	simm.s32 $0x80;
	s16 =	simm.s32 $0x40;
	v2 =	vmul.f32 v2, v5  }
.LBB2_10:
0x51: {  	p0 =	sne.s32 s17, $0x7CC0  }
0x52: {  	s18 =	sshra.s32 s16, $0x2;
	s16 =	smov.u32 s17;
	s17 =	sadd.s32 $0x40, s17;
	[tilespmem:v1+s13+$0x0] =	vst.idx.add.f32.msk $0xffff, v2  }
0x53: {  	v1 =	vld [tilespmem:s18+$0x13C00];
	_ =	sdelay $0x4  }
0x54: {  	v2 =	vshrl.u32 v1, $0xE;
	v3 =	vshrl.u32 v1, $0xC;
	v4 =	vshll.u32 v1, $0x2  }
0x55: {  	v2 =	vand.u32 $0x7F, v2;
	v3 =	vand.u32 $0xFFE00, v3;
	v4 =	vand.u32 $0xFE00, v4  }
0x56: {  	v2 =	vor.u32 v2, v3;
	_ =	sdelay $0x4  }
0x57: {  	v3 =	vld.idx.msk [tilespmem:v2+s4+$0x0], $0xffff  }
0x58: {  	v5 =	vld [tilespmem:s18+$0x15B80]  }
0x59: {  	v1 =	vand.u32 $0x7F, v1  }
0x5a: {  	v1 =	vor.u32 v1, v4  }
0x5b: {  	v4 =	vor.u32 $0x80, v2;
	_ =	sdelay $0x1  }
0x5c: {  	v3 =	vmul.f32 v3, v5;
	_ =	sdelay $0x1  }
0x5d: {  	[tilespmem:v1+s13+$0x0] =	vst.idx.add.f32.msk $0xffff, v3  }
0x5e: {  	v3 =	vld.idx.msk [tilespmem:v4+s4+$0x0], $0xffff;
	_ =	sdelay $0x2  }
0x5f: {  	v4 =	vor.u32 $0x80, v1  }
0x60: {  	v6 =	vor.u32 $0x100, v2;
	_ =	sdelay $0x1  }
0x61: {  	v3 =	vmul.f32 v3, v5;
	_ =	sdelay $0x1  }
0x62: {  	[tilespmem:v4+s13+$0x0] =	vst.idx.add.f32.msk $0xffff, v3  }
0x63: {  	v3 =	vld.idx.msk [tilespmem:v6+s4+$0x0], $0xffff;
	_ =	sdelay $0x2  }
0x64: {  	v4 =	vor.u32 $0x100, v1  }
0x65: {  	v2 =	vor.u32 $0x180, v2;
	_ =	sdelay $0x1  }
0x66: {  	v3 =	vmul.f32 v3, v5;
	_ =	sdelay $0x1  }
0x67: {  	[tilespmem:v4+s13+$0x0] =	vst.idx.add.f32.msk $0xffff, v3  }
0x68: {  	v2 =	vld.idx.msk [tilespmem:v2+s4+$0x0], $0xffff;
	_ =	sdelay $0x1  }
.Ltmp4:
0x69: {  	(pc) =	sbr.rel @p0 .LBB2_10-.Ltmp4, $2  }
0x6a: {  	v1 =	vor.u32 $0x180, v1;
	_ =	sdelay $0x2  }
0x6b: {  	v2 =	vmul.f32 v2, v5  }
0x6c: {  	_ =	sdelay $0x3  }
0x6d: {  	s16 =	sshra.s32 s16, $0x2;
	[tilespmem:v1+s13+$0x0] =	vst.idx.add.f32.msk $0xffff, v2  }
0x6e: {  	v1 =	vld [tilespmem:s16+$0x13C00];
	_ =	sdelay $0x4  }
0x6f: {  	v2 =	vshrl.u32 v1, $0xE;
	v3 =	vshrl.u32 v1, $0xC  }
0x70: {  	v2 =	vand.u32 $0x7F, v2;
	v3 =	vand.u32 $0xFFE00, v3  }
0x71: {  	v2 =	vor.u32 v2, v3;
	_ =	sdelay $0x3  }
0x72: {  	v5 =	vld [tilespmem:s16+$0x15B80]  }
0x73: {  	v4 =	vshll.u32 v1, $0x2;
	v3 =	vld.idx.msk [tilespmem:v2+s4+$0x0], $0xffff  }
0x74: {  	v1 =	vand.u32 $0x7F, v1;
	v4 =	vand.u32 $0xFE00, v4  }
0x75: {  	v1 =	vor.u32 v1, v4  }
0x76: {  	v61 =	vor.u32 $0x80, v2;
	_ =	sdelay $0x1  }
0x77: {  	v3 =	vmul.f32 v3, v5;
	_ =	sdelay $0x1  }
0x78: {  	[tilespmem:v1+s13+$0x0] =	vst.idx.add.f32.msk $0xffff, v3  }
0x79: {  	v3 =	vld.idx.msk [tilespmem:v61+s4+$0x0], $0xffff;
	_ =	sdelay $0x1  }
0x7a: {  	v62 =	vor.u32 $0x80, v1  }
0x7b: {  	v6 =	vor.u32 $0x100, v2;
	_ =	sdelay $0x1  }
0x7c: {  	v3 =	vmul.f32 v3, v5;
	_ =	sdelay $0x1  }
0x7d: {  	[tilespmem:v62+s13+$0x0] =	vst.idx.add.f32.msk $0xffff, v3  }
0x7e: {  	v3 =	vld.idx.msk [tilespmem:v6+s4+$0x0], $0xffff;
	_ =	sdelay $0x1  }
0x7f: {  	v63 =	vor.u32 $0x100, v1  }
0x80: {  	v2 =	vor.u32 $0x180, v2;
	_ =	sdelay $0x1  }
0x81: {  	v3 =	vmul.f32 v3, v5;
	_ =	sdelay $0x1  }
0x82: {  	[tilespmem:v63+s13+$0x0] =	vst.idx.add.f32.msk $0xffff, v3  }
0x83: {  	v2 =	vld.idx.msk [tilespmem:v2+s4+$0x0], $0xffff  }
0x84: {  	s15 =	sadd.s32 $0x1, s15  }
0x85: {  	p0 =	sne.s32 s15, $0x28;
	v1 =	vor.u32 $0x180, v1  }
.Ltmp5:
0x86: {  	_ = 	snop;
	(pc) =	sbr.rel @p0 .LBB2_9-.Ltmp5, $3  }
0x87: {  	_ = 	snop  }
0x88: {  	v2 =	vmul.f32 v2, v5;
	_ =	sdelay $0x1  }
0x89: {  	[tilespmem:v1+s13+$0x0] =	vst.idx.add.f32.msk $0xffff, v2  }
0x8a: {  	s14 =	sadd.s32 $0x1, s14  }
0x8b: {  	p0 =	sne.s32 s14, s7  }
.Ltmp6:
0x8c: {  	_ = 	snop;
	(pc) =	sbr.rel @p0 .LBB2_1-.Ltmp6, $4  }
0x8d: {  	[hbm4b:s6+s8] =	stream.strided.scatter [tilespmem:s13], [sflag:$0x1], $0x9E00, s9, s8, $0x38;
	[tilespmem:$0x17B00] =	vst v63  }
0x8e: {  	_ =	swait.ge [sflag:s10], $0x9E00  }
0x8f: {  	[sflag:s10] =	ssyncset.done $0x0  }
0x90: {  	[sflag:s10] =	ssyncadd.s32 $0xFFFF6200  }
0x91: {  	_ =	sfence.sel $0x180000  }
0x92: {  	[bflag:$0x0] =	sbarrier.arrive $0xFFFF  }
0x93: {  	p0 =	sne.s32 s0, $0x0;
	_ =	strace $0x90000053  }
0x94: {  	s0 =	sadd.s32 @!p0 $0x100000, s1;
	[bflag:$0x2] =	sbarrier.arrive $0xFFFF  }
0x95: {  	[sflag:s0] =	ssyncadd.tile.s32 @!p0 $0x1;
	_ =	shalt  }
.Lfunc_end2:
_tile_overlayer_lowered:
.L_overlay_start_2:
0x96: {  	(tag) =	ssettag $0x2  }
0x97: {  	s0 =	rddreg [dreg:$0x0];
	s2 =	stileid.u32  }
0x98: {  	s1 =	rddreg [dreg:$0x1];
	p0 =	sne.s32 s2, $0x0  }
0x99: {  	s3 =	rddreg [dreg:$0x2];
	[bflag:$0x3] =	sbarrier.arrive $0xFFFF;
	s2 =	simm.s32 @!p0 $0x1C01  }
0x9a: {  	[timem:s3], [sflag:s2] =	dma.local @!p0 [hbm:s0], s1  }
0x9b: {  	s0 =	simm.s32 @!p0 $0x1  }
0x9c: {  	_ =	swait.ge @!p0 [sflag:s0], s1  }
0x9d: {  	s1 =	ssub.s32 @!p0 $0x0, s1;
	[sflag:s0] =	ssyncset.done @!p0 $0x0  }
0x9e: {  	[sflag:s0] =	ssyncadd.s32 @!p0 s1  }
0x9f: {  	[bflag:$0x3] =	sbarrier.arrive $0xFFFF  }
0xa0: {  	_ =	shalt  }

// kernel: kernel.39.cloned.1.call-start
scs
__scs_entry_jumppad:
0x0: {  	(pc) =	sbr.rel $0x88, $3  }
0x1: {  	(tag) =	ssettag $0x0;
	lr =	simm.s32 $0x1  }
0x2: {  	[smem:$0x3F9A] =	sst lr;
	_ =	strace $0xD0000000  }
0x3: {  	_ = 	snop  }
0x4: {  	_ = 	snop  }
0x5: {  	_ = 	snop  }
0x6: {  	_ = 	snop  }
0x7: {  	_ = 	snop  }
__scs_overlays_trampoline_lowered:
0x8: {  	[smem:$0x3FA9] =	sst s0  }
0x9: {  	[smem:$0x3FAA] =	sst s1  }
0xa: {  	[smem:$0x3FAB] =	sst s2  }
0xb: {  	[smem:$0x3FAC] =	sst s3  }
0xc: {  	[smem:$0x3FAD] =	sst s4  }
0xd: {  	[smem:$0x3FAE] =	sst s5  }
0xe: {  	[smem:$0x3FAF] =	sst s6  }
0xf: {  	[smem:$0x3FB0] =	sst s7  }
0x10: {  	[smem:$0x3FB1] =	sst s8  }
0x11: {  	[smem:$0x3FB2] =	sst s9;
	s0 =	simm.s32 @!p0 $0x0  }
0x12: {  	s1 =	sld [smem:$0x3F98];
	s0 =	simm.s32 @p0 $0x1  }
0x13: {  	[smem:$0x3FB3] =	sst s0;
	s0 =	simm.s32 @!p1 $0x0  }
0x14: {  	s2 =	sld [smem:$0x3F97];
	s0 =	simm.s32 @p1 $0x1  }
0x15: {  	[smem:$0x3FB4] =	sst s0;
	s0 =	simm.s32 @!p2 $0x0  }
0x16: {  	s3 =	sld [smem:$0x3FDB];
	s0 =	simm.s32 @p2 $0x1  }
0x17: {  	s4 =	simm.s32 $0x1BF5;
	[smem:$0x3FB6] =	sst s0  }
0x18: {  	s0 =	sld [smem:$0x3F99];
	_ =	swait.ge [sflag:s4], $0x0  }
0x19: {  	s7 =	sld [smem:$0x3F9A]  }
0x1a: {  	s8 =	sadd.s32 $0xFFFFE003, lr  }
0x1b: {  	s9 =	sadd.s32 $0xFFFFFEF7, lr;
	s5 =	simm.s32 $0xFFFFFFFF;
	p2 =	slt.u32 s8, $0xFFFFF086  }
0x1c: {  	p1 =	slt.u32 s9, $0xF7A;
	s5 =	simm.s32 @!p2 $0x0  }
0x1d: {  	s5 =	simm.s32 @p1 $0x1;
	p0 =	seq.s32 s7, s2  }
0x1e: {  	s7 =	smul.u32 @!p0 $0xF7A, s2;
	p2 =	seq.s32 @!p0 s5, $0x0  }
0x1f: {  	s9 =	smul.u32 $0xF7A, s1;
	s8 =	simm.s32 @!p0 $0x1BF5;
	p2 =	por !p2, p0  }
0x20: {  	[sflag:s8] =	ssyncset.s32 @!p0 $0xFFFFF086;
	s6 =	sadd.s32 @!p0 s3, s7;
	s7 =	simm.s32 @!p0 $0x108  }
0x21: {  	s3 =	sadd.s32 s3, s9;
	s6 =	sadd.s32 @!p0 $0x88, s6;
	s7 =	simm.s32 @p2 $0x1082  }
0x22: {  	[simem:s7], [sflag:s8] =	dma.local @!p0 [hbm:s6], $0xF7A  }
0x23: {  	s9 =	sor.u32 $0xD0000000, s2;
	s6 =	simm.s32 $0x108;
	_ =	swait.ge @!p0 [sflag:s8], $0x0  }
0x24: {  	s3 =	sadd.s32 $0x88, s3;
	s6 =	simm.s32 @!p1 $0x1082;
	[sflag:s4] =	ssyncset.s32 $0xFFFFF086  }
0x25: {  	[simem:s6], [sflag:s4] =	dma.local [hbm:s3], $0xF7A  }
0x26: {  	[smem:$0x3F9A] =	sst s1;
	(tag) =	ssettag s2;
	_ =	strace s9  }
0x27: {  	s1 =	sld [smem:$0x3FAA]  }
0x28: {  	s2 =	sld [smem:$0x3FAB]  }
0x29: {  	s4 =	sld [smem:$0x3FAD]  }
0x2a: {  	p0 =	seq.s32 s5, $0x0;
	s5 =	sld [smem:$0x3FAE]  }
0x2b: {  	s6 =	sld [smem:$0x3FAF]  }
0x2c: {  	s7 =	sld [smem:$0x3FB0]  }
0x2d: {  	s3 =	simm.s32 $0x108;
	s8 =	sld [smem:$0x3FB1]  }
0x2e: {  	s3 =	simm.s32 @!p0 $0x1082;
	s9 =	sld [smem:$0x3FB2]  }
0x2f: {  	lr =	sadd.s32 s0, s3;
	s0 =	sld [smem:$0x3FA9]  }
0x30: {  	s3 =	sld [smem:$0x3FAC]  }
0x31: {  	[smem:$0x3FB5] =	sst s10  }
0x32: {  	s10 =	sld [smem:$0x3FB3];
	_ =	sdelay $0x3  }
0x33: {  	p0 =	seq.s32 s10, $0x1;
	s10 =	sld [smem:$0x3FB5];
	_ =	sdelay $0x3  }
0x34: {  	[smem:$0x3FB5] =	sst s10  }
0x35: {  	s10 =	sld [smem:$0x3FB4];
	_ =	sdelay $0x3  }
0x36: {  	p1 =	seq.s32 s10, $0x1;
	s10 =	sld [smem:$0x3FB5];
	_ =	sdelay $0x3  }
0x37: {  	[smem:$0x3FB5] =	sst s10  }
0x38: {  	s10 =	sld [smem:$0x3FB6]  }
0x39: {  	_ = 	snop;
	(pc) =	sbr.ind lr, $3  }
0x3a: {  	_ = 	snop  }
0x3b: {  	_ = 	snop  }
0x3c: {  	p2 =	seq.s32 s10, $0x1;
	s10 =	sld [smem:$0x3FB5]  }
0x3d: {  	_ =	shalt  }
0x3e: {  	_ =	shalt  }
0x3f: {  	_ =	shalt  }
0x40: {  	_ =	shalt  }
0x41: {  	_ =	shalt  }
0x42: {  	_ =	shalt  }
0x43: {  	_ =	shalt  }
0x44: {  	_ =	shalt  }
0x45: {  	_ =	shalt  }
0x46: {  	_ =	shalt  }
0x47: {  	_ =	shalt  }
0x48: {  	_ =	shalt  }
0x49: {  	_ =	shalt  }
0x4a: {  	_ =	shalt  }
0x4b: {  	_ =	shalt  }
0x4c: {  	_ =	shalt  }
0x4d: {  	_ =	shalt  }
0x4e: {  	_ =	shalt  }
0x4f: {  	_ =	shalt  }
0x50: {  	_ =	shalt  }
0x51: {  	_ =	shalt  }
0x52: {  	_ =	shalt  }
0x53: {  	_ =	shalt  }
0x54: {  	_ =	shalt  }
0x55: {  	_ =	shalt  }
0x56: {  	_ =	shalt  }
0x57: {  	_ =	shalt  }
0x58: {  	_ =	shalt  }
0x59: {  	_ =	shalt  }
0x5a: {  	_ =	shalt  }
0x5b: {  	_ =	shalt  }
0x5c: {  	_ =	shalt  }
0x5d: {  	_ =	shalt  }
0x5e: {  	_ =	shalt  }
0x5f: {  	_ =	shalt  }
0x60: {  	_ =	shalt  }
0x61: {  	_ =	shalt  }
0x62: {  	_ =	shalt  }
0x63: {  	_ =	shalt  }
0x64: {  	_ =	shalt  }
0x65: {  	_ =	shalt  }
0x66: {  	_ =	shalt  }
0x67: {  	_ =	shalt  }
0x68: {  	_ =	shalt  }
0x69: {  	_ =	shalt  }
0x6a: {  	_ =	shalt  }
0x6b: {  	_ =	shalt  }
0x6c: {  	_ =	shalt  }
0x6d: {  	_ =	shalt  }
0x6e: {  	_ =	shalt  }
0x6f: {  	_ =	shalt  }
0x70: {  	_ =	shalt  }
0x71: {  	_ =	shalt  }
0x72: {  	_ =	shalt  }
0x73: {  	_ =	shalt  }
0x74: {  	_ =	shalt  }
0x75: {  	_ =	shalt  }
0x76: {  	_ =	shalt  }
0x77: {  	_ =	shalt  }
0x78: {  	_ =	shalt  }
0x79: {  	_ =	shalt  }
0x7a: {  	_ =	shalt  }
0x7b: {  	_ =	shalt  }
0x7c: {  	_ =	shalt  }
0x7d: {  	_ =	shalt  }
0x7e: {  	_ =	shalt  }
0x7f: {  	_ =	shalt  }
0x80: {  	_ =	shalt  }
0x81: {  	_ =	shalt  }
0x82: {  	_ =	shalt  }
0x83: {  	_ =	shalt  }
0x84: {  	_ =	shalt  }
0x85: {  	_ =	shalt  }
0x86: {  	_ =	shalt  }
0x87: {  	_ =	shalt  }
.Lfunc_end0:
.L_simem_size_0:
called_computation.5_lowered:
.L_overlay_start_0:
0x88: {  	s2 =	sld [smem:$0x3FD9]  }
0x89: {  	s3 =	sld [smem:$0x3FFE];
	_ =	sdelay $0x1  }
0x8a: {  	s1 =	srdreg.scid  }
0x8b: {  	s0 =	sand.u32 $0x1, s1  }
0x8c: {  	s17 =	sshll.u32 s0, $0xA;
	s2 =	sadd.s32 s3, s2  }
0x8d: {  	s2 =	sadd.s32 s2, s17  }
0x8e: {  	[smem:$0x3FC1] =	sst s2  }
0x8f: {  	_ = 	snop  }
0x90: {  	s2 =	sld [smem:$0x3FC7]  }
0x91: {  	s18 =	sld [smem:$0x3FD0];
	(tm) =	ssettm $0x1  }
0x92: {  	s4 =	sld [smem:$0x3FFB];
	_ =	sdelay $0x3  }
0x93: {  	_ =	strace s4  }
0x94: {  	s4 =	sld [smem:$0x3FFC];
	_ =	sdelay $0x3  }
0x95: {  	_ =	strace s4  }
0x96: {  	s4 =	sld [smem:$0x3FFD];
	_ =	sdelay $0x3  }
0x97: {  	_ =	strace s4  }
0x98: {  	_ =	strace $0x8FFFFFFF  }
0x99: {  	s19 =	sld [smem:$0x3FDB];
	_ =	sdelay $0x1  }
0x9a: {  	s5 =	simm.s32 $_scs_section_size  }
0x9b: {  	s6 =	simm.s32 $_size__tile_overlayer_lowered;
	s7 =	simm.s32 $_tile_overlayer_lowered  }
0x9c: {  	s22 =	simm.s32 $0x1BFF;
	s21 =	sshll.u32 s7, $0x1;
	s4 =	sadd.s32 s5, s19  }
0x9d: {  	s8 =	simm.s32 $0x0;
	s20 =	sshll.u32 s6, $0x1;
	s6 =	sadd.s32 s21, s4  }
0x9e: {  	[timem:s8], [sflag:s22] =	dma.local [hbm:s6], s20  }
0x9f: {  	_ =	swait.ge [sflag:s22], s20  }
0xa0: {  	s5 =	ssub.s32 $0x0, s20;
	[sflag:s22] =	ssyncset.done $0x0  }
0xa1: {  	[sflag:s22] =	ssyncadd.s32 s5;
	_ =	sdelay $0x1  }
0xa2: {  	s23 =	simm.s32 $0x1B8B  }
0xa3: {  	_ =	swait.ge [sflag:s23], $0x1  }
0xa4: {  	[sflag:s23] =	ssyncset.done $0x0  }
0xa5: {  	s25 =	simm.s32 $0x1B8E;
	s24 =	sld [smem:$0x3FFE];
	[sflag:s23] =	ssyncadd.s32 $0xFFFFFFFF  }
0xa6: {  	s26 =	simm.s32 $execute0_lowered;
	[smem:$0x3FD2] =	sst s25  }
0xa7: {  	s6 =	sshll.u32 s26, $0x1;
	_ =	strace $0x80000055;
	[dreg:$0x1] =	wrdreg $0xFFFFFFFF  }
0xa8: {  	s28 =	simm.s32 $_size_execute0_lowered;
	s4 =	sadd.s32 s4, s6;
	[dreg:$0x0] =	wrdreg $0x0  }
0xa9: {  	s6 =	sshll.u32 s28, $0x1;
	[dreg:$0x2] =	wrdreg s4  }
0xaa: {  	[dreg:$0x3] =	wrdreg s6  }
0xab: {  	[dreg:$0x4] =	wrdreg $0xC0  }
0xac: {  	_ =	task [dreg:s8], $0x5FFFF  }
0xad: {  	[dreg:$0x1] =	wrdreg $0xFFFFFFFF  }
0xae: {  	[dreg:$0x0] =	wrdreg $0x60  }
0xaf: {  	[dreg:$0x2] =	wrdreg s24  }
0xb0: {  	[dreg:$0x3] =	wrdreg s18  }
0xb1: {  	[dreg:$0x4] =	wrdreg s2  }
0xb2: {  	[dreg:$0x5] =	wrdreg $0x9  }
0xb3: {  	_ =	task.clear_ibuf [dreg:s8], $0x6FFFF;
	_ =	strace $0x90000055  }
0xb4: {  	s29 =	simm.s32 $0x9;
	_ =	strace $0x80000057  }
0xb5: {  	_ =	swait.ge [sflag:s29], $0x1  }
0xb6: {  	[sflag:s29] =	ssyncadd.s32 $0xFFFFFFFF  }
0xb7: {  	_ =	strace $0x90000057  }
0xb8: {  	_ =	sfence  }
0xb9: {  	s30 =	sld [smem:$0x0];
	_ =	sdelay $0x2  }
0xba: {  	s31 =	sshll.u32 s1, $0xD;
	s1 =	sshrl.u32 s1, $0x2  }
0xbb: {  	s3 =	sand.u32 $0x4000, s31;
	s1 =	sadd.s32 s1, s30  }
0xbc: {  	s0 =	sor.u32 s3, s0;
	s1 =	sshll.u32 s1, $0x11  }
0xbd: {  	s0 =	sor.u32 s1, s0  }
0xbe: {  	s0 =	sadd.s32 $0x8F2B, s0  }
0xbf: {  	[sflag:s0] =	ssyncadd.remote.s32 $0x1  }
0xc0: {  	_ =	sfence.sel $0xFFFF  }
0xc1: {  	[dreg:$0x0] =	wrdreg $0xFFFFFFFF;
	(pc) =	sbr.abs _section_cstart, $3  }
0xc2: {  	[dreg:$0x1] =	wrdreg $0xFFFFFFFF  }
0xc3: {  	_ =	task.clear_ibuf [dreg:s8], $0x2FFFF;
	_ =	strace $0x9FFFFFFF  }
0xc4: {  	(tm) =	ssettm $0x7FFFFFFF  }
0xc5: {  	_ =	shalt  }
tec
execute0_lowered:
.L_overlay_start_1:
0x0: {  	(tag) =	ssettag $0x1  }
0x1: {  	s5 =	rddreg [dreg:$0x0];
	s1 =	srdreg.scid  }
0x2: {  	s0 =	stileid.u32;
	s2 =	rddreg [dreg:$0x1]  }
0x3: {  	s3 =	rddreg [dreg:$0x2];
	s9 =	simm.s32 $0x400;
	s10 =	simm.s32 $0x1  }
0x4: {  	s11 =	simm.s32 $0x13C00;
	s6 =	sand.u32 $0x1, s1;
	s4 =	smul.u32 $0x13C00, s0  }
0x5: {  	s12 =	simm.s32 $0x15B80;
	s13 =	simm.s32 $0x9E00;
	s7 =	sshll.u32 s6, $0x9  }
0x6: {  	s14 =	simm.s32 $0x0;
	s1 =	rddreg [dreg:$0x3];
	s7 =	sor.u32 s7, s4  }
0x7: {  	s6 =	ssub.s32 $0x2, s6;
	s4 =	simm.s32 $0x0;
	s7 =	sshrl.u32 s7, $0x3  }
0x8: {  	s31 =	sshrl.u32 s6, $0x1;
	[smem:$0x7FF] =	sst s4;
	s7 =	sadd.s32 s7, s5  }
0x9: {  	s8 =	ssub.s32 s6, s31;
	_ =	strace $0x80000056;
	s5 =	sadd.s32 $0x7C00, s7  }
0xa: {  	v0 =	vimm.f32 $0.0e+00;
	s6 =	sadd.s32 $0x7E400, s7;
	s7 =	smax.u32 s8, $0x1;
	s8 =	simm.s32 $0x200  }
.LBB2_1:
0xb: {  	[tilespmem:s4], [sflag:$0x1] =	stream.strided.gather [hbm4b:s5+s8], $0x9E00, s9, s8, $0x38;
	[tilespmem:$0x17B00] =	vst v63  }
0xc: {  	_ =	swait.ge [sflag:s10], $0x9E00  }
0xd: {  	s15 =	sand.u32 $0x70, s4;
	s16 =	sand.u32 $0xFE00, s4;
	[sflag:s10] =	ssyncset.done $0x0  }
0xe: {  	s16 =	sor.u32 s15, s16;
	[sflag:s10] =	ssyncadd.s32 $0xFFFF6200  }
0xf: {  	s17 =	simm.s32 $0x0;
	s15 =	simm.s32 $0x10;
	[tilespmem:s16+$0x9E00] =	vst v0  }
.LBB2_2:
0x10: {  	p0 =	sne.s32 s15, $0x2700  }
.Ltmp0:
0x11: {  	_ = 	snop;
	(pc) =	sbr.rel @p0 .LBB2_2-.Ltmp0, $4  }
0x12: {  	s17 =	sadd.s32 $0x40, s17  }
0x13: {  	s16 =	sand.u32 $0x70, s15;
	s18 =	sand.u32 $0xFE00, s17  }
0x14: {  	s16 =	sor.u32 s16, s18  }
0x15: {  	s15 =	sadd.s32 $0x10, s15;
	[tilespmem:s16+$0x9E00] =	vst v0;
	s16 =	simm.s32 $0x0  }
0x16: {  	s15 =	sand.u32 $0x70, s16;
	s17 =	sand.u32 $0xFE00, s16  }
0x17: {  	s15 =	sor.u32 s15, s17  }
0x18: {  	s18 =	simm.s32 $0x0;
	s17 =	simm.s32 $0x10;
	[tilespmem:s15+$0x9E80] =	vst v0  }
.LBB2_4:
0x19: {  	p0 =	sne.s32 s17, $0x2700  }
.Ltmp1:
0x1a: {  	_ = 	snop;
	(pc) =	sbr.rel @p0 .LBB2_4-.Ltmp1, $4  }
0x1b: {  	s18 =	sadd.s32 $0x40, s18  }
0x1c: {  	s19 =	sand.u32 $0x70, s17;
	s20 =	sand.u32 $0xFE00, s18  }
0x1d: {  	s19 =	sor.u32 s19, s20  }
0x1e: {  	s17 =	sadd.s32 $0x10, s17;
	[tilespmem:s19+$0x9E80] =	vst v0  }
0x1f: {  	s17 =	simm.s32 $0x10;
	[tilespmem:s15+$0x9F00] =	vst v0  }
.LBB2_6:
0x20: {  	p0 =	sne.s32 s17, $0x2700  }
.Ltmp2:
0x21: {  	_ = 	snop;
	(pc) =	sbr.rel @p0 .LBB2_6-.Ltmp2, $4  }
0x22: {  	s16 =	sadd.s32 $0x40, s16  }
0x23: {  	s15 =	sand.u32 $0x70, s17;
	s18 =	sand.u32 $0xFE00, s16  }
0x24: {  	s15 =	sor.u32 s15, s18  }
0x25: {  	s17 =	sadd.s32 $0x10, s17;
	[tilespmem:s15+$0x9F00] =	vst v0;
	s15 =	simm.s32 $0x0  }
0x26: {  	s16 =	sand.u32 $0x70, s15;
	s17 =	sand.u32 $0xFE00, s15  }
0x27: {  	s17 =	sor.u32 s16, s17  }
0x28: {  	s16 =	simm.s32 $0x10;
	[tilespmem:s17+$0x9F80] =	vst v0;
	s17 =	simm.s32 $0x0  }
.LBB2_8:
0x29: {  	p0 =	sne.s32 s16, $0x2700  }
.Ltmp3:
0x2a: {  	_ = 	snop;
	(pc) =	sbr.rel @p0 .LBB2_8-.Ltmp3, $4  }
0x2b: {  	s17 =	sadd.s32 $0x40, s17  }
0x2c: {  	s18 =	sand.u32 $0x70, s16;
	s19 =	sand.u32 $0xFE00, s17  }
0x2d: {  	s18 =	sor.u32 s18, s19  }
0x2e: {  	s16 =	sadd.s32 $0x10, s16;
	[tilespmem:s18+$0x9F80] =	vst v0  }
.LBB2_9:
0x2f: {  	s16 =	smul.u32 $0x3E8, s15;
	_ =	sdelay $0x1  }
0x30: {  	s18 =	simm.s32 $0x0;
	s17 =	sadd.s32 s2, s16  }
0x31: {  	[tilespmem:s11], [sflag:$0x1] =	stream.linear.gather [hbm4b:s17+s18], $0x1F40, $0x38;
	[tilespmem:$0x17B00] =	vst v63  }
0x32: {  	_ =	swait.ge [sflag:s10], $0x1F40  }
0x33: {  	[sflag:s10] =	ssyncset.done $0x0  }
0x34: {  	s16 =	sadd.s32 s3, s16;
	[sflag:s10] =	ssyncadd.s32 $0xFFFFE0C0  }
0x35: {  	[tilespmem:s12], [sflag:$0x1] =	stream.linear.gather [hbm4b:s16+s18], $0x1F40, $0x38;
	[tilespmem:$0x17B00] =	vst v63  }
0x36: {  	_ =	swait.ge [sflag:s10], $0x1F40  }
0x37: {  	[sflag:s10] =	ssyncset.done $0x0  }
0x38: {  	s31 =	simm.s32 $0x0;
	[sflag:s10] =	ssyncadd.s32 $0xFFFFE0C0  }
0x39: {  	v1 =	vld [tilespmem:s31+$0x13C00];
	_ =	sdelay $0x4  }
0x3a: {  	v2 =	vshrl.u32 v1, $0xE;
	v3 =	vshrl.u32 v1, $0xC  }
0x3b: {  	v2 =	vand.u32 $0x7F, v2;
	v3 =	vand.u32 $0xFFE00, v3  }
0x3c: {  	v2 =	vor.u32 v2, v3;
	_ =	sdelay $0x3  }
0x3d: {  	v5 =	vld [tilespmem:s31+$0x15B80]  }
0x3e: {  	v4 =	vshll.u32 v1, $0x2;
	v3 =	vld.idx.msk [tilespmem:v2+s4+$0x0], $0xffff  }
0x3f: {  	v1 =	vand.u32 $0x7F, v1;
	v4 =	vand.u32 $0xFE00, v4  }
0x40: {  	v1 =	vor.u32 v1, v4  }
0x41: {  	v61 =	vor.u32 $0x80, v2;
	_ =	sdelay $0x1  }
0x42: {  	v3 =	vmul.f32 v3, v5;
	_ =	sdelay $0x1  }
0x43: {  	[tilespmem:v1+s13+$0x0] =	vst.idx.add.f32.msk $0xffff, v3  }
0x44: {  	v3 =	vld.idx.msk [tilespmem:v61+s4+$0x0], $0xffff;
	_ =	sdelay $0x1  }
0x45: {  	v62 =	vor.u32 $0x80, v1  }
0x46: {  	v6 =	vor.u32 $0x100, v2;
	_ =	sdelay $0x1  }
0x47: {  	v3 =	vmul.f32 v3, v5;
	_ =	sdelay $0x1  }
0x48: {  	[tilespmem:v62+s13+$0x0] =	vst.idx.add.f32.msk $0xffff, v3  }
0x49: {  	v3 =	vld.idx.msk [tilespmem:v6+s4+$0x0], $0xffff;
	_ =	sdelay $0x1  }
0x4a: {  	v63 =	vor.u32 $0x100, v1  }
0x4b: {  	v2 =	vor.u32 $0x180, v2;
	_ =	sdelay $0x1  }
0x4c: {  	v3 =	vmul.f32 v3, v5;
	_ =	sdelay $0x1  }
0x4d: {  	[tilespmem:v63+s13+$0x0] =	vst.idx.add.f32.msk $0xffff, v3  }
0x4e: {  	v2 =	vld.idx.msk [tilespmem:v2+s4+$0x0], $0xffff;
	_ =	sdelay $0x1  }
0x4f: {  	v1 =	vor.u32 $0x180, v1;
	_ =	sdelay $0x2  }
0x50: {  	s17 =	simm.s32 $0x80;
	s16 =	simm.s32 $0x40;
	v2 =	vmul.f32 v2, v5  }
.LBB2_10:
0x51: {  	p0 =	sne.s32 s17, $0x7CC0  }
0x52: {  	s18 =	sshra.s32 s16, $0x2;
	s16 =	smov.u32 s17;
	s17 =	sadd.s32 $0x40, s17;
	[tilespmem:v1+s13+$0x0] =	vst.idx.add.f32.msk $0xffff, v2  }
0x53: {  	v1 =	vld [tilespmem:s18+$0x13C00];
	_ =	sdelay $0x4  }
0x54: {  	v2 =	vshrl.u32 v1, $0xE;
	v3 =	vshrl.u32 v1, $0xC;
	v4 =	vshll.u32 v1, $0x2  }
0x55: {  	v2 =	vand.u32 $0x7F, v2;
	v3 =	vand.u32 $0xFFE00, v3;
	v4 =	vand.u32 $0xFE00, v4  }
0x56: {  	v2 =	vor.u32 v2, v3;
	_ =	sdelay $0x4  }
0x57: {  	v3 =	vld.idx.msk [tilespmem:v2+s4+$0x0], $0xffff  }
0x58: {  	v5 =	vld [tilespmem:s18+$0x15B80]  }
0x59: {  	v1 =	vand.u32 $0x7F, v1  }
0x5a: {  	v1 =	vor.u32 v1, v4  }
0x5b: {  	v4 =	vor.u32 $0x80, v2;
	_ =	sdelay $0x1  }
0x5c: {  	v3 =	vmul.f32 v3, v5;
	_ =	sdelay $0x1  }
0x5d: {  	[tilespmem:v1+s13+$0x0] =	vst.idx.add.f32.msk $0xffff, v3  }
0x5e: {  	v3 =	vld.idx.msk [tilespmem:v4+s4+$0x0], $0xffff;
	_ =	sdelay $0x2  }
0x5f: {  	v4 =	vor.u32 $0x80, v1  }
0x60: {  	v6 =	vor.u32 $0x100, v2;
	_ =	sdelay $0x1  }
0x61: {  	v3 =	vmul.f32 v3, v5;
	_ =	sdelay $0x1  }
0x62: {  	[tilespmem:v4+s13+$0x0] =	vst.idx.add.f32.msk $0xffff, v3  }
0x63: {  	v3 =	vld.idx.msk [tilespmem:v6+s4+$0x0], $0xffff;
	_ =	sdelay $0x2  }
0x64: {  	v4 =	vor.u32 $0x100, v1  }
0x65: {  	v2 =	vor.u32 $0x180, v2;
	_ =	sdelay $0x1  }
0x66: {  	v3 =	vmul.f32 v3, v5;
	_ =	sdelay $0x1  }
0x67: {  	[tilespmem:v4+s13+$0x0] =	vst.idx.add.f32.msk $0xffff, v3  }
0x68: {  	v2 =	vld.idx.msk [tilespmem:v2+s4+$0x0], $0xffff;
	_ =	sdelay $0x1  }
.Ltmp4:
0x69: {  	(pc) =	sbr.rel @p0 .LBB2_10-.Ltmp4, $2  }
0x6a: {  	v1 =	vor.u32 $0x180, v1;
	_ =	sdelay $0x2  }
0x6b: {  	v2 =	vmul.f32 v2, v5  }
0x6c: {  	_ =	sdelay $0x3  }
0x6d: {  	s16 =	sshra.s32 s16, $0x2;
	[tilespmem:v1+s13+$0x0] =	vst.idx.add.f32.msk $0xffff, v2  }
0x6e: {  	v1 =	vld [tilespmem:s16+$0x13C00];
	_ =	sdelay $0x4  }
0x6f: {  	v2 =	vshrl.u32 v1, $0xE;
	v3 =	vshrl.u32 v1, $0xC  }
0x70: {  	v2 =	vand.u32 $0x7F, v2;
	v3 =	vand.u32 $0xFFE00, v3  }
0x71: {  	v2 =	vor.u32 v2, v3;
	_ =	sdelay $0x3  }
0x72: {  	v5 =	vld [tilespmem:s16+$0x15B80]  }
0x73: {  	v4 =	vshll.u32 v1, $0x2;
	v3 =	vld.idx.msk [tilespmem:v2+s4+$0x0], $0xffff  }
0x74: {  	v1 =	vand.u32 $0x7F, v1;
	v4 =	vand.u32 $0xFE00, v4  }
0x75: {  	v1 =	vor.u32 v1, v4  }
0x76: {  	v61 =	vor.u32 $0x80, v2;
	_ =	sdelay $0x1  }
0x77: {  	v3 =	vmul.f32 v3, v5;
	_ =	sdelay $0x1  }
0x78: {  	[tilespmem:v1+s13+$0x0] =	vst.idx.add.f32.msk $0xffff, v3  }
0x79: {  	v3 =	vld.idx.msk [tilespmem:v61+s4+$0x0], $0xffff;
	_ =	sdelay $0x1  }
0x7a: {  	v62 =	vor.u32 $0x80, v1  }
0x7b: {  	v6 =	vor.u32 $0x100, v2;
	_ =	sdelay $0x1  }
0x7c: {  	v3 =	vmul.f32 v3, v5;
	_ =	sdelay $0x1  }
0x7d: {  	[tilespmem:v62+s13+$0x0] =	vst.idx.add.f32.msk $0xffff, v3  }
0x7e: {  	v3 =	vld.idx.msk [tilespmem:v6+s4+$0x0], $0xffff;
	_ =	sdelay $0x1  }
0x7f: {  	v63 =	vor.u32 $0x100, v1  }
0x80: {  	v2 =	vor.u32 $0x180, v2;
	_ =	sdelay $0x1  }
0x81: {  	v3 =	vmul.f32 v3, v5;
	_ =	sdelay $0x1  }
0x82: {  	[tilespmem:v63+s13+$0x0] =	vst.idx.add.f32.msk $0xffff, v3  }
0x83: {  	v2 =	vld.idx.msk [tilespmem:v2+s4+$0x0], $0xffff  }
0x84: {  	s15 =	sadd.s32 $0x1, s15  }
0x85: {  	p0 =	sne.s32 s15, $0x28;
	v1 =	vor.u32 $0x180, v1  }
.Ltmp5:
0x86: {  	_ = 	snop;
	(pc) =	sbr.rel @p0 .LBB2_9-.Ltmp5, $3  }
0x87: {  	_ = 	snop  }
0x88: {  	v2 =	vmul.f32 v2, v5;
	_ =	sdelay $0x1  }
0x89: {  	[tilespmem:v1+s13+$0x0] =	vst.idx.add.f32.msk $0xffff, v2  }
0x8a: {  	s14 =	sadd.s32 $0x1, s14  }
0x8b: {  	p0 =	sne.s32 s14, s7  }
.Ltmp6:
0x8c: {  	_ = 	snop;
	(pc) =	sbr.rel @p0 .LBB2_1-.Ltmp6, $4  }
0x8d: {  	[hbm4b:s6+s8] =	stream.strided.scatter [tilespmem:s13], [sflag:$0x1], $0x9E00, s9, s8, $0x38;
	[tilespmem:$0x17B00] =	vst v63  }
0x8e: {  	_ =	swait.ge [sflag:s10], $0x9E00  }
0x8f: {  	[sflag:s10] =	ssyncset.done $0x0  }
0x90: {  	[sflag:s10] =	ssyncadd.s32 $0xFFFF6200  }
0x91: {  	_ =	sfence.sel $0x180000  }
0x92: {  	[bflag:$0x0] =	sbarrier.arrive $0xFFFF  }
0x93: {  	p0 =	sne.s32 s0, $0x0;
	_ =	strace $0x90000056  }
0x94: {  	s0 =	sadd.s32 @!p0 $0x100000, s1;
	[bflag:$0x2] =	sbarrier.arrive $0xFFFF  }
0x95: {  	[sflag:s0] =	ssyncadd.tile.s32 @!p0 $0x1;
	_ =	shalt  }
.Lfunc_end2:
_tile_overlayer_lowered:
.L_overlay_start_2:
0x96: {  	(tag) =	ssettag $0x2  }
0x97: {  	s0 =	rddreg [dreg:$0x0];
	s2 =	stileid.u32  }
0x98: {  	s1 =	rddreg [dreg:$0x1];
	p0 =	sne.s32 s2, $0x0  }
0x99: {  	s3 =	rddreg [dreg:$0x2];
	[bflag:$0x3] =	sbarrier.arrive $0xFFFF;
	s2 =	simm.s32 @!p0 $0x1C01  }
0x9a: {  	[timem:s3], [sflag:s2] =	dma.local @!p0 [hbm:s0], s1  }
0x9b: {  	s0 =	simm.s32 @!p0 $0x1  }
0x9c: {  	_ =	swait.ge @!p0 [sflag:s0], s1  }
0x9d: {  	s1 =	ssub.s32 @!p0 $0x0, s1;
	[sflag:s0] =	ssyncset.done @!p0 $0x0  }
0x9e: {  	[sflag:s0] =	ssyncadd.s32 @!p0 s1  }
0x9f: {  	[bflag:$0x3] =	sbarrier.arrive $0xFFFF  }
0xa0: {  	_ =	shalt  }

// kernel: kernel.42.cloned.1.call-start
scs
__scs_entry_jumppad:
0x0: {  	(pc) =	sbr.rel $0x88, $3  }
0x1: {  	(tag) =	ssettag $0x0;
	lr =	simm.s32 $0x1  }
0x2: {  	[smem:$0x3F9A] =	sst lr;
	_ =	strace $0xD0000000  }
0x3: {  	_ = 	snop  }
0x4: {  	_ = 	snop  }
0x5: {  	_ = 	snop  }
0x6: {  	_ = 	snop  }
0x7: {  	_ = 	snop  }
__scs_overlays_trampoline_lowered:
0x8: {  	[smem:$0x3FA9] =	sst s0  }
0x9: {  	[smem:$0x3FAA] =	sst s1  }
0xa: {  	[smem:$0x3FAB] =	sst s2  }
0xb: {  	[smem:$0x3FAC] =	sst s3  }
0xc: {  	[smem:$0x3FAD] =	sst s4  }
0xd: {  	[smem:$0x3FAE] =	sst s5  }
0xe: {  	[smem:$0x3FAF] =	sst s6  }
0xf: {  	[smem:$0x3FB0] =	sst s7  }
0x10: {  	[smem:$0x3FB1] =	sst s8  }
0x11: {  	[smem:$0x3FB2] =	sst s9;
	s0 =	simm.s32 @!p0 $0x0  }
0x12: {  	s1 =	sld [smem:$0x3F98];
	s0 =	simm.s32 @p0 $0x1  }
0x13: {  	[smem:$0x3FB3] =	sst s0;
	s0 =	simm.s32 @!p1 $0x0  }
0x14: {  	s2 =	sld [smem:$0x3F97];
	s0 =	simm.s32 @p1 $0x1  }
0x15: {  	[smem:$0x3FB4] =	sst s0;
	s0 =	simm.s32 @!p2 $0x0  }
0x16: {  	s3 =	sld [smem:$0x3FDB];
	s0 =	simm.s32 @p2 $0x1  }
0x17: {  	s4 =	simm.s32 $0x1BF5;
	[smem:$0x3FB6] =	sst s0  }
0x18: {  	s0 =	sld [smem:$0x3F99];
	_ =	swait.ge [sflag:s4], $0x0  }
0x19: {  	s7 =	sld [smem:$0x3F9A]  }
0x1a: {  	s8 =	sadd.s32 $0xFFFFE003, lr  }
0x1b: {  	s9 =	sadd.s32 $0xFFFFFEF7, lr;
	s5 =	simm.s32 $0xFFFFFFFF;
	p2 =	slt.u32 s8, $0xFFFFF086  }
0x1c: {  	p1 =	slt.u32 s9, $0xF7A;
	s5 =	simm.s32 @!p2 $0x0  }
0x1d: {  	s5 =	simm.s32 @p1 $0x1;
	p0 =	seq.s32 s7, s2  }
0x1e: {  	s7 =	smul.u32 @!p0 $0xF7A, s2;
	p2 =	seq.s32 @!p0 s5, $0x0  }
0x1f: {  	s9 =	smul.u32 $0xF7A, s1;
	s8 =	simm.s32 @!p0 $0x1BF5;
	p2 =	por !p2, p0  }
0x20: {  	[sflag:s8] =	ssyncset.s32 @!p0 $0xFFFFF086;
	s6 =	sadd.s32 @!p0 s3, s7;
	s7 =	simm.s32 @!p0 $0x108  }
0x21: {  	s3 =	sadd.s32 s3, s9;
	s6 =	sadd.s32 @!p0 $0x88, s6;
	s7 =	simm.s32 @p2 $0x1082  }
0x22: {  	[simem:s7], [sflag:s8] =	dma.local @!p0 [hbm:s6], $0xF7A  }
0x23: {  	s9 =	sor.u32 $0xD0000000, s2;
	s6 =	simm.s32 $0x108;
	_ =	swait.ge @!p0 [sflag:s8], $0x0  }
0x24: {  	s3 =	sadd.s32 $0x88, s3;
	s6 =	simm.s32 @!p1 $0x1082;
	[sflag:s4] =	ssyncset.s32 $0xFFFFF086  }
0x25: {  	[simem:s6], [sflag:s4] =	dma.local [hbm:s3], $0xF7A  }
0x26: {  	[smem:$0x3F9A] =	sst s1;
	(tag) =	ssettag s2;
	_ =	strace s9  }
0x27: {  	s1 =	sld [smem:$0x3FAA]  }
0x28: {  	s2 =	sld [smem:$0x3FAB]  }
0x29: {  	s4 =	sld [smem:$0x3FAD]  }
0x2a: {  	p0 =	seq.s32 s5, $0x0;
	s5 =	sld [smem:$0x3FAE]  }
0x2b: {  	s6 =	sld [smem:$0x3FAF]  }
0x2c: {  	s7 =	sld [smem:$0x3FB0]  }
0x2d: {  	s3 =	simm.s32 $0x108;
	s8 =	sld [smem:$0x3FB1]  }
0x2e: {  	s3 =	simm.s32 @!p0 $0x1082;
	s9 =	sld [smem:$0x3FB2]  }
0x2f: {  	lr =	sadd.s32 s0, s3;
	s0 =	sld [smem:$0x3FA9]  }
0x30: {  	s3 =	sld [smem:$0x3FAC]  }
0x31: {  	[smem:$0x3FB5] =	sst s10  }
0x32: {  	s10 =	sld [smem:$0x3FB3];
	_ =	sdelay $0x3  }
0x33: {  	p0 =	seq.s32 s10, $0x1;
	s10 =	sld [smem:$0x3FB5];
	_ =	sdelay $0x3  }
0x34: {  	[smem:$0x3FB5] =	sst s10  }
0x35: {  	s10 =	sld [smem:$0x3FB4];
	_ =	sdelay $0x3  }
0x36: {  	p1 =	seq.s32 s10, $0x1;
	s10 =	sld [smem:$0x3FB5];
	_ =	sdelay $0x3  }
0x37: {  	[smem:$0x3FB5] =	sst s10  }
0x38: {  	s10 =	sld [smem:$0x3FB6]  }
0x39: {  	_ = 	snop;
	(pc) =	sbr.ind lr, $3  }
0x3a: {  	_ = 	snop  }
0x3b: {  	_ = 	snop  }
0x3c: {  	p2 =	seq.s32 s10, $0x1;
	s10 =	sld [smem:$0x3FB5]  }
0x3d: {  	_ =	shalt  }
0x3e: {  	_ =	shalt  }
0x3f: {  	_ =	shalt  }
0x40: {  	_ =	shalt  }
0x41: {  	_ =	shalt  }
0x42: {  	_ =	shalt  }
0x43: {  	_ =	shalt  }
0x44: {  	_ =	shalt  }
0x45: {  	_ =	shalt  }
0x46: {  	_ =	shalt  }
0x47: {  	_ =	shalt  }
0x48: {  	_ =	shalt  }
0x49: {  	_ =	shalt  }
0x4a: {  	_ =	shalt  }
0x4b: {  	_ =	shalt  }
0x4c: {  	_ =	shalt  }
0x4d: {  	_ =	shalt  }
0x4e: {  	_ =	shalt  }
0x4f: {  	_ =	shalt  }
0x50: {  	_ =	shalt  }
0x51: {  	_ =	shalt  }
0x52: {  	_ =	shalt  }
0x53: {  	_ =	shalt  }
0x54: {  	_ =	shalt  }
0x55: {  	_ =	shalt  }
0x56: {  	_ =	shalt  }
0x57: {  	_ =	shalt  }
0x58: {  	_ =	shalt  }
0x59: {  	_ =	shalt  }
0x5a: {  	_ =	shalt  }
0x5b: {  	_ =	shalt  }
0x5c: {  	_ =	shalt  }
0x5d: {  	_ =	shalt  }
0x5e: {  	_ =	shalt  }
0x5f: {  	_ =	shalt  }
0x60: {  	_ =	shalt  }
0x61: {  	_ =	shalt  }
0x62: {  	_ =	shalt  }
0x63: {  	_ =	shalt  }
0x64: {  	_ =	shalt  }
0x65: {  	_ =	shalt  }
0x66: {  	_ =	shalt  }
0x67: {  	_ =	shalt  }
0x68: {  	_ =	shalt  }
0x69: {  	_ =	shalt  }
0x6a: {  	_ =	shalt  }
0x6b: {  	_ =	shalt  }
0x6c: {  	_ =	shalt  }
0x6d: {  	_ =	shalt  }
0x6e: {  	_ =	shalt  }
0x6f: {  	_ =	shalt  }
0x70: {  	_ =	shalt  }
0x71: {  	_ =	shalt  }
0x72: {  	_ =	shalt  }
0x73: {  	_ =	shalt  }
0x74: {  	_ =	shalt  }
0x75: {  	_ =	shalt  }
0x76: {  	_ =	shalt  }
0x77: {  	_ =	shalt  }
0x78: {  	_ =	shalt  }
0x79: {  	_ =	shalt  }
0x7a: {  	_ =	shalt  }
0x7b: {  	_ =	shalt  }
0x7c: {  	_ =	shalt  }
0x7d: {  	_ =	shalt  }
0x7e: {  	_ =	shalt  }
0x7f: {  	_ =	shalt  }
0x80: {  	_ =	shalt  }
0x81: {  	_ =	shalt  }
0x82: {  	_ =	shalt  }
0x83: {  	_ =	shalt  }
0x84: {  	_ =	shalt  }
0x85: {  	_ =	shalt  }
0x86: {  	_ =	shalt  }
0x87: {  	_ =	shalt  }
.Lfunc_end0:
.L_simem_size_0:
called_computation.6_lowered:
.L_overlay_start_0:
0x88: {  	s2 =	sld [smem:$0x3FD9]  }
0x89: {  	s3 =	sld [smem:$0x3FFE];
	_ =	sdelay $0x1  }
0x8a: {  	s1 =	srdreg.scid  }
0x8b: {  	s0 =	sand.u32 $0x1, s1  }
0x8c: {  	s17 =	sshll.u32 s0, $0xA;
	s2 =	sadd.s32 s3, s2  }
0x8d: {  	s2 =	sadd.s32 s2, s17  }
0x8e: {  	[smem:$0x3FC1] =	sst s2  }
0x8f: {  	_ = 	snop  }
0x90: {  	s2 =	sld [smem:$0x3FC7]  }
0x91: {  	s18 =	sld [smem:$0x3FD0];
	(tm) =	ssettm $0x1  }
0x92: {  	s4 =	sld [smem:$0x3FFB];
	_ =	sdelay $0x3  }
0x93: {  	_ =	strace s4  }
0x94: {  	s4 =	sld [smem:$0x3FFC];
	_ =	sdelay $0x3  }
0x95: {  	_ =	strace s4  }
0x96: {  	s4 =	sld [smem:$0x3FFD];
	_ =	sdelay $0x3  }
0x97: {  	_ =	strace s4  }
0x98: {  	_ =	strace $0x8FFFFFFF  }
0x99: {  	s19 =	sld [smem:$0x3FDB];
	_ =	sdelay $0x1  }
0x9a: {  	s5 =	simm.s32 $_scs_section_size  }
0x9b: {  	s6 =	simm.s32 $_size__tile_overlayer_lowered;
	s7 =	simm.s32 $_tile_overlayer_lowered  }
0x9c: {  	s22 =	simm.s32 $0x1BFF;
	s21 =	sshll.u32 s7, $0x1;
	s4 =	sadd.s32 s5, s19  }
0x9d: {  	s8 =	simm.s32 $0x0;
	s20 =	sshll.u32 s6, $0x1;
	s6 =	sadd.s32 s21, s4  }
0x9e: {  	[timem:s8], [sflag:s22] =	dma.local [hbm:s6], s20  }
0x9f: {  	_ =	swait.ge [sflag:s22], s20  }
0xa0: {  	s5 =	ssub.s32 $0x0, s20;
	[sflag:s22] =	ssyncset.done $0x0  }
0xa1: {  	[sflag:s22] =	ssyncadd.s32 s5;
	_ =	sdelay $0x1  }
0xa2: {  	s23 =	simm.s32 $0x1B8B  }
0xa3: {  	_ =	swait.ge [sflag:s23], $0x1  }
0xa4: {  	[sflag:s23] =	ssyncset.done $0x0  }
0xa5: {  	s25 =	simm.s32 $0x1B8E;
	s24 =	sld [smem:$0x3FFE];
	[sflag:s23] =	ssyncadd.s32 $0xFFFFFFFF  }
0xa6: {  	s26 =	simm.s32 $execute0_lowered;
	[smem:$0x3FD2] =	sst s25  }
0xa7: {  	s6 =	sshll.u32 s26, $0x1;
	_ =	strace $0x80000058;
	[dreg:$0x1] =	wrdreg $0xFFFFFFFF  }
0xa8: {  	s28 =	simm.s32 $_size_execute0_lowered;
	s4 =	sadd.s32 s4, s6;
	[dreg:$0x0] =	wrdreg $0x0  }
0xa9: {  	s6 =	sshll.u32 s28, $0x1;
	[dreg:$0x2] =	wrdreg s4  }
0xaa: {  	[dreg:$0x3] =	wrdreg s6  }
0xab: {  	[dreg:$0x4] =	wrdreg $0xC0  }
0xac: {  	_ =	task [dreg:s8], $0x5FFFF  }
0xad: {  	[dreg:$0x1] =	wrdreg $0xFFFFFFFF  }
0xae: {  	[dreg:$0x0] =	wrdreg $0x60  }
0xaf: {  	[dreg:$0x2] =	wrdreg s24  }
0xb0: {  	[dreg:$0x3] =	wrdreg s18  }
0xb1: {  	[dreg:$0x4] =	wrdreg s2  }
0xb2: {  	[dreg:$0x5] =	wrdreg $0x9  }
0xb3: {  	_ =	task.clear_ibuf [dreg:s8], $0x6FFFF;
	_ =	strace $0x90000058  }
0xb4: {  	s29 =	simm.s32 $0x9;
	_ =	strace $0x8000005A  }
0xb5: {  	_ =	swait.ge [sflag:s29], $0x1  }
0xb6: {  	[sflag:s29] =	ssyncadd.s32 $0xFFFFFFFF  }
0xb7: {  	_ =	strace $0x9000005A  }
0xb8: {  	_ =	sfence  }
0xb9: {  	s30 =	sld [smem:$0x0];
	_ =	sdelay $0x2  }
0xba: {  	s31 =	sshll.u32 s1, $0xD;
	s1 =	sshrl.u32 s1, $0x2  }
0xbb: {  	s3 =	sand.u32 $0x4000, s31;
	s1 =	sadd.s32 s1, s30  }
0xbc: {  	s0 =	sor.u32 s3, s0;
	s1 =	sshll.u32 s1, $0x11  }
0xbd: {  	s0 =	sor.u32 s1, s0  }
0xbe: {  	s0 =	sadd.s32 $0x8F2B, s0  }
0xbf: {  	[sflag:s0] =	ssyncadd.remote.s32 $0x1  }
0xc0: {  	_ =	sfence.sel $0xFFFF  }
0xc1: {  	[dreg:$0x0] =	wrdreg $0xFFFFFFFF;
	(pc) =	sbr.abs _section_cstart, $3  }
0xc2: {  	[dreg:$0x1] =	wrdreg $0xFFFFFFFF  }
0xc3: {  	_ =	task.clear_ibuf [dreg:s8], $0x2FFFF;
	_ =	strace $0x9FFFFFFF  }
0xc4: {  	(tm) =	ssettm $0x7FFFFFFF  }
0xc5: {  	_ =	shalt  }
tec
execute0_lowered:
.L_overlay_start_1:
0x0: {  	(tag) =	ssettag $0x1  }
0x1: {  	s5 =	rddreg [dreg:$0x0];
	s1 =	srdreg.scid  }
0x2: {  	s0 =	stileid.u32;
	s2 =	rddreg [dreg:$0x1]  }
0x3: {  	s3 =	rddreg [dreg:$0x2];
	s9 =	simm.s32 $0x400;
	s10 =	simm.s32 $0x1  }
0x4: {  	s11 =	simm.s32 $0x13C00;
	s6 =	sand.u32 $0x1, s1;
	s4 =	smul.u32 $0x13C00, s0  }
0x5: {  	s12 =	simm.s32 $0x15B80;
	s13 =	simm.s32 $0x9E00;
	s7 =	sshll.u32 s6, $0x9  }
0x6: {  	s14 =	simm.s32 $0x0;
	s1 =	rddreg [dreg:$0x3];
	s7 =	sor.u32 s7, s4  }
0x7: {  	s6 =	ssub.s32 $0x2, s6;
	s4 =	simm.s32 $0x0;
	s7 =	sshrl.u32 s7, $0x3  }
0x8: {  	s31 =	sshrl.u32 s6, $0x1;
	[smem:$0x7FF] =	sst s4;
	s7 =	sadd.s32 s7, s5  }
0x9: {  	s8 =	ssub.s32 s6, s31;
	_ =	strace $0x80000059;
	s5 =	sadd.s32 $0x7C00, s7  }
0xa: {  	v0 =	vimm.f32 $0.0e+00;
	s6 =	sadd.s32 $0x7E400, s7;
	s7 =	smax.u32 s8, $0x1;
	s8 =	simm.s32 $0x200  }
.LBB2_1:
0xb: {  	[tilespmem:s4], [sflag:$0x1] =	stream.strided.gather [hbm4b:s5+s8], $0x9E00, s9, s8, $0x38;
	[tilespmem:$0x17B00] =	vst v63  }
0xc: {  	_ =	swait.ge [sflag:s10], $0x9E00  }
0xd: {  	s15 =	sand.u32 $0x70, s4;
	s16 =	sand.u32 $0xFE00, s4;
	[sflag:s10] =	ssyncset.done $0x0  }
0xe: {  	s16 =	sor.u32 s15, s16;
	[sflag:s10] =	ssyncadd.s32 $0xFFFF6200  }
0xf: {  	s17 =	simm.s32 $0x0;
	s15 =	simm.s32 $0x10;
	[tilespmem:s16+$0x9E00] =	vst v0  }
.LBB2_2:
0x10: {  	p0 =	sne.s32 s15, $0x2700  }
.Ltmp0:
0x11: {  	_ = 	snop;
	(pc) =	sbr.rel @p0 .LBB2_2-.Ltmp0, $4  }
0x12: {  	s17 =	sadd.s32 $0x40, s17  }
0x13: {  	s16 =	sand.u32 $0x70, s15;
	s18 =	sand.u32 $0xFE00, s17  }
0x14: {  	s16 =	sor.u32 s16, s18  }
0x15: {  	s15 =	sadd.s32 $0x10, s15;
	[tilespmem:s16+$0x9E00] =	vst v0;
	s16 =	simm.s32 $0x0  }
0x16: {  	s15 =	sand.u32 $0x70, s16;
	s17 =	sand.u32 $0xFE00, s16  }
0x17: {  	s15 =	sor.u32 s15, s17  }
0x18: {  	s18 =	simm.s32 $0x0;
	s17 =	simm.s32 $0x10;
	[tilespmem:s15+$0x9E80] =	vst v0  }
.LBB2_4:
0x19: {  	p0 =	sne.s32 s17, $0x2700  }
.Ltmp1:
0x1a: {  	_ = 	snop;
	(pc) =	sbr.rel @p0 .LBB2_4-.Ltmp1, $4  }
0x1b: {  	s18 =	sadd.s32 $0x40, s18  }
0x1c: {  	s19 =	sand.u32 $0x70, s17;
	s20 =	sand.u32 $0xFE00, s18  }
0x1d: {  	s19 =	sor.u32 s19, s20  }
0x1e: {  	s17 =	sadd.s32 $0x10, s17;
	[tilespmem:s19+$0x9E80] =	vst v0  }
0x1f: {  	s17 =	simm.s32 $0x10;
	[tilespmem:s15+$0x9F00] =	vst v0  }
.LBB2_6:
0x20: {  	p0 =	sne.s32 s17, $0x2700  }
.Ltmp2:
0x21: {  	_ = 	snop;
	(pc) =	sbr.rel @p0 .LBB2_6-.Ltmp2, $4  }
0x22: {  	s16 =	sadd.s32 $0x40, s16  }
0x23: {  	s15 =	sand.u32 $0x70, s17;
	s18 =	sand.u32 $0xFE00, s16  }
0x24: {  	s15 =	sor.u32 s15, s18  }
0x25: {  	s17 =	sadd.s32 $0x10, s17;
	[tilespmem:s15+$0x9F00] =	vst v0;
	s15 =	simm.s32 $0x0  }
0x26: {  	s16 =	sand.u32 $0x70, s15;
	s17 =	sand.u32 $0xFE00, s15  }
0x27: {  	s17 =	sor.u32 s16, s17  }
0x28: {  	s16 =	simm.s32 $0x10;
	[tilespmem:s17+$0x9F80] =	vst v0;
	s17 =	simm.s32 $0x0  }
.LBB2_8:
0x29: {  	p0 =	sne.s32 s16, $0x2700  }
.Ltmp3:
0x2a: {  	_ = 	snop;
	(pc) =	sbr.rel @p0 .LBB2_8-.Ltmp3, $4  }
0x2b: {  	s17 =	sadd.s32 $0x40, s17  }
0x2c: {  	s18 =	sand.u32 $0x70, s16;
	s19 =	sand.u32 $0xFE00, s17  }
0x2d: {  	s18 =	sor.u32 s18, s19  }
0x2e: {  	s16 =	sadd.s32 $0x10, s16;
	[tilespmem:s18+$0x9F80] =	vst v0  }
.LBB2_9:
0x2f: {  	s16 =	smul.u32 $0x3E8, s15;
	_ =	sdelay $0x1  }
0x30: {  	s18 =	simm.s32 $0x0;
	s17 =	sadd.s32 s2, s16  }
0x31: {  	[tilespmem:s11], [sflag:$0x1] =	stream.linear.gather [hbm4b:s17+s18], $0x1F40, $0x38;
	[tilespmem:$0x17B00] =	vst v63  }
0x32: {  	_ =	swait.ge [sflag:s10], $0x1F40  }
0x33: {  	[sflag:s10] =	ssyncset.done $0x0  }
0x34: {  	s16 =	sadd.s32 s3, s16;
	[sflag:s10] =	ssyncadd.s32 $0xFFFFE0C0  }
0x35: {  	[tilespmem:s12], [sflag:$0x1] =	stream.linear.gather [hbm4b:s16+s18], $0x1F40, $0x38;
	[tilespmem:$0x17B00] =	vst v63  }
0x36: {  	_ =	swait.ge [sflag:s10], $0x1F40  }
0x37: {  	[sflag:s10] =	ssyncset.done $0x0  }
0x38: {  	s31 =	simm.s32 $0x0;
	[sflag:s10] =	ssyncadd.s32 $0xFFFFE0C0  }
0x39: {  	v1 =	vld [tilespmem:s31+$0x13C00];
	_ =	sdelay $0x4  }
0x3a: {  	v2 =	vshrl.u32 v1, $0xE;
	v3 =	vshrl.u32 v1, $0xC  }
0x3b: {  	v2 =	vand.u32 $0x7F, v2;
	v3 =	vand.u32 $0xFFE00, v3  }
0x3c: {  	v2 =	vor.u32 v2, v3;
	_ =	sdelay $0x3  }
0x3d: {  	v5 =	vld [tilespmem:s31+$0x15B80]  }
0x3e: {  	v4 =	vshll.u32 v1, $0x2;
	v3 =	vld.idx.msk [tilespmem:v2+s4+$0x0], $0xffff  }
0x3f: {  	v1 =	vand.u32 $0x7F, v1;
	v4 =	vand.u32 $0xFE00, v4  }
0x40: {  	v1 =	vor.u32 v1, v4  }
0x41: {  	v61 =	vor.u32 $0x80, v2;
	_ =	sdelay $0x1  }
0x42: {  	v3 =	vmul.f32 v3, v5;
	_ =	sdelay $0x1  }
0x43: {  	[tilespmem:v1+s13+$0x0] =	vst.idx.add.f32.msk $0xffff, v3  }
0x44: {  	v3 =	vld.idx.msk [tilespmem:v61+s4+$0x0], $0xffff;
	_ =	sdelay $0x1  }
0x45: {  	v62 =	vor.u32 $0x80, v1  }
0x46: {  	v6 =	vor.u32 $0x100, v2;
	_ =	sdelay $0x1  }
0x47: {  	v3 =	vmul.f32 v3, v5;
	_ =	sdelay $0x1  }
0x48: {  	[tilespmem:v62+s13+$0x0] =	vst.idx.add.f32.msk $0xffff, v3  }
0x49: {  	v3 =	vld.idx.msk [tilespmem:v6+s4+$0x0], $0xffff;
	_ =	sdelay $0x1  }
0x4a: {  	v63 =	vor.u32 $0x100, v1  }
0x4b: {  	v2 =	vor.u32 $0x180, v2;
	_ =	sdelay $0x1  }
0x4c: {  	v3 =	vmul.f32 v3, v5;
	_ =	sdelay $0x1  }
0x4d: {  	[tilespmem:v63+s13+$0x0] =	vst.idx.add.f32.msk $0xffff, v3  }
0x4e: {  	v2 =	vld.idx.msk [tilespmem:v2+s4+$0x0], $0xffff;
	_ =	sdelay $0x1  }
0x4f: {  	v1 =	vor.u32 $0x180, v1;
	_ =	sdelay $0x2  }
0x50: {  	s17 =	simm.s32 $0x80;
	s16 =	simm.s32 $0x40;
	v2 =	vmul.f32 v2, v5  }
.LBB2_10:
0x51: {  	p0 =	sne.s32 s17, $0x7CC0  }
0x52: {  	s18 =	sshra.s32 s16, $0x2;
	s16 =	smov.u32 s17;
	s17 =	sadd.s32 $0x40, s17;
	[tilespmem:v1+s13+$0x0] =	vst.idx.add.f32.msk $0xffff, v2  }
0x53: {  	v1 =	vld [tilespmem:s18+$0x13C00];
	_ =	sdelay $0x4  }
0x54: {  	v2 =	vshrl.u32 v1, $0xE;
	v3 =	vshrl.u32 v1, $0xC;
	v4 =	vshll.u32 v1, $0x2  }
0x55: {  	v2 =	vand.u32 $0x7F, v2;
	v3 =	vand.u32 $0xFFE00, v3;
	v4 =	vand.u32 $0xFE00, v4  }
0x56: {  	v2 =	vor.u32 v2, v3;
	_ =	sdelay $0x4  }
0x57: {  	v3 =	vld.idx.msk [tilespmem:v2+s4+$0x0], $0xffff  }
0x58: {  	v5 =	vld [tilespmem:s18+$0x15B80]  }
0x59: {  	v1 =	vand.u32 $0x7F, v1  }
0x5a: {  	v1 =	vor.u32 v1, v4  }
0x5b: {  	v4 =	vor.u32 $0x80, v2;
	_ =	sdelay $0x1  }
0x5c: {  	v3 =	vmul.f32 v3, v5;
	_ =	sdelay $0x1  }
0x5d: {  	[tilespmem:v1+s13+$0x0] =	vst.idx.add.f32.msk $0xffff, v3  }
0x5e: {  	v3 =	vld.idx.msk [tilespmem:v4+s4+$0x0], $0xffff;
	_ =	sdelay $0x2  }
0x5f: {  	v4 =	vor.u32 $0x80, v1  }
0x60: {  	v6 =	vor.u32 $0x100, v2;
	_ =	sdelay $0x1  }
0x61: {  	v3 =	vmul.f32 v3, v5;
	_ =	sdelay $0x1  }
0x62: {  	[tilespmem:v4+s13+$0x0] =	vst.idx.add.f32.msk $0xffff, v3  }
0x63: {  	v3 =	vld.idx.msk [tilespmem:v6+s4+$0x0], $0xffff;
	_ =	sdelay $0x2  }
0x64: {  	v4 =	vor.u32 $0x100, v1  }
0x65: {  	v2 =	vor.u32 $0x180, v2;
	_ =	sdelay $0x1  }
0x66: {  	v3 =	vmul.f32 v3, v5;
	_ =	sdelay $0x1  }
0x67: {  	[tilespmem:v4+s13+$0x0] =	vst.idx.add.f32.msk $0xffff, v3  }
0x68: {  	v2 =	vld.idx.msk [tilespmem:v2+s4+$0x0], $0xffff;
	_ =	sdelay $0x1  }
.Ltmp4:
0x69: {  	(pc) =	sbr.rel @p0 .LBB2_10-.Ltmp4, $2  }
0x6a: {  	v1 =	vor.u32 $0x180, v1;
	_ =	sdelay $0x2  }
0x6b: {  	v2 =	vmul.f32 v2, v5  }
0x6c: {  	_ =	sdelay $0x3  }
0x6d: {  	s16 =	sshra.s32 s16, $0x2;
	[tilespmem:v1+s13+$0x0] =	vst.idx.add.f32.msk $0xffff, v2  }
0x6e: {  	v1 =	vld [tilespmem:s16+$0x13C00];
	_ =	sdelay $0x4  }
0x6f: {  	v2 =	vshrl.u32 v1, $0xE;
	v3 =	vshrl.u32 v1, $0xC  }
0x70: {  	v2 =	vand.u32 $0x7F, v2;
	v3 =	vand.u32 $0xFFE00, v3  }
0x71: {  	v2 =	vor.u32 v2, v3;
	_ =	sdelay $0x3  }
0x72: {  	v5 =	vld [tilespmem:s16+$0x15B80]  }
0x73: {  	v4 =	vshll.u32 v1, $0x2;
	v3 =	vld.idx.msk [tilespmem:v2+s4+$0x0], $0xffff  }
0x74: {  	v1 =	vand.u32 $0x7F, v1;
	v4 =	vand.u32 $0xFE00, v4  }
0x75: {  	v1 =	vor.u32 v1, v4  }
0x76: {  	v61 =	vor.u32 $0x80, v2;
	_ =	sdelay $0x1  }
0x77: {  	v3 =	vmul.f32 v3, v5;
	_ =	sdelay $0x1  }
0x78: {  	[tilespmem:v1+s13+$0x0] =	vst.idx.add.f32.msk $0xffff, v3  }
0x79: {  	v3 =	vld.idx.msk [tilespmem:v61+s4+$0x0], $0xffff;
	_ =	sdelay $0x1  }
0x7a: {  	v62 =	vor.u32 $0x80, v1  }
0x7b: {  	v6 =	vor.u32 $0x100, v2;
	_ =	sdelay $0x1  }
0x7c: {  	v3 =	vmul.f32 v3, v5;
	_ =	sdelay $0x1  }
0x7d: {  	[tilespmem:v62+s13+$0x0] =	vst.idx.add.f32.msk $0xffff, v3  }
0x7e: {  	v3 =	vld.idx.msk [tilespmem:v6+s4+$0x0], $0xffff;
	_ =	sdelay $0x1  }
0x7f: {  	v63 =	vor.u32 $0x100, v1  }
0x80: {  	v2 =	vor.u32 $0x180, v2;
	_ =	sdelay $0x1  }
0x81: {  	v3 =	vmul.f32 v3, v5;
	_ =	sdelay $0x1  }
0x82: {  	[tilespmem:v63+s13+$0x0] =	vst.idx.add.f32.msk $0xffff, v3  }
0x83: {  	v2 =	vld.idx.msk [tilespmem:v2+s4+$0x0], $0xffff  }
0x84: {  	s15 =	sadd.s32 $0x1, s15  }
0x85: {  	p0 =	sne.s32 s15, $0x28;
	v1 =	vor.u32 $0x180, v1  }
.Ltmp5:
0x86: {  	_ = 	snop;
	(pc) =	sbr.rel @p0 .LBB2_9-.Ltmp5, $3  }
0x87: {  	_ = 	snop  }
0x88: {  	v2 =	vmul.f32 v2, v5;
	_ =	sdelay $0x1  }
0x89: {  	[tilespmem:v1+s13+$0x0] =	vst.idx.add.f32.msk $0xffff, v2  }
0x8a: {  	s14 =	sadd.s32 $0x1, s14  }
0x8b: {  	p0 =	sne.s32 s14, s7  }
.Ltmp6:
0x8c: {  	_ = 	snop;
	(pc) =	sbr.rel @p0 .LBB2_1-.Ltmp6, $4  }
0x8d: {  	[hbm4b:s6+s8] =	stream.strided.scatter [tilespmem:s13], [sflag:$0x1], $0x9E00, s9, s8, $0x38;
	[tilespmem:$0x17B00] =	vst v63  }
0x8e: {  	_ =	swait.ge [sflag:s10], $0x9E00  }
0x8f: {  	[sflag:s10] =	ssyncset.done $0x0  }
0x90: {  	[sflag:s10] =	ssyncadd.s32 $0xFFFF6200  }
0x91: {  	_ =	sfence.sel $0x180000  }
0x92: {  	[bflag:$0x0] =	sbarrier.arrive $0xFFFF  }
0x93: {  	p0 =	sne.s32 s0, $0x0;
	_ =	strace $0x90000059  }
0x94: {  	s0 =	sadd.s32 @!p0 $0x100000, s1;
	[bflag:$0x2] =	sbarrier.arrive $0xFFFF  }
0x95: {  	[sflag:s0] =	ssyncadd.tile.s32 @!p0 $0x1;
	_ =	shalt  }
.Lfunc_end2:
_tile_overlayer_lowered:
.L_overlay_start_2:
0x96: {  	(tag) =	ssettag $0x2  }
0x97: {  	s0 =	rddreg [dreg:$0x0];
	s2 =	stileid.u32  }
0x98: {  	s1 =	rddreg [dreg:$0x1];
	p0 =	sne.s32 s2, $0x0  }
0x99: {  	s3 =	rddreg [dreg:$0x2];
	[bflag:$0x3] =	sbarrier.arrive $0xFFFF;
	s2 =	simm.s32 @!p0 $0x1C01  }
0x9a: {  	[timem:s3], [sflag:s2] =	dma.local @!p0 [hbm:s0], s1  }
0x9b: {  	s0 =	simm.s32 @!p0 $0x1  }
0x9c: {  	_ =	swait.ge @!p0 [sflag:s0], s1  }
0x9d: {  	s1 =	ssub.s32 @!p0 $0x0, s1;
	[sflag:s0] =	ssyncset.done @!p0 $0x0  }
0x9e: {  	[sflag:s0] =	ssyncadd.s32 @!p0 s1  }
0x9f: {  	[bflag:$0x3] =	sbarrier.arrive $0xFFFF  }
0xa0: {  	_ =	shalt  }

// kernel: kernel.45.cloned.1.call-start
scs
__scs_entry_jumppad:
0x0: {  	(pc) =	sbr.rel $0x88, $3  }
0x1: {  	(tag) =	ssettag $0x0;
	lr =	simm.s32 $0x1  }
0x2: {  	[smem:$0x3F9A] =	sst lr;
	_ =	strace $0xD0000000  }
0x3: {  	_ = 	snop  }
0x4: {  	_ = 	snop  }
0x5: {  	_ = 	snop  }
0x6: {  	_ = 	snop  }
0x7: {  	_ = 	snop  }
__scs_overlays_trampoline_lowered:
0x8: {  	[smem:$0x3FA9] =	sst s0  }
0x9: {  	[smem:$0x3FAA] =	sst s1  }
0xa: {  	[smem:$0x3FAB] =	sst s2  }
0xb: {  	[smem:$0x3FAC] =	sst s3  }
0xc: {  	[smem:$0x3FAD] =	sst s4  }
0xd: {  	[smem:$0x3FAE] =	sst s5  }
0xe: {  	[smem:$0x3FAF] =	sst s6  }
0xf: {  	[smem:$0x3FB0] =	sst s7  }
0x10: {  	[smem:$0x3FB1] =	sst s8  }
0x11: {  	[smem:$0x3FB2] =	sst s9;
	s0 =	simm.s32 @!p0 $0x0  }
0x12: {  	s1 =	sld [smem:$0x3F98];
	s0 =	simm.s32 @p0 $0x1  }
0x13: {  	[smem:$0x3FB3] =	sst s0;
	s0 =	simm.s32 @!p1 $0x0  }
0x14: {  	s2 =	sld [smem:$0x3F97];
	s0 =	simm.s32 @p1 $0x1  }
0x15: {  	[smem:$0x3FB4] =	sst s0;
	s0 =	simm.s32 @!p2 $0x0  }
0x16: {  	s3 =	sld [smem:$0x3FDB];
	s0 =	simm.s32 @p2 $0x1  }
0x17: {  	s4 =	simm.s32 $0x1BF5;
	[smem:$0x3FB6] =	sst s0  }
0x18: {  	s0 =	sld [smem:$0x3F99];
	_ =	swait.ge [sflag:s4], $0x0  }
0x19: {  	s7 =	sld [smem:$0x3F9A]  }
0x1a: {  	s8 =	sadd.s32 $0xFFFFE003, lr  }
0x1b: {  	s9 =	sadd.s32 $0xFFFFFEF7, lr;
	s5 =	simm.s32 $0xFFFFFFFF;
	p2 =	slt.u32 s8, $0xFFFFF086  }
0x1c: {  	p1 =	slt.u32 s9, $0xF7A;
	s5 =	simm.s32 @!p2 $0x0  }
0x1d: {  	s5 =	simm.s32 @p1 $0x1;
	p0 =	seq.s32 s7, s2  }
0x1e: {  	s7 =	smul.u32 @!p0 $0xF7A, s2;
	p2 =	seq.s32 @!p0 s5, $0x0  }
0x1f: {  	s9 =	smul.u32 $0xF7A, s1;
	s8 =	simm.s32 @!p0 $0x1BF5;
	p2 =	por !p2, p0  }
0x20: {  	[sflag:s8] =	ssyncset.s32 @!p0 $0xFFFFF086;
	s6 =	sadd.s32 @!p0 s3, s7;
	s7 =	simm.s32 @!p0 $0x108  }
0x21: {  	s3 =	sadd.s32 s3, s9;
	s6 =	sadd.s32 @!p0 $0x88, s6;
	s7 =	simm.s32 @p2 $0x1082  }
0x22: {  	[simem:s7], [sflag:s8] =	dma.local @!p0 [hbm:s6], $0xF7A  }
0x23: {  	s9 =	sor.u32 $0xD0000000, s2;
	s6 =	simm.s32 $0x108;
	_ =	swait.ge @!p0 [sflag:s8], $0x0  }
0x24: {  	s3 =	sadd.s32 $0x88, s3;
	s6 =	simm.s32 @!p1 $0x1082;
	[sflag:s4] =	ssyncset.s32 $0xFFFFF086  }
0x25: {  	[simem:s6], [sflag:s4] =	dma.local [hbm:s3], $0xF7A  }
0x26: {  	[smem:$0x3F9A] =	sst s1;
	(tag) =	ssettag s2;
	_ =	strace s9  }
0x27: {  	s1 =	sld [smem:$0x3FAA]  }
0x28: {  	s2 =	sld [smem:$0x3FAB]  }
0x29: {  	s4 =	sld [smem:$0x3FAD]  }
0x2a: {  	p0 =	seq.s32 s5, $0x0;
	s5 =	sld [smem:$0x3FAE]  }
0x2b: {  	s6 =	sld [smem:$0x3FAF]  }
0x2c: {  	s7 =	sld [smem:$0x3FB0]  }
0x2d: {  	s3 =	simm.s32 $0x108;
	s8 =	sld [smem:$0x3FB1]  }
0x2e: {  	s3 =	simm.s32 @!p0 $0x1082;
	s9 =	sld [smem:$0x3FB2]  }
0x2f: {  	lr =	sadd.s32 s0, s3;
	s0 =	sld [smem:$0x3FA9]  }
0x30: {  	s3 =	sld [smem:$0x3FAC]  }
0x31: {  	[smem:$0x3FB5] =	sst s10  }
0x32: {  	s10 =	sld [smem:$0x3FB3];
	_ =	sdelay $0x3  }
0x33: {  	p0 =	seq.s32 s10, $0x1;
	s10 =	sld [smem:$0x3FB5];
	_ =	sdelay $0x3  }
0x34: {  	[smem:$0x3FB5] =	sst s10  }
0x35: {  	s10 =	sld [smem:$0x3FB4];
	_ =	sdelay $0x3  }
0x36: {  	p1 =	seq.s32 s10, $0x1;
	s10 =	sld [smem:$0x3FB5];
	_ =	sdelay $0x3  }
0x37: {  	[smem:$0x3FB5] =	sst s10  }
0x38: {  	s10 =	sld [smem:$0x3FB6]  }
0x39: {  	_ = 	snop;
	(pc) =	sbr.ind lr, $3  }
0x3a: {  	_ = 	snop  }
0x3b: {  	_ = 	snop  }
0x3c: {  	p2 =	seq.s32 s10, $0x1;
	s10 =	sld [smem:$0x3FB5]  }
0x3d: {  	_ =	shalt  }
0x3e: {  	_ =	shalt  }
0x3f: {  	_ =	shalt  }
0x40: {  	_ =	shalt  }
0x41: {  	_ =	shalt  }
0x42: {  	_ =	shalt  }
0x43: {  	_ =	shalt  }
0x44: {  	_ =	shalt  }
0x45: {  	_ =	shalt  }
0x46: {  	_ =	shalt  }
0x47: {  	_ =	shalt  }
0x48: {  	_ =	shalt  }
0x49: {  	_ =	shalt  }
0x4a: {  	_ =	shalt  }
0x4b: {  	_ =	shalt  }
0x4c: {  	_ =	shalt  }
0x4d: {  	_ =	shalt  }
0x4e: {  	_ =	shalt  }
0x4f: {  	_ =	shalt  }
0x50: {  	_ =	shalt  }
0x51: {  	_ =	shalt  }
0x52: {  	_ =	shalt  }
0x53: {  	_ =	shalt  }
0x54: {  	_ =	shalt  }
0x55: {  	_ =	shalt  }
0x56: {  	_ =	shalt  }
0x57: {  	_ =	shalt  }
0x58: {  	_ =	shalt  }
0x59: {  	_ =	shalt  }
0x5a: {  	_ =	shalt  }
0x5b: {  	_ =	shalt  }
0x5c: {  	_ =	shalt  }
0x5d: {  	_ =	shalt  }
0x5e: {  	_ =	shalt  }
0x5f: {  	_ =	shalt  }
0x60: {  	_ =	shalt  }
0x61: {  	_ =	shalt  }
0x62: {  	_ =	shalt  }
0x63: {  	_ =	shalt  }
0x64: {  	_ =	shalt  }
0x65: {  	_ =	shalt  }
0x66: {  	_ =	shalt  }
0x67: {  	_ =	shalt  }
0x68: {  	_ =	shalt  }
0x69: {  	_ =	shalt  }
0x6a: {  	_ =	shalt  }
0x6b: {  	_ =	shalt  }
0x6c: {  	_ =	shalt  }
0x6d: {  	_ =	shalt  }
0x6e: {  	_ =	shalt  }
0x6f: {  	_ =	shalt  }
0x70: {  	_ =	shalt  }
0x71: {  	_ =	shalt  }
0x72: {  	_ =	shalt  }
0x73: {  	_ =	shalt  }
0x74: {  	_ =	shalt  }
0x75: {  	_ =	shalt  }
0x76: {  	_ =	shalt  }
0x77: {  	_ =	shalt  }
0x78: {  	_ =	shalt  }
0x79: {  	_ =	shalt  }
0x7a: {  	_ =	shalt  }
0x7b: {  	_ =	shalt  }
0x7c: {  	_ =	shalt  }
0x7d: {  	_ =	shalt  }
0x7e: {  	_ =	shalt  }
0x7f: {  	_ =	shalt  }
0x80: {  	_ =	shalt  }
0x81: {  	_ =	shalt  }
0x82: {  	_ =	shalt  }
0x83: {  	_ =	shalt  }
0x84: {  	_ =	shalt  }
0x85: {  	_ =	shalt  }
0x86: {  	_ =	shalt  }
0x87: {  	_ =	shalt  }
.Lfunc_end0:
.L_simem_size_0:
called_computation.7_lowered:
.L_overlay_start_0:
0x88: {  	s2 =	sld [smem:$0x3FD9]  }
0x89: {  	s3 =	sld [smem:$0x3FFE];
	_ =	sdelay $0x1  }
0x8a: {  	s1 =	srdreg.scid  }
0x8b: {  	s0 =	sand.u32 $0x1, s1  }
0x8c: {  	s17 =	sshll.u32 s0, $0xA;
	s2 =	sadd.s32 s3, s2  }
0x8d: {  	s2 =	sadd.s32 s2, s17  }
0x8e: {  	[smem:$0x3FC1] =	sst s2  }
0x8f: {  	_ = 	snop  }
0x90: {  	s2 =	sld [smem:$0x3FC7]  }
0x91: {  	s18 =	sld [smem:$0x3FD0];
	(tm) =	ssettm $0x1  }
0x92: {  	s4 =	sld [smem:$0x3FFB];
	_ =	sdelay $0x3  }
0x93: {  	_ =	strace s4  }
0x94: {  	s4 =	sld [smem:$0x3FFC];
	_ =	sdelay $0x3  }
0x95: {  	_ =	strace s4  }
0x96: {  	s4 =	sld [smem:$0x3FFD];
	_ =	sdelay $0x3  }
0x97: {  	_ =	strace s4  }
0x98: {  	_ =	strace $0x8FFFFFFF  }
0x99: {  	s19 =	sld [smem:$0x3FDB];
	_ =	sdelay $0x1  }
0x9a: {  	s5 =	simm.s32 $_scs_section_size  }
0x9b: {  	s6 =	simm.s32 $_size__tile_overlayer_lowered;
	s7 =	simm.s32 $_tile_overlayer_lowered  }
0x9c: {  	s22 =	simm.s32 $0x1BFF;
	s21 =	sshll.u32 s7, $0x1;
	s4 =	sadd.s32 s5, s19  }
0x9d: {  	s8 =	simm.s32 $0x0;
	s20 =	sshll.u32 s6, $0x1;
	s6 =	sadd.s32 s21, s4  }
0x9e: {  	[timem:s8], [sflag:s22] =	dma.local [hbm:s6], s20  }
0x9f: {  	_ =	swait.ge [sflag:s22], s20  }
0xa0: {  	s5 =	ssub.s32 $0x0, s20;
	[sflag:s22] =	ssyncset.done $0x0  }
0xa1: {  	[sflag:s22] =	ssyncadd.s32 s5;
	_ =	sdelay $0x1  }
0xa2: {  	s23 =	simm.s32 $0x1B8B  }
0xa3: {  	_ =	swait.ge [sflag:s23], $0x1  }
0xa4: {  	[sflag:s23] =	ssyncset.done $0x0  }
0xa5: {  	s25 =	simm.s32 $0x1B8E;
	s24 =	sld [smem:$0x3FFE];
	[sflag:s23] =	ssyncadd.s32 $0xFFFFFFFF  }
0xa6: {  	s26 =	simm.s32 $execute0_lowered;
	[smem:$0x3FD2] =	sst s25  }
0xa7: {  	s6 =	sshll.u32 s26, $0x1;
	_ =	strace $0x8000005B;
	[dreg:$0x1] =	wrdreg $0xFFFFFFFF  }
0xa8: {  	s28 =	simm.s32 $_size_execute0_lowered;
	s4 =	sadd.s32 s4, s6;
	[dreg:$0x0] =	wrdreg $0x0  }
0xa9: {  	s6 =	sshll.u32 s28, $0x1;
	[dreg:$0x2] =	wrdreg s4  }
0xaa: {  	[dreg:$0x3] =	wrdreg s6  }
0xab: {  	[dreg:$0x4] =	wrdreg $0xC0  }
0xac: {  	_ =	task [dreg:s8], $0x5FFFF  }
0xad: {  	[dreg:$0x1] =	wrdreg $0xFFFFFFFF  }
0xae: {  	[dreg:$0x0] =	wrdreg $0x60  }
0xaf: {  	[dreg:$0x2] =	wrdreg s24  }
0xb0: {  	[dreg:$0x3] =	wrdreg s18  }
0xb1: {  	[dreg:$0x4] =	wrdreg s2  }
0xb2: {  	[dreg:$0x5] =	wrdreg $0x9  }
0xb3: {  	_ =	task.clear_ibuf [dreg:s8], $0x6FFFF;
	_ =	strace $0x9000005B  }
0xb4: {  	s29 =	simm.s32 $0x9;
	_ =	strace $0x8000005D  }
0xb5: {  	_ =	swait.ge [sflag:s29], $0x1  }
0xb6: {  	[sflag:s29] =	ssyncadd.s32 $0xFFFFFFFF  }
0xb7: {  	_ =	strace $0x9000005D  }
0xb8: {  	_ =	sfence  }
0xb9: {  	s30 =	sld [smem:$0x0];
	_ =	sdelay $0x2  }
0xba: {  	s31 =	sshll.u32 s1, $0xD;
	s1 =	sshrl.u32 s1, $0x2  }
0xbb: {  	s3 =	sand.u32 $0x4000, s31;
	s1 =	sadd.s32 s1, s30  }
0xbc: {  	s0 =	sor.u32 s3, s0;
	s1 =	sshll.u32 s1, $0x11  }
0xbd: {  	s0 =	sor.u32 s1, s0  }
0xbe: {  	s0 =	sadd.s32 $0x8F2B, s0  }
0xbf: {  	[sflag:s0] =	ssyncadd.remote.s32 $0x1  }
0xc0: {  	_ =	sfence.sel $0xFFFF  }
0xc1: {  	[dreg:$0x0] =	wrdreg $0xFFFFFFFF;
	(pc) =	sbr.abs _section_cstart, $3  }
0xc2: {  	[dreg:$0x1] =	wrdreg $0xFFFFFFFF  }
0xc3: {  	_ =	task.clear_ibuf [dreg:s8], $0x2FFFF;
	_ =	strace $0x9FFFFFFF  }
0xc4: {  	(tm) =	ssettm $0x7FFFFFFF  }
0xc5: {  	_ =	shalt  }
tec
execute0_lowered:
.L_overlay_start_1:
0x0: {  	(tag) =	ssettag $0x1  }
0x1: {  	s5 =	rddreg [dreg:$0x0];
	s1 =	srdreg.scid  }
0x2: {  	s0 =	stileid.u32;
	s2 =	rddreg [dreg:$0x1]  }
0x3: {  	s3 =	rddreg [dreg:$0x2];
	s9 =	simm.s32 $0x400;
	s10 =	simm.s32 $0x1  }
0x4: {  	s11 =	simm.s32 $0x13C00;
	s6 =	sand.u32 $0x1, s1;
	s4 =	smul.u32 $0x13C00, s0  }
0x5: {  	s12 =	simm.s32 $0x15B80;
	s13 =	simm.s32 $0x9E00;
	s7 =	sshll.u32 s6, $0x9  }
0x6: {  	s14 =	simm.s32 $0x0;
	s1 =	rddreg [dreg:$0x3];
	s7 =	sor.u32 s7, s4  }
0x7: {  	s6 =	ssub.s32 $0x2, s6;
	s4 =	simm.s32 $0x0;
	s7 =	sshrl.u32 s7, $0x3  }
0x8: {  	s31 =	sshrl.u32 s6, $0x1;
	[smem:$0x7FF] =	sst s4;
	s7 =	sadd.s32 s7, s5  }
0x9: {  	s8 =	ssub.s32 s6, s31;
	_ =	strace $0x8000005C;
	s5 =	sadd.s32 $0x7C00, s7  }
0xa: {  	v0 =	vimm.f32 $0.0e+00;
	s6 =	sadd.s32 $0x7E400, s7;
	s7 =	smax.u32 s8, $0x1;
	s8 =	simm.s32 $0x200  }
.LBB2_1:
0xb: {  	[tilespmem:s4], [sflag:$0x1] =	stream.strided.gather [hbm4b:s5+s8], $0x9E00, s9, s8, $0x38;
	[tilespmem:$0x17B00] =	vst v63  }
0xc: {  	_ =	swait.ge [sflag:s10], $0x9E00  }
0xd: {  	s15 =	sand.u32 $0x70, s4;
	s16 =	sand.u32 $0xFE00, s4;
	[sflag:s10] =	ssyncset.done $0x0  }
0xe: {  	s16 =	sor.u32 s15, s16;
	[sflag:s10] =	ssyncadd.s32 $0xFFFF6200  }
0xf: {  	s17 =	simm.s32 $0x0;
	s15 =	simm.s32 $0x10;
	[tilespmem:s16+$0x9E00] =	vst v0  }
.LBB2_2:
0x10: {  	p0 =	sne.s32 s15, $0x2700  }
.Ltmp0:
0x11: {  	_ = 	snop;
	(pc) =	sbr.rel @p0 .LBB2_2-.Ltmp0, $4  }
0x12: {  	s17 =	sadd.s32 $0x40, s17  }
0x13: {  	s16 =	sand.u32 $0x70, s15;
	s18 =	sand.u32 $0xFE00, s17  }
0x14: {  	s16 =	sor.u32 s16, s18  }
0x15: {  	s15 =	sadd.s32 $0x10, s15;
	[tilespmem:s16+$0x9E00] =	vst v0;
	s16 =	simm.s32 $0x0  }
0x16: {  	s15 =	sand.u32 $0x70, s16;
	s17 =	sand.u32 $0xFE00, s16  }
0x17: {  	s15 =	sor.u32 s15, s17  }
0x18: {  	s18 =	simm.s32 $0x0;
	s17 =	simm.s32 $0x10;
	[tilespmem:s15+$0x9E80] =	vst v0  }
.LBB2_4:
0x19: {  	p0 =	sne.s32 s17, $0x2700  }
.Ltmp1:
0x1a: {  	_ = 	snop;
	(pc) =	sbr.rel @p0 .LBB2_4-.Ltmp1, $4  }
0x1b: {  	s18 =	sadd.s32 $0x40, s18  }
0x1c: {  	s19 =	sand.u32 $0x70, s17;
	s20 =	sand.u32 $0xFE00, s18  }
0x1d: {  	s19 =	sor.u32 s19, s20  }
0x1e: {  	s17 =	sadd.s32 $0x10, s17;
	[tilespmem:s19+$0x9E80] =	vst v0  }
0x1f: {  	s17 =	simm.s32 $0x10;
	[tilespmem:s15+$0x9F00] =	vst v0  }
.LBB2_6:
0x20: {  	p0 =	sne.s32 s17, $0x2700  }
.Ltmp2:
0x21: {  	_ = 	snop;
	(pc) =	sbr.rel @p0 .LBB2_6-.Ltmp2, $4  }
0x22: {  	s16 =	sadd.s32 $0x40, s16  }
0x23: {  	s15 =	sand.u32 $0x70, s17;
	s18 =	sand.u32 $0xFE00, s16  }
0x24: {  	s15 =	sor.u32 s15, s18  }
0x25: {  	s17 =	sadd.s32 $0x10, s17;
	[tilespmem:s15+$0x9F00] =	vst v0;
	s15 =	simm.s32 $0x0  }
0x26: {  	s16 =	sand.u32 $0x70, s15;
	s17 =	sand.u32 $0xFE00, s15  }
0x27: {  	s17 =	sor.u32 s16, s17  }
0x28: {  	s16 =	simm.s32 $0x10;
	[tilespmem:s17+$0x9F80] =	vst v0;
	s17 =	simm.s32 $0x0  }
.LBB2_8:
0x29: {  	p0 =	sne.s32 s16, $0x2700  }
.Ltmp3:
0x2a: {  	_ = 	snop;
	(pc) =	sbr.rel @p0 .LBB2_8-.Ltmp3, $4  }
0x2b: {  	s17 =	sadd.s32 $0x40, s17  }
0x2c: {  	s18 =	sand.u32 $0x70, s16;
	s19 =	sand.u32 $0xFE00, s17  }
0x2d: {  	s18 =	sor.u32 s18, s19  }
0x2e: {  	s16 =	sadd.s32 $0x10, s16;
	[tilespmem:s18+$0x9F80] =	vst v0  }
.LBB2_9:
0x2f: {  	s16 =	smul.u32 $0x3E8, s15;
	_ =	sdelay $0x1  }
0x30: {  	s18 =	simm.s32 $0x0;
	s17 =	sadd.s32 s2, s16  }
0x31: {  	[tilespmem:s11], [sflag:$0x1] =	stream.linear.gather [hbm4b:s17+s18], $0x1F40, $0x38;
	[tilespmem:$0x17B00] =	vst v63  }
0x32: {  	_ =	swait.ge [sflag:s10], $0x1F40  }
0x33: {  	[sflag:s10] =	ssyncset.done $0x0  }
0x34: {  	s16 =	sadd.s32 s3, s16;
	[sflag:s10] =	ssyncadd.s32 $0xFFFFE0C0  }
0x35: {  	[tilespmem:s12], [sflag:$0x1] =	stream.linear.gather [hbm4b:s16+s18], $0x1F40, $0x38;
	[tilespmem:$0x17B00] =	vst v63  }
0x36: {  	_ =	swait.ge [sflag:s10], $0x1F40  }
0x37: {  	[sflag:s10] =	ssyncset.done $0x0  }
0x38: {  	s31 =	simm.s32 $0x0;
	[sflag:s10] =	ssyncadd.s32 $0xFFFFE0C0  }
0x39: {  	v1 =	vld [tilespmem:s31+$0x13C00];
	_ =	sdelay $0x4  }
0x3a: {  	v2 =	vshrl.u32 v1, $0xE;
	v3 =	vshrl.u32 v1, $0xC  }
0x3b: {  	v2 =	vand.u32 $0x7F, v2;
	v3 =	vand.u32 $0xFFE00, v3  }
0x3c: {  	v2 =	vor.u32 v2, v3;
	_ =	sdelay $0x3  }
0x3d: {  	v5 =	vld [tilespmem:s31+$0x15B80]  }
0x3e: {  	v4 =	vshll.u32 v1, $0x2;
	v3 =	vld.idx.msk [tilespmem:v2+s4+$0x0], $0xffff  }
0x3f: {  	v1 =	vand.u32 $0x7F, v1;
	v4 =	vand.u32 $0xFE00, v4  }
0x40: {  	v1 =	vor.u32 v1, v4  }
0x41: {  	v61 =	vor.u32 $0x80, v2;
	_ =	sdelay $0x1  }
0x42: {  	v3 =	vmul.f32 v3, v5;
	_ =	sdelay $0x1  }
0x43: {  	[tilespmem:v1+s13+$0x0] =	vst.idx.add.f32.msk $0xffff, v3  }
0x44: {  	v3 =	vld.idx.msk [tilespmem:v61+s4+$0x0], $0xffff;
	_ =	sdelay $0x1  }
0x45: {  	v62 =	vor.u32 $0x80, v1  }
0x46: {  	v6 =	vor.u32 $0x100, v2;
	_ =	sdelay $0x1  }
0x47: {  	v3 =	vmul.f32 v3, v5;
	_ =	sdelay $0x1  }
0x48: {  	[tilespmem:v62+s13+$0x0] =	vst.idx.add.f32.msk $0xffff, v3  }
0x49: {  	v3 =	vld.idx.msk [tilespmem:v6+s4+$0x0], $0xffff;
	_ =	sdelay $0x1  }
0x4a: {  	v63 =	vor.u32 $0x100, v1  }
0x4b: {  	v2 =	vor.u32 $0x180, v2;
	_ =	sdelay $0x1  }
0x4c: {  	v3 =	vmul.f32 v3, v5;
	_ =	sdelay $0x1  }
0x4d: {  	[tilespmem:v63+s13+$0x0] =	vst.idx.add.f32.msk $0xffff, v3  }
0x4e: {  	v2 =	vld.idx.msk [tilespmem:v2+s4+$0x0], $0xffff;
	_ =	sdelay $0x1  }
0x4f: {  	v1 =	vor.u32 $0x180, v1;
	_ =	sdelay $0x2  }
0x50: {  	s17 =	simm.s32 $0x80;
	s16 =	simm.s32 $0x40;
	v2 =	vmul.f32 v2, v5  }
.LBB2_10:
0x51: {  	p0 =	sne.s32 s17, $0x7CC0  }
0x52: {  	s18 =	sshra.s32 s16, $0x2;
	s16 =	smov.u32 s17;
	s17 =	sadd.s32 $0x40, s17;
	[tilespmem:v1+s13+$0x0] =	vst.idx.add.f32.msk $0xffff, v2  }
0x53: {  	v1 =	vld [tilespmem:s18+$0x13C00];
	_ =	sdelay $0x4  }
0x54: {  	v2 =	vshrl.u32 v1, $0xE;
	v3 =	vshrl.u32 v1, $0xC;
	v4 =	vshll.u32 v1, $0x2  }
0x55: {  	v2 =	vand.u32 $0x7F, v2;
	v3 =	vand.u32 $0xFFE00, v3;
	v4 =	vand.u32 $0xFE00, v4  }
0x56: {  	v2 =	vor.u32 v2, v3;
	_ =	sdelay $0x4  }
0x57: {  	v3 =	vld.idx.msk [tilespmem:v2+s4+$0x0], $0xffff  }
0x58: {  	v5 =	vld [tilespmem:s18+$0x15B80]  }
0x59: {  	v1 =	vand.u32 $0x7F, v1  }
0x5a: {  	v1 =	vor.u32 v1, v4  }
0x5b: {  	v4 =	vor.u32 $0x80, v2;
	_ =	sdelay $0x1  }
0x5c: {  	v3 =	vmul.f32 v3, v5;
	_ =	sdelay $0x1  }
0x5d: {  	[tilespmem:v1+s13+$0x0] =	vst.idx.add.f32.msk $0xffff, v3  }
0x5e: {  	v3 =	vld.idx.msk [tilespmem:v4+s4+$0x0], $0xffff;
	_ =	sdelay $0x2  }
0x5f: {  	v4 =	vor.u32 $0x80, v1  }
0x60: {  	v6 =	vor.u32 $0x100, v2;
	_ =	sdelay $0x1  }
0x61: {  	v3 =	vmul.f32 v3, v5;
	_ =	sdelay $0x1  }
0x62: {  	[tilespmem:v4+s13+$0x0] =	vst.idx.add.f32.msk $0xffff, v3  }
0x63: {  	v3 =	vld.idx.msk [tilespmem:v6+s4+$0x0], $0xffff;
	_ =	sdelay $0x2  }
0x64: {  	v4 =	vor.u32 $0x100, v1  }
0x65: {  	v2 =	vor.u32 $0x180, v2;
	_ =	sdelay $0x1  }
0x66: {  	v3 =	vmul.f32 v3, v5;
	_ =	sdelay $0x1  }
0x67: {  	[tilespmem:v4+s13+$0x0] =	vst.idx.add.f32.msk $0xffff, v3  }
0x68: {  	v2 =	vld.idx.msk [tilespmem:v2+s4+$0x0], $0xffff;
	_ =	sdelay $0x1  }
.Ltmp4:
0x69: {  	(pc) =	sbr.rel @p0 .LBB2_10-.Ltmp4, $2  }
0x6a: {  	v1 =	vor.u32 $0x180, v1;
	_ =	sdelay $0x2  }
0x6b: {  	v2 =	vmul.f32 v2, v5  }
0x6c: {  	_ =	sdelay $0x3  }
0x6d: {  	s16 =	sshra.s32 s16, $0x2;
	[tilespmem:v1+s13+$0x0] =	vst.idx.add.f32.msk $0xffff, v2  }
0x6e: {  	v1 =	vld [tilespmem:s16+$0x13C00];
	_ =	sdelay $0x4  }
0x6f: {  	v2 =	vshrl.u32 v1, $0xE;
	v3 =	vshrl.u32 v1, $0xC  }
0x70: {  	v2 =	vand.u32 $0x7F, v2;
	v3 =	vand.u32 $0xFFE00, v3  }
0x71: {  	v2 =	vor.u32 v2, v3;
	_ =	sdelay $0x3  }
0x72: {  	v5 =	vld [tilespmem:s16+$0x15B80]  }
0x73: {  	v4 =	vshll.u32 v1, $0x2;
	v3 =	vld.idx.msk [tilespmem:v2+s4+$0x0], $0xffff  }
0x74: {  	v1 =	vand.u32 $0x7F, v1;
	v4 =	vand.u32 $0xFE00, v4  }
0x75: {  	v1 =	vor.u32 v1, v4  }
0x76: {  	v61 =	vor.u32 $0x80, v2;
	_ =	sdelay $0x1  }
0x77: {  	v3 =	vmul.f32 v3, v5;
	_ =	sdelay $0x1  }
0x78: {  	[tilespmem:v1+s13+$0x0] =	vst.idx.add.f32.msk $0xffff, v3  }
0x79: {  	v3 =	vld.idx.msk [tilespmem:v61+s4+$0x0], $0xffff;
	_ =	sdelay $0x1  }
0x7a: {  	v62 =	vor.u32 $0x80, v1  }
0x7b: {  	v6 =	vor.u32 $0x100, v2;
	_ =	sdelay $0x1  }
0x7c: {  	v3 =	vmul.f32 v3, v5;
	_ =	sdelay $0x1  }
0x7d: {  	[tilespmem:v62+s13+$0x0] =	vst.idx.add.f32.msk $0xffff, v3  }
0x7e: {  	v3 =	vld.idx.msk [tilespmem:v6+s4+$0x0], $0xffff;
	_ =	sdelay $0x1  }
0x7f: {  	v63 =	vor.u32 $0x100, v1  }
0x80: {  	v2 =	vor.u32 $0x180, v2;
	_ =	sdelay $0x1  }
0x81: {  	v3 =	vmul.f32 v3, v5;
	_ =	sdelay $0x1  }
0x82: {  	[tilespmem:v63+s13+$0x0] =	vst.idx.add.f32.msk $0xffff, v3  }
0x83: {  	v2 =	vld.idx.msk [tilespmem:v2+s4+$0x0], $0xffff  }
0x84: {  	s15 =	sadd.s32 $0x1, s15  }
0x85: {  	p0 =	sne.s32 s15, $0x28;
	v1 =	vor.u32 $0x180, v1  }
.Ltmp5:
0x86: {  	_ = 	snop;
	(pc) =	sbr.rel @p0 .LBB2_9-.Ltmp5, $3  }
0x87: {  	_ = 	snop  }
0x88: {  	v2 =	vmul.f32 v2, v5;
	_ =	sdelay $0x1  }
0x89: {  	[tilespmem:v1+s13+$0x0] =	vst.idx.add.f32.msk $0xffff, v2  }
0x8a: {  	s14 =	sadd.s32 $0x1, s14  }
0x8b: {  	p0 =	sne.s32 s14, s7  }
.Ltmp6:
0x8c: {  	_ = 	snop;
	(pc) =	sbr.rel @p0 .LBB2_1-.Ltmp6, $4  }
0x8d: {  	[hbm4b:s6+s8] =	stream.strided.scatter [tilespmem:s13], [sflag:$0x1], $0x9E00, s9, s8, $0x38;
	[tilespmem:$0x17B00] =	vst v63  }
0x8e: {  	_ =	swait.ge [sflag:s10], $0x9E00  }
0x8f: {  	[sflag:s10] =	ssyncset.done $0x0  }
0x90: {  	[sflag:s10] =	ssyncadd.s32 $0xFFFF6200  }
0x91: {  	_ =	sfence.sel $0x180000  }
0x92: {  	[bflag:$0x0] =	sbarrier.arrive $0xFFFF  }
0x93: {  	p0 =	sne.s32 s0, $0x0;
	_ =	strace $0x9000005C  }
0x94: {  	s0 =	sadd.s32 @!p0 $0x100000, s1;
	[bflag:$0x2] =	sbarrier.arrive $0xFFFF  }
0x95: {  	[sflag:s0] =	ssyncadd.tile.s32 @!p0 $0x1;
	_ =	shalt  }
.Lfunc_end2:
_tile_overlayer_lowered:
.L_overlay_start_2:
0x96: {  	(tag) =	ssettag $0x2  }
0x97: {  	s0 =	rddreg [dreg:$0x0];
	s2 =	stileid.u32  }
0x98: {  	s1 =	rddreg [dreg:$0x1];
	p0 =	sne.s32 s2, $0x0  }
0x99: {  	s3 =	rddreg [dreg:$0x2];
	[bflag:$0x3] =	sbarrier.arrive $0xFFFF;
	s2 =	simm.s32 @!p0 $0x1C01  }
0x9a: {  	[timem:s3], [sflag:s2] =	dma.local @!p0 [hbm:s0], s1  }
0x9b: {  	s0 =	simm.s32 @!p0 $0x1  }
0x9c: {  	_ =	swait.ge @!p0 [sflag:s0], s1  }
0x9d: {  	s1 =	ssub.s32 @!p0 $0x0, s1;
	[sflag:s0] =	ssyncset.done @!p0 $0x0  }
0x9e: {  	[sflag:s0] =	ssyncadd.s32 @!p0 s1  }
0x9f: {  	[bflag:$0x3] =	sbarrier.arrive $0xFFFF  }
0xa0: {  	_ =	shalt  }

// kernel: kernel.48.cloned.1.call-start
scs
__scs_entry_jumppad:
0x0: {  	(pc) =	sbr.rel $0x88, $3  }
0x1: {  	(tag) =	ssettag $0x0;
	lr =	simm.s32 $0x1  }
0x2: {  	[smem:$0x3F9A] =	sst lr;
	_ =	strace $0xD0000000  }
0x3: {  	_ = 	snop  }
0x4: {  	_ = 	snop  }
0x5: {  	_ = 	snop  }
0x6: {  	_ = 	snop  }
0x7: {  	_ = 	snop  }
__scs_overlays_trampoline_lowered:
0x8: {  	[smem:$0x3FA9] =	sst s0  }
0x9: {  	[smem:$0x3FAA] =	sst s1  }
0xa: {  	[smem:$0x3FAB] =	sst s2  }
0xb: {  	[smem:$0x3FAC] =	sst s3  }
0xc: {  	[smem:$0x3FAD] =	sst s4  }
0xd: {  	[smem:$0x3FAE] =	sst s5  }
0xe: {  	[smem:$0x3FAF] =	sst s6  }
0xf: {  	[smem:$0x3FB0] =	sst s7  }
0x10: {  	[smem:$0x3FB1] =	sst s8  }
0x11: {  	[smem:$0x3FB2] =	sst s9;
	s0 =	simm.s32 @!p0 $0x0  }
0x12: {  	s1 =	sld [smem:$0x3F98];
	s0 =	simm.s32 @p0 $0x1  }
0x13: {  	[smem:$0x3FB3] =	sst s0;
	s0 =	simm.s32 @!p1 $0x0  }
0x14: {  	s2 =	sld [smem:$0x3F97];
	s0 =	simm.s32 @p1 $0x1  }
0x15: {  	[smem:$0x3FB4] =	sst s0;
	s0 =	simm.s32 @!p2 $0x0  }
0x16: {  	s3 =	sld [smem:$0x3FDB];
	s0 =	simm.s32 @p2 $0x1  }
0x17: {  	s4 =	simm.s32 $0x1BF5;
	[smem:$0x3FB6] =	sst s0  }
0x18: {  	s0 =	sld [smem:$0x3F99];
	_ =	swait.ge [sflag:s4], $0x0  }
0x19: {  	s7 =	sld [smem:$0x3F9A]  }
0x1a: {  	s8 =	sadd.s32 $0xFFFFE003, lr  }
0x1b: {  	s9 =	sadd.s32 $0xFFFFFEF7, lr;
	s5 =	simm.s32 $0xFFFFFFFF;
	p2 =	slt.u32 s8, $0xFFFFF086  }
0x1c: {  	p1 =	slt.u32 s9, $0xF7A;
	s5 =	simm.s32 @!p2 $0x0  }
0x1d: {  	s5 =	simm.s32 @p1 $0x1;
	p0 =	seq.s32 s7, s2  }
0x1e: {  	s7 =	smul.u32 @!p0 $0xF7A, s2;
	p2 =	seq.s32 @!p0 s5, $0x0  }
0x1f: {  	s9 =	smul.u32 $0xF7A, s1;
	s8 =	simm.s32 @!p0 $0x1BF5;
	p2 =	por !p2, p0  }
0x20: {  	[sflag:s8] =	ssyncset.s32 @!p0 $0xFFFFF086;
	s6 =	sadd.s32 @!p0 s3, s7;
	s7 =	simm.s32 @!p0 $0x108  }
0x21: {  	s3 =	sadd.s32 s3, s9;
	s6 =	sadd.s32 @!p0 $0x88, s6;
	s7 =	simm.s32 @p2 $0x1082  }
0x22: {  	[simem:s7], [sflag:s8] =	dma.local @!p0 [hbm:s6], $0xF7A  }
0x23: {  	s9 =	sor.u32 $0xD0000000, s2;
	s6 =	simm.s32 $0x108;
	_ =	swait.ge @!p0 [sflag:s8], $0x0  }
0x24: {  	s3 =	sadd.s32 $0x88, s3;
	s6 =	simm.s32 @!p1 $0x1082;
	[sflag:s4] =	ssyncset.s32 $0xFFFFF086  }
0x25: {  	[simem:s6], [sflag:s4] =	dma.local [hbm:s3], $0xF7A  }
0x26: {  	[smem:$0x3F9A] =	sst s1;
	(tag) =	ssettag s2;
	_ =	strace s9  }
0x27: {  	s1 =	sld [smem:$0x3FAA]  }
0x28: {  	s2 =	sld [smem:$0x3FAB]  }
0x29: {  	s4 =	sld [smem:$0x3FAD]  }
0x2a: {  	p0 =	seq.s32 s5, $0x0;
	s5 =	sld [smem:$0x3FAE]  }
0x2b: {  	s6 =	sld [smem:$0x3FAF]  }
0x2c: {  	s7 =	sld [smem:$0x3FB0]  }
0x2d: {  	s3 =	simm.s32 $0x108;
	s8 =	sld [smem:$0x3FB1]  }
0x2e: {  	s3 =	simm.s32 @!p0 $0x1082;
	s9 =	sld [smem:$0x3FB2]  }
0x2f: {  	lr =	sadd.s32 s0, s3;
	s0 =	sld [smem:$0x3FA9]  }
0x30: {  	s3 =	sld [smem:$0x3FAC]  }
0x31: {  	[smem:$0x3FB5] =	sst s10  }
0x32: {  	s10 =	sld [smem:$0x3FB3];
	_ =	sdelay $0x3  }
0x33: {  	p0 =	seq.s32 s10, $0x1;
	s10 =	sld [smem:$0x3FB5];
	_ =	sdelay $0x3  }
0x34: {  	[smem:$0x3FB5] =	sst s10  }
0x35: {  	s10 =	sld [smem:$0x3FB4];
	_ =	sdelay $0x3  }
0x36: {  	p1 =	seq.s32 s10, $0x1;
	s10 =	sld [smem:$0x3FB5];
	_ =	sdelay $0x3  }
0x37: {  	[smem:$0x3FB5] =	sst s10  }
0x38: {  	s10 =	sld [smem:$0x3FB6]  }
0x39: {  	_ = 	snop;
	(pc) =	sbr.ind lr, $3  }
0x3a: {  	_ = 	snop  }
0x3b: {  	_ = 	snop  }
0x3c: {  	p2 =	seq.s32 s10, $0x1;
	s10 =	sld [smem:$0x3FB5]  }
0x3d: {  	_ =	shalt  }
0x3e: {  	_ =	shalt  }
0x3f: {  	_ =	shalt  }
0x40: {  	_ =	shalt  }
0x41: {  	_ =	shalt  }
0x42: {  	_ =	shalt  }
0x43: {  	_ =	shalt  }
0x44: {  	_ =	shalt  }
0x45: {  	_ =	shalt  }
0x46: {  	_ =	shalt  }
0x47: {  	_ =	shalt  }
0x48: {  	_ =	shalt  }
0x49: {  	_ =	shalt  }
0x4a: {  	_ =	shalt  }
0x4b: {  	_ =	shalt  }
0x4c: {  	_ =	shalt  }
0x4d: {  	_ =	shalt  }
0x4e: {  	_ =	shalt  }
0x4f: {  	_ =	shalt  }
0x50: {  	_ =	shalt  }
0x51: {  	_ =	shalt  }
0x52: {  	_ =	shalt  }
0x53: {  	_ =	shalt  }
0x54: {  	_ =	shalt  }
0x55: {  	_ =	shalt  }
0x56: {  	_ =	shalt  }
0x57: {  	_ =	shalt  }
0x58: {  	_ =	shalt  }
0x59: {  	_ =	shalt  }
0x5a: {  	_ =	shalt  }
0x5b: {  	_ =	shalt  }
0x5c: {  	_ =	shalt  }
0x5d: {  	_ =	shalt  }
0x5e: {  	_ =	shalt  }
0x5f: {  	_ =	shalt  }
0x60: {  	_ =	shalt  }
0x61: {  	_ =	shalt  }
0x62: {  	_ =	shalt  }
0x63: {  	_ =	shalt  }
0x64: {  	_ =	shalt  }
0x65: {  	_ =	shalt  }
0x66: {  	_ =	shalt  }
0x67: {  	_ =	shalt  }
0x68: {  	_ =	shalt  }
0x69: {  	_ =	shalt  }
0x6a: {  	_ =	shalt  }
0x6b: {  	_ =	shalt  }
0x6c: {  	_ =	shalt  }
0x6d: {  	_ =	shalt  }
0x6e: {  	_ =	shalt  }
0x6f: {  	_ =	shalt  }
0x70: {  	_ =	shalt  }
0x71: {  	_ =	shalt  }
0x72: {  	_ =	shalt  }
0x73: {  	_ =	shalt  }
0x74: {  	_ =	shalt  }
0x75: {  	_ =	shalt  }
0x76: {  	_ =	shalt  }
0x77: {  	_ =	shalt  }
0x78: {  	_ =	shalt  }
0x79: {  	_ =	shalt  }
0x7a: {  	_ =	shalt  }
0x7b: {  	_ =	shalt  }
0x7c: {  	_ =	shalt  }
0x7d: {  	_ =	shalt  }
0x7e: {  	_ =	shalt  }
0x7f: {  	_ =	shalt  }
0x80: {  	_ =	shalt  }
0x81: {  	_ =	shalt  }
0x82: {  	_ =	shalt  }
0x83: {  	_ =	shalt  }
0x84: {  	_ =	shalt  }
0x85: {  	_ =	shalt  }
0x86: {  	_ =	shalt  }
0x87: {  	_ =	shalt  }
.Lfunc_end0:
.L_simem_size_0:
called_computation.8_lowered:
.L_overlay_start_0:
0x88: {  	s2 =	sld [smem:$0x3FD9]  }
0x89: {  	s3 =	sld [smem:$0x3FFE];
	_ =	sdelay $0x1  }
0x8a: {  	s1 =	srdreg.scid  }
0x8b: {  	s0 =	sand.u32 $0x1, s1  }
0x8c: {  	s17 =	sshll.u32 s0, $0xA;
	s2 =	sadd.s32 s3, s2  }
0x8d: {  	s2 =	sadd.s32 s2, s17  }
0x8e: {  	[smem:$0x3FC1] =	sst s2  }
0x8f: {  	_ = 	snop  }
0x90: {  	s2 =	sld [smem:$0x3FC7]  }
0x91: {  	s18 =	sld [smem:$0x3FD0];
	(tm) =	ssettm $0x1  }
0x92: {  	s4 =	sld [smem:$0x3FFB];
	_ =	sdelay $0x3  }
0x93: {  	_ =	strace s4  }
0x94: {  	s4 =	sld [smem:$0x3FFC];
	_ =	sdelay $0x3  }
0x95: {  	_ =	strace s4  }
0x96: {  	s4 =	sld [smem:$0x3FFD];
	_ =	sdelay $0x3  }
0x97: {  	_ =	strace s4  }
0x98: {  	_ =	strace $0x8FFFFFFF  }
0x99: {  	s19 =	sld [smem:$0x3FDB];
	_ =	sdelay $0x1  }
0x9a: {  	s5 =	simm.s32 $_scs_section_size  }
0x9b: {  	s6 =	simm.s32 $_size__tile_overlayer_lowered;
	s7 =	simm.s32 $_tile_overlayer_lowered  }
0x9c: {  	s22 =	simm.s32 $0x1BFF;
	s21 =	sshll.u32 s7, $0x1;
	s4 =	sadd.s32 s5, s19  }
0x9d: {  	s8 =	simm.s32 $0x0;
	s20 =	sshll.u32 s6, $0x1;
	s6 =	sadd.s32 s21, s4  }
0x9e: {  	[timem:s8], [sflag:s22] =	dma.local [hbm:s6], s20  }
0x9f: {  	_ =	swait.ge [sflag:s22], s20  }
0xa0: {  	s5 =	ssub.s32 $0x0, s20;
	[sflag:s22] =	ssyncset.done $0x0  }
0xa1: {  	[sflag:s22] =	ssyncadd.s32 s5;
	_ =	sdelay $0x1  }
0xa2: {  	s23 =	simm.s32 $0x1B8B  }
0xa3: {  	_ =	swait.ge [sflag:s23], $0x1  }
0xa4: {  	[sflag:s23] =	ssyncset.done $0x0  }
0xa5: {  	s25 =	simm.s32 $0x1B8E;
	s24 =	sld [smem:$0x3FFE];
	[sflag:s23] =	ssyncadd.s32 $0xFFFFFFFF  }
0xa6: {  	s26 =	simm.s32 $execute0_lowered;
	[smem:$0x3FD2] =	sst s25  }
0xa7: {  	s6 =	sshll.u32 s26, $0x1;
	_ =	strace $0x8000005E;
	[dreg:$0x1] =	wrdreg $0xFFFFFFFF  }
0xa8: {  	s28 =	simm.s32 $_size_execute0_lowered;
	s4 =	sadd.s32 s4, s6;
	[dreg:$0x0] =	wrdreg $0x0  }
0xa9: {  	s6 =	sshll.u32 s28, $0x1;
	[dreg:$0x2] =	wrdreg s4  }
0xaa: {  	[dreg:$0x3] =	wrdreg s6  }
0xab: {  	[dreg:$0x4] =	wrdreg $0xC0  }
0xac: {  	_ =	task [dreg:s8], $0x5FFFF  }
0xad: {  	[dreg:$0x1] =	wrdreg $0xFFFFFFFF  }
0xae: {  	[dreg:$0x0] =	wrdreg $0x60  }
0xaf: {  	[dreg:$0x2] =	wrdreg s24  }
0xb0: {  	[dreg:$0x3] =	wrdreg s18  }
0xb1: {  	[dreg:$0x4] =	wrdreg s2  }
0xb2: {  	[dreg:$0x5] =	wrdreg $0x9  }
0xb3: {  	_ =	task.clear_ibuf [dreg:s8], $0x6FFFF;
	_ =	strace $0x9000005E  }
0xb4: {  	s29 =	simm.s32 $0x9;
	_ =	strace $0x80000060  }
0xb5: {  	_ =	swait.ge [sflag:s29], $0x1  }
0xb6: {  	[sflag:s29] =	ssyncadd.s32 $0xFFFFFFFF  }
0xb7: {  	_ =	strace $0x90000060  }
0xb8: {  	_ =	sfence  }
0xb9: {  	s30 =	sld [smem:$0x0];
	_ =	sdelay $0x2  }
0xba: {  	s31 =	sshll.u32 s1, $0xD;
	s1 =	sshrl.u32 s1, $0x2  }
0xbb: {  	s3 =	sand.u32 $0x4000, s31;
	s1 =	sadd.s32 s1, s30  }
0xbc: {  	s0 =	sor.u32 s3, s0;
	s1 =	sshll.u32 s1, $0x11  }
0xbd: {  	s0 =	sor.u32 s1, s0  }
0xbe: {  	s0 =	sadd.s32 $0x8F2B, s0  }
0xbf: {  	[sflag:s0] =	ssyncadd.remote.s32 $0x1  }
0xc0: {  	_ =	sfence.sel $0xFFFF  }
0xc1: {  	[dreg:$0x0] =	wrdreg $0xFFFFFFFF;
	(pc) =	sbr.abs _section_cstart, $3  }
0xc2: {  	[dreg:$0x1] =	wrdreg $0xFFFFFFFF  }
0xc3: {  	_ =	task.clear_ibuf [dreg:s8], $0x2FFFF;
	_ =	strace $0x9FFFFFFF  }
0xc4: {  	(tm) =	ssettm $0x7FFFFFFF  }
0xc5: {  	_ =	shalt  }
tec
execute0_lowered:
.L_overlay_start_1:
0x0: {  	(tag) =	ssettag $0x1  }
0x1: {  	s5 =	rddreg [dreg:$0x0];
	s1 =	srdreg.scid  }
0x2: {  	s0 =	stileid.u32;
	s2 =	rddreg [dreg:$0x1]  }
0x3: {  	s3 =	rddreg [dreg:$0x2];
	s9 =	simm.s32 $0x400;
	s10 =	simm.s32 $0x1  }
0x4: {  	s11 =	simm.s32 $0x13C00;
	s6 =	sand.u32 $0x1, s1;
	s4 =	smul.u32 $0x13C00, s0  }
0x5: {  	s12 =	simm.s32 $0x15B80;
	s13 =	simm.s32 $0x9E00;
	s7 =	sshll.u32 s6, $0x9  }
0x6: {  	s14 =	simm.s32 $0x0;
	s1 =	rddreg [dreg:$0x3];
	s7 =	sor.u32 s7, s4  }
0x7: {  	s6 =	ssub.s32 $0x2, s6;
	s4 =	simm.s32 $0x0;
	s7 =	sshrl.u32 s7, $0x3  }
0x8: {  	s31 =	sshrl.u32 s6, $0x1;
	[smem:$0x7FF] =	sst s4;
	s7 =	sadd.s32 s7, s5  }
0x9: {  	s8 =	ssub.s32 s6, s31;
	_ =	strace $0x8000005F;
	s5 =	sadd.s32 $0x7C00, s7  }
0xa: {  	v0 =	vimm.f32 $0.0e+00;
	s6 =	sadd.s32 $0x7E400, s7;
	s7 =	smax.u32 s8, $0x1;
	s8 =	simm.s32 $0x200  }
.LBB2_1:
0xb: {  	[tilespmem:s4], [sflag:$0x1] =	stream.strided.gather [hbm4b:s5+s8], $0x9E00, s9, s8, $0x38;
	[tilespmem:$0x17B00] =	vst v63  }
0xc: {  	_ =	swait.ge [sflag:s10], $0x9E00  }
0xd: {  	s15 =	sand.u32 $0x70, s4;
	s16 =	sand.u32 $0xFE00, s4;
	[sflag:s10] =	ssyncset.done $0x0  }
0xe: {  	s16 =	sor.u32 s15, s16;
	[sflag:s10] =	ssyncadd.s32 $0xFFFF6200  }
0xf: {  	s17 =	simm.s32 $0x0;
	s15 =	simm.s32 $0x10;
	[tilespmem:s16+$0x9E00] =	vst v0  }
.LBB2_2:
0x10: {  	p0 =	sne.s32 s15, $0x2700  }
.Ltmp0:
0x11: {  	_ = 	snop;
	(pc) =	sbr.rel @p0 .LBB2_2-.Ltmp0, $4  }
0x12: {  	s17 =	sadd.s32 $0x40, s17  }
0x13: {  	s16 =	sand.u32 $0x70, s15;
	s18 =	sand.u32 $0xFE00, s17  }
0x14: {  	s16 =	sor.u32 s16, s18  }
0x15: {  	s15 =	sadd.s32 $0x10, s15;
	[tilespmem:s16+$0x9E00] =	vst v0;
	s16 =	simm.s32 $0x0  }
0x16: {  	s15 =	sand.u32 $0x70, s16;
	s17 =	sand.u32 $0xFE00, s16  }
0x17: {  	s15 =	sor.u32 s15, s17  }
0x18: {  	s18 =	simm.s32 $0x0;
	s17 =	simm.s32 $0x10;
	[tilespmem:s15+$0x9E80] =	vst v0  }
.LBB2_4:
0x19: {  	p0 =	sne.s32 s17, $0x2700  }
.Ltmp1:
0x1a: {  	_ = 	snop;
	(pc) =	sbr.rel @p0 .LBB2_4-.Ltmp1, $4  }
0x1b: {  	s18 =	sadd.s32 $0x40, s18  }
0x1c: {  	s19 =	sand.u32 $0x70, s17;
	s20 =	sand.u32 $0xFE00, s18  }
0x1d: {  	s19 =	sor.u32 s19, s20  }
0x1e: {  	s17 =	sadd.s32 $0x10, s17;
	[tilespmem:s19+$0x9E80] =	vst v0  }
0x1f: {  	s17 =	simm.s32 $0x10;
	[tilespmem:s15+$0x9F00] =	vst v0  }
.LBB2_6:
0x20: {  	p0 =	sne.s32 s17, $0x2700  }
.Ltmp2:
0x21: {  	_ = 	snop;
	(pc) =	sbr.rel @p0 .LBB2_6-.Ltmp2, $4  }
0x22: {  	s16 =	sadd.s32 $0x40, s16  }
0x23: {  	s15 =	sand.u32 $0x70, s17;
	s18 =	sand.u32 $0xFE00, s16  }
0x24: {  	s15 =	sor.u32 s15, s18  }
0x25: {  	s17 =	sadd.s32 $0x10, s17;
	[tilespmem:s15+$0x9F00] =	vst v0;
	s15 =	simm.s32 $0x0  }
0x26: {  	s16 =	sand.u32 $0x70, s15;
	s17 =	sand.u32 $0xFE00, s15  }
0x27: {  	s17 =	sor.u32 s16, s17  }
0x28: {  	s16 =	simm.s32 $0x10;
	[tilespmem:s17+$0x9F80] =	vst v0;
	s17 =	simm.s32 $0x0  }
.LBB2_8:
0x29: {  	p0 =	sne.s32 s16, $0x2700  }
.Ltmp3:
0x2a: {  	_ = 	snop;
	(pc) =	sbr.rel @p0 .LBB2_8-.Ltmp3, $4  }
0x2b: {  	s17 =	sadd.s32 $0x40, s17  }
0x2c: {  	s18 =	sand.u32 $0x70, s16;
	s19 =	sand.u32 $0xFE00, s17  }
0x2d: {  	s18 =	sor.u32 s18, s19  }
0x2e: {  	s16 =	sadd.s32 $0x10, s16;
	[tilespmem:s18+$0x9F80] =	vst v0  }
.LBB2_9:
0x2f: {  	s16 =	smul.u32 $0x3E8, s15;
	_ =	sdelay $0x1  }
0x30: {  	s18 =	simm.s32 $0x0;
	s17 =	sadd.s32 s2, s16  }
0x31: {  	[tilespmem:s11], [sflag:$0x1] =	stream.linear.gather [hbm4b:s17+s18], $0x1F40, $0x38;
	[tilespmem:$0x17B00] =	vst v63  }
0x32: {  	_ =	swait.ge [sflag:s10], $0x1F40  }
0x33: {  	[sflag:s10] =	ssyncset.done $0x0  }
0x34: {  	s16 =	sadd.s32 s3, s16;
	[sflag:s10] =	ssyncadd.s32 $0xFFFFE0C0  }
0x35: {  	[tilespmem:s12], [sflag:$0x1] =	stream.linear.gather [hbm4b:s16+s18], $0x1F40, $0x38;
	[tilespmem:$0x17B00] =	vst v63  }
0x36: {  	_ =	swait.ge [sflag:s10], $0x1F40  }
0x37: {  	[sflag:s10] =	ssyncset.done $0x0  }
0x38: {  	s31 =	simm.s32 $0x0;
	[sflag:s10] =	ssyncadd.s32 $0xFFFFE0C0  }
0x39: {  	v1 =	vld [tilespmem:s31+$0x13C00];
	_ =	sdelay $0x4  }
0x3a: {  	v2 =	vshrl.u32 v1, $0xE;
	v3 =	vshrl.u32 v1, $0xC  }
0x3b: {  	v2 =	vand.u32 $0x7F, v2;
	v3 =	vand.u32 $0xFFE00, v3  }
0x3c: {  	v2 =	vor.u32 v2, v3;
	_ =	sdelay $0x3  }
0x3d: {  	v5 =	vld [tilespmem:s31+$0x15B80]  }
0x3e: {  	v4 =	vshll.u32 v1, $0x2;
	v3 =	vld.idx.msk [tilespmem:v2+s4+$0x0], $0xffff  }
0x3f: {  	v1 =	vand.u32 $0x7F, v1;
	v4 =	vand.u32 $0xFE00, v4  }
0x40: {  	v1 =	vor.u32 v1, v4  }
0x41: {  	v61 =	vor.u32 $0x80, v2;
	_ =	sdelay $0x1  }
0x42: {  	v3 =	vmul.f32 v3, v5;
	_ =	sdelay $0x1  }
0x43: {  	[tilespmem:v1+s13+$0x0] =	vst.idx.add.f32.msk $0xffff, v3  }
0x44: {  	v3 =	vld.idx.msk [tilespmem:v61+s4+$0x0], $0xffff;
	_ =	sdelay $0x1  }
0x45: {  	v62 =	vor.u32 $0x80, v1  }
0x46: {  	v6 =	vor.u32 $0x100, v2;
	_ =	sdelay $0x1  }
0x47: {  	v3 =	vmul.f32 v3, v5;
	_ =	sdelay $0x1  }
0x48: {  	[tilespmem:v62+s13+$0x0] =	vst.idx.add.f32.msk $0xffff, v3  }
0x49: {  	v3 =	vld.idx.msk [tilespmem:v6+s4+$0x0], $0xffff;
	_ =	sdelay $0x1  }
0x4a: {  	v63 =	vor.u32 $0x100, v1  }
0x4b: {  	v2 =	vor.u32 $0x180, v2;
	_ =	sdelay $0x1  }
0x4c: {  	v3 =	vmul.f32 v3, v5;
	_ =	sdelay $0x1  }
0x4d: {  	[tilespmem:v63+s13+$0x0] =	vst.idx.add.f32.msk $0xffff, v3  }
0x4e: {  	v2 =	vld.idx.msk [tilespmem:v2+s4+$0x0], $0xffff;
	_ =	sdelay $0x1  }
0x4f: {  	v1 =	vor.u32 $0x180, v1;
	_ =	sdelay $0x2  }
0x50: {  	s17 =	simm.s32 $0x80;
	s16 =	simm.s32 $0x40;
	v2 =	vmul.f32 v2, v5  }
.LBB2_10:
0x51: {  	p0 =	sne.s32 s17, $0x7CC0  }
0x52: {  	s18 =	sshra.s32 s16, $0x2;
	s16 =	smov.u32 s17;
	s17 =	sadd.s32 $0x40, s17;
	[tilespmem:v1+s13+$0x0] =	vst.idx.add.f32.msk $0xffff, v2  }
0x53: {  	v1 =	vld [tilespmem:s18+$0x13C00];
	_ =	sdelay $0x4  }
0x54: {  	v2 =	vshrl.u32 v1, $0xE;
	v3 =	vshrl.u32 v1, $0xC;
	v4 =	vshll.u32 v1, $0x2  }
0x55: {  	v2 =	vand.u32 $0x7F, v2;
	v3 =	vand.u32 $0xFFE00, v3;
	v4 =	vand.u32 $0xFE00, v4  }
0x56: {  	v2 =	vor.u32 v2, v3;
	_ =	sdelay $0x4  }
0x57: {  	v3 =	vld.idx.msk [tilespmem:v2+s4+$0x0], $0xffff  }
0x58: {  	v5 =	vld [tilespmem:s18+$0x15B80]  }
0x59: {  	v1 =	vand.u32 $0x7F, v1  }
0x5a: {  	v1 =	vor.u32 v1, v4  }
0x5b: {  	v4 =	vor.u32 $0x80, v2;
	_ =	sdelay $0x1  }
0x5c: {  	v3 =	vmul.f32 v3, v5;
	_ =	sdelay $0x1  }
0x5d: {  	[tilespmem:v1+s13+$0x0] =	vst.idx.add.f32.msk $0xffff, v3  }
0x5e: {  	v3 =	vld.idx.msk [tilespmem:v4+s4+$0x0], $0xffff;
	_ =	sdelay $0x2  }
0x5f: {  	v4 =	vor.u32 $0x80, v1  }
0x60: {  	v6 =	vor.u32 $0x100, v2;
	_ =	sdelay $0x1  }
0x61: {  	v3 =	vmul.f32 v3, v5;
	_ =	sdelay $0x1  }
0x62: {  	[tilespmem:v4+s13+$0x0] =	vst.idx.add.f32.msk $0xffff, v3  }
0x63: {  	v3 =	vld.idx.msk [tilespmem:v6+s4+$0x0], $0xffff;
	_ =	sdelay $0x2  }
0x64: {  	v4 =	vor.u32 $0x100, v1  }
0x65: {  	v2 =	vor.u32 $0x180, v2;
	_ =	sdelay $0x1  }
0x66: {  	v3 =	vmul.f32 v3, v5;
	_ =	sdelay $0x1  }
0x67: {  	[tilespmem:v4+s13+$0x0] =	vst.idx.add.f32.msk $0xffff, v3  }
0x68: {  	v2 =	vld.idx.msk [tilespmem:v2+s4+$0x0], $0xffff;
	_ =	sdelay $0x1  }
.Ltmp4:
0x69: {  	(pc) =	sbr.rel @p0 .LBB2_10-.Ltmp4, $2  }
0x6a: {  	v1 =	vor.u32 $0x180, v1;
	_ =	sdelay $0x2  }
0x6b: {  	v2 =	vmul.f32 v2, v5  }
0x6c: {  	_ =	sdelay $0x3  }
0x6d: {  	s16 =	sshra.s32 s16, $0x2;
	[tilespmem:v1+s13+$0x0] =	vst.idx.add.f32.msk $0xffff, v2  }
0x6e: {  	v1 =	vld [tilespmem:s16+$0x13C00];
	_ =	sdelay $0x4  }
0x6f: {  	v2 =	vshrl.u32 v1, $0xE;
	v3 =	vshrl.u32 v1, $0xC  }
0x70: {  	v2 =	vand.u32 $0x7F, v2;
	v3 =	vand.u32 $0xFFE00, v3  }
0x71: {  	v2 =	vor.u32 v2, v3;
	_ =	sdelay $0x3  }
0x72: {  	v5 =	vld [tilespmem:s16+$0x15B80]  }
0x73: {  	v4 =	vshll.u32 v1, $0x2;
	v3 =	vld.idx.msk [tilespmem:v2+s4+$0x0], $0xffff  }
0x74: {  	v1 =	vand.u32 $0x7F, v1;
	v4 =	vand.u32 $0xFE00, v4  }
0x75: {  	v1 =	vor.u32 v1, v4  }
0x76: {  	v61 =	vor.u32 $0x80, v2;
	_ =	sdelay $0x1  }
0x77: {  	v3 =	vmul.f32 v3, v5;
	_ =	sdelay $0x1  }
0x78: {  	[tilespmem:v1+s13+$0x0] =	vst.idx.add.f32.msk $0xffff, v3  }
0x79: {  	v3 =	vld.idx.msk [tilespmem:v61+s4+$0x0], $0xffff;
	_ =	sdelay $0x1  }
0x7a: {  	v62 =	vor.u32 $0x80, v1  }
0x7b: {  	v6 =	vor.u32 $0x100, v2;
	_ =	sdelay $0x1  }
0x7c: {  	v3 =	vmul.f32 v3, v5;
	_ =	sdelay $0x1  }
0x7d: {  	[tilespmem:v62+s13+$0x0] =	vst.idx.add.f32.msk $0xffff, v3  }
0x7e: {  	v3 =	vld.idx.msk [tilespmem:v6+s4+$0x0], $0xffff;
	_ =	sdelay $0x1  }
0x7f: {  	v63 =	vor.u32 $0x100, v1  }
0x80: {  	v2 =	vor.u32 $0x180, v2;
	_ =	sdelay $0x1  }
0x81: {  	v3 =	vmul.f32 v3, v5;
	_ =	sdelay $0x1  }
0x82: {  	[tilespmem:v63+s13+$0x0] =	vst.idx.add.f32.msk $0xffff, v3  }
0x83: {  	v2 =	vld.idx.msk [tilespmem:v2+s4+$0x0], $0xffff  }
0x84: {  	s15 =	sadd.s32 $0x1, s15  }
0x85: {  	p0 =	sne.s32 s15, $0x28;
	v1 =	vor.u32 $0x180, v1  }
.Ltmp5:
0x86: {  	_ = 	snop;
	(pc) =	sbr.rel @p0 .LBB2_9-.Ltmp5, $3  }
0x87: {  	_ = 	snop  }
0x88: {  	v2 =	vmul.f32 v2, v5;
	_ =	sdelay $0x1  }
0x89: {  	[tilespmem:v1+s13+$0x0] =	vst.idx.add.f32.msk $0xffff, v2  }
0x8a: {  	s14 =	sadd.s32 $0x1, s14  }
0x8b: {  	p0 =	sne.s32 s14, s7  }
.Ltmp6:
0x8c: {  	_ = 	snop;
	(pc) =	sbr.rel @p0 .LBB2_1-.Ltmp6, $4  }
0x8d: {  	[hbm4b:s6+s8] =	stream.strided.scatter [tilespmem:s13], [sflag:$0x1], $0x9E00, s9, s8, $0x38;
	[tilespmem:$0x17B00] =	vst v63  }
0x8e: {  	_ =	swait.ge [sflag:s10], $0x9E00  }
0x8f: {  	[sflag:s10] =	ssyncset.done $0x0  }
0x90: {  	[sflag:s10] =	ssyncadd.s32 $0xFFFF6200  }
0x91: {  	_ =	sfence.sel $0x180000  }
0x92: {  	[bflag:$0x0] =	sbarrier.arrive $0xFFFF  }
0x93: {  	p0 =	sne.s32 s0, $0x0;
	_ =	strace $0x9000005F  }
0x94: {  	s0 =	sadd.s32 @!p0 $0x100000, s1;
	[bflag:$0x2] =	sbarrier.arrive $0xFFFF  }
0x95: {  	[sflag:s0] =	ssyncadd.tile.s32 @!p0 $0x1;
	_ =	shalt  }
.Lfunc_end2:
_tile_overlayer_lowered:
.L_overlay_start_2:
0x96: {  	(tag) =	ssettag $0x2  }
0x97: {  	s0 =	rddreg [dreg:$0x0];
	s2 =	stileid.u32  }
0x98: {  	s1 =	rddreg [dreg:$0x1];
	p0 =	sne.s32 s2, $0x0  }
0x99: {  	s3 =	rddreg [dreg:$0x2];
	[bflag:$0x3] =	sbarrier.arrive $0xFFFF;
	s2 =	simm.s32 @!p0 $0x1C01  }
0x9a: {  	[timem:s3], [sflag:s2] =	dma.local @!p0 [hbm:s0], s1  }
0x9b: {  	s0 =	simm.s32 @!p0 $0x1  }
0x9c: {  	_ =	swait.ge @!p0 [sflag:s0], s1  }
0x9d: {  	s1 =	ssub.s32 @!p0 $0x0, s1;
	[sflag:s0] =	ssyncset.done @!p0 $0x0  }
0x9e: {  	[sflag:s0] =	ssyncadd.s32 @!p0 s1  }
0x9f: {  	[bflag:$0x3] =	sbarrier.arrive $0xFFFF  }
0xa0: {  	_ =	shalt  }

// kernel: kernel.51.cloned.1.call-start
scs
__scs_entry_jumppad:
0x0: {  	(pc) =	sbr.rel $0x88, $3  }
0x1: {  	(tag) =	ssettag $0x0;
	lr =	simm.s32 $0x1  }
0x2: {  	[smem:$0x3F9A] =	sst lr;
	_ =	strace $0xD0000000  }
0x3: {  	_ = 	snop  }
0x4: {  	_ = 	snop  }
0x5: {  	_ = 	snop  }
0x6: {  	_ = 	snop  }
0x7: {  	_ = 	snop  }
__scs_overlays_trampoline_lowered:
0x8: {  	[smem:$0x3FA9] =	sst s0  }
0x9: {  	[smem:$0x3FAA] =	sst s1  }
0xa: {  	[smem:$0x3FAB] =	sst s2  }
0xb: {  	[smem:$0x3FAC] =	sst s3  }
0xc: {  	[smem:$0x3FAD] =	sst s4  }
0xd: {  	[smem:$0x3FAE] =	sst s5  }
0xe: {  	[smem:$0x3FAF] =	sst s6  }
0xf: {  	[smem:$0x3FB0] =	sst s7  }
0x10: {  	[smem:$0x3FB1] =	sst s8  }
0x11: {  	[smem:$0x3FB2] =	sst s9;
	s0 =	simm.s32 @!p0 $0x0  }
0x12: {  	s1 =	sld [smem:$0x3F98];
	s0 =	simm.s32 @p0 $0x1  }
0x13: {  	[smem:$0x3FB3] =	sst s0;
	s0 =	simm.s32 @!p1 $0x0  }
0x14: {  	s2 =	sld [smem:$0x3F97];
	s0 =	simm.s32 @p1 $0x1  }
0x15: {  	[smem:$0x3FB4] =	sst s0;
	s0 =	simm.s32 @!p2 $0x0  }
0x16: {  	s3 =	sld [smem:$0x3FDB];
	s0 =	simm.s32 @p2 $0x1  }
0x17: {  	s4 =	simm.s32 $0x1BF5;
	[smem:$0x3FB6] =	sst s0  }
0x18: {  	s0 =	sld [smem:$0x3F99];
	_ =	swait.ge [sflag:s4], $0x0  }
0x19: {  	s7 =	sld [smem:$0x3F9A]  }
0x1a: {  	s8 =	sadd.s32 $0xFFFFE003, lr  }
0x1b: {  	s9 =	sadd.s32 $0xFFFFFEF7, lr;
	s5 =	simm.s32 $0xFFFFFFFF;
	p2 =	slt.u32 s8, $0xFFFFF086  }
0x1c: {  	p1 =	slt.u32 s9, $0xF7A;
	s5 =	simm.s32 @!p2 $0x0  }
0x1d: {  	s5 =	simm.s32 @p1 $0x1;
	p0 =	seq.s32 s7, s2  }
0x1e: {  	s7 =	smul.u32 @!p0 $0xF7A, s2;
	p2 =	seq.s32 @!p0 s5, $0x0  }
0x1f: {  	s9 =	smul.u32 $0xF7A, s1;
	s8 =	simm.s32 @!p0 $0x1BF5;
	p2 =	por !p2, p0  }
0x20: {  	[sflag:s8] =	ssyncset.s32 @!p0 $0xFFFFF086;
	s6 =	sadd.s32 @!p0 s3, s7;
	s7 =	simm.s32 @!p0 $0x108  }
0x21: {  	s3 =	sadd.s32 s3, s9;
	s6 =	sadd.s32 @!p0 $0x88, s6;
	s7 =	simm.s32 @p2 $0x1082  }
0x22: {  	[simem:s7], [sflag:s8] =	dma.local @!p0 [hbm:s6], $0xF7A  }
0x23: {  	s9 =	sor.u32 $0xD0000000, s2;
	s6 =	simm.s32 $0x108;
	_ =	swait.ge @!p0 [sflag:s8], $0x0  }
0x24: {  	s3 =	sadd.s32 $0x88, s3;
	s6 =	simm.s32 @!p1 $0x1082;
	[sflag:s4] =	ssyncset.s32 $0xFFFFF086  }
0x25: {  	[simem:s6], [sflag:s4] =	dma.local [hbm:s3], $0xF7A  }
0x26: {  	[smem:$0x3F9A] =	sst s1;
	(tag) =	ssettag s2;
	_ =	strace s9  }
0x27: {  	s1 =	sld [smem:$0x3FAA]  }
0x28: {  	s2 =	sld [smem:$0x3FAB]  }
0x29: {  	s4 =	sld [smem:$0x3FAD]  }
0x2a: {  	p0 =	seq.s32 s5, $0x0;
	s5 =	sld [smem:$0x3FAE]  }
0x2b: {  	s6 =	sld [smem:$0x3FAF]  }
0x2c: {  	s7 =	sld [smem:$0x3FB0]  }
0x2d: {  	s3 =	simm.s32 $0x108;
	s8 =	sld [smem:$0x3FB1]  }
0x2e: {  	s3 =	simm.s32 @!p0 $0x1082;
	s9 =	sld [smem:$0x3FB2]  }
0x2f: {  	lr =	sadd.s32 s0, s3;
	s0 =	sld [smem:$0x3FA9]  }
0x30: {  	s3 =	sld [smem:$0x3FAC]  }
0x31: {  	[smem:$0x3FB5] =	sst s10  }
0x32: {  	s10 =	sld [smem:$0x3FB3];
	_ =	sdelay $0x3  }
0x33: {  	p0 =	seq.s32 s10, $0x1;
	s10 =	sld [smem:$0x3FB5];
	_ =	sdelay $0x3  }
0x34: {  	[smem:$0x3FB5] =	sst s10  }
0x35: {  	s10 =	sld [smem:$0x3FB4];
	_ =	sdelay $0x3  }
0x36: {  	p1 =	seq.s32 s10, $0x1;
	s10 =	sld [smem:$0x3FB5];
	_ =	sdelay $0x3  }
0x37: {  	[smem:$0x3FB5] =	sst s10  }
0x38: {  	s10 =	sld [smem:$0x3FB6]  }
0x39: {  	_ = 	snop;
	(pc) =	sbr.ind lr, $3  }
0x3a: {  	_ = 	snop  }
0x3b: {  	_ = 	snop  }
0x3c: {  	p2 =	seq.s32 s10, $0x1;
	s10 =	sld [smem:$0x3FB5]  }
0x3d: {  	_ =	shalt  }
0x3e: {  	_ =	shalt  }
0x3f: {  	_ =	shalt  }
0x40: {  	_ =	shalt  }
0x41: {  	_ =	shalt  }
0x42: {  	_ =	shalt  }
0x43: {  	_ =	shalt  }
0x44: {  	_ =	shalt  }
0x45: {  	_ =	shalt  }
0x46: {  	_ =	shalt  }
0x47: {  	_ =	shalt  }
0x48: {  	_ =	shalt  }
0x49: {  	_ =	shalt  }
0x4a: {  	_ =	shalt  }
0x4b: {  	_ =	shalt  }
0x4c: {  	_ =	shalt  }
0x4d: {  	_ =	shalt  }
0x4e: {  	_ =	shalt  }
0x4f: {  	_ =	shalt  }
0x50: {  	_ =	shalt  }
0x51: {  	_ =	shalt  }
0x52: {  	_ =	shalt  }
0x53: {  	_ =	shalt  }
0x54: {  	_ =	shalt  }
0x55: {  	_ =	shalt  }
0x56: {  	_ =	shalt  }
0x57: {  	_ =	shalt  }
0x58: {  	_ =	shalt  }
0x59: {  	_ =	shalt  }
0x5a: {  	_ =	shalt  }
0x5b: {  	_ =	shalt  }
0x5c: {  	_ =	shalt  }
0x5d: {  	_ =	shalt  }
0x5e: {  	_ =	shalt  }
0x5f: {  	_ =	shalt  }
0x60: {  	_ =	shalt  }
0x61: {  	_ =	shalt  }
0x62: {  	_ =	shalt  }
0x63: {  	_ =	shalt  }
0x64: {  	_ =	shalt  }
0x65: {  	_ =	shalt  }
0x66: {  	_ =	shalt  }
0x67: {  	_ =	shalt  }
0x68: {  	_ =	shalt  }
0x69: {  	_ =	shalt  }
0x6a: {  	_ =	shalt  }
0x6b: {  	_ =	shalt  }
0x6c: {  	_ =	shalt  }
0x6d: {  	_ =	shalt  }
0x6e: {  	_ =	shalt  }
0x6f: {  	_ =	shalt  }
0x70: {  	_ =	shalt  }
0x71: {  	_ =	shalt  }
0x72: {  	_ =	shalt  }
0x73: {  	_ =	shalt  }
0x74: {  	_ =	shalt  }
0x75: {  	_ =	shalt  }
0x76: {  	_ =	shalt  }
0x77: {  	_ =	shalt  }
0x78: {  	_ =	shalt  }
0x79: {  	_ =	shalt  }
0x7a: {  	_ =	shalt  }
0x7b: {  	_ =	shalt  }
0x7c: {  	_ =	shalt  }
0x7d: {  	_ =	shalt  }
0x7e: {  	_ =	shalt  }
0x7f: {  	_ =	shalt  }
0x80: {  	_ =	shalt  }
0x81: {  	_ =	shalt  }
0x82: {  	_ =	shalt  }
0x83: {  	_ =	shalt  }
0x84: {  	_ =	shalt  }
0x85: {  	_ =	shalt  }
0x86: {  	_ =	shalt  }
0x87: {  	_ =	shalt  }
.Lfunc_end0:
.L_simem_size_0:
called_computation.9_lowered:
.L_overlay_start_0:
0x88: {  	s2 =	sld [smem:$0x3FD9]  }
0x89: {  	s3 =	sld [smem:$0x3FFE];
	_ =	sdelay $0x1  }
0x8a: {  	s1 =	srdreg.scid  }
0x8b: {  	s0 =	sand.u32 $0x1, s1  }
0x8c: {  	s17 =	sshll.u32 s0, $0xA;
	s2 =	sadd.s32 s3, s2  }
0x8d: {  	s2 =	sadd.s32 s2, s17  }
0x8e: {  	[smem:$0x3FC1] =	sst s2  }
0x8f: {  	_ = 	snop  }
0x90: {  	s2 =	sld [smem:$0x3FC7]  }
0x91: {  	s18 =	sld [smem:$0x3FD0];
	(tm) =	ssettm $0x1  }
0x92: {  	s4 =	sld [smem:$0x3FFB];
	_ =	sdelay $0x3  }
0x93: {  	_ =	strace s4  }
0x94: {  	s4 =	sld [smem:$0x3FFC];
	_ =	sdelay $0x3  }
0x95: {  	_ =	strace s4  }
0x96: {  	s4 =	sld [smem:$0x3FFD];
	_ =	sdelay $0x3  }
0x97: {  	_ =	strace s4  }
0x98: {  	_ =	strace $0x8FFFFFFF  }
0x99: {  	s19 =	sld [smem:$0x3FDB];
	_ =	sdelay $0x1  }
0x9a: {  	s5 =	simm.s32 $_scs_section_size  }
0x9b: {  	s6 =	simm.s32 $_size__tile_overlayer_lowered;
	s7 =	simm.s32 $_tile_overlayer_lowered  }
0x9c: {  	s22 =	simm.s32 $0x1BFF;
	s21 =	sshll.u32 s7, $0x1;
	s4 =	sadd.s32 s5, s19  }
0x9d: {  	s8 =	simm.s32 $0x0;
	s20 =	sshll.u32 s6, $0x1;
	s6 =	sadd.s32 s21, s4  }
0x9e: {  	[timem:s8], [sflag:s22] =	dma.local [hbm:s6], s20  }
0x9f: {  	_ =	swait.ge [sflag:s22], s20  }
0xa0: {  	s5 =	ssub.s32 $0x0, s20;
	[sflag:s22] =	ssyncset.done $0x0  }
0xa1: {  	[sflag:s22] =	ssyncadd.s32 s5;
	_ =	sdelay $0x1  }
0xa2: {  	s23 =	simm.s32 $0x1B8B  }
0xa3: {  	_ =	swait.ge [sflag:s23], $0x1  }
0xa4: {  	[sflag:s23] =	ssyncset.done $0x0  }
0xa5: {  	s25 =	simm.s32 $0x1B8E;
	s24 =	sld [smem:$0x3FFE];
	[sflag:s23] =	ssyncadd.s32 $0xFFFFFFFF  }
0xa6: {  	s26 =	simm.s32 $execute0_lowered;
	[smem:$0x3FD2] =	sst s25  }
0xa7: {  	s6 =	sshll.u32 s26, $0x1;
	_ =	strace $0x80000061;
	[dreg:$0x1] =	wrdreg $0xFFFFFFFF  }
0xa8: {  	s28 =	simm.s32 $_size_execute0_lowered;
	s4 =	sadd.s32 s4, s6;
	[dreg:$0x0] =	wrdreg $0x0  }
0xa9: {  	s6 =	sshll.u32 s28, $0x1;
	[dreg:$0x2] =	wrdreg s4  }
0xaa: {  	[dreg:$0x3] =	wrdreg s6  }
0xab: {  	[dreg:$0x4] =	wrdreg $0xC0  }
0xac: {  	_ =	task [dreg:s8], $0x5FFFF  }
0xad: {  	[dreg:$0x1] =	wrdreg $0xFFFFFFFF  }
0xae: {  	[dreg:$0x0] =	wrdreg $0x60  }
0xaf: {  	[dreg:$0x2] =	wrdreg s24  }
0xb0: {  	[dreg:$0x3] =	wrdreg s18  }
0xb1: {  	[dreg:$0x4] =	wrdreg s2  }
0xb2: {  	[dreg:$0x5] =	wrdreg $0x9  }
0xb3: {  	_ =	task.clear_ibuf [dreg:s8], $0x6FFFF;
	_ =	strace $0x90000061  }
0xb4: {  	s29 =	simm.s32 $0x9;
	_ =	strace $0x80000063  }
0xb5: {  	_ =	swait.ge [sflag:s29], $0x1  }
0xb6: {  	[sflag:s29] =	ssyncadd.s32 $0xFFFFFFFF  }
0xb7: {  	_ =	strace $0x90000063  }
0xb8: {  	_ =	sfence  }
0xb9: {  	s30 =	sld [smem:$0x0];
	_ =	sdelay $0x2  }
0xba: {  	s31 =	sshll.u32 s1, $0xD;
	s1 =	sshrl.u32 s1, $0x2  }
0xbb: {  	s3 =	sand.u32 $0x4000, s31;
	s1 =	sadd.s32 s1, s30  }
0xbc: {  	s0 =	sor.u32 s3, s0;
	s1 =	sshll.u32 s1, $0x11  }
0xbd: {  	s0 =	sor.u32 s1, s0  }
0xbe: {  	s0 =	sadd.s32 $0x8F2B, s0  }
0xbf: {  	[sflag:s0] =	ssyncadd.remote.s32 $0x1  }
0xc0: {  	_ =	sfence.sel $0xFFFF  }
0xc1: {  	[dreg:$0x0] =	wrdreg $0xFFFFFFFF;
	(pc) =	sbr.abs _section_cstart, $3  }
0xc2: {  	[dreg:$0x1] =	wrdreg $0xFFFFFFFF  }
0xc3: {  	_ =	task.clear_ibuf [dreg:s8], $0x2FFFF;
	_ =	strace $0x9FFFFFFF  }
0xc4: {  	(tm) =	ssettm $0x7FFFFFFF  }
0xc5: {  	_ =	shalt  }
tec
execute0_lowered:
.L_overlay_start_1:
0x0: {  	(tag) =	ssettag $0x1  }
0x1: {  	s5 =	rddreg [dreg:$0x0];
	s1 =	srdreg.scid  }
0x2: {  	s0 =	stileid.u32;
	s2 =	rddreg [dreg:$0x1]  }
0x3: {  	s3 =	rddreg [dreg:$0x2];
	s9 =	simm.s32 $0x400;
	s10 =	simm.s32 $0x1  }
0x4: {  	s11 =	simm.s32 $0x13C00;
	s6 =	sand.u32 $0x1, s1;
	s4 =	smul.u32 $0x13C00, s0  }
0x5: {  	s12 =	simm.s32 $0x15B80;
	s13 =	simm.s32 $0x9E00;
	s7 =	sshll.u32 s6, $0x9  }
0x6: {  	s14 =	simm.s32 $0x0;
	s1 =	rddreg [dreg:$0x3];
	s7 =	sor.u32 s7, s4  }
0x7: {  	s6 =	ssub.s32 $0x2, s6;
	s4 =	simm.s32 $0x0;
	s7 =	sshrl.u32 s7, $0x3  }
0x8: {  	s31 =	sshrl.u32 s6, $0x1;
	[smem:$0x7FF] =	sst s4;
	s7 =	sadd.s32 s7, s5  }
0x9: {  	s8 =	ssub.s32 s6, s31;
	_ =	strace $0x80000062;
	s5 =	sadd.s32 $0x7C00, s7  }
0xa: {  	v0 =	vimm.f32 $0.0e+00;
	s6 =	sadd.s32 $0x7E400, s7;
	s7 =	smax.u32 s8, $0x1;
	s8 =	simm.s32 $0x200  }
.LBB2_1:
0xb: {  	[tilespmem:s4], [sflag:$0x1] =	stream.strided.gather [hbm4b:s5+s8], $0x9E00, s9, s8, $0x38;
	[tilespmem:$0x17B00] =	vst v63  }
0xc: {  	_ =	swait.ge [sflag:s10], $0x9E00  }
0xd: {  	s15 =	sand.u32 $0x70, s4;
	s16 =	sand.u32 $0xFE00, s4;
	[sflag:s10] =	ssyncset.done $0x0  }
0xe: {  	s16 =	sor.u32 s15, s16;
	[sflag:s10] =	ssyncadd.s32 $0xFFFF6200  }
0xf: {  	s17 =	simm.s32 $0x0;
	s15 =	simm.s32 $0x10;
	[tilespmem:s16+$0x9E00] =	vst v0  }
.LBB2_2:
0x10: {  	p0 =	sne.s32 s15, $0x2700  }
.Ltmp0:
0x11: {  	_ = 	snop;
	(pc) =	sbr.rel @p0 .LBB2_2-.Ltmp0, $4  }
0x12: {  	s17 =	sadd.s32 $0x40, s17  }
0x13: {  	s16 =	sand.u32 $0x70, s15;
	s18 =	sand.u32 $0xFE00, s17  }
0x14: {  	s16 =	sor.u32 s16, s18  }
0x15: {  	s15 =	sadd.s32 $0x10, s15;
	[tilespmem:s16+$0x9E00] =	vst v0;
	s16 =	simm.s32 $0x0  }
0x16: {  	s15 =	sand.u32 $0x70, s16;
	s17 =	sand.u32 $0xFE00, s16  }
0x17: {  	s15 =	sor.u32 s15, s17  }
0x18: {  	s18 =	simm.s32 $0x0;
	s17 =	simm.s32 $0x10;
	[tilespmem:s15+$0x9E80] =	vst v0  }
.LBB2_4:
0x19: {  	p0 =	sne.s32 s17, $0x2700  }
.Ltmp1:
0x1a: {  	_ = 	snop;
	(pc) =	sbr.rel @p0 .LBB2_4-.Ltmp1, $4  }
0x1b: {  	s18 =	sadd.s32 $0x40, s18  }
0x1c: {  	s19 =	sand.u32 $0x70, s17;
	s20 =	sand.u32 $0xFE00, s18  }
0x1d: {  	s19 =	sor.u32 s19, s20  }
0x1e: {  	s17 =	sadd.s32 $0x10, s17;
	[tilespmem:s19+$0x9E80] =	vst v0  }
0x1f: {  	s17 =	simm.s32 $0x10;
	[tilespmem:s15+$0x9F00] =	vst v0  }
.LBB2_6:
0x20: {  	p0 =	sne.s32 s17, $0x2700  }
.Ltmp2:
0x21: {  	_ = 	snop;
	(pc) =	sbr.rel @p0 .LBB2_6-.Ltmp2, $4  }
0x22: {  	s16 =	sadd.s32 $0x40, s16  }
0x23: {  	s15 =	sand.u32 $0x70, s17;
	s18 =	sand.u32 $0xFE00, s16  }
0x24: {  	s15 =	sor.u32 s15, s18  }
0x25: {  	s17 =	sadd.s32 $0x10, s17;
	[tilespmem:s15+$0x9F00] =	vst v0;
	s15 =	simm.s32 $0x0  }
0x26: {  	s16 =	sand.u32 $0x70, s15;
	s17 =	sand.u32 $0xFE00, s15  }
0x27: {  	s17 =	sor.u32 s16, s17  }
0x28: {  	s16 =	simm.s32 $0x10;
	[tilespmem:s17+$0x9F80] =	vst v0;
	s17 =	simm.s32 $0x0  }
.LBB2_8:
0x29: {  	p0 =	sne.s32 s16, $0x2700  }
.Ltmp3:
0x2a: {  	_ = 	snop;
	(pc) =	sbr.rel @p0 .LBB2_8-.Ltmp3, $4  }
0x2b: {  	s17 =	sadd.s32 $0x40, s17  }
0x2c: {  	s18 =	sand.u32 $0x70, s16;
	s19 =	sand.u32 $0xFE00, s17  }
0x2d: {  	s18 =	sor.u32 s18, s19  }
0x2e: {  	s16 =	sadd.s32 $0x10, s16;
	[tilespmem:s18+$0x9F80] =	vst v0  }
.LBB2_9:
0x2f: {  	s16 =	smul.u32 $0x3E8, s15;
	_ =	sdelay $0x1  }
0x30: {  	s18 =	simm.s32 $0x0;
	s17 =	sadd.s32 s2, s16  }
0x31: {  	[tilespmem:s11], [sflag:$0x1] =	stream.linear.gather [hbm4b:s17+s18], $0x1F40, $0x38;
	[tilespmem:$0x17B00] =	vst v63  }
0x32: {  	_ =	swait.ge [sflag:s10], $0x1F40  }
0x33: {  	[sflag:s10] =	ssyncset.done $0x0  }
0x34: {  	s16 =	sadd.s32 s3, s16;
	[sflag:s10] =	ssyncadd.s32 $0xFFFFE0C0  }
0x35: {  	[tilespmem:s12], [sflag:$0x1] =	stream.linear.gather [hbm4b:s16+s18], $0x1F40, $0x38;
	[tilespmem:$0x17B00] =	vst v63  }
0x36: {  	_ =	swait.ge [sflag:s10], $0x1F40  }
0x37: {  	[sflag:s10] =	ssyncset.done $0x0  }
0x38: {  	s31 =	simm.s32 $0x0;
	[sflag:s10] =	ssyncadd.s32 $0xFFFFE0C0  }
0x39: {  	v1 =	vld [tilespmem:s31+$0x13C00];
	_ =	sdelay $0x4  }
0x3a: {  	v2 =	vshrl.u32 v1, $0xE;
	v3 =	vshrl.u32 v1, $0xC  }
0x3b: {  	v2 =	vand.u32 $0x7F, v2;
	v3 =	vand.u32 $0xFFE00, v3  }
0x3c: {  	v2 =	vor.u32 v2, v3;
	_ =	sdelay $0x3  }
0x3d: {  	v5 =	vld [tilespmem:s31+$0x15B80]  }
0x3e: {  	v4 =	vshll.u32 v1, $0x2;
	v3 =	vld.idx.msk [tilespmem:v2+s4+$0x0], $0xffff  }
0x3f: {  	v1 =	vand.u32 $0x7F, v1;
	v4 =	vand.u32 $0xFE00, v4  }
0x40: {  	v1 =	vor.u32 v1, v4  }
0x41: {  	v61 =	vor.u32 $0x80, v2;
	_ =	sdelay $0x1  }
0x42: {  	v3 =	vmul.f32 v3, v5;
	_ =	sdelay $0x1  }
0x43: {  	[tilespmem:v1+s13+$0x0] =	vst.idx.add.f32.msk $0xffff, v3  }
0x44: {  	v3 =	vld.idx.msk [tilespmem:v61+s4+$0x0], $0xffff;
	_ =	sdelay $0x1  }
0x45: {  	v62 =	vor.u32 $0x80, v1  }
0x46: {  	v6 =	vor.u32 $0x100, v2;
	_ =	sdelay $0x1  }
0x47: {  	v3 =	vmul.f32 v3, v5;
	_ =	sdelay $0x1  }
0x48: {  	[tilespmem:v62+s13+$0x0] =	vst.idx.add.f32.msk $0xffff, v3  }
0x49: {  	v3 =	vld.idx.msk [tilespmem:v6+s4+$0x0], $0xffff;
	_ =	sdelay $0x1  }
0x4a: {  	v63 =	vor.u32 $0x100, v1  }
0x4b: {  	v2 =	vor.u32 $0x180, v2;
	_ =	sdelay $0x1  }
0x4c: {  	v3 =	vmul.f32 v3, v5;
	_ =	sdelay $0x1  }
0x4d: {  	[tilespmem:v63+s13+$0x0] =	vst.idx.add.f32.msk $0xffff, v3  }
0x4e: {  	v2 =	vld.idx.msk [tilespmem:v2+s4+$0x0], $0xffff;
	_ =	sdelay $0x1  }
0x4f: {  	v1 =	vor.u32 $0x180, v1;
	_ =	sdelay $0x2  }
0x50: {  	s17 =	simm.s32 $0x80;
	s16 =	simm.s32 $0x40;
	v2 =	vmul.f32 v2, v5  }
.LBB2_10:
0x51: {  	p0 =	sne.s32 s17, $0x7CC0  }
0x52: {  	s18 =	sshra.s32 s16, $0x2;
	s16 =	smov.u32 s17;
	s17 =	sadd.s32 $0x40, s17;
	[tilespmem:v1+s13+$0x0] =	vst.idx.add.f32.msk $0xffff, v2  }
0x53: {  	v1 =	vld [tilespmem:s18+$0x13C00];
	_ =	sdelay $0x4  }
0x54: {  	v2 =	vshrl.u32 v1, $0xE;
	v3 =	vshrl.u32 v1, $0xC;
	v4 =	vshll.u32 v1, $0x2  }
0x55: {  	v2 =	vand.u32 $0x7F, v2;
	v3 =	vand.u32 $0xFFE00, v3;
	v4 =	vand.u32 $0xFE00, v4  }
0x56: {  	v2 =	vor.u32 v2, v3;
	_ =	sdelay $0x4  }
0x57: {  	v3 =	vld.idx.msk [tilespmem:v2+s4+$0x0], $0xffff  }
0x58: {  	v5 =	vld [tilespmem:s18+$0x15B80]  }
0x59: {  	v1 =	vand.u32 $0x7F, v1  }
0x5a: {  	v1 =	vor.u32 v1, v4  }
0x5b: {  	v4 =	vor.u32 $0x80, v2;
	_ =	sdelay $0x1  }
0x5c: {  	v3 =	vmul.f32 v3, v5;
	_ =	sdelay $0x1  }
0x5d: {  	[tilespmem:v1+s13+$0x0] =	vst.idx.add.f32.msk $0xffff, v3  }
0x5e: {  	v3 =	vld.idx.msk [tilespmem:v4+s4+$0x0], $0xffff;
	_ =	sdelay $0x2  }
0x5f: {  	v4 =	vor.u32 $0x80, v1  }
0x60: {  	v6 =	vor.u32 $0x100, v2;
	_ =	sdelay $0x1  }
0x61: {  	v3 =	vmul.f32 v3, v5;
	_ =	sdelay $0x1  }
0x62: {  	[tilespmem:v4+s13+$0x0] =	vst.idx.add.f32.msk $0xffff, v3  }
0x63: {  	v3 =	vld.idx.msk [tilespmem:v6+s4+$0x0], $0xffff;
	_ =	sdelay $0x2  }
0x64: {  	v4 =	vor.u32 $0x100, v1  }
0x65: {  	v2 =	vor.u32 $0x180, v2;
	_ =	sdelay $0x1  }
0x66: {  	v3 =	vmul.f32 v3, v5;
	_ =	sdelay $0x1  }
0x67: {  	[tilespmem:v4+s13+$0x0] =	vst.idx.add.f32.msk $0xffff, v3  }
0x68: {  	v2 =	vld.idx.msk [tilespmem:v2+s4+$0x0], $0xffff;
	_ =	sdelay $0x1  }
.Ltmp4:
0x69: {  	(pc) =	sbr.rel @p0 .LBB2_10-.Ltmp4, $2  }
0x6a: {  	v1 =	vor.u32 $0x180, v1;
	_ =	sdelay $0x2  }
0x6b: {  	v2 =	vmul.f32 v2, v5  }
0x6c: {  	_ =	sdelay $0x3  }
0x6d: {  	s16 =	sshra.s32 s16, $0x2;
	[tilespmem:v1+s13+$0x0] =	vst.idx.add.f32.msk $0xffff, v2  }
0x6e: {  	v1 =	vld [tilespmem:s16+$0x13C00];
	_ =	sdelay $0x4  }
0x6f: {  	v2 =	vshrl.u32 v1, $0xE;
	v3 =	vshrl.u32 v1, $0xC  }
0x70: {  	v2 =	vand.u32 $0x7F, v2;
	v3 =	vand.u32 $0xFFE00, v3  }
0x71: {  	v2 =	vor.u32 v2, v3;
	_ =	sdelay $0x3  }
0x72: {  	v5 =	vld [tilespmem:s16+$0x15B80]  }
0x73: {  	v4 =	vshll.u32 v1, $0x2;
	v3 =	vld.idx.msk [tilespmem:v2+s4+$0x0], $0xffff  }
0x74: {  	v1 =	vand.u32 $0x7F, v1;
	v4 =	vand.u32 $0xFE00, v4  }
0x75: {  	v1 =	vor.u32 v1, v4  }
0x76: {  	v61 =	vor.u32 $0x80, v2;
	_ =	sdelay $0x1  }
0x77: {  	v3 =	vmul.f32 v3, v5;
	_ =	sdelay $0x1  }
0x78: {  	[tilespmem:v1+s13+$0x0] =	vst.idx.add.f32.msk $0xffff, v3  }
0x79: {  	v3 =	vld.idx.msk [tilespmem:v61+s4+$0x0], $0xffff;
	_ =	sdelay $0x1  }
0x7a: {  	v62 =	vor.u32 $0x80, v1  }
0x7b: {  	v6 =	vor.u32 $0x100, v2;
	_ =	sdelay $0x1  }
0x7c: {  	v3 =	vmul.f32 v3, v5;
	_ =	sdelay $0x1  }
0x7d: {  	[tilespmem:v62+s13+$0x0] =	vst.idx.add.f32.msk $0xffff, v3  }
0x7e: {  	v3 =	vld.idx.msk [tilespmem:v6+s4+$0x0], $0xffff;
	_ =	sdelay $0x1  }
0x7f: {  	v63 =	vor.u32 $0x100, v1  }
0x80: {  	v2 =	vor.u32 $0x180, v2;
	_ =	sdelay $0x1  }
0x81: {  	v3 =	vmul.f32 v3, v5;
	_ =	sdelay $0x1  }
0x82: {  	[tilespmem:v63+s13+$0x0] =	vst.idx.add.f32.msk $0xffff, v3  }
0x83: {  	v2 =	vld.idx.msk [tilespmem:v2+s4+$0x0], $0xffff  }
0x84: {  	s15 =	sadd.s32 $0x1, s15  }
0x85: {  	p0 =	sne.s32 s15, $0x28;
	v1 =	vor.u32 $0x180, v1  }
.Ltmp5:
0x86: {  	_ = 	snop;
	(pc) =	sbr.rel @p0 .LBB2_9-.Ltmp5, $3  }
0x87: {  	_ = 	snop  }
0x88: {  	v2 =	vmul.f32 v2, v5;
	_ =	sdelay $0x1  }
0x89: {  	[tilespmem:v1+s13+$0x0] =	vst.idx.add.f32.msk $0xffff, v2  }
0x8a: {  	s14 =	sadd.s32 $0x1, s14  }
0x8b: {  	p0 =	sne.s32 s14, s7  }
.Ltmp6:
0x8c: {  	_ = 	snop;
	(pc) =	sbr.rel @p0 .LBB2_1-.Ltmp6, $4  }
0x8d: {  	[hbm4b:s6+s8] =	stream.strided.scatter [tilespmem:s13], [sflag:$0x1], $0x9E00, s9, s8, $0x38;
	[tilespmem:$0x17B00] =	vst v63  }
0x8e: {  	_ =	swait.ge [sflag:s10], $0x9E00  }
0x8f: {  	[sflag:s10] =	ssyncset.done $0x0  }
0x90: {  	[sflag:s10] =	ssyncadd.s32 $0xFFFF6200  }
0x91: {  	_ =	sfence.sel $0x180000  }
0x92: {  	[bflag:$0x0] =	sbarrier.arrive $0xFFFF  }
0x93: {  	p0 =	sne.s32 s0, $0x0;
	_ =	strace $0x90000062  }
0x94: {  	s0 =	sadd.s32 @!p0 $0x100000, s1;
	[bflag:$0x2] =	sbarrier.arrive $0xFFFF  }
0x95: {  	[sflag:s0] =	ssyncadd.tile.s32 @!p0 $0x1;
	_ =	shalt  }
.Lfunc_end2:
_tile_overlayer_lowered:
.L_overlay_start_2:
0x96: {  	(tag) =	ssettag $0x2  }
0x97: {  	s0 =	rddreg [dreg:$0x0];
	s2 =	stileid.u32  }
0x98: {  	s1 =	rddreg [dreg:$0x1];
	p0 =	sne.s32 s2, $0x0  }
0x99: {  	s3 =	rddreg [dreg:$0x2];
	[bflag:$0x3] =	sbarrier.arrive $0xFFFF;
	s2 =	simm.s32 @!p0 $0x1C01  }
0x9a: {  	[timem:s3], [sflag:s2] =	dma.local @!p0 [hbm:s0], s1  }
0x9b: {  	s0 =	simm.s32 @!p0 $0x1  }
0x9c: {  	_ =	swait.ge @!p0 [sflag:s0], s1  }
0x9d: {  	s1 =	ssub.s32 @!p0 $0x0, s1;
	[sflag:s0] =	ssyncset.done @!p0 $0x0  }
0x9e: {  	[sflag:s0] =	ssyncadd.s32 @!p0 s1  }
0x9f: {  	[bflag:$0x3] =	sbarrier.arrive $0xFFFF  }
0xa0: {  	_ =	shalt  }

</sc_bundles>
